<compile_context>
chip_gen: v7x
topology: tpu7x:2x2x1
jax: 0.10.2.dev20260603
libtpu: 0.0.44.dev20260713+nightly
codegen_flags: <defaults>
</compile_context>

<pallas_src>
import functools

import jax
import jax.numpy as jnp
from jax import lax
from jax.experimental import pallas as pl
from jax.experimental.pallas import tpu as pltpu
from jax.experimental.pallas import tpu_sc as plsc

N = 10000
E = 160000
F = 256
EF = 49
OC = 20
Z = 200

NP_ = 10240
KC = EF + 1
UW = 1024
OCP = 32
NC, NS = 2, 16
NW = NC * NS
CH = 32
NCHUNK = 158
PER_W = CH * NCHUNK
EP = NW * PER_W
PAD_DST = N + 100
ZROWS = NP_ // NS
RB = 1024
GR = NP_ // RB


def _mm_u(x_ref, w_ref, o_ref):
    o_ref[...] = jnp.dot(x_ref[...].astype(jnp.bfloat16),
                         w_ref[...].astype(jnp.bfloat16),
                         preferred_element_type=jnp.float32)


def _tc_u(h_pad, mflat):
    return pl.pallas_call(
        _mm_u,
        grid=(GR,),
        in_specs=[
            pl.BlockSpec((RB, F), lambda i: (i, 0)),
            pl.BlockSpec((F, UW), lambda i: (0, 0)),
        ],
        out_specs=pl.BlockSpec((RB, UW), lambda i: (i, 0)),
        out_shape=jax.ShapeDtypeStruct((NP_, UW), jnp.float32),
    )(h_pad, mflat)


def _upd(p_ref, h_ref, w1a_ref, w1b_ref, ba1_ref, wa2_ref, ba2_ref):
    agg = p_ref[0] + p_ref[1]
    y = jnp.dot(agg, w1a_ref[...], preferred_element_type=jnp.float32)
    y = y + jnp.dot(h_ref[...], w1b_ref[...], preferred_element_type=jnp.float32)
    y = jnp.maximum(y + ba1_ref[...], 0.0)
    return jnp.dot(y, wa2_ref[...],
                   preferred_element_type=jnp.float32) + ba2_ref[...]


def _mm_upd_u(p_ref, h_ref, w1a_ref, w1b_ref, ba1_ref, wa2_ref, ba2_ref,
              mf_ref, h1_ref, u_ref):
    h1 = _upd(p_ref, h_ref, w1a_ref, w1b_ref, ba1_ref, wa2_ref, ba2_ref)
    h1_ref[...] = h1
    u_ref[...] = jnp.dot(h1, mf_ref[...], preferred_element_type=jnp.float32)


def _tc_update_u(partials, h_pad, w1a, w1b, ba1, wa2, ba2, mflat2):
    return pl.pallas_call(
        _mm_upd_u,
        grid=(GR,),
        in_specs=[
            pl.BlockSpec((2, RB, OCP), lambda i: (0, i, 0)),
            pl.BlockSpec((RB, F), lambda i: (i, 0)),
            pl.BlockSpec((OCP, F), lambda i: (0, 0)),
            pl.BlockSpec((F, F), lambda i: (0, 0)),
            pl.BlockSpec((1, F), lambda i: (0, 0)),
            pl.BlockSpec((F, F), lambda i: (0, 0)),
            pl.BlockSpec((1, F), lambda i: (0, 0)),
            pl.BlockSpec((F, UW), lambda i: (0, 0)),
        ],
        out_specs=[
            pl.BlockSpec((RB, F), lambda i: (i, 0)),
            pl.BlockSpec((RB, UW), lambda i: (i, 0)),
        ],
        out_shape=[
            jax.ShapeDtypeStruct((NP_, F), jnp.float32),
            jax.ShapeDtypeStruct((NP_, UW), jnp.float32),
        ],
    )(partials, h_pad, w1a, w1b, ba1, wa2, ba2, mflat2)


def _mm_upd_heads(p_ref, h_ref, w1a_ref, w1b_ref, ba1_ref, wa2_ref, ba2_ref,
                  wh_ref, bh_ref, o_ref):
    h2 = _upd(p_ref, h_ref, w1a_ref, w1b_ref, ba1_ref, wa2_ref, ba2_ref)
    o_ref[...] = jnp.dot(h2, wh_ref[...],
                         preferred_element_type=jnp.float32) + bh_ref[...]


def _tc_update_heads(partials, h_pad, w1a, w1b, ba1, wa2, ba2, whead, bhead):
    return pl.pallas_call(
        _mm_upd_heads,
        grid=(GR,),
        in_specs=[
            pl.BlockSpec((2, RB, OCP), lambda i: (0, i, 0)),
            pl.BlockSpec((RB, F), lambda i: (i, 0)),
            pl.BlockSpec((OCP, F), lambda i: (0, 0)),
            pl.BlockSpec((F, F), lambda i: (0, 0)),
            pl.BlockSpec((1, F), lambda i: (0, 0)),
            pl.BlockSpec((F, F), lambda i: (0, 0)),
            pl.BlockSpec((1, F), lambda i: (0, 0)),
            pl.BlockSpec((F, 512), lambda i: (0, 0)),
            pl.BlockSpec((1, 512), lambda i: (0, 0)),
        ],
        out_specs=pl.BlockSpec((RB, 512), lambda i: (i, 0)),
        out_shape=jax.ShapeDtypeStruct((NP_, 512), jnp.float32),
    )(partials, h_pad, w1a, w1b, ba1, wa2, ba2, whead, bhead)


def _sc_edge_body(u_hbm, src_hbm, dst_hbm, a_hbm, out_hbm,
                  srcall, dstall, av, uv, mv, zbuf, aggr,
                  sem_u, sem_a, sem_s):
    c = lax.axis_index("c")
    s = lax.axis_index("s")
    wid = c * NS + s
    iota16 = lax.iota(jnp.int32, 16)
    zero16 = jnp.zeros((16,), jnp.float32)

    for b in range(2):
        for g in range(CH // 16):
            eids0 = iota16 + g * 16
            for o in range(OC, OCP):
                plsc.store_scatter(mv[b],
                                   [eids0, jnp.full((16,), o, jnp.int32)],
                                   zero16)

    pltpu.sync_copy(src_hbm.at[wid], srcall)
    pltpu.sync_copy(dst_hbm.at[wid], dstall)

    def _zb(i, _):
        n = i * 16 + iota16
        plsc.store_scatter(zbuf, [n // OCP, n % OCP], zero16)
        return 0
    lax.fori_loop(0, (ZROWS * OCP) // 16, _zb, 0)
    pltpu.sync_copy(zbuf, aggr.at[pl.ds(s * ZROWS, ZROWS)])
    plsc.subcore_barrier()

    ebase = wid * PER_W

    def _stage(ci, b):
        pltpu.async_copy(a_hbm.at[pl.ds(ebase + ci * CH, CH)], av[b],
                         sem_a[b])
        pltpu.async_copy(u_hbm.at[srcall.at[ci]], uv[b], sem_u[b])

    def _compute(ci, b):
        pltpu.make_async_copy(u_hbm.at[srcall.at[ci]], uv[b], sem_u[b]).wait()
        pltpu.make_async_copy(a_hbm.at[pl.ds(ebase, CH)], av[b],
                              sem_a[b]).wait()

        @pl.when(ci >= 2)
        def _():
            pltpu.make_async_copy(mv[b], aggr.at[dstall.at[ci]],
                                  sem_s[b]).wait()

        def _edge4(i, _):
            rows = tuple(jnp.full((16,), i * 4 + j, jnp.int32)
                         for j in range(4))
            acc0 = [plsc.load_gather(uv[b], [rows[j], EF * OC + iota16])
                    for j in range(4)]
            acc1 = [plsc.load_gather(uv[b], [rows[j], EF * OC + 16 + iota16])
                    for j in range(4)]

            def _k(k, carry):
                acc0, acc1, u0c, u1c, ac = carry
                for j in range(4):
                    a_k = plsc.load_gather(av[b], [rows[j], ac])
                    acc0[j] = acc0[j] + a_k * plsc.load_gather(
                        uv[b], [rows[j], u0c])
                    acc1[j] = acc1[j] + a_k * plsc.load_gather(
                        uv[b], [rows[j], u1c])
                return acc0, acc1, u0c + OC, u1c + OC, ac + 1

            acc0, acc1, _, _, _ = lax.fori_loop(
                0, EF, _k,
                (acc0, acc1, iota16, 16 + iota16,
                 jnp.zeros((16,), jnp.int32)))
            for j in range(4):
                m0 = 1.0 / (1.0 + jnp.exp(-acc0[j]))
                m1 = 1.0 / (1.0 + jnp.exp(-acc1[j]))
                plsc.store_scatter(mv[b], [rows[j], iota16], m0)
                plsc.store_scatter(mv[b], [rows[j], 16 + iota16], m1)
            return 0

        lax.fori_loop(0, CH // 4, _edge4, 0)
        pltpu.async_copy(mv[b], aggr.at[dstall.at[ci]], sem_s[b], add=True)

    _stage(0, 0)
    _stage(1, 1)

    def _pair(j, _):
        i0 = 2 * j
        _compute(i0, 0)

        @pl.when(i0 + 2 < NCHUNK)
        def _():
            _stage(i0 + 2, 0)
        _compute(i0 + 1, 1)

        @pl.when(i0 + 3 < NCHUNK)
        def _():
            _stage(i0 + 3, 1)
        return 0

    lax.fori_loop(0, NCHUNK // 2, _pair, 0)
    pltpu.make_async_copy(mv[0], aggr.at[dstall.at[0]], sem_s[0]).wait()
    pltpu.make_async_copy(mv[1], aggr.at[dstall.at[0]], sem_s[1]).wait()
    plsc.subcore_barrier()
    pltpu.sync_copy(aggr.at[pl.ds(s * ZROWS, ZROWS)],
                    out_hbm.at[pl.ds(c * NP_ + s * ZROWS, ZROWS)])


_sc_edge = functools.partial(
    pl.kernel,
    mesh=plsc.VectorSubcoreMesh(core_axis_name="c", subcore_axis_name="s",
                                num_cores=NC, num_subcores=NS),
    out_type=jax.ShapeDtypeStruct((NC * NP_, OCP), jnp.float32),
    compiler_params=pltpu.CompilerParams(needs_layout_passes=False,
                                         use_tc_tiling_on_sc=False,
                                         disable_bounds_checks=True),
    scratch_types=[
        pltpu.VMEM((NCHUNK, CH), jnp.int32),
        pltpu.VMEM((NCHUNK, CH), jnp.int32),
        [pltpu.VMEM((CH, 64), jnp.float32)] * 2,
        [pltpu.VMEM((CH, UW), jnp.float32)] * 2,
        [pltpu.VMEM((CH, OCP), jnp.float32)] * 2,
        pltpu.VMEM((ZROWS, OCP), jnp.float32),
        pltpu.VMEM_SHARED((NP_, OCP), jnp.float32),
        [pltpu.SemaphoreType.DMA] * 2,
        [pltpu.SemaphoreType.DMA] * 2,
        [pltpu.SemaphoreType.DMA] * 2,
    ],
)(_sc_edge_body)


def _mk_mflat(Wn, bn):
    m = jnp.concatenate(
        [Wn.reshape(EF, F, OC).transpose(1, 0, 2),
         bn.reshape(1, F, OC).transpose(1, 0, 2)], axis=1)
    m = m.reshape(F, KC * OC)
    return jnp.pad(m, ((0, 0), (0, UW - KC * OC)))


def _run_sc(u, src_p, dst_p, a_p):
    return _sc_edge(u, src_p, dst_p, a_p).reshape(NC, NP_, OCP)


def kernel(x, edge_ind, edge_attr, Wn1, bn1, Wa11, ba11, Wa21, ba21,
           Wn2, bn2, Wa12, ba12, Wa22, ba22, Wmu, bmu, Wlv, blv):
    f32 = jnp.float32
    h0 = jnp.pad(x, ((0, NP_ - N), (0, 0)))
    src_p = jnp.pad(edge_ind[0], (0, EP - E)).reshape(NW, NCHUNK, CH)
    dst_p = jnp.pad(edge_ind[1], (0, EP - E),
                    constant_values=PAD_DST).reshape(NW, NCHUNK, CH)
    a_p = jnp.pad(edge_attr, ((0, EP - E), (0, 64 - EF)))

    mflat1 = _mk_mflat(Wn1, bn1)
    mflat2 = _mk_mflat(Wn2, bn2)
    w1a1 = jnp.pad(Wa11[:OC], ((0, OCP - OC), (0, 0)))
    w1b1 = Wa11[OC:]
    w1a2 = jnp.pad(Wa12[:OC], ((0, OCP - OC), (0, 0)))
    w1b2 = Wa12[OC:]

    whead = jnp.concatenate(
        [jnp.pad(Wmu, ((0, 0), (0, 256 - Z))),
         jnp.pad(Wlv, ((0, 0), (0, 256 - Z)))], axis=1)
    bhead = jnp.concatenate(
        [jnp.pad(bmu, (0, 256 - Z)), jnp.pad(blv, (0, 256 - Z))]
    ).reshape(1, 512)

    u1 = _tc_u(h0, mflat1)
    p1 = _run_sc(u1, src_p, dst_p, a_p)
    h1, u2 = _tc_update_u(p1, h0, w1a1, w1b1, ba11.reshape(1, F),
                          Wa21, ba21.reshape(1, F), mflat2)
    p2 = _run_sc(u2, src_p, dst_p, a_p)
    heads = _tc_update_heads(p2, h1, w1a2, w1b2, ba12.reshape(1, F),
                             Wa22, ba22.reshape(1, F), whead, bhead)
    return (heads[:N, :Z], heads[:N, 256:256 + Z])

# --- scband reference (transcript-rebuilt; emitter-appended) ---
"""Pipeline reference for scband-encoder-14886356648051 (READ-ONLY COPY).

The authoritative reference and input builder live on the scoring server;
editing this copy changes nothing except your own understanding.
"""

import jax, jax.numpy as jnp
import numpy as np

N = 10000
E = 160000
F = 256
EF = 49
OC = 20
Z = 200


def setup_inputs(seed: int = 0) -> dict:
    key = jax.random.key(seed)
    ks = jax.random.split(key, 24)
    inp = {}
    inp["x"] = jax.random.normal(ks[0], (N, F), dtype=jnp.float32)
    inp["edge_ind"] = jax.random.randint(ks[1], (2, E), 0, N, dtype=jnp.int32)
    inp["edge_attr"] = jax.random.normal(ks[2], (E, EF), dtype=jnp.float32)
    s = 0.05
    # conv1 params: edge-nn Linear(EF, F*OC); aggrnn Linear(F+OC, F), Linear(F, F)
    inp["Wn1"] = jax.random.normal(ks[3], (EF, F * OC), dtype=jnp.float32) * s
    inp["bn1"] = jax.random.normal(ks[4], (F * OC,), dtype=jnp.float32) * s
    inp["Wa11"] = jax.random.normal(ks[5], (F + OC, F), dtype=jnp.float32) * s
    inp["ba11"] = jax.random.normal(ks[6], (F,), dtype=jnp.float32) * s
    inp["Wa21"] = jax.random.normal(ks[7], (F, F), dtype=jnp.float32) * s
    inp["ba21"] = jax.random.normal(ks[8], (F,), dtype=jnp.float32) * s
    # conv2 params
    inp["Wn2"] = jax.random.normal(ks[9], (EF, F * OC), dtype=jnp.float32) * s
    inp["bn2"] = jax.random.normal(ks[10], (F * OC,), dtype=jnp.float32) * s
    inp["Wa12"] = jax.random.normal(ks[11], (F + OC, F), dtype=jnp.float32) * s
    inp["ba12"] = jax.random.normal(ks[12], (F,), dtype=jnp.float32) * s
    inp["Wa22"] = jax.random.normal(ks[13], (F, F), dtype=jnp.float32) * s
    inp["ba22"] = jax.random.normal(ks[14], (F,), dtype=jnp.float32) * s
    # heads
    inp["Wmu"] = jax.random.normal(ks[15], (F, Z), dtype=jnp.float32) * s
    inp["bmu"] = jax.random.normal(ks[16], (Z,), dtype=jnp.float32) * s
    inp["Wlv"] = jax.random.normal(ks[17], (F, Z), dtype=jnp.float32) * s
    inp["blv"] = jax.random.normal(ks[18], (Z,), dtype=jnp.float32) * s
    return inp


def _nnconv(h, edge_ind, edge_attr, Wn, bn, Wa1, ba1, Wa2, ba2):
    src = edge_ind[0]
    dst = edge_ind[1]
    # message: per-edge weight matrix from edge features
    w = (edge_attr @ Wn + bn).reshape(-1, F, OC)
    x_j = jnp.take(h, src, axis=0)
    msg = jax.nn.sigmoid(jnp.einsum("ef,efo->eo", x_j, w))
    # aggregate: scatter-add by destination node
    aggr = jax.ops.segment_sum(msg, dst, num_segments=N)
    # update: concat + MLP
    y = jnp.concatenate([aggr, h], axis=1)
    return jax.nn.relu(y @ Wa1 + ba1) @ Wa2 + ba2


def reference(x, edge_ind, edge_attr, Wn1, bn1, Wa11, ba11, Wa21, ba21, Wn2, bn2, Wa12, ba12, Wa22, ba22, Wmu, bmu, Wlv, blv):
    h1 = _nnconv(x, edge_ind, edge_attr, Wn1, bn1, Wa11, ba11, Wa21, ba21)
    h2 = _nnconv(h1, edge_ind, edge_attr, Wn2, bn2, Wa12, ba12, Wa22, ba22)
    x_mu = h2 @ Wmu + bmu
    x_log = h2 @ Wlv + blv
    return (x_mu, x_log)

if __name__ == "__main__":
    import jax
    _d = setup_inputs()
    print(jax.jit(kernel)(*tuple(_d.values())))

</pallas_src>

<mosaic_0001>
#map = affine_map<(d0, d1) -> (0, 0)>
#map1 = affine_map<(d0, d1) -> (0, 0, 0)>
module attributes {stable_mosaic.version = 14 : i64} {
  func.func @_sc_edge_body(%arg0: i32, %arg1: i32, %arg2: memref<10240x1024xf32, #tpu.memory_space<hbm>>, %arg3: memref<32x158x32xi32, #tpu.memory_space<hbm>>, %arg4: memref<32x158x32xi32, #tpu.memory_space<hbm>>, %arg5: memref<161792x64xf32, #tpu.memory_space<hbm>>, %arg6: memref<20480x32xf32, #tpu.memory_space<hbm>>, %arg7: memref<158x32xi32, #tpu.memory_space<vmem>>, %arg8: memref<158x32xi32, #tpu.memory_space<vmem>>, %arg9: memref<32x64xf32, #tpu.memory_space<vmem>>, %arg10: memref<32x64xf32, #tpu.memory_space<vmem>>, %arg11: memref<32x1024xf32, #tpu.memory_space<vmem>>, %arg12: memref<32x1024xf32, #tpu.memory_space<vmem>>, %arg13: memref<32x32xf32, #tpu.memory_space<vmem>>, %arg14: memref<32x32xf32, #tpu.memory_space<vmem>>, %arg15: memref<640x32xf32, #tpu.memory_space<vmem>>, %arg16: memref<10240x32xf32, #tpu.memory_space<vmem_shared>>, %arg17: memref<!tpu.dma_semaphore, #tpu.memory_space<semaphore_mem>>, %arg18: memref<!tpu.dma_semaphore, #tpu.memory_space<semaphore_mem>>, %arg19: memref<!tpu.dma_semaphore, #tpu.memory_space<semaphore_mem>>, %arg20: memref<!tpu.dma_semaphore, #tpu.memory_space<semaphore_mem>>, %arg21: memref<!tpu.dma_semaphore, #tpu.memory_space<semaphore_mem>>, %arg22: memref<!tpu.dma_semaphore, #tpu.memory_space<semaphore_mem>>) attributes {dimension_semantics = [#tpu.dimension_semantics<core_parallel>, #tpu.dimension_semantics<subcore_parallel>], iteration_bounds = array<i64: 2, 16>, scalar_prefetch = 0 : i64, scratch_operands = 16 : i64, tpu.core_type = #tpu.core_type<sc_vector_subcore>, window_params = [{transform_indices = #map}, {transform_indices = #map1}, {transform_indices = #map1}, {transform_indices = #map}, {transform_indices = #map}]} {
    %mul3A = arith.constant 16 : i32
    %mul3A_0 = arith.muli %arg0, %mul3A : i32
    %add3A = arith.addi %mul3A_0, %arg1 : i32
    %iota3A = tpu.iota {dimensions = array<i32: 0>} : vector<16xi32>
    %broadcast_in_dim3A = arith.constant 0.000000e+00 : f32
    %broadcast_in_dim3A_1 = vector.broadcast %broadcast_in_dim3A : f32 to vector<16xf32>
    %add3A_2 = arith.constant 0 : i32
    %add3A_3 = vector.broadcast %add3A_2 : i32 to vector<16xi32>
    %add3A_4 = arith.addi %iota3A, %add3A_3 : vector<16xi32>
    %broadcast_in_dim3A_5 = arith.constant 20 : i32
    %broadcast_in_dim3A_6 = vector.broadcast %broadcast_in_dim3A_5 : i32 to vector<16xi32>
    tpu.vector_store_idx %arg13[%add3A_4, %broadcast_in_dim3A_6], %broadcast_in_dim3A_1 : memref<32x32xf32, #tpu.memory_space<vmem>>[vector<16xi32>, vector<16xi32>], vector<16xf32>,
    %broadcast_in_dim3A_7 = arith.constant 21 : i32
    %broadcast_in_dim3A_8 = vector.broadcast %broadcast_in_dim3A_7 : i32 to vector<16xi32>
    tpu.vector_store_idx %arg13[%add3A_4, %broadcast_in_dim3A_8], %broadcast_in_dim3A_1 : memref<32x32xf32, #tpu.memory_space<vmem>>[vector<16xi32>, vector<16xi32>], vector<16xf32>,
    %broadcast_in_dim3A_9 = arith.constant 22 : i32
    %broadcast_in_dim3A_10 = vector.broadcast %broadcast_in_dim3A_9 : i32 to vector<16xi32>
    tpu.vector_store_idx %arg13[%add3A_4, %broadcast_in_dim3A_10], %broadcast_in_dim3A_1 : memref<32x32xf32, #tpu.memory_space<vmem>>[vector<16xi32>, vector<16xi32>], vector<16xf32>,
    %broadcast_in_dim3A_11 = arith.constant 23 : i32
    %broadcast_in_dim3A_12 = vector.broadcast %broadcast_in_dim3A_11 : i32 to vector<16xi32>
    tpu.vector_store_idx %arg13[%add3A_4, %broadcast_in_dim3A_12], %broadcast_in_dim3A_1 : memref<32x32xf32, #tpu.memory_space<vmem>>[vector<16xi32>, vector<16xi32>], vector<16xf32>,
    %broadcast_in_dim3A_13 = arith.constant 24 : i32
    %broadcast_in_dim3A_14 = vector.broadcast %broadcast_in_dim3A_13 : i32 to vector<16xi32>
    tpu.vector_store_idx %arg13[%add3A_4, %broadcast_in_dim3A_14], %broadcast_in_dim3A_1 : memref<32x32xf32, #tpu.memory_space<vmem>>[vector<16xi32>, vector<16xi32>], vector<16xf32>,
    %broadcast_in_dim3A_15 = arith.constant 25 : i32
    %broadcast_in_dim3A_16 = vector.broadcast %broadcast_in_dim3A_15 : i32 to vector<16xi32>
    tpu.vector_store_idx %arg13[%add3A_4, %broadcast_in_dim3A_16], %broadcast_in_dim3A_1 : memref<32x32xf32, #tpu.memory_space<vmem>>[vector<16xi32>, vector<16xi32>], vector<16xf32>,
    %broadcast_in_dim3A_17 = arith.constant 26 : i32
    %broadcast_in_dim3A_18 = vector.broadcast %broadcast_in_dim3A_17 : i32 to vector<16xi32>
    tpu.vector_store_idx %arg13[%add3A_4, %broadcast_in_dim3A_18], %broadcast_in_dim3A_1 : memref<32x32xf32, #tpu.memory_space<vmem>>[vector<16xi32>, vector<16xi32>], vector<16xf32>,
    %broadcast_in_dim3A_19 = arith.constant 27 : i32
    %broadcast_in_dim3A_20 = vector.broadcast %broadcast_in_dim3A_19 : i32 to vector<16xi32>
    tpu.vector_store_idx %arg13[%add3A_4, %broadcast_in_dim3A_20], %broadcast_in_dim3A_1 : memref<32x32xf32, #tpu.memory_space<vmem>>[vector<16xi32>, vector<16xi32>], vector<16xf32>,
    %broadcast_in_dim3A_21 = arith.constant 28 : i32
    %broadcast_in_dim3A_22 = vector.broadcast %broadcast_in_dim3A_21 : i32 to vector<16xi32>
    tpu.vector_store_idx %arg13[%add3A_4, %broadcast_in_dim3A_22], %broadcast_in_dim3A_1 : memref<32x32xf32, #tpu.memory_space<vmem>>[vector<16xi32>, vector<16xi32>], vector<16xf32>,
    %broadcast_in_dim3A_23 = arith.constant 29 : i32
    %broadcast_in_dim3A_24 = vector.broadcast %broadcast_in_dim3A_23 : i32 to vector<16xi32>
    tpu.vector_store_idx %arg13[%add3A_4, %broadcast_in_dim3A_24], %broadcast_in_dim3A_1 : memref<32x32xf32, #tpu.memory_space<vmem>>[vector<16xi32>, vector<16xi32>], vector<16xf32>,
    %broadcast_in_dim3A_25 = arith.constant 30 : i32
    %broadcast_in_dim3A_26 = vector.broadcast %broadcast_in_dim3A_25 : i32 to vector<16xi32>
    tpu.vector_store_idx %arg13[%add3A_4, %broadcast_in_dim3A_26], %broadcast_in_dim3A_1 : memref<32x32xf32, #tpu.memory_space<vmem>>[vector<16xi32>, vector<16xi32>], vector<16xf32>,
    %broadcast_in_dim3A_27 = arith.constant 31 : i32
    %broadcast_in_dim3A_28 = vector.broadcast %broadcast_in_dim3A_27 : i32 to vector<16xi32>
    tpu.vector_store_idx %arg13[%add3A_4, %broadcast_in_dim3A_28], %broadcast_in_dim3A_1 : memref<32x32xf32, #tpu.memory_space<vmem>>[vector<16xi32>, vector<16xi32>], vector<16xf32>,
    %add3A_29 = arith.constant 16 : i32
    %add3A_30 = vector.broadcast %add3A_29 : i32 to vector<16xi32>
    %add3A_31 = arith.addi %iota3A, %add3A_30 : vector<16xi32>
    %broadcast_in_dim3A_32 = arith.constant 20 : i32
    %broadcast_in_dim3A_33 = vector.broadcast %broadcast_in_dim3A_32 : i32 to vector<16xi32>
    tpu.vector_store_idx %arg13[%add3A_31, %broadcast_in_dim3A_33], %broadcast_in_dim3A_1 : memref<32x32xf32, #tpu.memory_space<vmem>>[vector<16xi32>, vector<16xi32>], vector<16xf32>,
    %broadcast_in_dim3A_34 = arith.constant 21 : i32
    %broadcast_in_dim3A_35 = vector.broadcast %broadcast_in_dim3A_34 : i32 to vector<16xi32>
    tpu.vector_store_idx %arg13[%add3A_31, %broadcast_in_dim3A_35], %broadcast_in_dim3A_1 : memref<32x32xf32, #tpu.memory_space<vmem>>[vector<16xi32>, vector<16xi32>], vector<16xf32>,
    %broadcast_in_dim3A_36 = arith.constant 22 : i32
    %broadcast_in_dim3A_37 = vector.broadcast %broadcast_in_dim3A_36 : i32 to vector<16xi32>
    tpu.vector_store_idx %arg13[%add3A_31, %broadcast_in_dim3A_37], %broadcast_in_dim3A_1 : memref<32x32xf32, #tpu.memory_space<vmem>>[vector<16xi32>, vector<16xi32>], vector<16xf32>,
    %broadcast_in_dim3A_38 = arith.constant 23 : i32
    %broadcast_in_dim3A_39 = vector.broadcast %broadcast_in_dim3A_38 : i32 to vector<16xi32>
    tpu.vector_store_idx %arg13[%add3A_31, %broadcast_in_dim3A_39], %broadcast_in_dim3A_1 : memref<32x32xf32, #tpu.memory_space<vmem>>[vector<16xi32>, vector<16xi32>], vector<16xf32>,
    %broadcast_in_dim3A_40 = arith.constant 24 : i32
    %broadcast_in_dim3A_41 = vector.broadcast %broadcast_in_dim3A_40 : i32 to vector<16xi32>
    tpu.vector_store_idx %arg13[%add3A_31, %broadcast_in_dim3A_41], %broadcast_in_dim3A_1 : memref<32x32xf32, #tpu.memory_space<vmem>>[vector<16xi32>, vector<16xi32>], vector<16xf32>,
    %broadcast_in_dim3A_42 = arith.constant 25 : i32
    %broadcast_in_dim3A_43 = vector.broadcast %broadcast_in_dim3A_42 : i32 to vector<16xi32>
    tpu.vector_store_idx %arg13[%add3A_31, %broadcast_in_dim3A_43], %broadcast_in_dim3A_1 : memref<32x32xf32, #tpu.memory_space<vmem>>[vector<16xi32>, vector<16xi32>], vector<16xf32>,
    %broadcast_in_dim3A_44 = arith.constant 26 : i32
    %broadcast_in_dim3A_45 = vector.broadcast %broadcast_in_dim3A_44 : i32 to vector<16xi32>
    tpu.vector_store_idx %arg13[%add3A_31, %broadcast_in_dim3A_45], %broadcast_in_dim3A_1 : memref<32x32xf32, #tpu.memory_space<vmem>>[vector<16xi32>, vector<16xi32>], vector<16xf32>,
    %broadcast_in_dim3A_46 = arith.constant 27 : i32
    %broadcast_in_dim3A_47 = vector.broadcast %broadcast_in_dim3A_46 : i32 to vector<16xi32>
    tpu.vector_store_idx %arg13[%add3A_31, %broadcast_in_dim3A_47], %broadcast_in_dim3A_1 : memref<32x32xf32, #tpu.memory_space<vmem>>[vector<16xi32>, vector<16xi32>], vector<16xf32>,
    %broadcast_in_dim3A_48 = arith.constant 28 : i32
    %broadcast_in_dim3A_49 = vector.broadcast %broadcast_in_dim3A_48 : i32 to vector<16xi32>
    tpu.vector_store_idx %arg13[%add3A_31, %broadcast_in_dim3A_49], %broadcast_in_dim3A_1 : memref<32x32xf32, #tpu.memory_space<vmem>>[vector<16xi32>, vector<16xi32>], vector<16xf32>,
    %broadcast_in_dim3A_50 = arith.constant 29 : i32
    %broadcast_in_dim3A_51 = vector.broadcast %broadcast_in_dim3A_50 : i32 to vector<16xi32>
    tpu.vector_store_idx %arg13[%add3A_31, %broadcast_in_dim3A_51], %broadcast_in_dim3A_1 : memref<32x32xf32, #tpu.memory_space<vmem>>[vector<16xi32>, vector<16xi32>], vector<16xf32>,
    %broadcast_in_dim3A_52 = arith.constant 30 : i32
    %broadcast_in_dim3A_53 = vector.broadcast %broadcast_in_dim3A_52 : i32 to vector<16xi32>
    tpu.vector_store_idx %arg13[%add3A_31, %broadcast_in_dim3A_53], %broadcast_in_dim3A_1 : memref<32x32xf32, #tpu.memory_space<vmem>>[vector<16xi32>, vector<16xi32>], vector<16xf32>,
    %broadcast_in_dim3A_54 = arith.constant 31 : i32
    %broadcast_in_dim3A_55 = vector.broadcast %broadcast_in_dim3A_54 : i32 to vector<16xi32>
    tpu.vector_store_idx %arg13[%add3A_31, %broadcast_in_dim3A_55], %broadcast_in_dim3A_1 : memref<32x32xf32, #tpu.memory_space<vmem>>[vector<16xi32>, vector<16xi32>], vector<16xf32>,
    %add3A_56 = arith.constant 0 : i32
    %add3A_57 = vector.broadcast %add3A_56 : i32 to vector<16xi32>
    %add3A_58 = arith.addi %iota3A, %add3A_57 : vector<16xi32>
    %broadcast_in_dim3A_59 = arith.constant 20 : i32
    %broadcast_in_dim3A_60 = vector.broadcast %broadcast_in_dim3A_59 : i32 to vector<16xi32>
    tpu.vector_store_idx %arg14[%add3A_58, %broadcast_in_dim3A_60], %broadcast_in_dim3A_1 : memref<32x32xf32, #tpu.memory_space<vmem>>[vector<16xi32>, vector<16xi32>], vector<16xf32>,
    %broadcast_in_dim3A_61 = arith.constant 21 : i32
    %broadcast_in_dim3A_62 = vector.broadcast %broadcast_in_dim3A_61 : i32 to vector<16xi32>
    tpu.vector_store_idx %arg14[%add3A_58, %broadcast_in_dim3A_62], %broadcast_in_dim3A_1 : memref<32x32xf32, #tpu.memory_space<vmem>>[vector<16xi32>, vector<16xi32>], vector<16xf32>,
    %broadcast_in_dim3A_63 = arith.constant 22 : i32
    %broadcast_in_dim3A_64 = vector.broadcast %broadcast_in_dim3A_63 : i32 to vector<16xi32>
    tpu.vector_store_idx %arg14[%add3A_58, %broadcast_in_dim3A_64], %broadcast_in_dim3A_1 : memref<32x32xf32, #tpu.memory_space<vmem>>[vector<16xi32>, vector<16xi32>], vector<16xf32>,
    %broadcast_in_dim3A_65 = arith.constant 23 : i32
    %broadcast_in_dim3A_66 = vector.broadcast %broadcast_in_dim3A_65 : i32 to vector<16xi32>
    tpu.vector_store_idx %arg14[%add3A_58, %broadcast_in_dim3A_66], %broadcast_in_dim3A_1 : memref<32x32xf32, #tpu.memory_space<vmem>>[vector<16xi32>, vector<16xi32>], vector<16xf32>,
    %broadcast_in_dim3A_67 = arith.constant 24 : i32
    %broadcast_in_dim3A_68 = vector.broadcast %broadcast_in_dim3A_67 : i32 to vector<16xi32>
    tpu.vector_store_idx %arg14[%add3A_58, %broadcast_in_dim3A_68], %broadcast_in_dim3A_1 : memref<32x32xf32, #tpu.memory_space<vmem>>[vector<16xi32>, vector<16xi32>], vector<16xf32>,
    %broadcast_in_dim3A_69 = arith.constant 25 : i32
    %broadcast_in_dim3A_70 = vector.broadcast %broadcast_in_dim3A_69 : i32 to vector<16xi32>
    tpu.vector_store_idx %arg14[%add3A_58, %broadcast_in_dim3A_70], %broadcast_in_dim3A_1 : memref<32x32xf32, #tpu.memory_space<vmem>>[vector<16xi32>, vector<16xi32>], vector<16xf32>,
    %broadcast_in_dim3A_71 = arith.constant 26 : i32
    %broadcast_in_dim3A_72 = vector.broadcast %broadcast_in_dim3A_71 : i32 to vector<16xi32>
    tpu.vector_store_idx %arg14[%add3A_58, %broadcast_in_dim3A_72], %broadcast_in_dim3A_1 : memref<32x32xf32, #tpu.memory_space<vmem>>[vector<16xi32>, vector<16xi32>], vector<16xf32>,
    %broadcast_in_dim3A_73 = arith.constant 27 : i32
    %broadcast_in_dim3A_74 = vector.broadcast %broadcast_in_dim3A_73 : i32 to vector<16xi32>
    tpu.vector_store_idx %arg14[%add3A_58, %broadcast_in_dim3A_74], %broadcast_in_dim3A_1 : memref<32x32xf32, #tpu.memory_space<vmem>>[vector<16xi32>, vector<16xi32>], vector<16xf32>,
    %broadcast_in_dim3A_75 = arith.constant 28 : i32
    %broadcast_in_dim3A_76 = vector.broadcast %broadcast_in_dim3A_75 : i32 to vector<16xi32>
    tpu.vector_store_idx %arg14[%add3A_58, %broadcast_in_dim3A_76], %broadcast_in_dim3A_1 : memref<32x32xf32, #tpu.memory_space<vmem>>[vector<16xi32>, vector<16xi32>], vector<16xf32>,
    %broadcast_in_dim3A_77 = arith.constant 29 : i32
    %broadcast_in_dim3A_78 = vector.broadcast %broadcast_in_dim3A_77 : i32 to vector<16xi32>
    tpu.vector_store_idx %arg14[%add3A_58, %broadcast_in_dim3A_78], %broadcast_in_dim3A_1 : memref<32x32xf32, #tpu.memory_space<vmem>>[vector<16xi32>, vector<16xi32>], vector<16xf32>,
    %broadcast_in_dim3A_79 = arith.constant 30 : i32
    %broadcast_in_dim3A_80 = vector.broadcast %broadcast_in_dim3A_79 : i32 to vector<16xi32>
    tpu.vector_store_idx %arg14[%add3A_58, %broadcast_in_dim3A_80], %broadcast_in_dim3A_1 : memref<32x32xf32, #tpu.memory_space<vmem>>[vector<16xi32>, vector<16xi32>], vector<16xf32>,
    %broadcast_in_dim3A_81 = arith.constant 31 : i32
    %broadcast_in_dim3A_82 = vector.broadcast %broadcast_in_dim3A_81 : i32 to vector<16xi32>
    tpu.vector_store_idx %arg14[%add3A_58, %broadcast_in_dim3A_82], %broadcast_in_dim3A_1 : memref<32x32xf32, #tpu.memory_space<vmem>>[vector<16xi32>, vector<16xi32>], vector<16xf32>,
    %add3A_83 = arith.constant 16 : i32
    %add3A_84 = vector.broadcast %add3A_83 : i32 to vector<16xi32>
    %add3A_85 = arith.addi %iota3A, %add3A_84 : vector<16xi32>
    %broadcast_in_dim3A_86 = arith.constant 20 : i32
    %broadcast_in_dim3A_87 = vector.broadcast %broadcast_in_dim3A_86 : i32 to vector<16xi32>
    tpu.vector_store_idx %arg14[%add3A_85, %broadcast_in_dim3A_87], %broadcast_in_dim3A_1 : memref<32x32xf32, #tpu.memory_space<vmem>>[vector<16xi32>, vector<16xi32>], vector<16xf32>,
    %broadcast_in_dim3A_88 = arith.constant 21 : i32
    %broadcast_in_dim3A_89 = vector.broadcast %broadcast_in_dim3A_88 : i32 to vector<16xi32>
    tpu.vector_store_idx %arg14[%add3A_85, %broadcast_in_dim3A_89], %broadcast_in_dim3A_1 : memref<32x32xf32, #tpu.memory_space<vmem>>[vector<16xi32>, vector<16xi32>], vector<16xf32>,
    %broadcast_in_dim3A_90 = arith.constant 22 : i32
    %broadcast_in_dim3A_91 = vector.broadcast %broadcast_in_dim3A_90 : i32 to vector<16xi32>
    tpu.vector_store_idx %arg14[%add3A_85, %broadcast_in_dim3A_91], %broadcast_in_dim3A_1 : memref<32x32xf32, #tpu.memory_space<vmem>>[vector<16xi32>, vector<16xi32>], vector<16xf32>,
    %broadcast_in_dim3A_92 = arith.constant 23 : i32
    %broadcast_in_dim3A_93 = vector.broadcast %broadcast_in_dim3A_92 : i32 to vector<16xi32>
    tpu.vector_store_idx %arg14[%add3A_85, %broadcast_in_dim3A_93], %broadcast_in_dim3A_1 : memref<32x32xf32, #tpu.memory_space<vmem>>[vector<16xi32>, vector<16xi32>], vector<16xf32>,
    %broadcast_in_dim3A_94 = arith.constant 24 : i32
    %broadcast_in_dim3A_95 = vector.broadcast %broadcast_in_dim3A_94 : i32 to vector<16xi32>
    tpu.vector_store_idx %arg14[%add3A_85, %broadcast_in_dim3A_95], %broadcast_in_dim3A_1 : memref<32x32xf32, #tpu.memory_space<vmem>>[vector<16xi32>, vector<16xi32>], vector<16xf32>,
    %broadcast_in_dim3A_96 = arith.constant 25 : i32
    %broadcast_in_dim3A_97 = vector.broadcast %broadcast_in_dim3A_96 : i32 to vector<16xi32>
    tpu.vector_store_idx %arg14[%add3A_85, %broadcast_in_dim3A_97], %broadcast_in_dim3A_1 : memref<32x32xf32, #tpu.memory_space<vmem>>[vector<16xi32>, vector<16xi32>], vector<16xf32>,
    %broadcast_in_dim3A_98 = arith.constant 26 : i32
    %broadcast_in_dim3A_99 = vector.broadcast %broadcast_in_dim3A_98 : i32 to vector<16xi32>
    tpu.vector_store_idx %arg14[%add3A_85, %broadcast_in_dim3A_99], %broadcast_in_dim3A_1 : memref<32x32xf32, #tpu.memory_space<vmem>>[vector<16xi32>, vector<16xi32>], vector<16xf32>,
    %broadcast_in_dim3A_100 = arith.constant 27 : i32
    %broadcast_in_dim3A_101 = vector.broadcast %broadcast_in_dim3A_100 : i32 to vector<16xi32>
    tpu.vector_store_idx %arg14[%add3A_85, %broadcast_in_dim3A_101], %broadcast_in_dim3A_1 : memref<32x32xf32, #tpu.memory_space<vmem>>[vector<16xi32>, vector<16xi32>], vector<16xf32>,
    %broadcast_in_dim3A_102 = arith.constant 28 : i32
    %broadcast_in_dim3A_103 = vector.broadcast %broadcast_in_dim3A_102 : i32 to vector<16xi32>
    tpu.vector_store_idx %arg14[%add3A_85, %broadcast_in_dim3A_103], %broadcast_in_dim3A_1 : memref<32x32xf32, #tpu.memory_space<vmem>>[vector<16xi32>, vector<16xi32>], vector<16xf32>,
    %broadcast_in_dim3A_104 = arith.constant 29 : i32
    %broadcast_in_dim3A_105 = vector.broadcast %broadcast_in_dim3A_104 : i32 to vector<16xi32>
    tpu.vector_store_idx %arg14[%add3A_85, %broadcast_in_dim3A_105], %broadcast_in_dim3A_1 : memref<32x32xf32, #tpu.memory_space<vmem>>[vector<16xi32>, vector<16xi32>], vector<16xf32>,
    %broadcast_in_dim3A_106 = arith.constant 30 : i32
    %broadcast_in_dim3A_107 = vector.broadcast %broadcast_in_dim3A_106 : i32 to vector<16xi32>
    tpu.vector_store_idx %arg14[%add3A_85, %broadcast_in_dim3A_107], %broadcast_in_dim3A_1 : memref<32x32xf32, #tpu.memory_space<vmem>>[vector<16xi32>, vector<16xi32>], vector<16xf32>,
    %broadcast_in_dim3A_108 = arith.constant 31 : i32
    %broadcast_in_dim3A_109 = vector.broadcast %broadcast_in_dim3A_108 : i32 to vector<16xi32>
    tpu.vector_store_idx %arg14[%add3A_85, %broadcast_in_dim3A_109], %broadcast_in_dim3A_1 : memref<32x32xf32, #tpu.memory_space<vmem>>[vector<16xi32>, vector<16xi32>], vector<16xf32>,
    "tpu.region"() ({
      %run_scoped3A = tpu.sem_alloc : memref<!tpu.dma_semaphore, #tpu.memory_space<semaphore_mem>>
      %dma_start3A_173 = arith.constant 0 : i32
      %dma_start3A_174 = arith.constant 0 : i32
      %dma_start3A_175 = tpu.memref_slice %arg3[%add3A, %dma_start3A_173, %dma_start3A_174] : memref<32x158x32xi32, #tpu.memory_space<hbm>> -> memref<1x158x32xi32, #tpu.memory_space<hbm>>
      %dma_start3A_176 = tpu.memref_squeeze %dma_start3A_175 : memref<1x158x32xi32, #tpu.memory_space<hbm>> -> memref<158x32xi32, #tpu.memory_space<hbm>>
      %dma_start3A_177 = arith.constant 0 : i32
      %dma_start3A_178 = arith.constant 0 : i32
      %dma_start3A_179 = tpu.memref_slice %arg3[%add3A, %dma_start3A_177, %dma_start3A_178] : memref<32x158x32xi32, #tpu.memory_space<hbm>> -> memref<1x158x32xi32, #tpu.memory_space<hbm>>
      %dma_start3A_180 = tpu.memref_squeeze %dma_start3A_179 : memref<1x158x32xi32, #tpu.memory_space<hbm>> -> memref<158x32xi32, #tpu.memory_space<hbm>>
      tpu.enqueue_dma source(%dma_start3A_180 : memref<158x32xi32, #tpu.memory_space<hbm>>) target(%arg7 : memref<158x32xi32, #tpu.memory_space<vmem>>) target_semaphore(%run_scoped3A : memref<!tpu.dma_semaphore, #tpu.memory_space<semaphore_mem>>)
      %dma_wait3A_181 = arith.constant 0 : i32
      %dma_wait3A_182 = arith.constant 0 : i32
      %dma_wait3A_183 = tpu.memref_slice %arg3[%add3A, %dma_wait3A_181, %dma_wait3A_182] : memref<32x158x32xi32, #tpu.memory_space<hbm>> -> memref<1x158x32xi32, #tpu.memory_space<hbm>>
      %dma_wait3A_184 = tpu.memref_squeeze %dma_wait3A_183 : memref<1x158x32xi32, #tpu.memory_space<hbm>> -> memref<158x32xi32, #tpu.memory_space<hbm>>
      %dma_wait3A_185 = arith.constant 0 : i32
      %dma_wait3A_186 = arith.constant 0 : i32
      %dma_wait3A_187 = tpu.memref_slice %arg3[%add3A, %dma_wait3A_185, %dma_wait3A_186] : memref<32x158x32xi32, #tpu.memory_space<hbm>> -> memref<1x158x32xi32, #tpu.memory_space<hbm>>
      %dma_wait3A_188 = tpu.memref_squeeze %dma_wait3A_187 : memref<1x158x32xi32, #tpu.memory_space<hbm>> -> memref<158x32xi32, #tpu.memory_space<hbm>>
      tpu.wait_dma2 semaphore(%run_scoped3A : memref<!tpu.dma_semaphore, #tpu.memory_space<semaphore_mem>>) src(%dma_wait3A_188 : memref<158x32xi32, #tpu.memory_space<hbm>>) dst(%arg7 : memref<158x32xi32, #tpu.memory_space<vmem>>)
      tpu.yield
    }) : () -> ()
    "tpu.region"() ({
      %run_scoped3A = tpu.sem_alloc : memref<!tpu.dma_semaphore, #tpu.memory_space<semaphore_mem>>
      %dma_start3A_173 = arith.constant 0 : i32
      %dma_start3A_174 = arith.constant 0 : i32
      %dma_start3A_175 = tpu.memref_slice %arg4[%add3A, %dma_start3A_173, %dma_start3A_174] : memref<32x158x32xi32, #tpu.memory_space<hbm>> -> memref<1x158x32xi32, #tpu.memory_space<hbm>>
      %dma_start3A_176 = tpu.memref_squeeze %dma_start3A_175 : memref<1x158x32xi32, #tpu.memory_space<hbm>> -> memref<158x32xi32, #tpu.memory_space<hbm>>
      %dma_start3A_177 = arith.constant 0 : i32
      %dma_start3A_178 = arith.constant 0 : i32
      %dma_start3A_179 = tpu.memref_slice %arg4[%add3A, %dma_start3A_177, %dma_start3A_178] : memref<32x158x32xi32, #tpu.memory_space<hbm>> -> memref<1x158x32xi32, #tpu.memory_space<hbm>>
      %dma_start3A_180 = tpu.memref_squeeze %dma_start3A_179 : memref<1x158x32xi32, #tpu.memory_space<hbm>> -> memref<158x32xi32, #tpu.memory_space<hbm>>
      tpu.enqueue_dma source(%dma_start3A_180 : memref<158x32xi32, #tpu.memory_space<hbm>>) target(%arg8 : memref<158x32xi32, #tpu.memory_space<vmem>>) target_semaphore(%run_scoped3A : memref<!tpu.dma_semaphore, #tpu.memory_space<semaphore_mem>>)
      %dma_wait3A_181 = arith.constant 0 : i32
      %dma_wait3A_182 = arith.constant 0 : i32
      %dma_wait3A_183 = tpu.memref_slice %arg4[%add3A, %dma_wait3A_181, %dma_wait3A_182] : memref<32x158x32xi32, #tpu.memory_space<hbm>> -> memref<1x158x32xi32, #tpu.memory_space<hbm>>
      %dma_wait3A_184 = tpu.memref_squeeze %dma_wait3A_183 : memref<1x158x32xi32, #tpu.memory_space<hbm>> -> memref<158x32xi32, #tpu.memory_space<hbm>>
      %dma_wait3A_185 = arith.constant 0 : i32
      %dma_wait3A_186 = arith.constant 0 : i32
      %dma_wait3A_187 = tpu.memref_slice %arg4[%add3A, %dma_wait3A_185, %dma_wait3A_186] : memref<32x158x32xi32, #tpu.memory_space<hbm>> -> memref<1x158x32xi32, #tpu.memory_space<hbm>>
      %dma_wait3A_188 = tpu.memref_squeeze %dma_wait3A_187 : memref<1x158x32xi32, #tpu.memory_space<hbm>> -> memref<158x32xi32, #tpu.memory_space<hbm>>
      tpu.wait_dma2 semaphore(%run_scoped3A : memref<!tpu.dma_semaphore, #tpu.memory_space<semaphore_mem>>) src(%dma_wait3A_188 : memref<158x32xi32, #tpu.memory_space<hbm>>) dst(%arg8 : memref<158x32xi32, #tpu.memory_space<vmem>>)
      tpu.yield
    }) : () -> ()
    %scan3A = arith.constant 0 : i32
    %scan3A_110 = arith.constant 0 : i32
    %scan3A_111 = arith.constant 1280 : i32
    %scan3A_112 = arith.addi %scan3A_110, %scan3A_111 : i32
    %scan3A_113 = arith.constant 1 : i32
    %scan3A_114 = scf.for %scan3A_173 = %scan3A_110 to %scan3A_112 step %scan3A_113 iter_args(%scan3A_174 = %scan3A) -> (i32)  : i32 {
      %mul3A_175 = arith.constant 16 : i32
      %mul3A_176 = arith.muli %scan3A_173, %mul3A_175 : i32
      %add3A_177 = vector.broadcast %mul3A_176 : i32 to vector<16xi32>
      %add3A_178 = arith.addi %add3A_177, %iota3A : vector<16xi32>
      %jit3A = arith.constant 32 : i32
      %div3A = vector.broadcast %jit3A : i32 to vector<16xi32>
      %div3A_179 = arith.divsi %add3A_178, %div3A : vector<16xi32>
      %sign3A = arith.constant 0 : i32
      %sign3A_180 = vector.broadcast %sign3A : i32 to vector<16xi32>
      %sign3A_181 = arith.cmpi sgt, %add3A_178, %sign3A_180 : vector<16xi32>
      %sign3A_182 = arith.extui %sign3A_181 : vector<16xi1> to vector<16xi32>
      %sign3A_183 = arith.constant 0 : i32
      %sign3A_184 = vector.broadcast %sign3A_183 : i32 to vector<16xi32>
      %sign3A_185 = arith.cmpi slt, %add3A_178, %sign3A_184 : vector<16xi32>
      %sign3A_186 = arith.extui %sign3A_185 : vector<16xi1> to vector<16xi32>
      %sign3A_187 = arith.subi %sign3A_182, %sign3A_186 : vector<16xi32>
      %sign3A_188 = arith.constant 0 : i32
      %sign3A_189 = arith.cmpi sgt, %jit3A, %sign3A_188 : i32
      %sign3A_190 = arith.extui %sign3A_189 : i1 to i32
      %sign3A_191 = arith.constant 0 : i32
      %sign3A_192 = arith.cmpi slt, %jit3A, %sign3A_191 : i32
      %sign3A_193 = arith.extui %sign3A_192 : i1 to i32
      %sign3A_194 = arith.subi %sign3A_190, %sign3A_193 : i32
      %ne3A = vector.broadcast %sign3A_194 : i32 to vector<16xi32>
      %ne3A_195 = arith.cmpi ne, %sign3A_187, %ne3A : vector<16xi32>
      %rem3A = vector.broadcast %jit3A : i32 to vector<16xi32>
      %rem3A_196 = arith.remsi %add3A_178, %rem3A : vector<16xi32>
      %ne3A_197 = arith.constant 0 : i32
      %ne3A_198 = vector.broadcast %ne3A_197 : i32 to vector<16xi32>
      %ne3A_199 = arith.cmpi ne, %rem3A_196, %ne3A_198 : vector<16xi32>
      %and3A = arith.andi %ne3A_195, %ne3A_199 : vector<16xi1>
      %sub3A = arith.constant 1 : i32
      %sub3A_200 = vector.broadcast %sub3A : i32 to vector<16xi32>
      %sub3A_201 = arith.subi %div3A_179, %sub3A_200 : vector<16xi32>
      %select_n3A = arith.select %and3A, %sub3A_201, %div3A_179 : vector<16xi1>, vector<16xi32>
      %jit3A_202 = arith.constant 32 : i32
      %eq3A = arith.constant 0 : i32
      %eq3A_203 = arith.cmpi eq, %jit3A_202, %eq3A : i32
      %jit3A_204 = arith.constant 1 : i32
      %select_n3A_205 = arith.select %eq3A_203, %jit3A_204, %jit3A_202 : i32
      %rem3A_206 = vector.broadcast %select_n3A_205 : i32 to vector<16xi32>
      %rem3A_207 = arith.remsi %add3A_178, %rem3A_206 : vector<16xi32>
      %ne3A_208 = arith.constant 0 : i32
      %ne3A_209 = vector.broadcast %ne3A_208 : i32 to vector<16xi32>
      %ne3A_210 = arith.cmpi ne, %rem3A_207, %ne3A_209 : vector<16xi32>
      %lt3A = arith.constant 0 : i32
      %lt3A_211 = vector.broadcast %lt3A : i32 to vector<16xi32>
      %lt3A_212 = arith.cmpi slt, %rem3A_207, %lt3A_211 : vector<16xi32>
      %lt3A_213 = arith.constant 0 : i32
      %lt3A_214 = arith.cmpi slt, %select_n3A_205, %lt3A_213 : i32
      %ne3A_215 = vector.broadcast %lt3A_214 : i1 to vector<16xi1>
      %ne3A_216 = vector.broadcast %ne3A_215 : vector<16xi1> to vector<16xi1>
      %ne3A_217 = arith.xori %lt3A_212, %ne3A_216 : vector<16xi1>
      %and3A_218 = arith.andi %ne3A_217, %ne3A_210 : vector<16xi1>
      %add3A_219 = vector.broadcast %select_n3A_205 : i32 to vector<16xi32>
      %add3A_220 = arith.addi %rem3A_207, %add3A_219 : vector<16xi32>
      %select_n3A_221 = arith.select %and3A_218, %add3A_220, %rem3A_207 : vector<16xi1>, vector<16xi32>
      tpu.vector_store_idx %arg15[%select_n3A, %select_n3A_221], %broadcast_in_dim3A_1 : memref<640x32xf32, #tpu.memory_space<vmem>>[vector<16xi32>, vector<16xi32>], vector<16xf32>,
      %scan3A_222 = arith.constant 0 : i32
      scf.yield %scan3A_222 : i32
    }
    %scan3A_115 = arith.constant 1280 : i32
    %mul3A_116 = arith.constant 640 : i32
    %mul3A_117 = arith.muli %arg1, %mul3A_116 : i32
    "tpu.region"() ({
      %run_scoped3A = tpu.sem_alloc : memref<!tpu.dma_semaphore, #tpu.memory_space<semaphore_mem>>
      %dma_start3A_173 = arith.constant 0 : i32
      %dma_start3A_174 = tpu.memref_slice %arg16[%mul3A_117, %dma_start3A_173] : memref<10240x32xf32, #tpu.memory_space<vmem_shared>> -> memref<640x32xf32, #tpu.memory_space<vmem_shared>>
      %dma_start3A_175 = arith.constant 0 : i32
      %dma_start3A_176 = tpu.memref_slice %arg16[%mul3A_117, %dma_start3A_175] : memref<10240x32xf32, #tpu.memory_space<vmem_shared>> -> memref<640x32xf32, #tpu.memory_space<vmem_shared>>
      tpu.enqueue_dma source(%arg15 : memref<640x32xf32, #tpu.memory_space<vmem>>) target(%dma_start3A_176 : memref<640x32xf32, #tpu.memory_space<vmem_shared>>) target_semaphore(%run_scoped3A : memref<!tpu.dma_semaphore, #tpu.memory_space<semaphore_mem>>)
      %dma_wait3A_177 = arith.constant 0 : i32
      %dma_wait3A_178 = tpu.memref_slice %arg16[%mul3A_117, %dma_wait3A_177] : memref<10240x32xf32, #tpu.memory_space<vmem_shared>> -> memref<640x32xf32, #tpu.memory_space<vmem_shared>>
      %dma_wait3A_179 = arith.constant 0 : i32
      %dma_wait3A_180 = tpu.memref_slice %arg16[%mul3A_117, %dma_wait3A_179] : memref<10240x32xf32, #tpu.memory_space<vmem_shared>> -> memref<640x32xf32, #tpu.memory_space<vmem_shared>>
      tpu.wait_dma2 semaphore(%run_scoped3A : memref<!tpu.dma_semaphore, #tpu.memory_space<semaphore_mem>>) src(%arg15 : memref<640x32xf32, #tpu.memory_space<vmem>>) dst(%dma_wait3A_180 : memref<640x32xf32, #tpu.memory_space<vmem_shared>>)
      tpu.yield
    }) : () -> ()
    %barrier3A = arith.constant 0 : index
    tpu.barrier barrier_id(%barrier3A)
    %mul3A_118 = arith.constant 5056 : i32
    %mul3A_119 = arith.muli %add3A, %mul3A_118 : i32
    %add3A_120 = arith.constant 0 : i32
    %add3A_121 = arith.addi %mul3A_119, %add3A_120 : i32
    %dma_start3A = arith.constant 0 : i32
    %dma_start3A_122 = tpu.memref_slice %arg5[%add3A_121, %dma_start3A] : memref<161792x64xf32, #tpu.memory_space<hbm>> -> memref<32x64xf32, #tpu.memory_space<hbm>>
    %dma_start3A_123 = arith.constant 0 : i32
    %dma_start3A_124 = tpu.memref_slice %arg5[%add3A_121, %dma_start3A_123] : memref<161792x64xf32, #tpu.memory_space<hbm>> -> memref<32x64xf32, #tpu.memory_space<hbm>>
    tpu.enqueue_dma source(%dma_start3A_124 : memref<32x64xf32, #tpu.memory_space<hbm>>) target(%arg9 : memref<32x64xf32, #tpu.memory_space<vmem>>) target_semaphore(%arg19 : memref<!tpu.dma_semaphore, #tpu.memory_space<semaphore_mem>>)
    %dma_start3A_125 = arith.constant 0 : i32
    %dma_start3A_126 = arith.constant 0 : i32
    %dma_start3A_127 = tpu.memref_slice %arg7[%dma_start3A_125, %dma_start3A_126] : memref<158x32xi32, #tpu.memory_space<vmem>> -> memref<1x32xi32, #tpu.memory_space<vmem>>
    %dma_start3A_128 = tpu.memref_squeeze %dma_start3A_127 : memref<1x32xi32, #tpu.memory_space<vmem>> -> memref<32xi32, #tpu.memory_space<vmem>>
    %dma_start3A_129 = arith.constant 0 : i32
    %dma_start3A_130 = arith.constant 0 : i32
    %dma_start3A_131 = tpu.memref_slice %arg2[%dma_start3A_129, %dma_start3A_130] : memref<10240x1024xf32, #tpu.memory_space<hbm>> -> memref<10240x1024xf32, #tpu.memory_space<hbm>>
    tpu.enqueue_indirect_dma source(%dma_start3A_131 : memref<10240x1024xf32, #tpu.memory_space<hbm>>) target(%arg11 : memref<32x1024xf32, #tpu.memory_space<vmem>>) offsets(%dma_start3A_128 : memref<32xi32, #tpu.memory_space<vmem>>) semaphore(%arg17 : memref<!tpu.dma_semaphore, #tpu.memory_space<semaphore_mem>>)
    %add3A_132 = arith.constant 32 : i32
    %add3A_133 = arith.addi %mul3A_119, %add3A_132 : i32
    %dma_start3A_134 = arith.constant 0 : i32
    %dma_start3A_135 = tpu.memref_slice %arg5[%add3A_133, %dma_start3A_134] : memref<161792x64xf32, #tpu.memory_space<hbm>> -> memref<32x64xf32, #tpu.memory_space<hbm>>
    %dma_start3A_136 = arith.constant 0 : i32
    %dma_start3A_137 = tpu.memref_slice %arg5[%add3A_133, %dma_start3A_136] : memref<161792x64xf32, #tpu.memory_space<hbm>> -> memref<32x64xf32, #tpu.memory_space<hbm>>
    tpu.enqueue_dma source(%dma_start3A_137 : memref<32x64xf32, #tpu.memory_space<hbm>>) target(%arg10 : memref<32x64xf32, #tpu.memory_space<vmem>>) target_semaphore(%arg20 : memref<!tpu.dma_semaphore, #tpu.memory_space<semaphore_mem>>)
    %dma_start3A_138 = arith.constant 1 : i32
    %dma_start3A_139 = arith.constant 0 : i32
    %dma_start3A_140 = tpu.memref_slice %arg7[%dma_start3A_138, %dma_start3A_139] : memref<158x32xi32, #tpu.memory_space<vmem>> -> memref<1x32xi32, #tpu.memory_space<vmem>>
    %dma_start3A_141 = tpu.memref_squeeze %dma_start3A_140 : memref<1x32xi32, #tpu.memory_space<vmem>> -> memref<32xi32, #tpu.memory_space<vmem>>
    %dma_start3A_142 = arith.constant 0 : i32
    %dma_start3A_143 = arith.constant 0 : i32
    %dma_start3A_144 = tpu.memref_slice %arg2[%dma_start3A_142, %dma_start3A_143] : memref<10240x1024xf32, #tpu.memory_space<hbm>> -> memref<10240x1024xf32, #tpu.memory_space<hbm>>
    tpu.enqueue_indirect_dma source(%dma_start3A_144 : memref<10240x1024xf32, #tpu.memory_space<hbm>>) target(%arg12 : memref<32x1024xf32, #tpu.memory_space<vmem>>) offsets(%dma_start3A_141 : memref<32xi32, #tpu.memory_space<vmem>>) semaphore(%arg18 : memref<!tpu.dma_semaphore, #tpu.memory_space<semaphore_mem>>)
    %scan3A_145 = arith.constant 0 : i32
    %scan3A_146 = arith.constant 0 : i32
    %scan3A_147 = arith.constant 79 : i32
    %scan3A_148 = arith.addi %scan3A_146, %scan3A_147 : i32
    %scan3A_149 = arith.constant 1 : i32
    %scan3A_150 = scf.for %scan3A_173 = %scan3A_146 to %scan3A_148 step %scan3A_149 iter_args(%scan3A_174 = %scan3A_145) -> (i32)  : i32 {
      %mul3A_175 = arith.constant 2 : i32
      %mul3A_176 = arith.muli %mul3A_175, %scan3A_173 : i32
      %dma_wait3A_177 = arith.constant 0 : i32
      %dma_wait3A_178 = tpu.memref_slice %arg7[%mul3A_176, %dma_wait3A_177] : memref<158x32xi32, #tpu.memory_space<vmem>> -> memref<1x32xi32, #tpu.memory_space<vmem>>
      %dma_wait3A_179 = tpu.memref_squeeze %dma_wait3A_178 : memref<1x32xi32, #tpu.memory_space<vmem>> -> memref<32xi32, #tpu.memory_space<vmem>>
      %dma_wait3A_180 = arith.constant 0 : i32
      %dma_wait3A_181 = arith.constant 0 : i32
      %dma_wait3A_182 = tpu.memref_slice %arg2[%dma_wait3A_180, %dma_wait3A_181] : memref<10240x1024xf32, #tpu.memory_space<hbm>> -> memref<10240x1024xf32, #tpu.memory_space<hbm>>
      tpu.wait_indirect_dma semaphore(%arg17 : memref<!tpu.dma_semaphore, #tpu.memory_space<semaphore_mem>>) src(%dma_wait3A_182 : memref<10240x1024xf32, #tpu.memory_space<hbm>>) dst(%arg11 : memref<32x1024xf32, #tpu.memory_space<vmem>>)
      %dma_wait3A_183 = arith.constant 0 : i32
      %dma_wait3A_184 = tpu.memref_slice %arg5[%mul3A_119, %dma_wait3A_183] : memref<161792x64xf32, #tpu.memory_space<hbm>> -> memref<32x64xf32, #tpu.memory_space<hbm>>
      %dma_wait3A_185 = arith.constant 0 : i32
      %dma_wait3A_186 = tpu.memref_slice %arg5[%mul3A_119, %dma_wait3A_185] : memref<161792x64xf32, #tpu.memory_space<hbm>> -> memref<32x64xf32, #tpu.memory_space<hbm>>
      tpu.wait_dma2 semaphore(%arg19 : memref<!tpu.dma_semaphore, #tpu.memory_space<semaphore_mem>>) src(%dma_wait3A_186 : memref<32x64xf32, #tpu.memory_space<hbm>>) dst(%arg9 : memref<32x64xf32, #tpu.memory_space<vmem>>)
      %ge3A = arith.constant 2 : i32
      %ge3A_187 = arith.cmpi sge, %mul3A_176, %ge3A : i32
      %convert_element_type3A = arith.extui %ge3A_187 : i1 to i32
      %cond3A = arith.constant 0 : i32
      %cond3A_188 = arith.cmpi ne, %convert_element_type3A, %cond3A : i32
      scf.if %cond3A_188 {
        %dma_wait3A_246 = arith.constant 0 : i32
        %dma_wait3A_247 = tpu.memref_slice %arg8[%mul3A_176, %dma_wait3A_246] : memref<158x32xi32, #tpu.memory_space<vmem>> -> memref<1x32xi32, #tpu.memory_space<vmem>>
        %dma_wait3A_248 = tpu.memref_squeeze %dma_wait3A_247 : memref<1x32xi32, #tpu.memory_space<vmem>> -> memref<32xi32, #tpu.memory_space<vmem>>
        %dma_wait3A_249 = arith.constant 0 : i32
        %dma_wait3A_250 = arith.constant 0 : i32
        %dma_wait3A_251 = tpu.memref_slice %arg16[%dma_wait3A_249, %dma_wait3A_250] : memref<10240x32xf32, #tpu.memory_space<vmem_shared>> -> memref<10240x32xf32, #tpu.memory_space<vmem_shared>>
        tpu.wait_indirect_dma semaphore(%arg21 : memref<!tpu.dma_semaphore, #tpu.memory_space<semaphore_mem>>) src(%arg13 : memref<32x32xf32, #tpu.memory_space<vmem>>) dst(%dma_wait3A_251 : memref<10240x32xf32, #tpu.memory_space<vmem_shared>>)
      } else {
      }
      %scan3A_189 = arith.constant 0 : i32
      %scan3A_190 = arith.constant 0 : i32
      %scan3A_191 = arith.constant 8 : i32
      %scan3A_192 = arith.addi %scan3A_190, %scan3A_191 : i32
      %scan3A_193 = arith.constant 1 : i32
      %scan3A_194 = scf.for %scan3A_246 = %scan3A_190 to %scan3A_192 step %scan3A_193 iter_args(%scan3A_247 = %scan3A_189) -> (i32)  : i32 {
        %mul3A_248 = arith.constant 4 : i32
        %mul3A_249 = arith.muli %scan3A_246, %mul3A_248 : i32
        %add3A_250 = arith.constant 0 : i32
        %add3A_251 = arith.addi %mul3A_249, %add3A_250 : i32
        %broadcast_in_dim3A_252 = vector.broadcast %add3A_251 : i32 to vector<16xi32>
        %mul3A_253 = arith.constant 4 : i32
        %mul3A_254 = arith.muli %scan3A_246, %mul3A_253 : i32
        %add3A_255 = arith.constant 1 : i32
        %add3A_256 = arith.addi %mul3A_254, %add3A_255 : i32
        %broadcast_in_dim3A_257 = vector.broadcast %add3A_256 : i32 to vector<16xi32>
        %mul3A_258 = arith.constant 4 : i32
        %mul3A_259 = arith.muli %scan3A_246, %mul3A_258 : i32
        %add3A_260 = arith.constant 2 : i32
        %add3A_261 = arith.addi %mul3A_259, %add3A_260 : i32
        %broadcast_in_dim3A_262 = vector.broadcast %add3A_261 : i32 to vector<16xi32>
        %mul3A_263 = arith.constant 4 : i32
        %mul3A_264 = arith.muli %scan3A_246, %mul3A_263 : i32
        %add3A_265 = arith.constant 3 : i32
        %add3A_266 = arith.addi %mul3A_264, %add3A_265 : i32
        %broadcast_in_dim3A_267 = vector.broadcast %add3A_266 : i32 to vector<16xi32>
        %add3A_268 = arith.constant 980 : i32
        %add3A_269 = vector.broadcast %add3A_268 : i32 to vector<16xi32>
        %add3A_270 = arith.addi %add3A_269, %iota3A : vector<16xi32>
        %gather3A = tpu.vector_load_idx %arg11[%broadcast_in_dim3A_252, %add3A_270] : memref<32x1024xf32, #tpu.memory_space<vmem>>[vector<16xi32>, vector<16xi32>], vector<16xf32>,
        %add3A_271 = arith.constant 980 : i32
        %add3A_272 = vector.broadcast %add3A_271 : i32 to vector<16xi32>
        %add3A_273 = arith.addi %add3A_272, %iota3A : vector<16xi32>
        %gather3A_274 = tpu.vector_load_idx %arg11[%broadcast_in_dim3A_257, %add3A_273] : memref<32x1024xf32, #tpu.memory_space<vmem>>[vector<16xi32>, vector<16xi32>], vector<16xf32>,
        %add3A_275 = arith.constant 980 : i32
        %add3A_276 = vector.broadcast %add3A_275 : i32 to vector<16xi32>
        %add3A_277 = arith.addi %add3A_276, %iota3A : vector<16xi32>
        %gather3A_278 = tpu.vector_load_idx %arg11[%broadcast_in_dim3A_262, %add3A_277] : memref<32x1024xf32, #tpu.memory_space<vmem>>[vector<16xi32>, vector<16xi32>], vector<16xf32>,
        %add3A_279 = arith.constant 980 : i32
        %add3A_280 = vector.broadcast %add3A_279 : i32 to vector<16xi32>
        %add3A_281 = arith.addi %add3A_280, %iota3A : vector<16xi32>
        %gather3A_282 = tpu.vector_load_idx %arg11[%broadcast_in_dim3A_267, %add3A_281] : memref<32x1024xf32, #tpu.memory_space<vmem>>[vector<16xi32>, vector<16xi32>], vector<16xf32>,
        %add3A_283 = arith.constant 996 : i32
        %add3A_284 = vector.broadcast %add3A_283 : i32 to vector<16xi32>
        %add3A_285 = arith.addi %add3A_284, %iota3A : vector<16xi32>
        %gather3A_286 = tpu.vector_load_idx %arg11[%broadcast_in_dim3A_252, %add3A_285] : memref<32x1024xf32, #tpu.memory_space<vmem>>[vector<16xi32>, vector<16xi32>], vector<16xf32>,
        %add3A_287 = arith.constant 996 : i32
        %add3A_288 = vector.broadcast %add3A_287 : i32 to vector<16xi32>
        %add3A_289 = arith.addi %add3A_288, %iota3A : vector<16xi32>
        %gather3A_290 = tpu.vector_load_idx %arg11[%broadcast_in_dim3A_257, %add3A_289] : memref<32x1024xf32, #tpu.memory_space<vmem>>[vector<16xi32>, vector<16xi32>], vector<16xf32>,
        %add3A_291 = arith.constant 996 : i32
        %add3A_292 = vector.broadcast %add3A_291 : i32 to vector<16xi32>
        %add3A_293 = arith.addi %add3A_292, %iota3A : vector<16xi32>
        %gather3A_294 = tpu.vector_load_idx %arg11[%broadcast_in_dim3A_262, %add3A_293] : memref<32x1024xf32, #tpu.memory_space<vmem>>[vector<16xi32>, vector<16xi32>], vector<16xf32>,
        %add3A_295 = arith.constant 996 : i32
        %add3A_296 = vector.broadcast %add3A_295 : i32 to vector<16xi32>
        %add3A_297 = arith.addi %add3A_296, %iota3A : vector<16xi32>
        %gather3A_298 = tpu.vector_load_idx %arg11[%broadcast_in_dim3A_267, %add3A_297] : memref<32x1024xf32, #tpu.memory_space<vmem>>[vector<16xi32>, vector<16xi32>], vector<16xf32>,
        %add3A_299 = arith.constant 16 : i32
        %add3A_300 = vector.broadcast %add3A_299 : i32 to vector<16xi32>
        %add3A_301 = arith.addi %add3A_300, %iota3A : vector<16xi32>
        %broadcast_in_dim3A_302 = arith.constant 0 : i32
        %broadcast_in_dim3A_303 = vector.broadcast %broadcast_in_dim3A_302 : i32 to vector<16xi32>
        %scan3A_304 = arith.constant 0 : i32
        %scan3A_305 = arith.constant 49 : i32
        %scan3A_306 = arith.addi %scan3A_304, %scan3A_305 : i32
        %scan3A_307 = arith.constant 1 : i32
        %scan3A_308:11 = scf.for %scan3A_400 = %scan3A_304 to %scan3A_306 step %scan3A_307 iter_args(%scan3A_401 = %gather3A, %scan3A_402 = %gather3A_274, %scan3A_403 = %gather3A_278, %scan3A_404 = %gather3A_282, %scan3A_405 = %gather3A_286, %scan3A_406 = %gather3A_290, %scan3A_407 = %gather3A_294, %scan3A_408 = %gather3A_298, %scan3A_409 = %iota3A, %scan3A_410 = %add3A_301, %scan3A_411 = %broadcast_in_dim3A_303) -> (vector<16xf32>, vector<16xf32>, vector<16xf32>, vector<16xf32>, vector<16xf32>, vector<16xf32>, vector<16xf32>, vector<16xf32>, vector<16xi32>, vector<16xi32>, vector<16xi32>)  : i32 {
          %gather3A_412 = tpu.vector_load_idx %arg9[%broadcast_in_dim3A_252, %scan3A_411] : memref<32x64xf32, #tpu.memory_space<vmem>>[vector<16xi32>, vector<16xi32>], vector<16xf32>,
          %gather3A_413 = tpu.vector_load_idx %arg11[%broadcast_in_dim3A_252, %scan3A_409] : memref<32x1024xf32, #tpu.memory_space<vmem>>[vector<16xi32>, vector<16xi32>], vector<16xf32>,
          %mul3A_414 = arith.mulf %gather3A_412, %gather3A_413 : vector<16xf32>
          %add3A_415 = arith.addf %scan3A_401, %mul3A_414 : vector<16xf32>
          %gather3A_416 = tpu.vector_load_idx %arg11[%broadcast_in_dim3A_252, %scan3A_410] : memref<32x1024xf32, #tpu.memory_space<vmem>>[vector<16xi32>, vector<16xi32>], vector<16xf32>,
          %mul3A_417 = arith.mulf %gather3A_412, %gather3A_416 : vector<16xf32>
          %add3A_418 = arith.addf %scan3A_405, %mul3A_417 : vector<16xf32>
          %gather3A_419 = tpu.vector_load_idx %arg9[%broadcast_in_dim3A_257, %scan3A_411] : memref<32x64xf32, #tpu.memory_space<vmem>>[vector<16xi32>, vector<16xi32>], vector<16xf32>,
          %gather3A_420 = tpu.vector_load_idx %arg11[%broadcast_in_dim3A_257, %scan3A_409] : memref<32x1024xf32, #tpu.memory_space<vmem>>[vector<16xi32>, vector<16xi32>], vector<16xf32>,
          %mul3A_421 = arith.mulf %gather3A_419, %gather3A_420 : vector<16xf32>
          %add3A_422 = arith.addf %scan3A_402, %mul3A_421 : vector<16xf32>
          %gather3A_423 = tpu.vector_load_idx %arg11[%broadcast_in_dim3A_257, %scan3A_410] : memref<32x1024xf32, #tpu.memory_space<vmem>>[vector<16xi32>, vector<16xi32>], vector<16xf32>,
          %mul3A_424 = arith.mulf %gather3A_419, %gather3A_423 : vector<16xf32>
          %add3A_425 = arith.addf %scan3A_406, %mul3A_424 : vector<16xf32>
          %gather3A_426 = tpu.vector_load_idx %arg9[%broadcast_in_dim3A_262, %scan3A_411] : memref<32x64xf32, #tpu.memory_space<vmem>>[vector<16xi32>, vector<16xi32>], vector<16xf32>,
          %gather3A_427 = tpu.vector_load_idx %arg11[%broadcast_in_dim3A_262, %scan3A_409] : memref<32x1024xf32, #tpu.memory_space<vmem>>[vector<16xi32>, vector<16xi32>], vector<16xf32>,
          %mul3A_428 = arith.mulf %gather3A_426, %gather3A_427 : vector<16xf32>
          %add3A_429 = arith.addf %scan3A_403, %mul3A_428 : vector<16xf32>
          %gather3A_430 = tpu.vector_load_idx %arg11[%broadcast_in_dim3A_262, %scan3A_410] : memref<32x1024xf32, #tpu.memory_space<vmem>>[vector<16xi32>, vector<16xi32>], vector<16xf32>,
          %mul3A_431 = arith.mulf %gather3A_426, %gather3A_430 : vector<16xf32>
          %add3A_432 = arith.addf %scan3A_407, %mul3A_431 : vector<16xf32>
          %gather3A_433 = tpu.vector_load_idx %arg9[%broadcast_in_dim3A_267, %scan3A_411] : memref<32x64xf32, #tpu.memory_space<vmem>>[vector<16xi32>, vector<16xi32>], vector<16xf32>,
          %gather3A_434 = tpu.vector_load_idx %arg11[%broadcast_in_dim3A_267, %scan3A_409] : memref<32x1024xf32, #tpu.memory_space<vmem>>[vector<16xi32>, vector<16xi32>], vector<16xf32>,
          %mul3A_435 = arith.mulf %gather3A_433, %gather3A_434 : vector<16xf32>
          %add3A_436 = arith.addf %scan3A_404, %mul3A_435 : vector<16xf32>
          %gather3A_437 = tpu.vector_load_idx %arg11[%broadcast_in_dim3A_267, %scan3A_410] : memref<32x1024xf32, #tpu.memory_space<vmem>>[vector<16xi32>, vector<16xi32>], vector<16xf32>,
          %mul3A_438 = arith.mulf %gather3A_433, %gather3A_437 : vector<16xf32>
          %add3A_439 = arith.addf %scan3A_408, %mul3A_438 : vector<16xf32>
          %add3A_440 = arith.constant 20 : i32
          %add3A_441 = vector.broadcast %add3A_440 : i32 to vector<16xi32>
          %add3A_442 = arith.addi %scan3A_409, %add3A_441 : vector<16xi32>
          %add3A_443 = arith.constant 20 : i32
          %add3A_444 = vector.broadcast %add3A_443 : i32 to vector<16xi32>
          %add3A_445 = arith.addi %scan3A_410, %add3A_444 : vector<16xi32>
          %add3A_446 = arith.constant 1 : i32
          %add3A_447 = vector.broadcast %add3A_446 : i32 to vector<16xi32>
          %add3A_448 = arith.addi %scan3A_411, %add3A_447 : vector<16xi32>
          scf.yield %add3A_415, %add3A_422, %add3A_429, %add3A_436, %add3A_418, %add3A_425, %add3A_432, %add3A_439, %add3A_442, %add3A_445, %add3A_448 : vector<16xf32>, vector<16xf32>, vector<16xf32>, vector<16xf32>, vector<16xf32>, vector<16xf32>, vector<16xf32>, vector<16xf32>, vector<16xi32>, vector<16xi32>, vector<16xi32>
        }
        %scan3A_309 = arith.constant 49 : i32
        %neg3A = arith.constant 0.000000e+00 : f32
        %neg3A_310 = vector.broadcast %neg3A : f32 to vector<16xf32>
        %neg3A_311 = arith.subf %neg3A_310, %scan3A_308#0 : vector<16xf32>
        %exp3A = math.exp %neg3A_311 : vector<16xf32>
        %add3A_312 = arith.constant 1.000000e+00 : f32
        %add3A_313 = vector.broadcast %add3A_312 : f32 to vector<16xf32>
        %add3A_314 = arith.addf %add3A_313, %exp3A : vector<16xf32>
        %div3A = arith.constant 1.000000e+00 : f32
        %div3A_315 = vector.broadcast %div3A : f32 to vector<16xf32>
        %div3A_316 = arith.divf %div3A_315, %add3A_314 : vector<16xf32>
        %neg3A_317 = arith.constant 0.000000e+00 : f32
        %neg3A_318 = vector.broadcast %neg3A_317 : f32 to vector<16xf32>
        %neg3A_319 = arith.subf %neg3A_318, %scan3A_308#4 : vector<16xf32>
        %exp3A_320 = math.exp %neg3A_319 : vector<16xf32>
        %add3A_321 = arith.constant 1.000000e+00 : f32
        %add3A_322 = vector.broadcast %add3A_321 : f32 to vector<16xf32>
        %add3A_323 = arith.addf %add3A_322, %exp3A_320 : vector<16xf32>
        %div3A_324 = arith.constant 1.000000e+00 : f32
        %div3A_325 = vector.broadcast %div3A_324 : f32 to vector<16xf32>
        %div3A_326 = arith.divf %div3A_325, %add3A_323 : vector<16xf32>
        tpu.vector_store_idx %arg13[%broadcast_in_dim3A_252, %iota3A], %div3A_316 : memref<32x32xf32, #tpu.memory_space<vmem>>[vector<16xi32>, vector<16xi32>], vector<16xf32>,
        %add3A_327 = arith.constant 16 : i32
        %add3A_328 = vector.broadcast %add3A_327 : i32 to vector<16xi32>
        %add3A_329 = arith.addi %add3A_328, %iota3A : vector<16xi32>
        tpu.vector_store_idx %arg13[%broadcast_in_dim3A_252, %add3A_329], %div3A_326 : memref<32x32xf32, #tpu.memory_space<vmem>>[vector<16xi32>, vector<16xi32>], vector<16xf32>,
        %neg3A_330 = arith.constant 0.000000e+00 : f32
        %neg3A_331 = vector.broadcast %neg3A_330 : f32 to vector<16xf32>
        %neg3A_332 = arith.subf %neg3A_331, %scan3A_308#1 : vector<16xf32>
        %exp3A_333 = math.exp %neg3A_332 : vector<16xf32>
        %add3A_334 = arith.constant 1.000000e+00 : f32
        %add3A_335 = vector.broadcast %add3A_334 : f32 to vector<16xf32>
        %add3A_336 = arith.addf %add3A_335, %exp3A_333 : vector<16xf32>
        %div3A_337 = arith.constant 1.000000e+00 : f32
        %div3A_338 = vector.broadcast %div3A_337 : f32 to vector<16xf32>
        %div3A_339 = arith.divf %div3A_338, %add3A_336 : vector<16xf32>
        %neg3A_340 = arith.constant 0.000000e+00 : f32
        %neg3A_341 = vector.broadcast %neg3A_340 : f32 to vector<16xf32>
        %neg3A_342 = arith.subf %neg3A_341, %scan3A_308#5 : vector<16xf32>
        %exp3A_343 = math.exp %neg3A_342 : vector<16xf32>
        %add3A_344 = arith.constant 1.000000e+00 : f32
        %add3A_345 = vector.broadcast %add3A_344 : f32 to vector<16xf32>
        %add3A_346 = arith.addf %add3A_345, %exp3A_343 : vector<16xf32>
        %div3A_347 = arith.constant 1.000000e+00 : f32
        %div3A_348 = vector.broadcast %div3A_347 : f32 to vector<16xf32>
        %div3A_349 = arith.divf %div3A_348, %add3A_346 : vector<16xf32>
        tpu.vector_store_idx %arg13[%broadcast_in_dim3A_257, %iota3A], %div3A_339 : memref<32x32xf32, #tpu.memory_space<vmem>>[vector<16xi32>, vector<16xi32>], vector<16xf32>,
        %add3A_350 = arith.constant 16 : i32
        %add3A_351 = vector.broadcast %add3A_350 : i32 to vector<16xi32>
        %add3A_352 = arith.addi %add3A_351, %iota3A : vector<16xi32>
        tpu.vector_store_idx %arg13[%broadcast_in_dim3A_257, %add3A_352], %div3A_349 : memref<32x32xf32, #tpu.memory_space<vmem>>[vector<16xi32>, vector<16xi32>], vector<16xf32>,
        %neg3A_353 = arith.constant 0.000000e+00 : f32
        %neg3A_354 = vector.broadcast %neg3A_353 : f32 to vector<16xf32>
        %neg3A_355 = arith.subf %neg3A_354, %scan3A_308#2 : vector<16xf32>
        %exp3A_356 = math.exp %neg3A_355 : vector<16xf32>
        %add3A_357 = arith.constant 1.000000e+00 : f32
        %add3A_358 = vector.broadcast %add3A_357 : f32 to vector<16xf32>
        %add3A_359 = arith.addf %add3A_358, %exp3A_356 : vector<16xf32>
        %div3A_360 = arith.constant 1.000000e+00 : f32
        %div3A_361 = vector.broadcast %div3A_360 : f32 to vector<16xf32>
        %div3A_362 = arith.divf %div3A_361, %add3A_359 : vector<16xf32>
        %neg3A_363 = arith.constant 0.000000e+00 : f32
        %neg3A_364 = vector.broadcast %neg3A_363 : f32 to vector<16xf32>
        %neg3A_365 = arith.subf %neg3A_364, %scan3A_308#6 : vector<16xf32>
        %exp3A_366 = math.exp %neg3A_365 : vector<16xf32>
        %add3A_367 = arith.constant 1.000000e+00 : f32
        %add3A_368 = vector.broadcast %add3A_367 : f32 to vector<16xf32>
        %add3A_369 = arith.addf %add3A_368, %exp3A_366 : vector<16xf32>
        %div3A_370 = arith.constant 1.000000e+00 : f32
        %div3A_371 = vector.broadcast %div3A_370 : f32 to vector<16xf32>
        %div3A_372 = arith.divf %div3A_371, %add3A_369 : vector<16xf32>
        tpu.vector_store_idx %arg13[%broadcast_in_dim3A_262, %iota3A], %div3A_362 : memref<32x32xf32, #tpu.memory_space<vmem>>[vector<16xi32>, vector<16xi32>], vector<16xf32>,
        %add3A_373 = arith.constant 16 : i32
        %add3A_374 = vector.broadcast %add3A_373 : i32 to vector<16xi32>
        %add3A_375 = arith.addi %add3A_374, %iota3A : vector<16xi32>
        tpu.vector_store_idx %arg13[%broadcast_in_dim3A_262, %add3A_375], %div3A_372 : memref<32x32xf32, #tpu.memory_space<vmem>>[vector<16xi32>, vector<16xi32>], vector<16xf32>,
        %neg3A_376 = arith.constant 0.000000e+00 : f32
        %neg3A_377 = vector.broadcast %neg3A_376 : f32 to vector<16xf32>
        %neg3A_378 = arith.subf %neg3A_377, %scan3A_308#3 : vector<16xf32>
        %exp3A_379 = math.exp %neg3A_378 : vector<16xf32>
        %add3A_380 = arith.constant 1.000000e+00 : f32
        %add3A_381 = vector.broadcast %add3A_380 : f32 to vector<16xf32>
        %add3A_382 = arith.addf %add3A_381, %exp3A_379 : vector<16xf32>
        %div3A_383 = arith.constant 1.000000e+00 : f32
        %div3A_384 = vector.broadcast %div3A_383 : f32 to vector<16xf32>
        %div3A_385 = arith.divf %div3A_384, %add3A_382 : vector<16xf32>
        %neg3A_386 = arith.constant 0.000000e+00 : f32
        %neg3A_387 = vector.broadcast %neg3A_386 : f32 to vector<16xf32>
        %neg3A_388 = arith.subf %neg3A_387, %scan3A_308#7 : vector<16xf32>
        %exp3A_389 = math.exp %neg3A_388 : vector<16xf32>
        %add3A_390 = arith.constant 1.000000e+00 : f32
        %add3A_391 = vector.broadcast %add3A_390 : f32 to vector<16xf32>
        %add3A_392 = arith.addf %add3A_391, %exp3A_389 : vector<16xf32>
        %div3A_393 = arith.constant 1.000000e+00 : f32
        %div3A_394 = vector.broadcast %div3A_393 : f32 to vector<16xf32>
        %div3A_395 = arith.divf %div3A_394, %add3A_392 : vector<16xf32>
        tpu.vector_store_idx %arg13[%broadcast_in_dim3A_267, %iota3A], %div3A_385 : memref<32x32xf32, #tpu.memory_space<vmem>>[vector<16xi32>, vector<16xi32>], vector<16xf32>,
        %add3A_396 = arith.constant 16 : i32
        %add3A_397 = vector.broadcast %add3A_396 : i32 to vector<16xi32>
        %add3A_398 = arith.addi %add3A_397, %iota3A : vector<16xi32>
        tpu.vector_store_idx %arg13[%broadcast_in_dim3A_267, %add3A_398], %div3A_395 : memref<32x32xf32, #tpu.memory_space<vmem>>[vector<16xi32>, vector<16xi32>], vector<16xf32>,
        %scan3A_399 = arith.constant 0 : i32
        scf.yield %scan3A_399 : i32
      }
      %scan3A_195 = arith.constant 8 : i32
      %dma_start3A_196 = arith.constant 0 : i32
      %dma_start3A_197 = tpu.memref_slice %arg8[%mul3A_176, %dma_start3A_196] : memref<158x32xi32, #tpu.memory_space<vmem>> -> memref<1x32xi32, #tpu.memory_space<vmem>>
      %dma_start3A_198 = tpu.memref_squeeze %dma_start3A_197 : memref<1x32xi32, #tpu.memory_space<vmem>> -> memref<32xi32, #tpu.memory_space<vmem>>
      %dma_start3A_199 = arith.constant 0 : i32
      %dma_start3A_200 = arith.constant 0 : i32
      %dma_start3A_201 = tpu.memref_slice %arg16[%dma_start3A_199, %dma_start3A_200] : memref<10240x32xf32, #tpu.memory_space<vmem_shared>> -> memref<10240x32xf32, #tpu.memory_space<vmem_shared>>
      tpu.enqueue_indirect_dma source(%arg13 : memref<32x32xf32, #tpu.memory_space<vmem>>) target(%dma_start3A_201 : memref<10240x32xf32, #tpu.memory_space<vmem_shared>>) offsets(%dma_start3A_198 : memref<32xi32, #tpu.memory_space<vmem>>) semaphore(%arg21 : memref<!tpu.dma_semaphore, #tpu.memory_space<semaphore_mem>>) {add = true}
      %add3A_202 = arith.constant 2 : i32
      %add3A_203 = arith.addi %mul3A_176, %add3A_202 : i32
      %lt3A = arith.constant 158 : i32
      %lt3A_204 = arith.cmpi slt, %add3A_203, %lt3A : i32
      %convert_element_type3A_205 = arith.extui %lt3A_204 : i1 to i32
      %cond3A_206 = arith.constant 0 : i32
      %cond3A_207 = arith.cmpi ne, %convert_element_type3A_205, %cond3A_206 : i32
      scf.if %cond3A_207 {
        %add3A_246 = arith.constant 2 : i32
        %add3A_247 = arith.addi %mul3A_176, %add3A_246 : i32
        %mul3A_248 = arith.constant 32 : i32
        %mul3A_249 = arith.muli %add3A_247, %mul3A_248 : i32
        %add3A_250 = arith.addi %mul3A_119, %mul3A_249 : i32
        %dma_start3A_251 = arith.constant 0 : i32
        %dma_start3A_252 = tpu.memref_slice %arg5[%add3A_250, %dma_start3A_251] : memref<161792x64xf32, #tpu.memory_space<hbm>> -> memref<32x64xf32, #tpu.memory_space<hbm>>
        %dma_start3A_253 = arith.constant 0 : i32
        %dma_start3A_254 = tpu.memref_slice %arg5[%add3A_250, %dma_start3A_253] : memref<161792x64xf32, #tpu.memory_space<hbm>> -> memref<32x64xf32, #tpu.memory_space<hbm>>
        tpu.enqueue_dma source(%dma_start3A_254 : memref<32x64xf32, #tpu.memory_space<hbm>>) target(%arg9 : memref<32x64xf32, #tpu.memory_space<vmem>>) target_semaphore(%arg19 : memref<!tpu.dma_semaphore, #tpu.memory_space<semaphore_mem>>)
        %dma_start3A_255 = arith.constant 0 : i32
        %dma_start3A_256 = tpu.memref_slice %arg7[%add3A_247, %dma_start3A_255] : memref<158x32xi32, #tpu.memory_space<vmem>> -> memref<1x32xi32, #tpu.memory_space<vmem>>
        %dma_start3A_257 = tpu.memref_squeeze %dma_start3A_256 : memref<1x32xi32, #tpu.memory_space<vmem>> -> memref<32xi32, #tpu.memory_space<vmem>>
        %dma_start3A_258 = arith.constant 0 : i32
        %dma_start3A_259 = arith.constant 0 : i32
        %dma_start3A_260 = tpu.memref_slice %arg2[%dma_start3A_258, %dma_start3A_259] : memref<10240x1024xf32, #tpu.memory_space<hbm>> -> memref<10240x1024xf32, #tpu.memory_space<hbm>>
        tpu.enqueue_indirect_dma source(%dma_start3A_260 : memref<10240x1024xf32, #tpu.memory_space<hbm>>) target(%arg11 : memref<32x1024xf32, #tpu.memory_space<vmem>>) offsets(%dma_start3A_257 : memref<32xi32, #tpu.memory_space<vmem>>) semaphore(%arg17 : memref<!tpu.dma_semaphore, #tpu.memory_space<semaphore_mem>>)
      } else {
      }
      %add3A_208 = arith.constant 1 : i32
      %add3A_209 = arith.addi %mul3A_176, %add3A_208 : i32
      %dma_wait3A_210 = arith.constant 0 : i32
      %dma_wait3A_211 = tpu.memref_slice %arg7[%add3A_209, %dma_wait3A_210] : memref<158x32xi32, #tpu.memory_space<vmem>> -> memref<1x32xi32, #tpu.memory_space<vmem>>
      %dma_wait3A_212 = tpu.memref_squeeze %dma_wait3A_211 : memref<1x32xi32, #tpu.memory_space<vmem>> -> memref<32xi32, #tpu.memory_space<vmem>>
      %dma_wait3A_213 = arith.constant 0 : i32
      %dma_wait3A_214 = arith.constant 0 : i32
      %dma_wait3A_215 = tpu.memref_slice %arg2[%dma_wait3A_213, %dma_wait3A_214] : memref<10240x1024xf32, #tpu.memory_space<hbm>> -> memref<10240x1024xf32, #tpu.memory_space<hbm>>
      tpu.wait_indirect_dma semaphore(%arg18 : memref<!tpu.dma_semaphore, #tpu.memory_space<semaphore_mem>>) src(%dma_wait3A_215 : memref<10240x1024xf32, #tpu.memory_space<hbm>>) dst(%arg12 : memref<32x1024xf32, #tpu.memory_space<vmem>>)
      %dma_wait3A_216 = arith.constant 0 : i32
      %dma_wait3A_217 = tpu.memref_slice %arg5[%mul3A_119, %dma_wait3A_216] : memref<161792x64xf32, #tpu.memory_space<hbm>> -> memref<32x64xf32, #tpu.memory_space<hbm>>
      %dma_wait3A_218 = arith.constant 0 : i32
      %dma_wait3A_219 = tpu.memref_slice %arg5[%mul3A_119, %dma_wait3A_218] : memref<161792x64xf32, #tpu.memory_space<hbm>> -> memref<32x64xf32, #tpu.memory_space<hbm>>
      tpu.wait_dma2 semaphore(%arg20 : memref<!tpu.dma_semaphore, #tpu.memory_space<semaphore_mem>>) src(%dma_wait3A_219 : memref<32x64xf32, #tpu.memory_space<hbm>>) dst(%arg10 : memref<32x64xf32, #tpu.memory_space<vmem>>)
      %ge3A_220 = arith.constant 2 : i32
      %ge3A_221 = arith.cmpi sge, %add3A_209, %ge3A_220 : i32
      %convert_element_type3A_222 = arith.extui %ge3A_221 : i1 to i32
      %cond3A_223 = arith.constant 0 : i32
      %cond3A_224 = arith.cmpi ne, %convert_element_type3A_222, %cond3A_223 : i32
      scf.if %cond3A_224 {
        %dma_wait3A_246 = arith.constant 0 : i32
        %dma_wait3A_247 = tpu.memref_slice %arg8[%add3A_209, %dma_wait3A_246] : memref<158x32xi32, #tpu.memory_space<vmem>> -> memref<1x32xi32, #tpu.memory_space<vmem>>
        %dma_wait3A_248 = tpu.memref_squeeze %dma_wait3A_247 : memref<1x32xi32, #tpu.memory_space<vmem>> -> memref<32xi32, #tpu.memory_space<vmem>>
        %dma_wait3A_249 = arith.constant 0 : i32
        %dma_wait3A_250 = arith.constant 0 : i32
        %dma_wait3A_251 = tpu.memref_slice %arg16[%dma_wait3A_249, %dma_wait3A_250] : memref<10240x32xf32, #tpu.memory_space<vmem_shared>> -> memref<10240x32xf32, #tpu.memory_space<vmem_shared>>
        tpu.wait_indirect_dma semaphore(%arg22 : memref<!tpu.dma_semaphore, #tpu.memory_space<semaphore_mem>>) src(%arg14 : memref<32x32xf32, #tpu.memory_space<vmem>>) dst(%dma_wait3A_251 : memref<10240x32xf32, #tpu.memory_space<vmem_shared>>)
      } else {
      }
      %scan3A_225 = arith.constant 0 : i32
      %scan3A_226 = arith.constant 0 : i32
      %scan3A_227 = arith.constant 8 : i32
      %scan3A_228 = arith.addi %scan3A_226, %scan3A_227 : i32
      %scan3A_229 = arith.constant 1 : i32
      %scan3A_230 = scf.for %scan3A_246 = %scan3A_226 to %scan3A_228 step %scan3A_229 iter_args(%scan3A_247 = %scan3A_225) -> (i32)  : i32 {
        %mul3A_248 = arith.constant 4 : i32
        %mul3A_249 = arith.muli %scan3A_246, %mul3A_248 : i32
        %add3A_250 = arith.constant 0 : i32
        %add3A_251 = arith.addi %mul3A_249, %add3A_250 : i32
        %broadcast_in_dim3A_252 = vector.broadcast %add3A_251 : i32 to vector<16xi32>
        %mul3A_253 = arith.constant 4 : i32
        %mul3A_254 = arith.muli %scan3A_246, %mul3A_253 : i32
        %add3A_255 = arith.constant 1 : i32
        %add3A_256 = arith.addi %mul3A_254, %add3A_255 : i32
        %broadcast_in_dim3A_257 = vector.broadcast %add3A_256 : i32 to vector<16xi32>
        %mul3A_258 = arith.constant 4 : i32
        %mul3A_259 = arith.muli %scan3A_246, %mul3A_258 : i32
        %add3A_260 = arith.constant 2 : i32
        %add3A_261 = arith.addi %mul3A_259, %add3A_260 : i32
        %broadcast_in_dim3A_262 = vector.broadcast %add3A_261 : i32 to vector<16xi32>
        %mul3A_263 = arith.constant 4 : i32
        %mul3A_264 = arith.muli %scan3A_246, %mul3A_263 : i32
        %add3A_265 = arith.constant 3 : i32
        %add3A_266 = arith.addi %mul3A_264, %add3A_265 : i32
        %broadcast_in_dim3A_267 = vector.broadcast %add3A_266 : i32 to vector<16xi32>
        %add3A_268 = arith.constant 980 : i32
        %add3A_269 = vector.broadcast %add3A_268 : i32 to vector<16xi32>
        %add3A_270 = arith.addi %add3A_269, %iota3A : vector<16xi32>
        %gather3A = tpu.vector_load_idx %arg12[%broadcast_in_dim3A_252, %add3A_270] : memref<32x1024xf32, #tpu.memory_space<vmem>>[vector<16xi32>, vector<16xi32>], vector<16xf32>,
        %add3A_271 = arith.constant 980 : i32
        %add3A_272 = vector.broadcast %add3A_271 : i32 to vector<16xi32>
        %add3A_273 = arith.addi %add3A_272, %iota3A : vector<16xi32>
        %gather3A_274 = tpu.vector_load_idx %arg12[%broadcast_in_dim3A_257, %add3A_273] : memref<32x1024xf32, #tpu.memory_space<vmem>>[vector<16xi32>, vector<16xi32>], vector<16xf32>,
        %add3A_275 = arith.constant 980 : i32
        %add3A_276 = vector.broadcast %add3A_275 : i32 to vector<16xi32>
        %add3A_277 = arith.addi %add3A_276, %iota3A : vector<16xi32>
        %gather3A_278 = tpu.vector_load_idx %arg12[%broadcast_in_dim3A_262, %add3A_277] : memref<32x1024xf32, #tpu.memory_space<vmem>>[vector<16xi32>, vector<16xi32>], vector<16xf32>,
        %add3A_279 = arith.constant 980 : i32
        %add3A_280 = vector.broadcast %add3A_279 : i32 to vector<16xi32>
        %add3A_281 = arith.addi %add3A_280, %iota3A : vector<16xi32>
        %gather3A_282 = tpu.vector_load_idx %arg12[%broadcast_in_dim3A_267, %add3A_281] : memref<32x1024xf32, #tpu.memory_space<vmem>>[vector<16xi32>, vector<16xi32>], vector<16xf32>,
        %add3A_283 = arith.constant 996 : i32
        %add3A_284 = vector.broadcast %add3A_283 : i32 to vector<16xi32>
        %add3A_285 = arith.addi %add3A_284, %iota3A : vector<16xi32>
        %gather3A_286 = tpu.vector_load_idx %arg12[%broadcast_in_dim3A_252, %add3A_285] : memref<32x1024xf32, #tpu.memory_space<vmem>>[vector<16xi32>, vector<16xi32>], vector<16xf32>,
        %add3A_287 = arith.constant 996 : i32
        %add3A_288 = vector.broadcast %add3A_287 : i32 to vector<16xi32>
        %add3A_289 = arith.addi %add3A_288, %iota3A : vector<16xi32>
        %gather3A_290 = tpu.vector_load_idx %arg12[%broadcast_in_dim3A_257, %add3A_289] : memref<32x1024xf32, #tpu.memory_space<vmem>>[vector<16xi32>, vector<16xi32>], vector<16xf32>,
        %add3A_291 = arith.constant 996 : i32
        %add3A_292 = vector.broadcast %add3A_291 : i32 to vector<16xi32>
        %add3A_293 = arith.addi %add3A_292, %iota3A : vector<16xi32>
        %gather3A_294 = tpu.vector_load_idx %arg12[%broadcast_in_dim3A_262, %add3A_293] : memref<32x1024xf32, #tpu.memory_space<vmem>>[vector<16xi32>, vector<16xi32>], vector<16xf32>,
        %add3A_295 = arith.constant 996 : i32
        %add3A_296 = vector.broadcast %add3A_295 : i32 to vector<16xi32>
        %add3A_297 = arith.addi %add3A_296, %iota3A : vector<16xi32>
        %gather3A_298 = tpu.vector_load_idx %arg12[%broadcast_in_dim3A_267, %add3A_297] : memref<32x1024xf32, #tpu.memory_space<vmem>>[vector<16xi32>, vector<16xi32>], vector<16xf32>,
        %add3A_299 = arith.constant 16 : i32
        %add3A_300 = vector.broadcast %add3A_299 : i32 to vector<16xi32>
        %add3A_301 = arith.addi %add3A_300, %iota3A : vector<16xi32>
        %broadcast_in_dim3A_302 = arith.constant 0 : i32
        %broadcast_in_dim3A_303 = vector.broadcast %broadcast_in_dim3A_302 : i32 to vector<16xi32>
        %scan3A_304 = arith.constant 0 : i32
        %scan3A_305 = arith.constant 49 : i32
        %scan3A_306 = arith.addi %scan3A_304, %scan3A_305 : i32
        %scan3A_307 = arith.constant 1 : i32
        %scan3A_308:11 = scf.for %scan3A_400 = %scan3A_304 to %scan3A_306 step %scan3A_307 iter_args(%scan3A_401 = %gather3A, %scan3A_402 = %gather3A_274, %scan3A_403 = %gather3A_278, %scan3A_404 = %gather3A_282, %scan3A_405 = %gather3A_286, %scan3A_406 = %gather3A_290, %scan3A_407 = %gather3A_294, %scan3A_408 = %gather3A_298, %scan3A_409 = %iota3A, %scan3A_410 = %add3A_301, %scan3A_411 = %broadcast_in_dim3A_303) -> (vector<16xf32>, vector<16xf32>, vector<16xf32>, vector<16xf32>, vector<16xf32>, vector<16xf32>, vector<16xf32>, vector<16xf32>, vector<16xi32>, vector<16xi32>, vector<16xi32>)  : i32 {
          %gather3A_412 = tpu.vector_load_idx %arg10[%broadcast_in_dim3A_252, %scan3A_411] : memref<32x64xf32, #tpu.memory_space<vmem>>[vector<16xi32>, vector<16xi32>], vector<16xf32>,
          %gather3A_413 = tpu.vector_load_idx %arg12[%broadcast_in_dim3A_252, %scan3A_409] : memref<32x1024xf32, #tpu.memory_space<vmem>>[vector<16xi32>, vector<16xi32>], vector<16xf32>,
          %mul3A_414 = arith.mulf %gather3A_412, %gather3A_413 : vector<16xf32>
          %add3A_415 = arith.addf %scan3A_401, %mul3A_414 : vector<16xf32>
          %gather3A_416 = tpu.vector_load_idx %arg12[%broadcast_in_dim3A_252, %scan3A_410] : memref<32x1024xf32, #tpu.memory_space<vmem>>[vector<16xi32>, vector<16xi32>], vector<16xf32>,
          %mul3A_417 = arith.mulf %gather3A_412, %gather3A_416 : vector<16xf32>
          %add3A_418 = arith.addf %scan3A_405, %mul3A_417 : vector<16xf32>
          %gather3A_419 = tpu.vector_load_idx %arg10[%broadcast_in_dim3A_257, %scan3A_411] : memref<32x64xf32, #tpu.memory_space<vmem>>[vector<16xi32>, vector<16xi32>], vector<16xf32>,
          %gather3A_420 = tpu.vector_load_idx %arg12[%broadcast_in_dim3A_257, %scan3A_409] : memref<32x1024xf32, #tpu.memory_space<vmem>>[vector<16xi32>, vector<16xi32>], vector<16xf32>,
          %mul3A_421 = arith.mulf %gather3A_419, %gather3A_420 : vector<16xf32>
          %add3A_422 = arith.addf %scan3A_402, %mul3A_421 : vector<16xf32>
          %gather3A_423 = tpu.vector_load_idx %arg12[%broadcast_in_dim3A_257, %scan3A_410] : memref<32x1024xf32, #tpu.memory_space<vmem>>[vector<16xi32>, vector<16xi32>], vector<16xf32>,
          %mul3A_424 = arith.mulf %gather3A_419, %gather3A_423 : vector<16xf32>
          %add3A_425 = arith.addf %scan3A_406, %mul3A_424 : vector<16xf32>
          %gather3A_426 = tpu.vector_load_idx %arg10[%broadcast_in_dim3A_262, %scan3A_411] : memref<32x64xf32, #tpu.memory_space<vmem>>[vector<16xi32>, vector<16xi32>], vector<16xf32>,
          %gather3A_427 = tpu.vector_load_idx %arg12[%broadcast_in_dim3A_262, %scan3A_409] : memref<32x1024xf32, #tpu.memory_space<vmem>>[vector<16xi32>, vector<16xi32>], vector<16xf32>,
          %mul3A_428 = arith.mulf %gather3A_426, %gather3A_427 : vector<16xf32>
          %add3A_429 = arith.addf %scan3A_403, %mul3A_428 : vector<16xf32>
          %gather3A_430 = tpu.vector_load_idx %arg12[%broadcast_in_dim3A_262, %scan3A_410] : memref<32x1024xf32, #tpu.memory_space<vmem>>[vector<16xi32>, vector<16xi32>], vector<16xf32>,
          %mul3A_431 = arith.mulf %gather3A_426, %gather3A_430 : vector<16xf32>
          %add3A_432 = arith.addf %scan3A_407, %mul3A_431 : vector<16xf32>
          %gather3A_433 = tpu.vector_load_idx %arg10[%broadcast_in_dim3A_267, %scan3A_411] : memref<32x64xf32, #tpu.memory_space<vmem>>[vector<16xi32>, vector<16xi32>], vector<16xf32>,
          %gather3A_434 = tpu.vector_load_idx %arg12[%broadcast_in_dim3A_267, %scan3A_409] : memref<32x1024xf32, #tpu.memory_space<vmem>>[vector<16xi32>, vector<16xi32>], vector<16xf32>,
          %mul3A_435 = arith.mulf %gather3A_433, %gather3A_434 : vector<16xf32>
          %add3A_436 = arith.addf %scan3A_404, %mul3A_435 : vector<16xf32>
          %gather3A_437 = tpu.vector_load_idx %arg12[%broadcast_in_dim3A_267, %scan3A_410] : memref<32x1024xf32, #tpu.memory_space<vmem>>[vector<16xi32>, vector<16xi32>], vector<16xf32>,
          %mul3A_438 = arith.mulf %gather3A_433, %gather3A_437 : vector<16xf32>
          %add3A_439 = arith.addf %scan3A_408, %mul3A_438 : vector<16xf32>
          %add3A_440 = arith.constant 20 : i32
          %add3A_441 = vector.broadcast %add3A_440 : i32 to vector<16xi32>
          %add3A_442 = arith.addi %scan3A_409, %add3A_441 : vector<16xi32>
          %add3A_443 = arith.constant 20 : i32
          %add3A_444 = vector.broadcast %add3A_443 : i32 to vector<16xi32>
          %add3A_445 = arith.addi %scan3A_410, %add3A_444 : vector<16xi32>
          %add3A_446 = arith.constant 1 : i32
          %add3A_447 = vector.broadcast %add3A_446 : i32 to vector<16xi32>
          %add3A_448 = arith.addi %scan3A_411, %add3A_447 : vector<16xi32>
          scf.yield %add3A_415, %add3A_422, %add3A_429, %add3A_436, %add3A_418, %add3A_425, %add3A_432, %add3A_439, %add3A_442, %add3A_445, %add3A_448 : vector<16xf32>, vector<16xf32>, vector<16xf32>, vector<16xf32>, vector<16xf32>, vector<16xf32>, vector<16xf32>, vector<16xf32>, vector<16xi32>, vector<16xi32>, vector<16xi32>
        }
        %scan3A_309 = arith.constant 49 : i32
        %neg3A = arith.constant 0.000000e+00 : f32
        %neg3A_310 = vector.broadcast %neg3A : f32 to vector<16xf32>
        %neg3A_311 = arith.subf %neg3A_310, %scan3A_308#0 : vector<16xf32>
        %exp3A = math.exp %neg3A_311 : vector<16xf32>
        %add3A_312 = arith.constant 1.000000e+00 : f32
        %add3A_313 = vector.broadcast %add3A_312 : f32 to vector<16xf32>
        %add3A_314 = arith.addf %add3A_313, %exp3A : vector<16xf32>
        %div3A = arith.constant 1.000000e+00 : f32
        %div3A_315 = vector.broadcast %div3A : f32 to vector<16xf32>
        %div3A_316 = arith.divf %div3A_315, %add3A_314 : vector<16xf32>
        %neg3A_317 = arith.constant 0.000000e+00 : f32
        %neg3A_318 = vector.broadcast %neg3A_317 : f32 to vector<16xf32>
        %neg3A_319 = arith.subf %neg3A_318, %scan3A_308#4 : vector<16xf32>
        %exp3A_320 = math.exp %neg3A_319 : vector<16xf32>
        %add3A_321 = arith.constant 1.000000e+00 : f32
        %add3A_322 = vector.broadcast %add3A_321 : f32 to vector<16xf32>
        %add3A_323 = arith.addf %add3A_322, %exp3A_320 : vector<16xf32>
        %div3A_324 = arith.constant 1.000000e+00 : f32
        %div3A_325 = vector.broadcast %div3A_324 : f32 to vector<16xf32>
        %div3A_326 = arith.divf %div3A_325, %add3A_323 : vector<16xf32>
        tpu.vector_store_idx %arg14[%broadcast_in_dim3A_252, %iota3A], %div3A_316 : memref<32x32xf32, #tpu.memory_space<vmem>>[vector<16xi32>, vector<16xi32>], vector<16xf32>,
        %add3A_327 = arith.constant 16 : i32
        %add3A_328 = vector.broadcast %add3A_327 : i32 to vector<16xi32>
        %add3A_329 = arith.addi %add3A_328, %iota3A : vector<16xi32>
        tpu.vector_store_idx %arg14[%broadcast_in_dim3A_252, %add3A_329], %div3A_326 : memref<32x32xf32, #tpu.memory_space<vmem>>[vector<16xi32>, vector<16xi32>], vector<16xf32>,
        %neg3A_330 = arith.constant 0.000000e+00 : f32
        %neg3A_331 = vector.broadcast %neg3A_330 : f32 to vector<16xf32>
        %neg3A_332 = arith.subf %neg3A_331, %scan3A_308#1 : vector<16xf32>
        %exp3A_333 = math.exp %neg3A_332 : vector<16xf32>
        %add3A_334 = arith.constant 1.000000e+00 : f32
        %add3A_335 = vector.broadcast %add3A_334 : f32 to vector<16xf32>
        %add3A_336 = arith.addf %add3A_335, %exp3A_333 : vector<16xf32>
        %div3A_337 = arith.constant 1.000000e+00 : f32
        %div3A_338 = vector.broadcast %div3A_337 : f32 to vector<16xf32>
        %div3A_339 = arith.divf %div3A_338, %add3A_336 : vector<16xf32>
        %neg3A_340 = arith.constant 0.000000e+00 : f32
        %neg3A_341 = vector.broadcast %neg3A_340 : f32 to vector<16xf32>
        %neg3A_342 = arith.subf %neg3A_341, %scan3A_308#5 : vector<16xf32>
        %exp3A_343 = math.exp %neg3A_342 : vector<16xf32>
        %add3A_344 = arith.constant 1.000000e+00 : f32
        %add3A_345 = vector.broadcast %add3A_344 : f32 to vector<16xf32>
        %add3A_346 = arith.addf %add3A_345, %exp3A_343 : vector<16xf32>
        %div3A_347 = arith.constant 1.000000e+00 : f32
        %div3A_348 = vector.broadcast %div3A_347 : f32 to vector<16xf32>
        %div3A_349 = arith.divf %div3A_348, %add3A_346 : vector<16xf32>
        tpu.vector_store_idx %arg14[%broadcast_in_dim3A_257, %iota3A], %div3A_339 : memref<32x32xf32, #tpu.memory_space<vmem>>[vector<16xi32>, vector<16xi32>], vector<16xf32>,
        %add3A_350 = arith.constant 16 : i32
        %add3A_351 = vector.broadcast %add3A_350 : i32 to vector<16xi32>
        %add3A_352 = arith.addi %add3A_351, %iota3A : vector<16xi32>
        tpu.vector_store_idx %arg14[%broadcast_in_dim3A_257, %add3A_352], %div3A_349 : memref<32x32xf32, #tpu.memory_space<vmem>>[vector<16xi32>, vector<16xi32>], vector<16xf32>,
        %neg3A_353 = arith.constant 0.000000e+00 : f32
        %neg3A_354 = vector.broadcast %neg3A_353 : f32 to vector<16xf32>
        %neg3A_355 = arith.subf %neg3A_354, %scan3A_308#2 : vector<16xf32>
        %exp3A_356 = math.exp %neg3A_355 : vector<16xf32>
        %add3A_357 = arith.constant 1.000000e+00 : f32
        %add3A_358 = vector.broadcast %add3A_357 : f32 to vector<16xf32>
        %add3A_359 = arith.addf %add3A_358, %exp3A_356 : vector<16xf32>
        %div3A_360 = arith.constant 1.000000e+00 : f32
        %div3A_361 = vector.broadcast %div3A_360 : f32 to vector<16xf32>
        %div3A_362 = arith.divf %div3A_361, %add3A_359 : vector<16xf32>
        %neg3A_363 = arith.constant 0.000000e+00 : f32
        %neg3A_364 = vector.broadcast %neg3A_363 : f32 to vector<16xf32>
        %neg3A_365 = arith.subf %neg3A_364, %scan3A_308#6 : vector<16xf32>
        %exp3A_366 = math.exp %neg3A_365 : vector<16xf32>
        %add3A_367 = arith.constant 1.000000e+00 : f32
        %add3A_368 = vector.broadcast %add3A_367 : f32 to vector<16xf32>
        %add3A_369 = arith.addf %add3A_368, %exp3A_366 : vector<16xf32>
        %div3A_370 = arith.constant 1.000000e+00 : f32
        %div3A_371 = vector.broadcast %div3A_370 : f32 to vector<16xf32>
        %div3A_372 = arith.divf %div3A_371, %add3A_369 : vector<16xf32>
        tpu.vector_store_idx %arg14[%broadcast_in_dim3A_262, %iota3A], %div3A_362 : memref<32x32xf32, #tpu.memory_space<vmem>>[vector<16xi32>, vector<16xi32>], vector<16xf32>,
        %add3A_373 = arith.constant 16 : i32
        %add3A_374 = vector.broadcast %add3A_373 : i32 to vector<16xi32>
        %add3A_375 = arith.addi %add3A_374, %iota3A : vector<16xi32>
        tpu.vector_store_idx %arg14[%broadcast_in_dim3A_262, %add3A_375], %div3A_372 : memref<32x32xf32, #tpu.memory_space<vmem>>[vector<16xi32>, vector<16xi32>], vector<16xf32>,
        %neg3A_376 = arith.constant 0.000000e+00 : f32
        %neg3A_377 = vector.broadcast %neg3A_376 : f32 to vector<16xf32>
        %neg3A_378 = arith.subf %neg3A_377, %scan3A_308#3 : vector<16xf32>
        %exp3A_379 = math.exp %neg3A_378 : vector<16xf32>
        %add3A_380 = arith.constant 1.000000e+00 : f32
        %add3A_381 = vector.broadcast %add3A_380 : f32 to vector<16xf32>
        %add3A_382 = arith.addf %add3A_381, %exp3A_379 : vector<16xf32>
        %div3A_383 = arith.constant 1.000000e+00 : f32
        %div3A_384 = vector.broadcast %div3A_383 : f32 to vector<16xf32>
        %div3A_385 = arith.divf %div3A_384, %add3A_382 : vector<16xf32>
        %neg3A_386 = arith.constant 0.000000e+00 : f32
        %neg3A_387 = vector.broadcast %neg3A_386 : f32 to vector<16xf32>
        %neg3A_388 = arith.subf %neg3A_387, %scan3A_308#7 : vector<16xf32>
        %exp3A_389 = math.exp %neg3A_388 : vector<16xf32>
        %add3A_390 = arith.constant 1.000000e+00 : f32
        %add3A_391 = vector.broadcast %add3A_390 : f32 to vector<16xf32>
        %add3A_392 = arith.addf %add3A_391, %exp3A_389 : vector<16xf32>
        %div3A_393 = arith.constant 1.000000e+00 : f32
        %div3A_394 = vector.broadcast %div3A_393 : f32 to vector<16xf32>
        %div3A_395 = arith.divf %div3A_394, %add3A_392 : vector<16xf32>
        tpu.vector_store_idx %arg14[%broadcast_in_dim3A_267, %iota3A], %div3A_385 : memref<32x32xf32, #tpu.memory_space<vmem>>[vector<16xi32>, vector<16xi32>], vector<16xf32>,
        %add3A_396 = arith.constant 16 : i32
        %add3A_397 = vector.broadcast %add3A_396 : i32 to vector<16xi32>
        %add3A_398 = arith.addi %add3A_397, %iota3A : vector<16xi32>
        tpu.vector_store_idx %arg14[%broadcast_in_dim3A_267, %add3A_398], %div3A_395 : memref<32x32xf32, #tpu.memory_space<vmem>>[vector<16xi32>, vector<16xi32>], vector<16xf32>,
        %scan3A_399 = arith.constant 0 : i32
        scf.yield %scan3A_399 : i32
      }
      %scan3A_231 = arith.constant 8 : i32
      %dma_start3A_232 = arith.constant 0 : i32
      %dma_start3A_233 = tpu.memref_slice %arg8[%add3A_209, %dma_start3A_232] : memref<158x32xi32, #tpu.memory_space<vmem>> -> memref<1x32xi32, #tpu.memory_space<vmem>>
      %dma_start3A_234 = tpu.memref_squeeze %dma_start3A_233 : memref<1x32xi32, #tpu.memory_space<vmem>> -> memref<32xi32, #tpu.memory_space<vmem>>
      %dma_start3A_235 = arith.constant 0 : i32
      %dma_start3A_236 = arith.constant 0 : i32
      %dma_start3A_237 = tpu.memref_slice %arg16[%dma_start3A_235, %dma_start3A_236] : memref<10240x32xf32, #tpu.memory_space<vmem_shared>> -> memref<10240x32xf32, #tpu.memory_space<vmem_shared>>
      tpu.enqueue_indirect_dma source(%arg14 : memref<32x32xf32, #tpu.memory_space<vmem>>) target(%dma_start3A_237 : memref<10240x32xf32, #tpu.memory_space<vmem_shared>>) offsets(%dma_start3A_234 : memref<32xi32, #tpu.memory_space<vmem>>) semaphore(%arg22 : memref<!tpu.dma_semaphore, #tpu.memory_space<semaphore_mem>>) {add = true}
      %add3A_238 = arith.constant 3 : i32
      %add3A_239 = arith.addi %mul3A_176, %add3A_238 : i32
      %lt3A_240 = arith.constant 158 : i32
      %lt3A_241 = arith.cmpi slt, %add3A_239, %lt3A_240 : i32
      %convert_element_type3A_242 = arith.extui %lt3A_241 : i1 to i32
      %cond3A_243 = arith.constant 0 : i32
      %cond3A_244 = arith.cmpi ne, %convert_element_type3A_242, %cond3A_243 : i32
      scf.if %cond3A_244 {
        %add3A_246 = arith.constant 3 : i32
        %add3A_247 = arith.addi %mul3A_176, %add3A_246 : i32
        %mul3A_248 = arith.constant 32 : i32
        %mul3A_249 = arith.muli %add3A_247, %mul3A_248 : i32
        %add3A_250 = arith.addi %mul3A_119, %mul3A_249 : i32
        %dma_start3A_251 = arith.constant 0 : i32
        %dma_start3A_252 = tpu.memref_slice %arg5[%add3A_250, %dma_start3A_251] : memref<161792x64xf32, #tpu.memory_space<hbm>> -> memref<32x64xf32, #tpu.memory_space<hbm>>
        %dma_start3A_253 = arith.constant 0 : i32
        %dma_start3A_254 = tpu.memref_slice %arg5[%add3A_250, %dma_start3A_253] : memref<161792x64xf32, #tpu.memory_space<hbm>> -> memref<32x64xf32, #tpu.memory_space<hbm>>
        tpu.enqueue_dma source(%dma_start3A_254 : memref<32x64xf32, #tpu.memory_space<hbm>>) target(%arg10 : memref<32x64xf32, #tpu.memory_space<vmem>>) target_semaphore(%arg20 : memref<!tpu.dma_semaphore, #tpu.memory_space<semaphore_mem>>)
        %dma_start3A_255 = arith.constant 0 : i32
        %dma_start3A_256 = tpu.memref_slice %arg7[%add3A_247, %dma_start3A_255] : memref<158x32xi32, #tpu.memory_space<vmem>> -> memref<1x32xi32, #tpu.memory_space<vmem>>
        %dma_start3A_257 = tpu.memref_squeeze %dma_start3A_256 : memref<1x32xi32, #tpu.memory_space<vmem>> -> memref<32xi32, #tpu.memory_space<vmem>>
        %dma_start3A_258 = arith.constant 0 : i32
        %dma_start3A_259 = arith.constant 0 : i32
        %dma_start3A_260 = tpu.memref_slice %arg2[%dma_start3A_258, %dma_start3A_259] : memref<10240x1024xf32, #tpu.memory_space<hbm>> -> memref<10240x1024xf32, #tpu.memory_space<hbm>>
        tpu.enqueue_indirect_dma source(%dma_start3A_260 : memref<10240x1024xf32, #tpu.memory_space<hbm>>) target(%arg12 : memref<32x1024xf32, #tpu.memory_space<vmem>>) offsets(%dma_start3A_257 : memref<32xi32, #tpu.memory_space<vmem>>) semaphore(%arg18 : memref<!tpu.dma_semaphore, #tpu.memory_space<semaphore_mem>>)
      } else {
      }
      %scan3A_245 = arith.constant 0 : i32
      scf.yield %scan3A_245 : i32
    }
    %scan3A_151 = arith.constant 79 : i32
    %dma_wait3A = arith.constant 0 : i32
    %dma_wait3A_152 = arith.constant 0 : i32
    %dma_wait3A_153 = tpu.memref_slice %arg8[%dma_wait3A, %dma_wait3A_152] : memref<158x32xi32, #tpu.memory_space<vmem>> -> memref<1x32xi32, #tpu.memory_space<vmem>>
    %dma_wait3A_154 = tpu.memref_squeeze %dma_wait3A_153 : memref<1x32xi32, #tpu.memory_space<vmem>> -> memref<32xi32, #tpu.memory_space<vmem>>
    %dma_wait3A_155 = arith.constant 0 : i32
    %dma_wait3A_156 = arith.constant 0 : i32
    %dma_wait3A_157 = tpu.memref_slice %arg16[%dma_wait3A_155, %dma_wait3A_156] : memref<10240x32xf32, #tpu.memory_space<vmem_shared>> -> memref<10240x32xf32, #tpu.memory_space<vmem_shared>>
    tpu.wait_indirect_dma semaphore(%arg21 : memref<!tpu.dma_semaphore, #tpu.memory_space<semaphore_mem>>) src(%arg13 : memref<32x32xf32, #tpu.memory_space<vmem>>) dst(%dma_wait3A_157 : memref<10240x32xf32, #tpu.memory_space<vmem_shared>>)
    %dma_wait3A_158 = arith.constant 0 : i32
    %dma_wait3A_159 = arith.constant 0 : i32
    %dma_wait3A_160 = tpu.memref_slice %arg8[%dma_wait3A_158, %dma_wait3A_159] : memref<158x32xi32, #tpu.memory_space<vmem>> -> memref<1x32xi32, #tpu.memory_space<vmem>>
    %dma_wait3A_161 = tpu.memref_squeeze %dma_wait3A_160 : memref<1x32xi32, #tpu.memory_space<vmem>> -> memref<32xi32, #tpu.memory_space<vmem>>
    %dma_wait3A_162 = arith.constant 0 : i32
    %dma_wait3A_163 = arith.constant 0 : i32
    %dma_wait3A_164 = tpu.memref_slice %arg16[%dma_wait3A_162, %dma_wait3A_163] : memref<10240x32xf32, #tpu.memory_space<vmem_shared>> -> memref<10240x32xf32, #tpu.memory_space<vmem_shared>>
    tpu.wait_indirect_dma semaphore(%arg22 : memref<!tpu.dma_semaphore, #tpu.memory_space<semaphore_mem>>) src(%arg14 : memref<32x32xf32, #tpu.memory_space<vmem>>) dst(%dma_wait3A_164 : memref<10240x32xf32, #tpu.memory_space<vmem_shared>>)
    %barrier3A_165 = arith.constant 0 : index
    tpu.barrier barrier_id(%barrier3A_165)
    %mul3A_166 = arith.constant 640 : i32
    %mul3A_167 = arith.muli %arg1, %mul3A_166 : i32
    %mul3A_168 = arith.constant 10240 : i32
    %mul3A_169 = arith.muli %arg0, %mul3A_168 : i32
    %mul3A_170 = arith.constant 640 : i32
    %mul3A_171 = arith.muli %arg1, %mul3A_170 : i32
    %add3A_172 = arith.addi %mul3A_169, %mul3A_171 : i32
    "tpu.region"() ({
      %run_scoped3A = tpu.sem_alloc : memref<!tpu.dma_semaphore, #tpu.memory_space<semaphore_mem>>
      %dma_start3A_173 = arith.constant 0 : i32
      %dma_start3A_174 = tpu.memref_slice %arg6[%add3A_172, %dma_start3A_173] : memref<20480x32xf32, #tpu.memory_space<hbm>> -> memref<640x32xf32, #tpu.memory_space<hbm>>
      %dma_start3A_175 = arith.constant 0 : i32
      %dma_start3A_176 = tpu.memref_slice %arg16[%mul3A_167, %dma_start3A_175] : memref<10240x32xf32, #tpu.memory_space<vmem_shared>> -> memref<640x32xf32, #tpu.memory_space<vmem_shared>>
      tpu.enqueue_dma source(%dma_start3A_176 : memref<640x32xf32, #tpu.memory_space<vmem_shared>>) target(%dma_start3A_174 : memref<640x32xf32, #tpu.memory_space<hbm>>) target_semaphore(%run_scoped3A : memref<!tpu.dma_semaphore, #tpu.memory_space<semaphore_mem>>)
      %dma_wait3A_177 = arith.constant 0 : i32
      %dma_wait3A_178 = tpu.memref_slice %arg6[%add3A_172, %dma_wait3A_177] : memref<20480x32xf32, #tpu.memory_space<hbm>> -> memref<640x32xf32, #tpu.memory_space<hbm>>
      %dma_wait3A_179 = arith.constant 0 : i32
      %dma_wait3A_180 = tpu.memref_slice %arg16[%mul3A_167, %dma_wait3A_179] : memref<10240x32xf32, #tpu.memory_space<vmem_shared>> -> memref<640x32xf32, #tpu.memory_space<vmem_shared>>
      tpu.wait_dma2 semaphore(%run_scoped3A : memref<!tpu.dma_semaphore, #tpu.memory_space<semaphore_mem>>) src(%dma_wait3A_180 : memref<640x32xf32, #tpu.memory_space<vmem_shared>>) dst(%dma_wait3A_178 : memref<640x32xf32, #tpu.memory_space<hbm>>)
      tpu.yield
    }) : () -> ()
    return
  }
}

#map = affine_map<(d0, d1) -> (0, 0)>
#map1 = affine_map<(d0, d1) -> (0, 0, 0)>
module attributes {stable_mosaic.version = 14 : i64} {
  func.func @_sc_edge_body(%arg0: i32, %arg1: i32, %arg2: memref<10240x1024xf32, #tpu.memory_space<hbm>>, %arg3: memref<32x158x32xi32, #tpu.memory_space<hbm>>, %arg4: memref<32x158x32xi32, #tpu.memory_space<hbm>>, %arg5: memref<161792x64xf32, #tpu.memory_space<hbm>>, %arg6: memref<20480x32xf32, #tpu.memory_space<hbm>>, %arg7: memref<158x32xi32, #tpu.memory_space<vmem>>, %arg8: memref<158x32xi32, #tpu.memory_space<vmem>>, %arg9: memref<32x64xf32, #tpu.memory_space<vmem>>, %arg10: memref<32x64xf32, #tpu.memory_space<vmem>>, %arg11: memref<32x1024xf32, #tpu.memory_space<vmem>>, %arg12: memref<32x1024xf32, #tpu.memory_space<vmem>>, %arg13: memref<32x32xf32, #tpu.memory_space<vmem>>, %arg14: memref<32x32xf32, #tpu.memory_space<vmem>>, %arg15: memref<640x32xf32, #tpu.memory_space<vmem>>, %arg16: memref<10240x32xf32, #tpu.memory_space<vmem_shared>>, %arg17: memref<!tpu.dma_semaphore, #tpu.memory_space<semaphore_mem>>, %arg18: memref<!tpu.dma_semaphore, #tpu.memory_space<semaphore_mem>>, %arg19: memref<!tpu.dma_semaphore, #tpu.memory_space<semaphore_mem>>, %arg20: memref<!tpu.dma_semaphore, #tpu.memory_space<semaphore_mem>>, %arg21: memref<!tpu.dma_semaphore, #tpu.memory_space<semaphore_mem>>, %arg22: memref<!tpu.dma_semaphore, #tpu.memory_space<semaphore_mem>>) attributes {dimension_semantics = [#tpu.dimension_semantics<core_parallel>, #tpu.dimension_semantics<subcore_parallel>], iteration_bounds = array<i64: 2, 16>, scalar_prefetch = 0 : i64, scratch_operands = 16 : i64, tpu.core_type = #tpu.core_type<sc_vector_subcore>, window_params = [{transform_indices = #map}, {transform_indices = #map1}, {transform_indices = #map1}, {transform_indices = #map}, {transform_indices = #map}]} {
    %mul3A = arith.constant 16 : i32
    %mul3A_0 = arith.muli %arg0, %mul3A : i32
    %add3A = arith.addi %mul3A_0, %arg1 : i32
    %iota3A = tpu.iota {dimensions = array<i32: 0>} : vector<16xi32>
    %broadcast_in_dim3A = arith.constant 0.000000e+00 : f32
    %broadcast_in_dim3A_1 = vector.broadcast %broadcast_in_dim3A : f32 to vector<16xf32>
    %add3A_2 = arith.constant 0 : i32
    %add3A_3 = vector.broadcast %add3A_2 : i32 to vector<16xi32>
    %add3A_4 = arith.addi %iota3A, %add3A_3 : vector<16xi32>
    %broadcast_in_dim3A_5 = arith.constant 20 : i32
    %broadcast_in_dim3A_6 = vector.broadcast %broadcast_in_dim3A_5 : i32 to vector<16xi32>
    tpu.vector_store_idx %arg13[%add3A_4, %broadcast_in_dim3A_6], %broadcast_in_dim3A_1 : memref<32x32xf32, #tpu.memory_space<vmem>>[vector<16xi32>, vector<16xi32>], vector<16xf32>,
    %broadcast_in_dim3A_7 = arith.constant 21 : i32
    %broadcast_in_dim3A_8 = vector.broadcast %broadcast_in_dim3A_7 : i32 to vector<16xi32>
    tpu.vector_store_idx %arg13[%add3A_4, %broadcast_in_dim3A_8], %broadcast_in_dim3A_1 : memref<32x32xf32, #tpu.memory_space<vmem>>[vector<16xi32>, vector<16xi32>], vector<16xf32>,
    %broadcast_in_dim3A_9 = arith.constant 22 : i32
    %broadcast_in_dim3A_10 = vector.broadcast %broadcast_in_dim3A_9 : i32 to vector<16xi32>
    tpu.vector_store_idx %arg13[%add3A_4, %broadcast_in_dim3A_10], %broadcast_in_dim3A_1 : memref<32x32xf32, #tpu.memory_space<vmem>>[vector<16xi32>, vector<16xi32>], vector<16xf32>,
    %broadcast_in_dim3A_11 = arith.constant 23 : i32
    %broadcast_in_dim3A_12 = vector.broadcast %broadcast_in_dim3A_11 : i32 to vector<16xi32>
    tpu.vector_store_idx %arg13[%add3A_4, %broadcast_in_dim3A_12], %broadcast_in_dim3A_1 : memref<32x32xf32, #tpu.memory_space<vmem>>[vector<16xi32>, vector<16xi32>], vector<16xf32>,
    %broadcast_in_dim3A_13 = arith.constant 24 : i32
    %broadcast_in_dim3A_14 = vector.broadcast %broadcast_in_dim3A_13 : i32 to vector<16xi32>
    tpu.vector_store_idx %arg13[%add3A_4, %broadcast_in_dim3A_14], %broadcast_in_dim3A_1 : memref<32x32xf32, #tpu.memory_space<vmem>>[vector<16xi32>, vector<16xi32>], vector<16xf32>,
    %broadcast_in_dim3A_15 = arith.constant 25 : i32
    %broadcast_in_dim3A_16 = vector.broadcast %broadcast_in_dim3A_15 : i32 to vector<16xi32>
    tpu.vector_store_idx %arg13[%add3A_4, %broadcast_in_dim3A_16], %broadcast_in_dim3A_1 : memref<32x32xf32, #tpu.memory_space<vmem>>[vector<16xi32>, vector<16xi32>], vector<16xf32>,
    %broadcast_in_dim3A_17 = arith.constant 26 : i32
    %broadcast_in_dim3A_18 = vector.broadcast %broadcast_in_dim3A_17 : i32 to vector<16xi32>
    tpu.vector_store_idx %arg13[%add3A_4, %broadcast_in_dim3A_18], %broadcast_in_dim3A_1 : memref<32x32xf32, #tpu.memory_space<vmem>>[vector<16xi32>, vector<16xi32>], vector<16xf32>,
    %broadcast_in_dim3A_19 = arith.constant 27 : i32
    %broadcast_in_dim3A_20 = vector.broadcast %broadcast_in_dim3A_19 : i32 to vector<16xi32>
    tpu.vector_store_idx %arg13[%add3A_4, %broadcast_in_dim3A_20], %broadcast_in_dim3A_1 : memref<32x32xf32, #tpu.memory_space<vmem>>[vector<16xi32>, vector<16xi32>], vector<16xf32>,
    %broadcast_in_dim3A_21 = arith.constant 28 : i32
    %broadcast_in_dim3A_22 = vector.broadcast %broadcast_in_dim3A_21 : i32 to vector<16xi32>
    tpu.vector_store_idx %arg13[%add3A_4, %broadcast_in_dim3A_22], %broadcast_in_dim3A_1 : memref<32x32xf32, #tpu.memory_space<vmem>>[vector<16xi32>, vector<16xi32>], vector<16xf32>,
    %broadcast_in_dim3A_23 = arith.constant 29 : i32
    %broadcast_in_dim3A_24 = vector.broadcast %broadcast_in_dim3A_23 : i32 to vector<16xi32>
    tpu.vector_store_idx %arg13[%add3A_4, %broadcast_in_dim3A_24], %broadcast_in_dim3A_1 : memref<32x32xf32, #tpu.memory_space<vmem>>[vector<16xi32>, vector<16xi32>], vector<16xf32>,
    %broadcast_in_dim3A_25 = arith.constant 30 : i32
    %broadcast_in_dim3A_26 = vector.broadcast %broadcast_in_dim3A_25 : i32 to vector<16xi32>
    tpu.vector_store_idx %arg13[%add3A_4, %broadcast_in_dim3A_26], %broadcast_in_dim3A_1 : memref<32x32xf32, #tpu.memory_space<vmem>>[vector<16xi32>, vector<16xi32>], vector<16xf32>,
    %broadcast_in_dim3A_27 = arith.constant 31 : i32
    %broadcast_in_dim3A_28 = vector.broadcast %broadcast_in_dim3A_27 : i32 to vector<16xi32>
    tpu.vector_store_idx %arg13[%add3A_4, %broadcast_in_dim3A_28], %broadcast_in_dim3A_1 : memref<32x32xf32, #tpu.memory_space<vmem>>[vector<16xi32>, vector<16xi32>], vector<16xf32>,
    %add3A_29 = arith.constant 16 : i32
    %add3A_30 = vector.broadcast %add3A_29 : i32 to vector<16xi32>
    %add3A_31 = arith.addi %iota3A, %add3A_30 : vector<16xi32>
    %broadcast_in_dim3A_32 = arith.constant 20 : i32
    %broadcast_in_dim3A_33 = vector.broadcast %broadcast_in_dim3A_32 : i32 to vector<16xi32>
    tpu.vector_store_idx %arg13[%add3A_31, %broadcast_in_dim3A_33], %broadcast_in_dim3A_1 : memref<32x32xf32, #tpu.memory_space<vmem>>[vector<16xi32>, vector<16xi32>], vector<16xf32>,
    %broadcast_in_dim3A_34 = arith.constant 21 : i32
    %broadcast_in_dim3A_35 = vector.broadcast %broadcast_in_dim3A_34 : i32 to vector<16xi32>
    tpu.vector_store_idx %arg13[%add3A_31, %broadcast_in_dim3A_35], %broadcast_in_dim3A_1 : memref<32x32xf32, #tpu.memory_space<vmem>>[vector<16xi32>, vector<16xi32>], vector<16xf32>,
    %broadcast_in_dim3A_36 = arith.constant 22 : i32
    %broadcast_in_dim3A_37 = vector.broadcast %broadcast_in_dim3A_36 : i32 to vector<16xi32>
    tpu.vector_store_idx %arg13[%add3A_31, %broadcast_in_dim3A_37], %broadcast_in_dim3A_1 : memref<32x32xf32, #tpu.memory_space<vmem>>[vector<16xi32>, vector<16xi32>], vector<16xf32>,
    %broadcast_in_dim3A_38 = arith.constant 23 : i32
    %broadcast_in_dim3A_39 = vector.broadcast %broadcast_in_dim3A_38 : i32 to vector<16xi32>
    tpu.vector_store_idx %arg13[%add3A_31, %broadcast_in_dim3A_39], %broadcast_in_dim3A_1 : memref<32x32xf32, #tpu.memory_space<vmem>>[vector<16xi32>, vector<16xi32>], vector<16xf32>,
    %broadcast_in_dim3A_40 = arith.constant 24 : i32
    %broadcast_in_dim3A_41 = vector.broadcast %broadcast_in_dim3A_40 : i32 to vector<16xi32>
    tpu.vector_store_idx %arg13[%add3A_31, %broadcast_in_dim3A_41], %broadcast_in_dim3A_1 : memref<32x32xf32, #tpu.memory_space<vmem>>[vector<16xi32>, vector<16xi32>], vector<16xf32>,
    %broadcast_in_dim3A_42 = arith.constant 25 : i32
    %broadcast_in_dim3A_43 = vector.broadcast %broadcast_in_dim3A_42 : i32 to vector<16xi32>
    tpu.vector_store_idx %arg13[%add3A_31, %broadcast_in_dim3A_43], %broadcast_in_dim3A_1 : memref<32x32xf32, #tpu.memory_space<vmem>>[vector<16xi32>, vector<16xi32>], vector<16xf32>,
    %broadcast_in_dim3A_44 = arith.constant 26 : i32
    %broadcast_in_dim3A_45 = vector.broadcast %broadcast_in_dim3A_44 : i32 to vector<16xi32>
    tpu.vector_store_idx %arg13[%add3A_31, %broadcast_in_dim3A_45], %broadcast_in_dim3A_1 : memref<32x32xf32, #tpu.memory_space<vmem>>[vector<16xi32>, vector<16xi32>], vector<16xf32>,
    %broadcast_in_dim3A_46 = arith.constant 27 : i32
    %broadcast_in_dim3A_47 = vector.broadcast %broadcast_in_dim3A_46 : i32 to vector<16xi32>
    tpu.vector_store_idx %arg13[%add3A_31, %broadcast_in_dim3A_47], %broadcast_in_dim3A_1 : memref<32x32xf32, #tpu.memory_space<vmem>>[vector<16xi32>, vector<16xi32>], vector<16xf32>,
    %broadcast_in_dim3A_48 = arith.constant 28 : i32
    %broadcast_in_dim3A_49 = vector.broadcast %broadcast_in_dim3A_48 : i32 to vector<16xi32>
    tpu.vector_store_idx %arg13[%add3A_31, %broadcast_in_dim3A_49], %broadcast_in_dim3A_1 : memref<32x32xf32, #tpu.memory_space<vmem>>[vector<16xi32>, vector<16xi32>], vector<16xf32>,
    %broadcast_in_dim3A_50 = arith.constant 29 : i32
    %broadcast_in_dim3A_51 = vector.broadcast %broadcast_in_dim3A_50 : i32 to vector<16xi32>
    tpu.vector_store_idx %arg13[%add3A_31, %broadcast_in_dim3A_51], %broadcast_in_dim3A_1 : memref<32x32xf32, #tpu.memory_space<vmem>>[vector<16xi32>, vector<16xi32>], vector<16xf32>,
    %broadcast_in_dim3A_52 = arith.constant 30 : i32
    %broadcast_in_dim3A_53 = vector.broadcast %broadcast_in_dim3A_52 : i32 to vector<16xi32>
    tpu.vector_store_idx %arg13[%add3A_31, %broadcast_in_dim3A_53], %broadcast_in_dim3A_1 : memref<32x32xf32, #tpu.memory_space<vmem>>[vector<16xi32>, vector<16xi32>], vector<16xf32>,
    %broadcast_in_dim3A_54 = arith.constant 31 : i32
    %broadcast_in_dim3A_55 = vector.broadcast %broadcast_in_dim3A_54 : i32 to vector<16xi32>
    tpu.vector_store_idx %arg13[%add3A_31, %broadcast_in_dim3A_55], %broadcast_in_dim3A_1 : memref<32x32xf32, #tpu.memory_space<vmem>>[vector<16xi32>, vector<16xi32>], vector<16xf32>,
    %add3A_56 = arith.constant 0 : i32
    %add3A_57 = vector.broadcast %add3A_56 : i32 to vector<16xi32>
    %add3A_58 = arith.addi %iota3A, %add3A_57 : vector<16xi32>
    %broadcast_in_dim3A_59 = arith.constant 20 : i32
    %broadcast_in_dim3A_60 = vector.broadcast %broadcast_in_dim3A_59 : i32 to vector<16xi32>
    tpu.vector_store_idx %arg14[%add3A_58, %broadcast_in_dim3A_60], %broadcast_in_dim3A_1 : memref<32x32xf32, #tpu.memory_space<vmem>>[vector<16xi32>, vector<16xi32>], vector<16xf32>,
    %broadcast_in_dim3A_61 = arith.constant 21 : i32
    %broadcast_in_dim3A_62 = vector.broadcast %broadcast_in_dim3A_61 : i32 to vector<16xi32>
    tpu.vector_store_idx %arg14[%add3A_58, %broadcast_in_dim3A_62], %broadcast_in_dim3A_1 : memref<32x32xf32, #tpu.memory_space<vmem>>[vector<16xi32>, vector<16xi32>], vector<16xf32>,
    %broadcast_in_dim3A_63 = arith.constant 22 : i32
    %broadcast_in_dim3A_64 = vector.broadcast %broadcast_in_dim3A_63 : i32 to vector<16xi32>
    tpu.vector_store_idx %arg14[%add3A_58, %broadcast_in_dim3A_64], %broadcast_in_dim3A_1 : memref<32x32xf32, #tpu.memory_space<vmem>>[vector<16xi32>, vector<16xi32>], vector<16xf32>,
    %broadcast_in_dim3A_65 = arith.constant 23 : i32
    %broadcast_in_dim3A_66 = vector.broadcast %broadcast_in_dim3A_65 : i32 to vector<16xi32>
    tpu.vector_store_idx %arg14[%add3A_58, %broadcast_in_dim3A_66], %broadcast_in_dim3A_1 : memref<32x32xf32, #tpu.memory_space<vmem>>[vector<16xi32>, vector<16xi32>], vector<16xf32>,
    %broadcast_in_dim3A_67 = arith.constant 24 : i32
    %broadcast_in_dim3A_68 = vector.broadcast %broadcast_in_dim3A_67 : i32 to vector<16xi32>
    tpu.vector_store_idx %arg14[%add3A_58, %broadcast_in_dim3A_68], %broadcast_in_dim3A_1 : memref<32x32xf32, #tpu.memory_space<vmem>>[vector<16xi32>, vector<16xi32>], vector<16xf32>,
    %broadcast_in_dim3A_69 = arith.constant 25 : i32
    %broadcast_in_dim3A_70 = vector.broadcast %broadcast_in_dim3A_69 : i32 to vector<16xi32>
    tpu.vector_store_idx %arg14[%add3A_58, %broadcast_in_dim3A_70], %broadcast_in_dim3A_1 : memref<32x32xf32, #tpu.memory_space<vmem>>[vector<16xi32>, vector<16xi32>], vector<16xf32>,
    %broadcast_in_dim3A_71 = arith.constant 26 : i32
    %broadcast_in_dim3A_72 = vector.broadcast %broadcast_in_dim3A_71 : i32 to vector<16xi32>
    tpu.vector_store_idx %arg14[%add3A_58, %broadcast_in_dim3A_72], %broadcast_in_dim3A_1 : memref<32x32xf32, #tpu.memory_space<vmem>>[vector<16xi32>, vector<16xi32>], vector<16xf32>,
    %broadcast_in_dim3A_73 = arith.constant 27 : i32
    %broadcast_in_dim3A_74 = vector.broadcast %broadcast_in_dim3A_73 : i32 to vector<16xi32>
    tpu.vector_store_idx %arg14[%add3A_58, %broadcast_in_dim3A_74], %broadcast_in_dim3A_1 : memref<32x32xf32, #tpu.memory_space<vmem>>[vector<16xi32>, vector<16xi32>], vector<16xf32>,
    %broadcast_in_dim3A_75 = arith.constant 28 : i32
    %broadcast_in_dim3A_76 = vector.broadcast %broadcast_in_dim3A_75 : i32 to vector<16xi32>
    tpu.vector_store_idx %arg14[%add3A_58, %broadcast_in_dim3A_76], %broadcast_in_dim3A_1 : memref<32x32xf32, #tpu.memory_space<vmem>>[vector<16xi32>, vector<16xi32>], vector<16xf32>,
    %broadcast_in_dim3A_77 = arith.constant 29 : i32
    %broadcast_in_dim3A_78 = vector.broadcast %broadcast_in_dim3A_77 : i32 to vector<16xi32>
    tpu.vector_store_idx %arg14[%add3A_58, %broadcast_in_dim3A_78], %broadcast_in_dim3A_1 : memref<32x32xf32, #tpu.memory_space<vmem>>[vector<16xi32>, vector<16xi32>], vector<16xf32>,
    %broadcast_in_dim3A_79 = arith.constant 30 : i32
    %broadcast_in_dim3A_80 = vector.broadcast %broadcast_in_dim3A_79 : i32 to vector<16xi32>
    tpu.vector_store_idx %arg14[%add3A_58, %broadcast_in_dim3A_80], %broadcast_in_dim3A_1 : memref<32x32xf32, #tpu.memory_space<vmem>>[vector<16xi32>, vector<16xi32>], vector<16xf32>,
    %broadcast_in_dim3A_81 = arith.constant 31 : i32
    %broadcast_in_dim3A_82 = vector.broadcast %broadcast_in_dim3A_81 : i32 to vector<16xi32>
    tpu.vector_store_idx %arg14[%add3A_58, %broadcast_in_dim3A_82], %broadcast_in_dim3A_1 : memref<32x32xf32, #tpu.memory_space<vmem>>[vector<16xi32>, vector<16xi32>], vector<16xf32>,
    %add3A_83 = arith.constant 16 : i32
    %add3A_84 = vector.broadcast %add3A_83 : i32 to vector<16xi32>
    %add3A_85 = arith.addi %iota3A, %add3A_84 : vector<16xi32>
    %broadcast_in_dim3A_86 = arith.constant 20 : i32
    %broadcast_in_dim3A_87 = vector.broadcast %broadcast_in_dim3A_86 : i32 to vector<16xi32>
    tpu.vector_store_idx %arg14[%add3A_85, %broadcast_in_dim3A_87], %broadcast_in_dim3A_1 : memref<32x32xf32, #tpu.memory_space<vmem>>[vector<16xi32>, vector<16xi32>], vector<16xf32>,
    %broadcast_in_dim3A_88 = arith.constant 21 : i32
    %broadcast_in_dim3A_89 = vector.broadcast %broadcast_in_dim3A_88 : i32 to vector<16xi32>
    tpu.vector_store_idx %arg14[%add3A_85, %broadcast_in_dim3A_89], %broadcast_in_dim3A_1 : memref<32x32xf32, #tpu.memory_space<vmem>>[vector<16xi32>, vector<16xi32>], vector<16xf32>,
    %broadcast_in_dim3A_90 = arith.constant 22 : i32
    %broadcast_in_dim3A_91 = vector.broadcast %broadcast_in_dim3A_90 : i32 to vector<16xi32>
    tpu.vector_store_idx %arg14[%add3A_85, %broadcast_in_dim3A_91], %broadcast_in_dim3A_1 : memref<32x32xf32, #tpu.memory_space<vmem>>[vector<16xi32>, vector<16xi32>], vector<16xf32>,
    %broadcast_in_dim3A_92 = arith.constant 23 : i32
    %broadcast_in_dim3A_93 = vector.broadcast %broadcast_in_dim3A_92 : i32 to vector<16xi32>
    tpu.vector_store_idx %arg14[%add3A_85, %broadcast_in_dim3A_93], %broadcast_in_dim3A_1 : memref<32x32xf32, #tpu.memory_space<vmem>>[vector<16xi32>, vector<16xi32>], vector<16xf32>,
    %broadcast_in_dim3A_94 = arith.constant 24 : i32
    %broadcast_in_dim3A_95 = vector.broadcast %broadcast_in_dim3A_94 : i32 to vector<16xi32>
    tpu.vector_store_idx %arg14[%add3A_85, %broadcast_in_dim3A_95], %broadcast_in_dim3A_1 : memref<32x32xf32, #tpu.memory_space<vmem>>[vector<16xi32>, vector<16xi32>], vector<16xf32>,
    %broadcast_in_dim3A_96 = arith.constant 25 : i32
    %broadcast_in_dim3A_97 = vector.broadcast %broadcast_in_dim3A_96 : i32 to vector<16xi32>
    tpu.vector_store_idx %arg14[%add3A_85, %broadcast_in_dim3A_97], %broadcast_in_dim3A_1 : memref<32x32xf32, #tpu.memory_space<vmem>>[vector<16xi32>, vector<16xi32>], vector<16xf32>,
    %broadcast_in_dim3A_98 = arith.constant 26 : i32
    %broadcast_in_dim3A_99 = vector.broadcast %broadcast_in_dim3A_98 : i32 to vector<16xi32>
    tpu.vector_store_idx %arg14[%add3A_85, %broadcast_in_dim3A_99], %broadcast_in_dim3A_1 : memref<32x32xf32, #tpu.memory_space<vmem>>[vector<16xi32>, vector<16xi32>], vector<16xf32>,
    %broadcast_in_dim3A_100 = arith.constant 27 : i32
    %broadcast_in_dim3A_101 = vector.broadcast %broadcast_in_dim3A_100 : i32 to vector<16xi32>
    tpu.vector_store_idx %arg14[%add3A_85, %broadcast_in_dim3A_101], %broadcast_in_dim3A_1 : memref<32x32xf32, #tpu.memory_space<vmem>>[vector<16xi32>, vector<16xi32>], vector<16xf32>,
    %broadcast_in_dim3A_102 = arith.constant 28 : i32
    %broadcast_in_dim3A_103 = vector.broadcast %broadcast_in_dim3A_102 : i32 to vector<16xi32>
    tpu.vector_store_idx %arg14[%add3A_85, %broadcast_in_dim3A_103], %broadcast_in_dim3A_1 : memref<32x32xf32, #tpu.memory_space<vmem>>[vector<16xi32>, vector<16xi32>], vector<16xf32>,
    %broadcast_in_dim3A_104 = arith.constant 29 : i32
    %broadcast_in_dim3A_105 = vector.broadcast %broadcast_in_dim3A_104 : i32 to vector<16xi32>
    tpu.vector_store_idx %arg14[%add3A_85, %broadcast_in_dim3A_105], %broadcast_in_dim3A_1 : memref<32x32xf32, #tpu.memory_space<vmem>>[vector<16xi32>, vector<16xi32>], vector<16xf32>,
    %broadcast_in_dim3A_106 = arith.constant 30 : i32
    %broadcast_in_dim3A_107 = vector.broadcast %broadcast_in_dim3A_106 : i32 to vector<16xi32>
    tpu.vector_store_idx %arg14[%add3A_85, %broadcast_in_dim3A_107], %broadcast_in_dim3A_1 : memref<32x32xf32, #tpu.memory_space<vmem>>[vector<16xi32>, vector<16xi32>], vector<16xf32>,
    %broadcast_in_dim3A_108 = arith.constant 31 : i32
    %broadcast_in_dim3A_109 = vector.broadcast %broadcast_in_dim3A_108 : i32 to vector<16xi32>
    tpu.vector_store_idx %arg14[%add3A_85, %broadcast_in_dim3A_109], %broadcast_in_dim3A_1 : memref<32x32xf32, #tpu.memory_space<vmem>>[vector<16xi32>, vector<16xi32>], vector<16xf32>,
    "tpu.region"() ({
      %run_scoped3A = tpu.sem_alloc : memref<!tpu.dma_semaphore, #tpu.memory_space<semaphore_mem>>
      %dma_start3A_173 = arith.constant 0 : i32
      %dma_start3A_174 = arith.constant 0 : i32
      %dma_start3A_175 = tpu.memref_slice %arg3[%add3A, %dma_start3A_173, %dma_start3A_174] : memref<32x158x32xi32, #tpu.memory_space<hbm>> -> memref<1x158x32xi32, #tpu.memory_space<hbm>>
      %dma_start3A_176 = tpu.memref_squeeze %dma_start3A_175 : memref<1x158x32xi32, #tpu.memory_space<hbm>> -> memref<158x32xi32, #tpu.memory_space<hbm>>
      %dma_start3A_177 = arith.constant 0 : i32
      %dma_start3A_178 = arith.constant 0 : i32
      %dma_start3A_179 = tpu.memref_slice %arg3[%add3A, %dma_start3A_177, %dma_start3A_178] : memref<32x158x32xi32, #tpu.memory_space<hbm>> -> memref<1x158x32xi32, #tpu.memory_space<hbm>>
      %dma_start3A_180 = tpu.memref_squeeze %dma_start3A_179 : memref<1x158x32xi32, #tpu.memory_space<hbm>> -> memref<158x32xi32, #tpu.memory_space<hbm>>
      tpu.enqueue_dma source(%dma_start3A_180 : memref<158x32xi32, #tpu.memory_space<hbm>>) target(%arg7 : memref<158x32xi32, #tpu.memory_space<vmem>>) target_semaphore(%run_scoped3A : memref<!tpu.dma_semaphore, #tpu.memory_space<semaphore_mem>>)
      %dma_wait3A_181 = arith.constant 0 : i32
      %dma_wait3A_182 = arith.constant 0 : i32
      %dma_wait3A_183 = tpu.memref_slice %arg3[%add3A, %dma_wait3A_181, %dma_wait3A_182] : memref<32x158x32xi32, #tpu.memory_space<hbm>> -> memref<1x158x32xi32, #tpu.memory_space<hbm>>
      %dma_wait3A_184 = tpu.memref_squeeze %dma_wait3A_183 : memref<1x158x32xi32, #tpu.memory_space<hbm>> -> memref<158x32xi32, #tpu.memory_space<hbm>>
      %dma_wait3A_185 = arith.constant 0 : i32
      %dma_wait3A_186 = arith.constant 0 : i32
      %dma_wait3A_187 = tpu.memref_slice %arg3[%add3A, %dma_wait3A_185, %dma_wait3A_186] : memref<32x158x32xi32, #tpu.memory_space<hbm>> -> memref<1x158x32xi32, #tpu.memory_space<hbm>>
      %dma_wait3A_188 = tpu.memref_squeeze %dma_wait3A_187 : memref<1x158x32xi32, #tpu.memory_space<hbm>> -> memref<158x32xi32, #tpu.memory_space<hbm>>
      tpu.wait_dma2 semaphore(%run_scoped3A : memref<!tpu.dma_semaphore, #tpu.memory_space<semaphore_mem>>) src(%dma_wait3A_188 : memref<158x32xi32, #tpu.memory_space<hbm>>) dst(%arg7 : memref<158x32xi32, #tpu.memory_space<vmem>>)
      tpu.yield
    }) : () -> ()
    "tpu.region"() ({
      %run_scoped3A = tpu.sem_alloc : memref<!tpu.dma_semaphore, #tpu.memory_space<semaphore_mem>>
      %dma_start3A_173 = arith.constant 0 : i32
      %dma_start3A_174 = arith.constant 0 : i32
      %dma_start3A_175 = tpu.memref_slice %arg4[%add3A, %dma_start3A_173, %dma_start3A_174] : memref<32x158x32xi32, #tpu.memory_space<hbm>> -> memref<1x158x32xi32, #tpu.memory_space<hbm>>
      %dma_start3A_176 = tpu.memref_squeeze %dma_start3A_175 : memref<1x158x32xi32, #tpu.memory_space<hbm>> -> memref<158x32xi32, #tpu.memory_space<hbm>>
      %dma_start3A_177 = arith.constant 0 : i32
      %dma_start3A_178 = arith.constant 0 : i32
      %dma_start3A_179 = tpu.memref_slice %arg4[%add3A, %dma_start3A_177, %dma_start3A_178] : memref<32x158x32xi32, #tpu.memory_space<hbm>> -> memref<1x158x32xi32, #tpu.memory_space<hbm>>
      %dma_start3A_180 = tpu.memref_squeeze %dma_start3A_179 : memref<1x158x32xi32, #tpu.memory_space<hbm>> -> memref<158x32xi32, #tpu.memory_space<hbm>>
      tpu.enqueue_dma source(%dma_start3A_180 : memref<158x32xi32, #tpu.memory_space<hbm>>) target(%arg8 : memref<158x32xi32, #tpu.memory_space<vmem>>) target_semaphore(%run_scoped3A : memref<!tpu.dma_semaphore, #tpu.memory_space<semaphore_mem>>)
      %dma_wait3A_181 = arith.constant 0 : i32
      %dma_wait3A_182 = arith.constant 0 : i32
      %dma_wait3A_183 = tpu.memref_slice %arg4[%add3A, %dma_wait3A_181, %dma_wait3A_182] : memref<32x158x32xi32, #tpu.memory_space<hbm>> -> memref<1x158x32xi32, #tpu.memory_space<hbm>>
      %dma_wait3A_184 = tpu.memref_squeeze %dma_wait3A_183 : memref<1x158x32xi32, #tpu.memory_space<hbm>> -> memref<158x32xi32, #tpu.memory_space<hbm>>
      %dma_wait3A_185 = arith.constant 0 : i32
      %dma_wait3A_186 = arith.constant 0 : i32
      %dma_wait3A_187 = tpu.memref_slice %arg4[%add3A, %dma_wait3A_185, %dma_wait3A_186] : memref<32x158x32xi32, #tpu.memory_space<hbm>> -> memref<1x158x32xi32, #tpu.memory_space<hbm>>
      %dma_wait3A_188 = tpu.memref_squeeze %dma_wait3A_187 : memref<1x158x32xi32, #tpu.memory_space<hbm>> -> memref<158x32xi32, #tpu.memory_space<hbm>>
      tpu.wait_dma2 semaphore(%run_scoped3A : memref<!tpu.dma_semaphore, #tpu.memory_space<semaphore_mem>>) src(%dma_wait3A_188 : memref<158x32xi32, #tpu.memory_space<hbm>>) dst(%arg8 : memref<158x32xi32, #tpu.memory_space<vmem>>)
      tpu.yield
    }) : () -> ()
    %scan3A = arith.constant 0 : i32
    %scan3A_110 = arith.constant 0 : i32
    %scan3A_111 = arith.constant 1280 : i32
    %scan3A_112 = arith.addi %scan3A_110, %scan3A_111 : i32
    %scan3A_113 = arith.constant 1 : i32
    %scan3A_114 = scf.for %scan3A_173 = %scan3A_110 to %scan3A_112 step %scan3A_113 iter_args(%scan3A_174 = %scan3A) -> (i32)  : i32 {
      %mul3A_175 = arith.constant 16 : i32
      %mul3A_176 = arith.muli %scan3A_173, %mul3A_175 : i32
      %add3A_177 = vector.broadcast %mul3A_176 : i32 to vector<16xi32>
      %add3A_178 = arith.addi %add3A_177, %iota3A : vector<16xi32>
      %jit3A = arith.constant 32 : i32
      %div3A = vector.broadcast %jit3A : i32 to vector<16xi32>
      %div3A_179 = arith.divsi %add3A_178, %div3A : vector<16xi32>
      %sign3A = arith.constant 0 : i32
      %sign3A_180 = vector.broadcast %sign3A : i32 to vector<16xi32>
      %sign3A_181 = arith.cmpi sgt, %add3A_178, %sign3A_180 : vector<16xi32>
      %sign3A_182 = arith.extui %sign3A_181 : vector<16xi1> to vector<16xi32>
      %sign3A_183 = arith.constant 0 : i32
      %sign3A_184 = vector.broadcast %sign3A_183 : i32 to vector<16xi32>
      %sign3A_185 = arith.cmpi slt, %add3A_178, %sign3A_184 : vector<16xi32>
      %sign3A_186 = arith.extui %sign3A_185 : vector<16xi1> to vector<16xi32>
      %sign3A_187 = arith.subi %sign3A_182, %sign3A_186 : vector<16xi32>
      %sign3A_188 = arith.constant 0 : i32
      %sign3A_189 = arith.cmpi sgt, %jit3A, %sign3A_188 : i32
      %sign3A_190 = arith.extui %sign3A_189 : i1 to i32
      %sign3A_191 = arith.constant 0 : i32
      %sign3A_192 = arith.cmpi slt, %jit3A, %sign3A_191 : i32
      %sign3A_193 = arith.extui %sign3A_192 : i1 to i32
      %sign3A_194 = arith.subi %sign3A_190, %sign3A_193 : i32
      %ne3A = vector.broadcast %sign3A_194 : i32 to vector<16xi32>
      %ne3A_195 = arith.cmpi ne, %sign3A_187, %ne3A : vector<16xi32>
      %rem3A = vector.broadcast %jit3A : i32 to vector<16xi32>
      %rem3A_196 = arith.remsi %add3A_178, %rem3A : vector<16xi32>
      %ne3A_197 = arith.constant 0 : i32
      %ne3A_198 = vector.broadcast %ne3A_197 : i32 to vector<16xi32>
      %ne3A_199 = arith.cmpi ne, %rem3A_196, %ne3A_198 : vector<16xi32>
      %and3A = arith.andi %ne3A_195, %ne3A_199 : vector<16xi1>
      %sub3A = arith.constant 1 : i32
      %sub3A_200 = vector.broadcast %sub3A : i32 to vector<16xi32>
      %sub3A_201 = arith.subi %div3A_179, %sub3A_200 : vector<16xi32>
      %select_n3A = arith.select %and3A, %sub3A_201, %div3A_179 : vector<16xi1>, vector<16xi32>
      %jit3A_202 = arith.constant 32 : i32
      %eq3A = arith.constant 0 : i32
      %eq3A_203 = arith.cmpi eq, %jit3A_202, %eq3A : i32
      %jit3A_204 = arith.constant 1 : i32
      %select_n3A_205 = arith.select %eq3A_203, %jit3A_204, %jit3A_202 : i32
      %rem3A_206 = vector.broadcast %select_n3A_205 : i32 to vector<16xi32>
      %rem3A_207 = arith.remsi %add3A_178, %rem3A_206 : vector<16xi32>
      %ne3A_208 = arith.constant 0 : i32
      %ne3A_209 = vector.broadcast %ne3A_208 : i32 to vector<16xi32>
      %ne3A_210 = arith.cmpi ne, %rem3A_207, %ne3A_209 : vector<16xi32>
      %lt3A = arith.constant 0 : i32
      %lt3A_211 = vector.broadcast %lt3A : i32 to vector<16xi32>
      %lt3A_212 = arith.cmpi slt, %rem3A_207, %lt3A_211 : vector<16xi32>
      %lt3A_213 = arith.constant 0 : i32
      %lt3A_214 = arith.cmpi slt, %select_n3A_205, %lt3A_213 : i32
      %ne3A_215 = vector.broadcast %lt3A_214 : i1 to vector<16xi1>
      %ne3A_216 = vector.broadcast %ne3A_215 : vector<16xi1> to vector<16xi1>
      %ne3A_217 = arith.xori %lt3A_212, %ne3A_216 : vector<16xi1>
      %and3A_218 = arith.andi %ne3A_217, %ne3A_210 : vector<16xi1>
      %add3A_219 = vector.broadcast %select_n3A_205 : i32 to vector<16xi32>
      %add3A_220 = arith.addi %rem3A_207, %add3A_219 : vector<16xi32>
      %select_n3A_221 = arith.select %and3A_218, %add3A_220, %rem3A_207 : vector<16xi1>, vector<16xi32>
      tpu.vector_store_idx %arg15[%select_n3A, %select_n3A_221], %broadcast_in_dim3A_1 : memref<640x32xf32, #tpu.memory_space<vmem>>[vector<16xi32>, vector<16xi32>], vector<16xf32>,
      %scan3A_222 = arith.constant 0 : i32
      scf.yield %scan3A_222 : i32
    }
    %scan3A_115 = arith.constant 1280 : i32
    %mul3A_116 = arith.constant 640 : i32
    %mul3A_117 = arith.muli %arg1, %mul3A_116 : i32
    "tpu.region"() ({
      %run_scoped3A = tpu.sem_alloc : memref<!tpu.dma_semaphore, #tpu.memory_space<semaphore_mem>>
      %dma_start3A_173 = arith.constant 0 : i32
      %dma_start3A_174 = tpu.memref_slice %arg16[%mul3A_117, %dma_start3A_173] : memref<10240x32xf32, #tpu.memory_space<vmem_shared>> -> memref<640x32xf32, #tpu.memory_space<vmem_shared>>
      %dma_start3A_175 = arith.constant 0 : i32
      %dma_start3A_176 = tpu.memref_slice %arg16[%mul3A_117, %dma_start3A_175] : memref<10240x32xf32, #tpu.memory_space<vmem_shared>> -> memref<640x32xf32, #tpu.memory_space<vmem_shared>>
      tpu.enqueue_dma source(%arg15 : memref<640x32xf32, #tpu.memory_space<vmem>>) target(%dma_start3A_176 : memref<640x32xf32, #tpu.memory_space<vmem_shared>>) target_semaphore(%run_scoped3A : memref<!tpu.dma_semaphore, #tpu.memory_space<semaphore_mem>>)
      %dma_wait3A_177 = arith.constant 0 : i32
      %dma_wait3A_178 = tpu.memref_slice %arg16[%mul3A_117, %dma_wait3A_177] : memref<10240x32xf32, #tpu.memory_space<vmem_shared>> -> memref<640x32xf32, #tpu.memory_space<vmem_shared>>
      %dma_wait3A_179 = arith.constant 0 : i32
      %dma_wait3A_180 = tpu.memref_slice %arg16[%mul3A_117, %dma_wait3A_179] : memref<10240x32xf32, #tpu.memory_space<vmem_shared>> -> memref<640x32xf32, #tpu.memory_space<vmem_shared>>
      tpu.wait_dma2 semaphore(%run_scoped3A : memref<!tpu.dma_semaphore, #tpu.memory_space<semaphore_mem>>) src(%arg15 : memref<640x32xf32, #tpu.memory_space<vmem>>) dst(%dma_wait3A_180 : memref<640x32xf32, #tpu.memory_space<vmem_shared>>)
      tpu.yield
    }) : () -> ()
    %barrier3A = arith.constant 0 : index
    tpu.barrier barrier_id(%barrier3A)
    %mul3A_118 = arith.constant 5056 : i32
    %mul3A_119 = arith.muli %add3A, %mul3A_118 : i32
    %add3A_120 = arith.constant 0 : i32
    %add3A_121 = arith.addi %mul3A_119, %add3A_120 : i32
    %dma_start3A = arith.constant 0 : i32
    %dma_start3A_122 = tpu.memref_slice %arg5[%add3A_121, %dma_start3A] : memref<161792x64xf32, #tpu.memory_space<hbm>> -> memref<32x64xf32, #tpu.memory_space<hbm>>
    %dma_start3A_123 = arith.constant 0 : i32
    %dma_start3A_124 = tpu.memref_slice %arg5[%add3A_121, %dma_start3A_123] : memref<161792x64xf32, #tpu.memory_space<hbm>> -> memref<32x64xf32, #tpu.memory_space<hbm>>
    tpu.enqueue_dma source(%dma_start3A_124 : memref<32x64xf32, #tpu.memory_space<hbm>>) target(%arg9 : memref<32x64xf32, #tpu.memory_space<vmem>>) target_semaphore(%arg19 : memref<!tpu.dma_semaphore, #tpu.memory_space<semaphore_mem>>)
    %dma_start3A_125 = arith.constant 0 : i32
    %dma_start3A_126 = arith.constant 0 : i32
    %dma_start3A_127 = tpu.memref_slice %arg7[%dma_start3A_125, %dma_start3A_126] : memref<158x32xi32, #tpu.memory_space<vmem>> -> memref<1x32xi32, #tpu.memory_space<vmem>>
    %dma_start3A_128 = tpu.memref_squeeze %dma_start3A_127 : memref<1x32xi32, #tpu.memory_space<vmem>> -> memref<32xi32, #tpu.memory_space<vmem>>
    %dma_start3A_129 = arith.constant 0 : i32
    %dma_start3A_130 = arith.constant 0 : i32
    %dma_start3A_131 = tpu.memref_slice %arg2[%dma_start3A_129, %dma_start3A_130] : memref<10240x1024xf32, #tpu.memory_space<hbm>> -> memref<10240x1024xf32, #tpu.memory_space<hbm>>
    tpu.enqueue_indirect_dma source(%dma_start3A_131 : memref<10240x1024xf32, #tpu.memory_space<hbm>>) target(%arg11 : memref<32x1024xf32, #tpu.memory_space<vmem>>) offsets(%dma_start3A_128 : memref<32xi32, #tpu.memory_space<vmem>>) semaphore(%arg17 : memref<!tpu.dma_semaphore, #tpu.memory_space<semaphore_mem>>)
    %add3A_132 = arith.constant 32 : i32
    %add3A_133 = arith.addi %mul3A_119, %add3A_132 : i32
    %dma_start3A_134 = arith.constant 0 : i32
    %dma_start3A_135 = tpu.memref_slice %arg5[%add3A_133, %dma_start3A_134] : memref<161792x64xf32, #tpu.memory_space<hbm>> -> memref<32x64xf32, #tpu.memory_space<hbm>>
    %dma_start3A_136 = arith.constant 0 : i32
    %dma_start3A_137 = tpu.memref_slice %arg5[%add3A_133, %dma_start3A_136] : memref<161792x64xf32, #tpu.memory_space<hbm>> -> memref<32x64xf32, #tpu.memory_space<hbm>>
    tpu.enqueue_dma source(%dma_start3A_137 : memref<32x64xf32, #tpu.memory_space<hbm>>) target(%arg10 : memref<32x64xf32, #tpu.memory_space<vmem>>) target_semaphore(%arg20 : memref<!tpu.dma_semaphore, #tpu.memory_space<semaphore_mem>>)
    %dma_start3A_138 = arith.constant 1 : i32
    %dma_start3A_139 = arith.constant 0 : i32
    %dma_start3A_140 = tpu.memref_slice %arg7[%dma_start3A_138, %dma_start3A_139] : memref<158x32xi32, #tpu.memory_space<vmem>> -> memref<1x32xi32, #tpu.memory_space<vmem>>
    %dma_start3A_141 = tpu.memref_squeeze %dma_start3A_140 : memref<1x32xi32, #tpu.memory_space<vmem>> -> memref<32xi32, #tpu.memory_space<vmem>>
    %dma_start3A_142 = arith.constant 0 : i32
    %dma_start3A_143 = arith.constant 0 : i32
    %dma_start3A_144 = tpu.memref_slice %arg2[%dma_start3A_142, %dma_start3A_143] : memref<10240x1024xf32, #tpu.memory_space<hbm>> -> memref<10240x1024xf32, #tpu.memory_space<hbm>>
    tpu.enqueue_indirect_dma source(%dma_start3A_144 : memref<10240x1024xf32, #tpu.memory_space<hbm>>) target(%arg12 : memref<32x1024xf32, #tpu.memory_space<vmem>>) offsets(%dma_start3A_141 : memref<32xi32, #tpu.memory_space<vmem>>) semaphore(%arg18 : memref<!tpu.dma_semaphore, #tpu.memory_space<semaphore_mem>>)
    %scan3A_145 = arith.constant 0 : i32
    %scan3A_146 = arith.constant 0 : i32
    %scan3A_147 = arith.constant 79 : i32
    %scan3A_148 = arith.addi %scan3A_146, %scan3A_147 : i32
    %scan3A_149 = arith.constant 1 : i32
    %scan3A_150 = scf.for %scan3A_173 = %scan3A_146 to %scan3A_148 step %scan3A_149 iter_args(%scan3A_174 = %scan3A_145) -> (i32)  : i32 {
      %mul3A_175 = arith.constant 2 : i32
      %mul3A_176 = arith.muli %mul3A_175, %scan3A_173 : i32
      %dma_wait3A_177 = arith.constant 0 : i32
      %dma_wait3A_178 = tpu.memref_slice %arg7[%mul3A_176, %dma_wait3A_177] : memref<158x32xi32, #tpu.memory_space<vmem>> -> memref<1x32xi32, #tpu.memory_space<vmem>>
      %dma_wait3A_179 = tpu.memref_squeeze %dma_wait3A_178 : memref<1x32xi32, #tpu.memory_space<vmem>> -> memref<32xi32, #tpu.memory_space<vmem>>
      %dma_wait3A_180 = arith.constant 0 : i32
      %dma_wait3A_181 = arith.constant 0 : i32
      %dma_wait3A_182 = tpu.memref_slice %arg2[%dma_wait3A_180, %dma_wait3A_181] : memref<10240x1024xf32, #tpu.memory_space<hbm>> -> memref<10240x1024xf32, #tpu.memory_space<hbm>>
      tpu.wait_indirect_dma semaphore(%arg17 : memref<!tpu.dma_semaphore, #tpu.memory_space<semaphore_mem>>) src(%dma_wait3A_182 : memref<10240x1024xf32, #tpu.memory_space<hbm>>) dst(%arg11 : memref<32x1024xf32, #tpu.memory_space<vmem>>)
      %dma_wait3A_183 = arith.constant 0 : i32
      %dma_wait3A_184 = tpu.memref_slice %arg5[%mul3A_119, %dma_wait3A_183] : memref<161792x64xf32, #tpu.memory_space<hbm>> -> memref<32x64xf32, #tpu.memory_space<hbm>>
      %dma_wait3A_185 = arith.constant 0 : i32
      %dma_wait3A_186 = tpu.memref_slice %arg5[%mul3A_119, %dma_wait3A_185] : memref<161792x64xf32, #tpu.memory_space<hbm>> -> memref<32x64xf32, #tpu.memory_space<hbm>>
      tpu.wait_dma2 semaphore(%arg19 : memref<!tpu.dma_semaphore, #tpu.memory_space<semaphore_mem>>) src(%dma_wait3A_186 : memref<32x64xf32, #tpu.memory_space<hbm>>) dst(%arg9 : memref<32x64xf32, #tpu.memory_space<vmem>>)
      %ge3A = arith.constant 2 : i32
      %ge3A_187 = arith.cmpi sge, %mul3A_176, %ge3A : i32
      %convert_element_type3A = arith.extui %ge3A_187 : i1 to i32
      %cond3A = arith.constant 0 : i32
      %cond3A_188 = arith.cmpi ne, %convert_element_type3A, %cond3A : i32
      scf.if %cond3A_188 {
        %dma_wait3A_246 = arith.constant 0 : i32
        %dma_wait3A_247 = tpu.memref_slice %arg8[%mul3A_176, %dma_wait3A_246] : memref<158x32xi32, #tpu.memory_space<vmem>> -> memref<1x32xi32, #tpu.memory_space<vmem>>
        %dma_wait3A_248 = tpu.memref_squeeze %dma_wait3A_247 : memref<1x32xi32, #tpu.memory_space<vmem>> -> memref<32xi32, #tpu.memory_space<vmem>>
        %dma_wait3A_249 = arith.constant 0 : i32
        %dma_wait3A_250 = arith.constant 0 : i32
        %dma_wait3A_251 = tpu.memref_slice %arg16[%dma_wait3A_249, %dma_wait3A_250] : memref<10240x32xf32, #tpu.memory_space<vmem_shared>> -> memref<10240x32xf32, #tpu.memory_space<vmem_shared>>
        tpu.wait_indirect_dma semaphore(%arg21 : memref<!tpu.dma_semaphore, #tpu.memory_space<semaphore_mem>>) src(%arg13 : memref<32x32xf32, #tpu.memory_space<vmem>>) dst(%dma_wait3A_251 : memref<10240x32xf32, #tpu.memory_space<vmem_shared>>)
      } else {
      }
      %scan3A_189 = arith.constant 0 : i32
      %scan3A_190 = arith.constant 0 : i32
      %scan3A_191 = arith.constant 8 : i32
      %scan3A_192 = arith.addi %scan3A_190, %scan3A_191 : i32
      %scan3A_193 = arith.constant 1 : i32
      %scan3A_194 = scf.for %scan3A_246 = %scan3A_190 to %scan3A_192 step %scan3A_193 iter_args(%scan3A_247 = %scan3A_189) -> (i32)  : i32 {
        %mul3A_248 = arith.constant 4 : i32
        %mul3A_249 = arith.muli %scan3A_246, %mul3A_248 : i32
        %add3A_250 = arith.constant 0 : i32
        %add3A_251 = arith.addi %mul3A_249, %add3A_250 : i32
        %broadcast_in_dim3A_252 = vector.broadcast %add3A_251 : i32 to vector<16xi32>
        %mul3A_253 = arith.constant 4 : i32
        %mul3A_254 = arith.muli %scan3A_246, %mul3A_253 : i32
        %add3A_255 = arith.constant 1 : i32
        %add3A_256 = arith.addi %mul3A_254, %add3A_255 : i32
        %broadcast_in_dim3A_257 = vector.broadcast %add3A_256 : i32 to vector<16xi32>
        %mul3A_258 = arith.constant 4 : i32
        %mul3A_259 = arith.muli %scan3A_246, %mul3A_258 : i32
        %add3A_260 = arith.constant 2 : i32
        %add3A_261 = arith.addi %mul3A_259, %add3A_260 : i32
        %broadcast_in_dim3A_262 = vector.broadcast %add3A_261 : i32 to vector<16xi32>
        %mul3A_263 = arith.constant 4 : i32
        %mul3A_264 = arith.muli %scan3A_246, %mul3A_263 : i32
        %add3A_265 = arith.constant 3 : i32
        %add3A_266 = arith.addi %mul3A_264, %add3A_265 : i32
        %broadcast_in_dim3A_267 = vector.broadcast %add3A_266 : i32 to vector<16xi32>
        %add3A_268 = arith.constant 980 : i32
        %add3A_269 = vector.broadcast %add3A_268 : i32 to vector<16xi32>
        %add3A_270 = arith.addi %add3A_269, %iota3A : vector<16xi32>
        %gather3A = tpu.vector_load_idx %arg11[%broadcast_in_dim3A_252, %add3A_270] : memref<32x1024xf32, #tpu.memory_space<vmem>>[vector<16xi32>, vector<16xi32>], vector<16xf32>,
        %add3A_271 = arith.constant 980 : i32
        %add3A_272 = vector.broadcast %add3A_271 : i32 to vector<16xi32>
        %add3A_273 = arith.addi %add3A_272, %iota3A : vector<16xi32>
        %gather3A_274 = tpu.vector_load_idx %arg11[%broadcast_in_dim3A_257, %add3A_273] : memref<32x1024xf32, #tpu.memory_space<vmem>>[vector<16xi32>, vector<16xi32>], vector<16xf32>,
        %add3A_275 = arith.constant 980 : i32
        %add3A_276 = vector.broadcast %add3A_275 : i32 to vector<16xi32>
        %add3A_277 = arith.addi %add3A_276, %iota3A : vector<16xi32>
        %gather3A_278 = tpu.vector_load_idx %arg11[%broadcast_in_dim3A_262, %add3A_277] : memref<32x1024xf32, #tpu.memory_space<vmem>>[vector<16xi32>, vector<16xi32>], vector<16xf32>,
        %add3A_279 = arith.constant 980 : i32
        %add3A_280 = vector.broadcast %add3A_279 : i32 to vector<16xi32>
        %add3A_281 = arith.addi %add3A_280, %iota3A : vector<16xi32>
        %gather3A_282 = tpu.vector_load_idx %arg11[%broadcast_in_dim3A_267, %add3A_281] : memref<32x1024xf32, #tpu.memory_space<vmem>>[vector<16xi32>, vector<16xi32>], vector<16xf32>,
        %add3A_283 = arith.constant 996 : i32
        %add3A_284 = vector.broadcast %add3A_283 : i32 to vector<16xi32>
        %add3A_285 = arith.addi %add3A_284, %iota3A : vector<16xi32>
        %gather3A_286 = tpu.vector_load_idx %arg11[%broadcast_in_dim3A_252, %add3A_285] : memref<32x1024xf32, #tpu.memory_space<vmem>>[vector<16xi32>, vector<16xi32>], vector<16xf32>,
        %add3A_287 = arith.constant 996 : i32
        %add3A_288 = vector.broadcast %add3A_287 : i32 to vector<16xi32>
        %add3A_289 = arith.addi %add3A_288, %iota3A : vector<16xi32>
        %gather3A_290 = tpu.vector_load_idx %arg11[%broadcast_in_dim3A_257, %add3A_289] : memref<32x1024xf32, #tpu.memory_space<vmem>>[vector<16xi32>, vector<16xi32>], vector<16xf32>,
        %add3A_291 = arith.constant 996 : i32
        %add3A_292 = vector.broadcast %add3A_291 : i32 to vector<16xi32>
        %add3A_293 = arith.addi %add3A_292, %iota3A : vector<16xi32>
        %gather3A_294 = tpu.vector_load_idx %arg11[%broadcast_in_dim3A_262, %add3A_293] : memref<32x1024xf32, #tpu.memory_space<vmem>>[vector<16xi32>, vector<16xi32>], vector<16xf32>,
        %add3A_295 = arith.constant 996 : i32
        %add3A_296 = vector.broadcast %add3A_295 : i32 to vector<16xi32>
        %add3A_297 = arith.addi %add3A_296, %iota3A : vector<16xi32>
        %gather3A_298 = tpu.vector_load_idx %arg11[%broadcast_in_dim3A_267, %add3A_297] : memref<32x1024xf32, #tpu.memory_space<vmem>>[vector<16xi32>, vector<16xi32>], vector<16xf32>,
        %add3A_299 = arith.constant 16 : i32
        %add3A_300 = vector.broadcast %add3A_299 : i32 to vector<16xi32>
        %add3A_301 = arith.addi %add3A_300, %iota3A : vector<16xi32>
        %broadcast_in_dim3A_302 = arith.constant 0 : i32
        %broadcast_in_dim3A_303 = vector.broadcast %broadcast_in_dim3A_302 : i32 to vector<16xi32>
        %scan3A_304 = arith.constant 0 : i32
        %scan3A_305 = arith.constant 49 : i32
        %scan3A_306 = arith.addi %scan3A_304, %scan3A_305 : i32
        %scan3A_307 = arith.constant 1 : i32
        %scan3A_308:11 = scf.for %scan3A_400 = %scan3A_304 to %scan3A_306 step %scan3A_307 iter_args(%scan3A_401 = %gather3A, %scan3A_402 = %gather3A_274, %scan3A_403 = %gather3A_278, %scan3A_404 = %gather3A_282, %scan3A_405 = %gather3A_286, %scan3A_406 = %gather3A_290, %scan3A_407 = %gather3A_294, %scan3A_408 = %gather3A_298, %scan3A_409 = %iota3A, %scan3A_410 = %add3A_301, %scan3A_411 = %broadcast_in_dim3A_303) -> (vector<16xf32>, vector<16xf32>, vector<16xf32>, vector<16xf32>, vector<16xf32>, vector<16xf32>, vector<16xf32>, vector<16xf32>, vector<16xi32>, vector<16xi32>, vector<16xi32>)  : i32 {
          %gather3A_412 = tpu.vector_load_idx %arg9[%broadcast_in_dim3A_252, %scan3A_411] : memref<32x64xf32, #tpu.memory_space<vmem>>[vector<16xi32>, vector<16xi32>], vector<16xf32>,
          %gather3A_413 = tpu.vector_load_idx %arg11[%broadcast_in_dim3A_252, %scan3A_409] : memref<32x1024xf32, #tpu.memory_space<vmem>>[vector<16xi32>, vector<16xi32>], vector<16xf32>,
          %mul3A_414 = arith.mulf %gather3A_412, %gather3A_413 : vector<16xf32>
          %add3A_415 = arith.addf %scan3A_401, %mul3A_414 : vector<16xf32>
          %gather3A_416 = tpu.vector_load_idx %arg11[%broadcast_in_dim3A_252, %scan3A_410] : memref<32x1024xf32, #tpu.memory_space<vmem>>[vector<16xi32>, vector<16xi32>], vector<16xf32>,
          %mul3A_417 = arith.mulf %gather3A_412, %gather3A_416 : vector<16xf32>
          %add3A_418 = arith.addf %scan3A_405, %mul3A_417 : vector<16xf32>
          %gather3A_419 = tpu.vector_load_idx %arg9[%broadcast_in_dim3A_257, %scan3A_411] : memref<32x64xf32, #tpu.memory_space<vmem>>[vector<16xi32>, vector<16xi32>], vector<16xf32>,
          %gather3A_420 = tpu.vector_load_idx %arg11[%broadcast_in_dim3A_257, %scan3A_409] : memref<32x1024xf32, #tpu.memory_space<vmem>>[vector<16xi32>, vector<16xi32>], vector<16xf32>,
          %mul3A_421 = arith.mulf %gather3A_419, %gather3A_420 : vector<16xf32>
          %add3A_422 = arith.addf %scan3A_402, %mul3A_421 : vector<16xf32>
          %gather3A_423 = tpu.vector_load_idx %arg11[%broadcast_in_dim3A_257, %scan3A_410] : memref<32x1024xf32, #tpu.memory_space<vmem>>[vector<16xi32>, vector<16xi32>], vector<16xf32>,
          %mul3A_424 = arith.mulf %gather3A_419, %gather3A_423 : vector<16xf32>
          %add3A_425 = arith.addf %scan3A_406, %mul3A_424 : vector<16xf32>
          %gather3A_426 = tpu.vector_load_idx %arg9[%broadcast_in_dim3A_262, %scan3A_411] : memref<32x64xf32, #tpu.memory_space<vmem>>[vector<16xi32>, vector<16xi32>], vector<16xf32>,
          %gather3A_427 = tpu.vector_load_idx %arg11[%broadcast_in_dim3A_262, %scan3A_409] : memref<32x1024xf32, #tpu.memory_space<vmem>>[vector<16xi32>, vector<16xi32>], vector<16xf32>,
          %mul3A_428 = arith.mulf %gather3A_426, %gather3A_427 : vector<16xf32>
          %add3A_429 = arith.addf %scan3A_403, %mul3A_428 : vector<16xf32>
          %gather3A_430 = tpu.vector_load_idx %arg11[%broadcast_in_dim3A_262, %scan3A_410] : memref<32x1024xf32, #tpu.memory_space<vmem>>[vector<16xi32>, vector<16xi32>], vector<16xf32>,
          %mul3A_431 = arith.mulf %gather3A_426, %gather3A_430 : vector<16xf32>
          %add3A_432 = arith.addf %scan3A_407, %mul3A_431 : vector<16xf32>
          %gather3A_433 = tpu.vector_load_idx %arg9[%broadcast_in_dim3A_267, %scan3A_411] : memref<32x64xf32, #tpu.memory_space<vmem>>[vector<16xi32>, vector<16xi32>], vector<16xf32>,
          %gather3A_434 = tpu.vector_load_idx %arg11[%broadcast_in_dim3A_267, %scan3A_409] : memref<32x1024xf32, #tpu.memory_space<vmem>>[vector<16xi32>, vector<16xi32>], vector<16xf32>,
          %mul3A_435 = arith.mulf %gather3A_433, %gather3A_434 : vector<16xf32>
          %add3A_436 = arith.addf %scan3A_404, %mul3A_435 : vector<16xf32>
          %gather3A_437 = tpu.vector_load_idx %arg11[%broadcast_in_dim3A_267, %scan3A_410] : memref<32x1024xf32, #tpu.memory_space<vmem>>[vector<16xi32>, vector<16xi32>], vector<16xf32>,
          %mul3A_438 = arith.mulf %gather3A_433, %gather3A_437 : vector<16xf32>
          %add3A_439 = arith.addf %scan3A_408, %mul3A_438 : vector<16xf32>
          %add3A_440 = arith.constant 20 : i32
          %add3A_441 = vector.broadcast %add3A_440 : i32 to vector<16xi32>
          %add3A_442 = arith.addi %scan3A_409, %add3A_441 : vector<16xi32>
          %add3A_443 = arith.constant 20 : i32
          %add3A_444 = vector.broadcast %add3A_443 : i32 to vector<16xi32>
          %add3A_445 = arith.addi %scan3A_410, %add3A_444 : vector<16xi32>
          %add3A_446 = arith.constant 1 : i32
          %add3A_447 = vector.broadcast %add3A_446 : i32 to vector<16xi32>
          %add3A_448 = arith.addi %scan3A_411, %add3A_447 : vector<16xi32>
          scf.yield %add3A_415, %add3A_422, %add3A_429, %add3A_436, %add3A_418, %add3A_425, %add3A_432, %add3A_439, %add3A_442, %add3A_445, %add3A_448 : vector<16xf32>, vector<16xf32>, vector<16xf32>, vector<16xf32>, vector<16xf32>, vector<16xf32>, vector<16xf32>, vector<16xf32>, vector<16xi32>, vector<16xi32>, vector<16xi32>
        }
        %scan3A_309 = arith.constant 49 : i32
        %neg3A = arith.constant 0.000000e+00 : f32
        %neg3A_310 = vector.broadcast %neg3A : f32 to vector<16xf32>
        %neg3A_311 = arith.subf %neg3A_310, %scan3A_308#0 : vector<16xf32>
        %exp3A = math.exp %neg3A_311 : vector<16xf32>
        %add3A_312 = arith.constant 1.000000e+00 : f32
        %add3A_313 = vector.broadcast %add3A_312 : f32 to vector<16xf32>
        %add3A_314 = arith.addf %add3A_313, %exp3A : vector<16xf32>
        %div3A = arith.constant 1.000000e+00 : f32
        %div3A_315 = vector.broadcast %div3A : f32 to vector<16xf32>
        %div3A_316 = arith.divf %div3A_315, %add3A_314 : vector<16xf32>
        %neg3A_317 = arith.constant 0.000000e+00 : f32
        %neg3A_318 = vector.broadcast %neg3A_317 : f32 to vector<16xf32>
        %neg3A_319 = arith.subf %neg3A_318, %scan3A_308#4 : vector<16xf32>
        %exp3A_320 = math.exp %neg3A_319 : vector<16xf32>
        %add3A_321 = arith.constant 1.000000e+00 : f32
        %add3A_322 = vector.broadcast %add3A_321 : f32 to vector<16xf32>
        %add3A_323 = arith.addf %add3A_322, %exp3A_320 : vector<16xf32>
        %div3A_324 = arith.constant 1.000000e+00 : f32
        %div3A_325 = vector.broadcast %div3A_324 : f32 to vector<16xf32>
        %div3A_326 = arith.divf %div3A_325, %add3A_323 : vector<16xf32>
        tpu.vector_store_idx %arg13[%broadcast_in_dim3A_252, %iota3A], %div3A_316 : memref<32x32xf32, #tpu.memory_space<vmem>>[vector<16xi32>, vector<16xi32>], vector<16xf32>,
        %add3A_327 = arith.constant 16 : i32
        %add3A_328 = vector.broadcast %add3A_327 : i32 to vector<16xi32>
        %add3A_329 = arith.addi %add3A_328, %iota3A : vector<16xi32>
        tpu.vector_store_idx %arg13[%broadcast_in_dim3A_252, %add3A_329], %div3A_326 : memref<32x32xf32, #tpu.memory_space<vmem>>[vector<16xi32>, vector<16xi32>], vector<16xf32>,
        %neg3A_330 = arith.constant 0.000000e+00 : f32
        %neg3A_331 = vector.broadcast %neg3A_330 : f32 to vector<16xf32>
        %neg3A_332 = arith.subf %neg3A_331, %scan3A_308#1 : vector<16xf32>
        %exp3A_333 = math.exp %neg3A_332 : vector<16xf32>
        %add3A_334 = arith.constant 1.000000e+00 : f32
        %add3A_335 = vector.broadcast %add3A_334 : f32 to vector<16xf32>
        %add3A_336 = arith.addf %add3A_335, %exp3A_333 : vector<16xf32>
        %div3A_337 = arith.constant 1.000000e+00 : f32
        %div3A_338 = vector.broadcast %div3A_337 : f32 to vector<16xf32>
        %div3A_339 = arith.divf %div3A_338, %add3A_336 : vector<16xf32>
        %neg3A_340 = arith.constant 0.000000e+00 : f32
        %neg3A_341 = vector.broadcast %neg3A_340 : f32 to vector<16xf32>
        %neg3A_342 = arith.subf %neg3A_341, %scan3A_308#5 : vector<16xf32>
        %exp3A_343 = math.exp %neg3A_342 : vector<16xf32>
        %add3A_344 = arith.constant 1.000000e+00 : f32
        %add3A_345 = vector.broadcast %add3A_344 : f32 to vector<16xf32>
        %add3A_346 = arith.addf %add3A_345, %exp3A_343 : vector<16xf32>
        %div3A_347 = arith.constant 1.000000e+00 : f32
        %div3A_348 = vector.broadcast %div3A_347 : f32 to vector<16xf32>
        %div3A_349 = arith.divf %div3A_348, %add3A_346 : vector<16xf32>
        tpu.vector_store_idx %arg13[%broadcast_in_dim3A_257, %iota3A], %div3A_339 : memref<32x32xf32, #tpu.memory_space<vmem>>[vector<16xi32>, vector<16xi32>], vector<16xf32>,
        %add3A_350 = arith.constant 16 : i32
        %add3A_351 = vector.broadcast %add3A_350 : i32 to vector<16xi32>
        %add3A_352 = arith.addi %add3A_351, %iota3A : vector<16xi32>
        tpu.vector_store_idx %arg13[%broadcast_in_dim3A_257, %add3A_352], %div3A_349 : memref<32x32xf32, #tpu.memory_space<vmem>>[vector<16xi32>, vector<16xi32>], vector<16xf32>,
        %neg3A_353 = arith.constant 0.000000e+00 : f32
        %neg3A_354 = vector.broadcast %neg3A_353 : f32 to vector<16xf32>
        %neg3A_355 = arith.subf %neg3A_354, %scan3A_308#2 : vector<16xf32>
        %exp3A_356 = math.exp %neg3A_355 : vector<16xf32>
        %add3A_357 = arith.constant 1.000000e+00 : f32
        %add3A_358 = vector.broadcast %add3A_357 : f32 to vector<16xf32>
        %add3A_359 = arith.addf %add3A_358, %exp3A_356 : vector<16xf32>
        %div3A_360 = arith.constant 1.000000e+00 : f32
        %div3A_361 = vector.broadcast %div3A_360 : f32 to vector<16xf32>
        %div3A_362 = arith.divf %div3A_361, %add3A_359 : vector<16xf32>
        %neg3A_363 = arith.constant 0.000000e+00 : f32
        %neg3A_364 = vector.broadcast %neg3A_363 : f32 to vector<16xf32>
        %neg3A_365 = arith.subf %neg3A_364, %scan3A_308#6 : vector<16xf32>
        %exp3A_366 = math.exp %neg3A_365 : vector<16xf32>
        %add3A_367 = arith.constant 1.000000e+00 : f32
        %add3A_368 = vector.broadcast %add3A_367 : f32 to vector<16xf32>
        %add3A_369 = arith.addf %add3A_368, %exp3A_366 : vector<16xf32>
        %div3A_370 = arith.constant 1.000000e+00 : f32
        %div3A_371 = vector.broadcast %div3A_370 : f32 to vector<16xf32>
        %div3A_372 = arith.divf %div3A_371, %add3A_369 : vector<16xf32>
        tpu.vector_store_idx %arg13[%broadcast_in_dim3A_262, %iota3A], %div3A_362 : memref<32x32xf32, #tpu.memory_space<vmem>>[vector<16xi32>, vector<16xi32>], vector<16xf32>,
        %add3A_373 = arith.constant 16 : i32
        %add3A_374 = vector.broadcast %add3A_373 : i32 to vector<16xi32>
        %add3A_375 = arith.addi %add3A_374, %iota3A : vector<16xi32>
        tpu.vector_store_idx %arg13[%broadcast_in_dim3A_262, %add3A_375], %div3A_372 : memref<32x32xf32, #tpu.memory_space<vmem>>[vector<16xi32>, vector<16xi32>], vector<16xf32>,
        %neg3A_376 = arith.constant 0.000000e+00 : f32
        %neg3A_377 = vector.broadcast %neg3A_376 : f32 to vector<16xf32>
        %neg3A_378 = arith.subf %neg3A_377, %scan3A_308#3 : vector<16xf32>
        %exp3A_379 = math.exp %neg3A_378 : vector<16xf32>
        %add3A_380 = arith.constant 1.000000e+00 : f32
        %add3A_381 = vector.broadcast %add3A_380 : f32 to vector<16xf32>
        %add3A_382 = arith.addf %add3A_381, %exp3A_379 : vector<16xf32>
        %div3A_383 = arith.constant 1.000000e+00 : f32
        %div3A_384 = vector.broadcast %div3A_383 : f32 to vector<16xf32>
        %div3A_385 = arith.divf %div3A_384, %add3A_382 : vector<16xf32>
        %neg3A_386 = arith.constant 0.000000e+00 : f32
        %neg3A_387 = vector.broadcast %neg3A_386 : f32 to vector<16xf32>
        %neg3A_388 = arith.subf %neg3A_387, %scan3A_308#7 : vector<16xf32>
        %exp3A_389 = math.exp %neg3A_388 : vector<16xf32>
        %add3A_390 = arith.constant 1.000000e+00 : f32
        %add3A_391 = vector.broadcast %add3A_390 : f32 to vector<16xf32>
        %add3A_392 = arith.addf %add3A_391, %exp3A_389 : vector<16xf32>
        %div3A_393 = arith.constant 1.000000e+00 : f32
        %div3A_394 = vector.broadcast %div3A_393 : f32 to vector<16xf32>
        %div3A_395 = arith.divf %div3A_394, %add3A_392 : vector<16xf32>
        tpu.vector_store_idx %arg13[%broadcast_in_dim3A_267, %iota3A], %div3A_385 : memref<32x32xf32, #tpu.memory_space<vmem>>[vector<16xi32>, vector<16xi32>], vector<16xf32>,
        %add3A_396 = arith.constant 16 : i32
        %add3A_397 = vector.broadcast %add3A_396 : i32 to vector<16xi32>
        %add3A_398 = arith.addi %add3A_397, %iota3A : vector<16xi32>
        tpu.vector_store_idx %arg13[%broadcast_in_dim3A_267, %add3A_398], %div3A_395 : memref<32x32xf32, #tpu.memory_space<vmem>>[vector<16xi32>, vector<16xi32>], vector<16xf32>,
        %scan3A_399 = arith.constant 0 : i32
        scf.yield %scan3A_399 : i32
      }
      %scan3A_195 = arith.constant 8 : i32
      %dma_start3A_196 = arith.constant 0 : i32
      %dma_start3A_197 = tpu.memref_slice %arg8[%mul3A_176, %dma_start3A_196] : memref<158x32xi32, #tpu.memory_space<vmem>> -> memref<1x32xi32, #tpu.memory_space<vmem>>
      %dma_start3A_198 = tpu.memref_squeeze %dma_start3A_197 : memref<1x32xi32, #tpu.memory_space<vmem>> -> memref<32xi32, #tpu.memory_space<vmem>>
      %dma_start3A_199 = arith.constant 0 : i32
      %dma_start3A_200 = arith.constant 0 : i32
      %dma_start3A_201 = tpu.memref_slice %arg16[%dma_start3A_199, %dma_start3A_200] : memref<10240x32xf32, #tpu.memory_space<vmem_shared>> -> memref<10240x32xf32, #tpu.memory_space<vmem_shared>>
      tpu.enqueue_indirect_dma source(%arg13 : memref<32x32xf32, #tpu.memory_space<vmem>>) target(%dma_start3A_201 : memref<10240x32xf32, #tpu.memory_space<vmem_shared>>) offsets(%dma_start3A_198 : memref<32xi32, #tpu.memory_space<vmem>>) semaphore(%arg21 : memref<!tpu.dma_semaphore, #tpu.memory_space<semaphore_mem>>) {add = true}
      %add3A_202 = arith.constant 2 : i32
      %add3A_203 = arith.addi %mul3A_176, %add3A_202 : i32
      %lt3A = arith.constant 158 : i32
      %lt3A_204 = arith.cmpi slt, %add3A_203, %lt3A : i32
      %convert_element_type3A_205 = arith.extui %lt3A_204 : i1 to i32
      %cond3A_206 = arith.constant 0 : i32
      %cond3A_207 = arith.cmpi ne, %convert_element_type3A_205, %cond3A_206 : i32
      scf.if %cond3A_207 {
        %add3A_246 = arith.constant 2 : i32
        %add3A_247 = arith.addi %mul3A_176, %add3A_246 : i32
        %mul3A_248 = arith.constant 32 : i32
        %mul3A_249 = arith.muli %add3A_247, %mul3A_248 : i32
        %add3A_250 = arith.addi %mul3A_119, %mul3A_249 : i32
        %dma_start3A_251 = arith.constant 0 : i32
        %dma_start3A_252 = tpu.memref_slice %arg5[%add3A_250, %dma_start3A_251] : memref<161792x64xf32, #tpu.memory_space<hbm>> -> memref<32x64xf32, #tpu.memory_space<hbm>>
        %dma_start3A_253 = arith.constant 0 : i32
        %dma_start3A_254 = tpu.memref_slice %arg5[%add3A_250, %dma_start3A_253] : memref<161792x64xf32, #tpu.memory_space<hbm>> -> memref<32x64xf32, #tpu.memory_space<hbm>>
        tpu.enqueue_dma source(%dma_start3A_254 : memref<32x64xf32, #tpu.memory_space<hbm>>) target(%arg9 : memref<32x64xf32, #tpu.memory_space<vmem>>) target_semaphore(%arg19 : memref<!tpu.dma_semaphore, #tpu.memory_space<semaphore_mem>>)
        %dma_start3A_255 = arith.constant 0 : i32
        %dma_start3A_256 = tpu.memref_slice %arg7[%add3A_247, %dma_start3A_255] : memref<158x32xi32, #tpu.memory_space<vmem>> -> memref<1x32xi32, #tpu.memory_space<vmem>>
        %dma_start3A_257 = tpu.memref_squeeze %dma_start3A_256 : memref<1x32xi32, #tpu.memory_space<vmem>> -> memref<32xi32, #tpu.memory_space<vmem>>
        %dma_start3A_258 = arith.constant 0 : i32
        %dma_start3A_259 = arith.constant 0 : i32
        %dma_start3A_260 = tpu.memref_slice %arg2[%dma_start3A_258, %dma_start3A_259] : memref<10240x1024xf32, #tpu.memory_space<hbm>> -> memref<10240x1024xf32, #tpu.memory_space<hbm>>
        tpu.enqueue_indirect_dma source(%dma_start3A_260 : memref<10240x1024xf32, #tpu.memory_space<hbm>>) target(%arg11 : memref<32x1024xf32, #tpu.memory_space<vmem>>) offsets(%dma_start3A_257 : memref<32xi32, #tpu.memory_space<vmem>>) semaphore(%arg17 : memref<!tpu.dma_semaphore, #tpu.memory_space<semaphore_mem>>)
      } else {
      }
      %add3A_208 = arith.constant 1 : i32
      %add3A_209 = arith.addi %mul3A_176, %add3A_208 : i32
      %dma_wait3A_210 = arith.constant 0 : i32
      %dma_wait3A_211 = tpu.memref_slice %arg7[%add3A_209, %dma_wait3A_210] : memref<158x32xi32, #tpu.memory_space<vmem>> -> memref<1x32xi32, #tpu.memory_space<vmem>>
      %dma_wait3A_212 = tpu.memref_squeeze %dma_wait3A_211 : memref<1x32xi32, #tpu.memory_space<vmem>> -> memref<32xi32, #tpu.memory_space<vmem>>
      %dma_wait3A_213 = arith.constant 0 : i32
      %dma_wait3A_214 = arith.constant 0 : i32
      %dma_wait3A_215 = tpu.memref_slice %arg2[%dma_wait3A_213, %dma_wait3A_214] : memref<10240x1024xf32, #tpu.memory_space<hbm>> -> memref<10240x1024xf32, #tpu.memory_space<hbm>>
      tpu.wait_indirect_dma semaphore(%arg18 : memref<!tpu.dma_semaphore, #tpu.memory_space<semaphore_mem>>) src(%dma_wait3A_215 : memref<10240x1024xf32, #tpu.memory_space<hbm>>) dst(%arg12 : memref<32x1024xf32, #tpu.memory_space<vmem>>)
      %dma_wait3A_216 = arith.constant 0 : i32
      %dma_wait3A_217 = tpu.memref_slice %arg5[%mul3A_119, %dma_wait3A_216] : memref<161792x64xf32, #tpu.memory_space<hbm>> -> memref<32x64xf32, #tpu.memory_space<hbm>>
      %dma_wait3A_218 = arith.constant 0 : i32
      %dma_wait3A_219 = tpu.memref_slice %arg5[%mul3A_119, %dma_wait3A_218] : memref<161792x64xf32, #tpu.memory_space<hbm>> -> memref<32x64xf32, #tpu.memory_space<hbm>>
      tpu.wait_dma2 semaphore(%arg20 : memref<!tpu.dma_semaphore, #tpu.memory_space<semaphore_mem>>) src(%dma_wait3A_219 : memref<32x64xf32, #tpu.memory_space<hbm>>) dst(%arg10 : memref<32x64xf32, #tpu.memory_space<vmem>>)
      %ge3A_220 = arith.constant 2 : i32
      %ge3A_221 = arith.cmpi sge, %add3A_209, %ge3A_220 : i32
      %convert_element_type3A_222 = arith.extui %ge3A_221 : i1 to i32
      %cond3A_223 = arith.constant 0 : i32
      %cond3A_224 = arith.cmpi ne, %convert_element_type3A_222, %cond3A_223 : i32
      scf.if %cond3A_224 {
        %dma_wait3A_246 = arith.constant 0 : i32
        %dma_wait3A_247 = tpu.memref_slice %arg8[%add3A_209, %dma_wait3A_246] : memref<158x32xi32, #tpu.memory_space<vmem>> -> memref<1x32xi32, #tpu.memory_space<vmem>>
        %dma_wait3A_248 = tpu.memref_squeeze %dma_wait3A_247 : memref<1x32xi32, #tpu.memory_space<vmem>> -> memref<32xi32, #tpu.memory_space<vmem>>
        %dma_wait3A_249 = arith.constant 0 : i32
        %dma_wait3A_250 = arith.constant 0 : i32
        %dma_wait3A_251 = tpu.memref_slice %arg16[%dma_wait3A_249, %dma_wait3A_250] : memref<10240x32xf32, #tpu.memory_space<vmem_shared>> -> memref<10240x32xf32, #tpu.memory_space<vmem_shared>>
        tpu.wait_indirect_dma semaphore(%arg22 : memref<!tpu.dma_semaphore, #tpu.memory_space<semaphore_mem>>) src(%arg14 : memref<32x32xf32, #tpu.memory_space<vmem>>) dst(%dma_wait3A_251 : memref<10240x32xf32, #tpu.memory_space<vmem_shared>>)
      } else {
      }
      %scan3A_225 = arith.constant 0 : i32
      %scan3A_226 = arith.constant 0 : i32
      %scan3A_227 = arith.constant 8 : i32
      %scan3A_228 = arith.addi %scan3A_226, %scan3A_227 : i32
      %scan3A_229 = arith.constant 1 : i32
      %scan3A_230 = scf.for %scan3A_246 = %scan3A_226 to %scan3A_228 step %scan3A_229 iter_args(%scan3A_247 = %scan3A_225) -> (i32)  : i32 {
        %mul3A_248 = arith.constant 4 : i32
        %mul3A_249 = arith.muli %scan3A_246, %mul3A_248 : i32
        %add3A_250 = arith.constant 0 : i32
        %add3A_251 = arith.addi %mul3A_249, %add3A_250 : i32
        %broadcast_in_dim3A_252 = vector.broadcast %add3A_251 : i32 to vector<16xi32>
        %mul3A_253 = arith.constant 4 : i32
        %mul3A_254 = arith.muli %scan3A_246, %mul3A_253 : i32
        %add3A_255 = arith.constant 1 : i32
        %add3A_256 = arith.addi %mul3A_254, %add3A_255 : i32
        %broadcast_in_dim3A_257 = vector.broadcast %add3A_256 : i32 to vector<16xi32>
        %mul3A_258 = arith.constant 4 : i32
        %mul3A_259 = arith.muli %scan3A_246, %mul3A_258 : i32
        %add3A_260 = arith.constant 2 : i32
        %add3A_261 = arith.addi %mul3A_259, %add3A_260 : i32
        %broadcast_in_dim3A_262 = vector.broadcast %add3A_261 : i32 to vector<16xi32>
        %mul3A_263 = arith.constant 4 : i32
        %mul3A_264 = arith.muli %scan3A_246, %mul3A_263 : i32
        %add3A_265 = arith.constant 3 : i32
        %add3A_266 = arith.addi %mul3A_264, %add3A_265 : i32
        %broadcast_in_dim3A_267 = vector.broadcast %add3A_266 : i32 to vector<16xi32>
        %add3A_268 = arith.constant 980 : i32
        %add3A_269 = vector.broadcast %add3A_268 : i32 to vector<16xi32>
        %add3A_270 = arith.addi %add3A_269, %iota3A : vector<16xi32>
        %gather3A = tpu.vector_load_idx %arg12[%broadcast_in_dim3A_252, %add3A_270] : memref<32x1024xf32, #tpu.memory_space<vmem>>[vector<16xi32>, vector<16xi32>], vector<16xf32>,
        %add3A_271 = arith.constant 980 : i32
        %add3A_272 = vector.broadcast %add3A_271 : i32 to vector<16xi32>
        %add3A_273 = arith.addi %add3A_272, %iota3A : vector<16xi32>
        %gather3A_274 = tpu.vector_load_idx %arg12[%broadcast_in_dim3A_257, %add3A_273] : memref<32x1024xf32, #tpu.memory_space<vmem>>[vector<16xi32>, vector<16xi32>], vector<16xf32>,
        %add3A_275 = arith.constant 980 : i32
        %add3A_276 = vector.broadcast %add3A_275 : i32 to vector<16xi32>
        %add3A_277 = arith.addi %add3A_276, %iota3A : vector<16xi32>
        %gather3A_278 = tpu.vector_load_idx %arg12[%broadcast_in_dim3A_262, %add3A_277] : memref<32x1024xf32, #tpu.memory_space<vmem>>[vector<16xi32>, vector<16xi32>], vector<16xf32>,
        %add3A_279 = arith.constant 980 : i32
        %add3A_280 = vector.broadcast %add3A_279 : i32 to vector<16xi32>
        %add3A_281 = arith.addi %add3A_280, %iota3A : vector<16xi32>
        %gather3A_282 = tpu.vector_load_idx %arg12[%broadcast_in_dim3A_267, %add3A_281] : memref<32x1024xf32, #tpu.memory_space<vmem>>[vector<16xi32>, vector<16xi32>], vector<16xf32>,
        %add3A_283 = arith.constant 996 : i32
        %add3A_284 = vector.broadcast %add3A_283 : i32 to vector<16xi32>
        %add3A_285 = arith.addi %add3A_284, %iota3A : vector<16xi32>
        %gather3A_286 = tpu.vector_load_idx %arg12[%broadcast_in_dim3A_252, %add3A_285] : memref<32x1024xf32, #tpu.memory_space<vmem>>[vector<16xi32>, vector<16xi32>], vector<16xf32>,
        %add3A_287 = arith.constant 996 : i32
        %add3A_288 = vector.broadcast %add3A_287 : i32 to vector<16xi32>
        %add3A_289 = arith.addi %add3A_288, %iota3A : vector<16xi32>
        %gather3A_290 = tpu.vector_load_idx %arg12[%broadcast_in_dim3A_257, %add3A_289] : memref<32x1024xf32, #tpu.memory_space<vmem>>[vector<16xi32>, vector<16xi32>], vector<16xf32>,
        %add3A_291 = arith.constant 996 : i32
        %add3A_292 = vector.broadcast %add3A_291 : i32 to vector<16xi32>
        %add3A_293 = arith.addi %add3A_292, %iota3A : vector<16xi32>
        %gather3A_294 = tpu.vector_load_idx %arg12[%broadcast_in_dim3A_262, %add3A_293] : memref<32x1024xf32, #tpu.memory_space<vmem>>[vector<16xi32>, vector<16xi32>], vector<16xf32>,
        %add3A_295 = arith.constant 996 : i32
        %add3A_296 = vector.broadcast %add3A_295 : i32 to vector<16xi32>
        %add3A_297 = arith.addi %add3A_296, %iota3A : vector<16xi32>
        %gather3A_298 = tpu.vector_load_idx %arg12[%broadcast_in_dim3A_267, %add3A_297] : memref<32x1024xf32, #tpu.memory_space<vmem>>[vector<16xi32>, vector<16xi32>], vector<16xf32>,
        %add3A_299 = arith.constant 16 : i32
        %add3A_300 = vector.broadcast %add3A_299 : i32 to vector<16xi32>
        %add3A_301 = arith.addi %add3A_300, %iota3A : vector<16xi32>
        %broadcast_in_dim3A_302 = arith.constant 0 : i32
        %broadcast_in_dim3A_303 = vector.broadcast %broadcast_in_dim3A_302 : i32 to vector<16xi32>
        %scan3A_304 = arith.constant 0 : i32
        %scan3A_305 = arith.constant 49 : i32
        %scan3A_306 = arith.addi %scan3A_304, %scan3A_305 : i32
        %scan3A_307 = arith.constant 1 : i32
        %scan3A_308:11 = scf.for %scan3A_400 = %scan3A_304 to %scan3A_306 step %scan3A_307 iter_args(%scan3A_401 = %gather3A, %scan3A_402 = %gather3A_274, %scan3A_403 = %gather3A_278, %scan3A_404 = %gather3A_282, %scan3A_405 = %gather3A_286, %scan3A_406 = %gather3A_290, %scan3A_407 = %gather3A_294, %scan3A_408 = %gather3A_298, %scan3A_409 = %iota3A, %scan3A_410 = %add3A_301, %scan3A_411 = %broadcast_in_dim3A_303) -> (vector<16xf32>, vector<16xf32>, vector<16xf32>, vector<16xf32>, vector<16xf32>, vector<16xf32>, vector<16xf32>, vector<16xf32>, vector<16xi32>, vector<16xi32>, vector<16xi32>)  : i32 {
          %gather3A_412 = tpu.vector_load_idx %arg10[%broadcast_in_dim3A_252, %scan3A_411] : memref<32x64xf32, #tpu.memory_space<vmem>>[vector<16xi32>, vector<16xi32>], vector<16xf32>,
          %gather3A_413 = tpu.vector_load_idx %arg12[%broadcast_in_dim3A_252, %scan3A_409] : memref<32x1024xf32, #tpu.memory_space<vmem>>[vector<16xi32>, vector<16xi32>], vector<16xf32>,
          %mul3A_414 = arith.mulf %gather3A_412, %gather3A_413 : vector<16xf32>
          %add3A_415 = arith.addf %scan3A_401, %mul3A_414 : vector<16xf32>
          %gather3A_416 = tpu.vector_load_idx %arg12[%broadcast_in_dim3A_252, %scan3A_410] : memref<32x1024xf32, #tpu.memory_space<vmem>>[vector<16xi32>, vector<16xi32>], vector<16xf32>,
          %mul3A_417 = arith.mulf %gather3A_412, %gather3A_416 : vector<16xf32>
          %add3A_418 = arith.addf %scan3A_405, %mul3A_417 : vector<16xf32>
          %gather3A_419 = tpu.vector_load_idx %arg10[%broadcast_in_dim3A_257, %scan3A_411] : memref<32x64xf32, #tpu.memory_space<vmem>>[vector<16xi32>, vector<16xi32>], vector<16xf32>,
          %gather3A_420 = tpu.vector_load_idx %arg12[%broadcast_in_dim3A_257, %scan3A_409] : memref<32x1024xf32, #tpu.memory_space<vmem>>[vector<16xi32>, vector<16xi32>], vector<16xf32>,
          %mul3A_421 = arith.mulf %gather3A_419, %gather3A_420 : vector<16xf32>
          %add3A_422 = arith.addf %scan3A_402, %mul3A_421 : vector<16xf32>
          %gather3A_423 = tpu.vector_load_idx %arg12[%broadcast_in_dim3A_257, %scan3A_410] : memref<32x1024xf32, #tpu.memory_space<vmem>>[vector<16xi32>, vector<16xi32>], vector<16xf32>,
          %mul3A_424 = arith.mulf %gather3A_419, %gather3A_423 : vector<16xf32>
          %add3A_425 = arith.addf %scan3A_406, %mul3A_424 : vector<16xf32>
          %gather3A_426 = tpu.vector_load_idx %arg10[%broadcast_in_dim3A_262, %scan3A_411] : memref<32x64xf32, #tpu.memory_space<vmem>>[vector<16xi32>, vector<16xi32>], vector<16xf32>,
          %gather3A_427 = tpu.vector_load_idx %arg12[%broadcast_in_dim3A_262, %scan3A_409] : memref<32x1024xf32, #tpu.memory_space<vmem>>[vector<16xi32>, vector<16xi32>], vector<16xf32>,
          %mul3A_428 = arith.mulf %gather3A_426, %gather3A_427 : vector<16xf32>
          %add3A_429 = arith.addf %scan3A_403, %mul3A_428 : vector<16xf32>
          %gather3A_430 = tpu.vector_load_idx %arg12[%broadcast_in_dim3A_262, %scan3A_410] : memref<32x1024xf32, #tpu.memory_space<vmem>>[vector<16xi32>, vector<16xi32>], vector<16xf32>,
          %mul3A_431 = arith.mulf %gather3A_426, %gather3A_430 : vector<16xf32>
          %add3A_432 = arith.addf %scan3A_407, %mul3A_431 : vector<16xf32>
          %gather3A_433 = tpu.vector_load_idx %arg10[%broadcast_in_dim3A_267, %scan3A_411] : memref<32x64xf32, #tpu.memory_space<vmem>>[vector<16xi32>, vector<16xi32>], vector<16xf32>,
          %gather3A_434 = tpu.vector_load_idx %arg12[%broadcast_in_dim3A_267, %scan3A_409] : memref<32x1024xf32, #tpu.memory_space<vmem>>[vector<16xi32>, vector<16xi32>], vector<16xf32>,
          %mul3A_435 = arith.mulf %gather3A_433, %gather3A_434 : vector<16xf32>
          %add3A_436 = arith.addf %scan3A_404, %mul3A_435 : vector<16xf32>
          %gather3A_437 = tpu.vector_load_idx %arg12[%broadcast_in_dim3A_267, %scan3A_410] : memref<32x1024xf32, #tpu.memory_space<vmem>>[vector<16xi32>, vector<16xi32>], vector<16xf32>,
          %mul3A_438 = arith.mulf %gather3A_433, %gather3A_437 : vector<16xf32>
          %add3A_439 = arith.addf %scan3A_408, %mul3A_438 : vector<16xf32>
          %add3A_440 = arith.constant 20 : i32
          %add3A_441 = vector.broadcast %add3A_440 : i32 to vector<16xi32>
          %add3A_442 = arith.addi %scan3A_409, %add3A_441 : vector<16xi32>
          %add3A_443 = arith.constant 20 : i32
          %add3A_444 = vector.broadcast %add3A_443 : i32 to vector<16xi32>
          %add3A_445 = arith.addi %scan3A_410, %add3A_444 : vector<16xi32>
          %add3A_446 = arith.constant 1 : i32
          %add3A_447 = vector.broadcast %add3A_446 : i32 to vector<16xi32>
          %add3A_448 = arith.addi %scan3A_411, %add3A_447 : vector<16xi32>
          scf.yield %add3A_415, %add3A_422, %add3A_429, %add3A_436, %add3A_418, %add3A_425, %add3A_432, %add3A_439, %add3A_442, %add3A_445, %add3A_448 : vector<16xf32>, vector<16xf32>, vector<16xf32>, vector<16xf32>, vector<16xf32>, vector<16xf32>, vector<16xf32>, vector<16xf32>, vector<16xi32>, vector<16xi32>, vector<16xi32>
        }
        %scan3A_309 = arith.constant 49 : i32
        %neg3A = arith.constant 0.000000e+00 : f32
        %neg3A_310 = vector.broadcast %neg3A : f32 to vector<16xf32>
        %neg3A_311 = arith.subf %neg3A_310, %scan3A_308#0 : vector<16xf32>
        %exp3A = math.exp %neg3A_311 : vector<16xf32>
        %add3A_312 = arith.constant 1.000000e+00 : f32
        %add3A_313 = vector.broadcast %add3A_312 : f32 to vector<16xf32>
        %add3A_314 = arith.addf %add3A_313, %exp3A : vector<16xf32>
        %div3A = arith.constant 1.000000e+00 : f32
        %div3A_315 = vector.broadcast %div3A : f32 to vector<16xf32>
        %div3A_316 = arith.divf %div3A_315, %add3A_314 : vector<16xf32>
        %neg3A_317 = arith.constant 0.000000e+00 : f32
        %neg3A_318 = vector.broadcast %neg3A_317 : f32 to vector<16xf32>
        %neg3A_319 = arith.subf %neg3A_318, %scan3A_308#4 : vector<16xf32>
        %exp3A_320 = math.exp %neg3A_319 : vector<16xf32>
        %add3A_321 = arith.constant 1.000000e+00 : f32
        %add3A_322 = vector.broadcast %add3A_321 : f32 to vector<16xf32>
        %add3A_323 = arith.addf %add3A_322, %exp3A_320 : vector<16xf32>
        %div3A_324 = arith.constant 1.000000e+00 : f32
        %div3A_325 = vector.broadcast %div3A_324 : f32 to vector<16xf32>
        %div3A_326 = arith.divf %div3A_325, %add3A_323 : vector<16xf32>
        tpu.vector_store_idx %arg14[%broadcast_in_dim3A_252, %iota3A], %div3A_316 : memref<32x32xf32, #tpu.memory_space<vmem>>[vector<16xi32>, vector<16xi32>], vector<16xf32>,
        %add3A_327 = arith.constant 16 : i32
        %add3A_328 = vector.broadcast %add3A_327 : i32 to vector<16xi32>
        %add3A_329 = arith.addi %add3A_328, %iota3A : vector<16xi32>
        tpu.vector_store_idx %arg14[%broadcast_in_dim3A_252, %add3A_329], %div3A_326 : memref<32x32xf32, #tpu.memory_space<vmem>>[vector<16xi32>, vector<16xi32>], vector<16xf32>,
        %neg3A_330 = arith.constant 0.000000e+00 : f32
        %neg3A_331 = vector.broadcast %neg3A_330 : f32 to vector<16xf32>
        %neg3A_332 = arith.subf %neg3A_331, %scan3A_308#1 : vector<16xf32>
        %exp3A_333 = math.exp %neg3A_332 : vector<16xf32>
        %add3A_334 = arith.constant 1.000000e+00 : f32
        %add3A_335 = vector.broadcast %add3A_334 : f32 to vector<16xf32>
        %add3A_336 = arith.addf %add3A_335, %exp3A_333 : vector<16xf32>
        %div3A_337 = arith.constant 1.000000e+00 : f32
        %div3A_338 = vector.broadcast %div3A_337 : f32 to vector<16xf32>
        %div3A_339 = arith.divf %div3A_338, %add3A_336 : vector<16xf32>
        %neg3A_340 = arith.constant 0.000000e+00 : f32
        %neg3A_341 = vector.broadcast %neg3A_340 : f32 to vector<16xf32>
        %neg3A_342 = arith.subf %neg3A_341, %scan3A_308#5 : vector<16xf32>
        %exp3A_343 = math.exp %neg3A_342 : vector<16xf32>
        %add3A_344 = arith.constant 1.000000e+00 : f32
        %add3A_345 = vector.broadcast %add3A_344 : f32 to vector<16xf32>
        %add3A_346 = arith.addf %add3A_345, %exp3A_343 : vector<16xf32>
        %div3A_347 = arith.constant 1.000000e+00 : f32
        %div3A_348 = vector.broadcast %div3A_347 : f32 to vector<16xf32>
        %div3A_349 = arith.divf %div3A_348, %add3A_346 : vector<16xf32>
        tpu.vector_store_idx %arg14[%broadcast_in_dim3A_257, %iota3A], %div3A_339 : memref<32x32xf32, #tpu.memory_space<vmem>>[vector<16xi32>, vector<16xi32>], vector<16xf32>,
        %add3A_350 = arith.constant 16 : i32
        %add3A_351 = vector.broadcast %add3A_350 : i32 to vector<16xi32>
        %add3A_352 = arith.addi %add3A_351, %iota3A : vector<16xi32>
        tpu.vector_store_idx %arg14[%broadcast_in_dim3A_257, %add3A_352], %div3A_349 : memref<32x32xf32, #tpu.memory_space<vmem>>[vector<16xi32>, vector<16xi32>], vector<16xf32>,
        %neg3A_353 = arith.constant 0.000000e+00 : f32
        %neg3A_354 = vector.broadcast %neg3A_353 : f32 to vector<16xf32>
        %neg3A_355 = arith.subf %neg3A_354, %scan3A_308#2 : vector<16xf32>
        %exp3A_356 = math.exp %neg3A_355 : vector<16xf32>
        %add3A_357 = arith.constant 1.000000e+00 : f32
        %add3A_358 = vector.broadcast %add3A_357 : f32 to vector<16xf32>
        %add3A_359 = arith.addf %add3A_358, %exp3A_356 : vector<16xf32>
        %div3A_360 = arith.constant 1.000000e+00 : f32
        %div3A_361 = vector.broadcast %div3A_360 : f32 to vector<16xf32>
        %div3A_362 = arith.divf %div3A_361, %add3A_359 : vector<16xf32>
        %neg3A_363 = arith.constant 0.000000e+00 : f32
        %neg3A_364 = vector.broadcast %neg3A_363 : f32 to vector<16xf32>
        %neg3A_365 = arith.subf %neg3A_364, %scan3A_308#6 : vector<16xf32>
        %exp3A_366 = math.exp %neg3A_365 : vector<16xf32>
        %add3A_367 = arith.constant 1.000000e+00 : f32
        %add3A_368 = vector.broadcast %add3A_367 : f32 to vector<16xf32>
        %add3A_369 = arith.addf %add3A_368, %exp3A_366 : vector<16xf32>
        %div3A_370 = arith.constant 1.000000e+00 : f32
        %div3A_371 = vector.broadcast %div3A_370 : f32 to vector<16xf32>
        %div3A_372 = arith.divf %div3A_371, %add3A_369 : vector<16xf32>
        tpu.vector_store_idx %arg14[%broadcast_in_dim3A_262, %iota3A], %div3A_362 : memref<32x32xf32, #tpu.memory_space<vmem>>[vector<16xi32>, vector<16xi32>], vector<16xf32>,
        %add3A_373 = arith.constant 16 : i32
        %add3A_374 = vector.broadcast %add3A_373 : i32 to vector<16xi32>
        %add3A_375 = arith.addi %add3A_374, %iota3A : vector<16xi32>
        tpu.vector_store_idx %arg14[%broadcast_in_dim3A_262, %add3A_375], %div3A_372 : memref<32x32xf32, #tpu.memory_space<vmem>>[vector<16xi32>, vector<16xi32>], vector<16xf32>,
        %neg3A_376 = arith.constant 0.000000e+00 : f32
        %neg3A_377 = vector.broadcast %neg3A_376 : f32 to vector<16xf32>
        %neg3A_378 = arith.subf %neg3A_377, %scan3A_308#3 : vector<16xf32>
        %exp3A_379 = math.exp %neg3A_378 : vector<16xf32>
        %add3A_380 = arith.constant 1.000000e+00 : f32
        %add3A_381 = vector.broadcast %add3A_380 : f32 to vector<16xf32>
        %add3A_382 = arith.addf %add3A_381, %exp3A_379 : vector<16xf32>
        %div3A_383 = arith.constant 1.000000e+00 : f32
        %div3A_384 = vector.broadcast %div3A_383 : f32 to vector<16xf32>
        %div3A_385 = arith.divf %div3A_384, %add3A_382 : vector<16xf32>
        %neg3A_386 = arith.constant 0.000000e+00 : f32
        %neg3A_387 = vector.broadcast %neg3A_386 : f32 to vector<16xf32>
        %neg3A_388 = arith.subf %neg3A_387, %scan3A_308#7 : vector<16xf32>
        %exp3A_389 = math.exp %neg3A_388 : vector<16xf32>
        %add3A_390 = arith.constant 1.000000e+00 : f32
        %add3A_391 = vector.broadcast %add3A_390 : f32 to vector<16xf32>
        %add3A_392 = arith.addf %add3A_391, %exp3A_389 : vector<16xf32>
        %div3A_393 = arith.constant 1.000000e+00 : f32
        %div3A_394 = vector.broadcast %div3A_393 : f32 to vector<16xf32>
        %div3A_395 = arith.divf %div3A_394, %add3A_392 : vector<16xf32>
        tpu.vector_store_idx %arg14[%broadcast_in_dim3A_267, %iota3A], %div3A_385 : memref<32x32xf32, #tpu.memory_space<vmem>>[vector<16xi32>, vector<16xi32>], vector<16xf32>,
        %add3A_396 = arith.constant 16 : i32
        %add3A_397 = vector.broadcast %add3A_396 : i32 to vector<16xi32>
        %add3A_398 = arith.addi %add3A_397, %iota3A : vector<16xi32>
        tpu.vector_store_idx %arg14[%broadcast_in_dim3A_267, %add3A_398], %div3A_395 : memref<32x32xf32, #tpu.memory_space<vmem>>[vector<16xi32>, vector<16xi32>], vector<16xf32>,
        %scan3A_399 = arith.constant 0 : i32
        scf.yield %scan3A_399 : i32
      }
      %scan3A_231 = arith.constant 8 : i32
      %dma_start3A_232 = arith.constant 0 : i32
      %dma_start3A_233 = tpu.memref_slice %arg8[%add3A_209, %dma_start3A_232] : memref<158x32xi32, #tpu.memory_space<vmem>> -> memref<1x32xi32, #tpu.memory_space<vmem>>
      %dma_start3A_234 = tpu.memref_squeeze %dma_start3A_233 : memref<1x32xi32, #tpu.memory_space<vmem>> -> memref<32xi32, #tpu.memory_space<vmem>>
      %dma_start3A_235 = arith.constant 0 : i32
      %dma_start3A_236 = arith.constant 0 : i32
      %dma_start3A_237 = tpu.memref_slice %arg16[%dma_start3A_235, %dma_start3A_236] : memref<10240x32xf32, #tpu.memory_space<vmem_shared>> -> memref<10240x32xf32, #tpu.memory_space<vmem_shared>>
      tpu.enqueue_indirect_dma source(%arg14 : memref<32x32xf32, #tpu.memory_space<vmem>>) target(%dma_start3A_237 : memref<10240x32xf32, #tpu.memory_space<vmem_shared>>) offsets(%dma_start3A_234 : memref<32xi32, #tpu.memory_space<vmem>>) semaphore(%arg22 : memref<!tpu.dma_semaphore, #tpu.memory_space<semaphore_mem>>) {add = true}
      %add3A_238 = arith.constant 3 : i32
      %add3A_239 = arith.addi %mul3A_176, %add3A_238 : i32
      %lt3A_240 = arith.constant 158 : i32
      %lt3A_241 = arith.cmpi slt, %add3A_239, %lt3A_240 : i32
      %convert_element_type3A_242 = arith.extui %lt3A_241 : i1 to i32
      %cond3A_243 = arith.constant 0 : i32
      %cond3A_244 = arith.cmpi ne, %convert_element_type3A_242, %cond3A_243 : i32
      scf.if %cond3A_244 {
        %add3A_246 = arith.constant 3 : i32
        %add3A_247 = arith.addi %mul3A_176, %add3A_246 : i32
        %mul3A_248 = arith.constant 32 : i32
        %mul3A_249 = arith.muli %add3A_247, %mul3A_248 : i32
        %add3A_250 = arith.addi %mul3A_119, %mul3A_249 : i32
        %dma_start3A_251 = arith.constant 0 : i32
        %dma_start3A_252 = tpu.memref_slice %arg5[%add3A_250, %dma_start3A_251] : memref<161792x64xf32, #tpu.memory_space<hbm>> -> memref<32x64xf32, #tpu.memory_space<hbm>>
        %dma_start3A_253 = arith.constant 0 : i32
        %dma_start3A_254 = tpu.memref_slice %arg5[%add3A_250, %dma_start3A_253] : memref<161792x64xf32, #tpu.memory_space<hbm>> -> memref<32x64xf32, #tpu.memory_space<hbm>>
        tpu.enqueue_dma source(%dma_start3A_254 : memref<32x64xf32, #tpu.memory_space<hbm>>) target(%arg10 : memref<32x64xf32, #tpu.memory_space<vmem>>) target_semaphore(%arg20 : memref<!tpu.dma_semaphore, #tpu.memory_space<semaphore_mem>>)
        %dma_start3A_255 = arith.constant 0 : i32
        %dma_start3A_256 = tpu.memref_slice %arg7[%add3A_247, %dma_start3A_255] : memref<158x32xi32, #tpu.memory_space<vmem>> -> memref<1x32xi32, #tpu.memory_space<vmem>>
        %dma_start3A_257 = tpu.memref_squeeze %dma_start3A_256 : memref<1x32xi32, #tpu.memory_space<vmem>> -> memref<32xi32, #tpu.memory_space<vmem>>
        %dma_start3A_258 = arith.constant 0 : i32
        %dma_start3A_259 = arith.constant 0 : i32
        %dma_start3A_260 = tpu.memref_slice %arg2[%dma_start3A_258, %dma_start3A_259] : memref<10240x1024xf32, #tpu.memory_space<hbm>> -> memref<10240x1024xf32, #tpu.memory_space<hbm>>
        tpu.enqueue_indirect_dma source(%dma_start3A_260 : memref<10240x1024xf32, #tpu.memory_space<hbm>>) target(%arg12 : memref<32x1024xf32, #tpu.memory_space<vmem>>) offsets(%dma_start3A_257 : memref<32xi32, #tpu.memory_space<vmem>>) semaphore(%arg18 : memref<!tpu.dma_semaphore, #tpu.memory_space<semaphore_mem>>)
      } else {
      }
      %scan3A_245 = arith.constant 0 : i32
      scf.yield %scan3A_245 : i32
    }
    %scan3A_151 = arith.constant 79 : i32
    %dma_wait3A = arith.constant 0 : i32
    %dma_wait3A_152 = arith.constant 0 : i32
    %dma_wait3A_153 = tpu.memref_slice %arg8[%dma_wait3A, %dma_wait3A_152] : memref<158x32xi32, #tpu.memory_space<vmem>> -> memref<1x32xi32, #tpu.memory_space<vmem>>
    %dma_wait3A_154 = tpu.memref_squeeze %dma_wait3A_153 : memref<1x32xi32, #tpu.memory_space<vmem>> -> memref<32xi32, #tpu.memory_space<vmem>>
    %dma_wait3A_155 = arith.constant 0 : i32
    %dma_wait3A_156 = arith.constant 0 : i32
    %dma_wait3A_157 = tpu.memref_slice %arg16[%dma_wait3A_155, %dma_wait3A_156] : memref<10240x32xf32, #tpu.memory_space<vmem_shared>> -> memref<10240x32xf32, #tpu.memory_space<vmem_shared>>
    tpu.wait_indirect_dma semaphore(%arg21 : memref<!tpu.dma_semaphore, #tpu.memory_space<semaphore_mem>>) src(%arg13 : memref<32x32xf32, #tpu.memory_space<vmem>>) dst(%dma_wait3A_157 : memref<10240x32xf32, #tpu.memory_space<vmem_shared>>)
    %dma_wait3A_158 = arith.constant 0 : i32
    %dma_wait3A_159 = arith.constant 0 : i32
    %dma_wait3A_160 = tpu.memref_slice %arg8[%dma_wait3A_158, %dma_wait3A_159] : memref<158x32xi32, #tpu.memory_space<vmem>> -> memref<1x32xi32, #tpu.memory_space<vmem>>
    %dma_wait3A_161 = tpu.memref_squeeze %dma_wait3A_160 : memref<1x32xi32, #tpu.memory_space<vmem>> -> memref<32xi32, #tpu.memory_space<vmem>>
    %dma_wait3A_162 = arith.constant 0 : i32
    %dma_wait3A_163 = arith.constant 0 : i32
    %dma_wait3A_164 = tpu.memref_slice %arg16[%dma_wait3A_162, %dma_wait3A_163] : memref<10240x32xf32, #tpu.memory_space<vmem_shared>> -> memref<10240x32xf32, #tpu.memory_space<vmem_shared>>
    tpu.wait_indirect_dma semaphore(%arg22 : memref<!tpu.dma_semaphore, #tpu.memory_space<semaphore_mem>>) src(%arg14 : memref<32x32xf32, #tpu.memory_space<vmem>>) dst(%dma_wait3A_164 : memref<10240x32xf32, #tpu.memory_space<vmem_shared>>)
    %barrier3A_165 = arith.constant 0 : index
    tpu.barrier barrier_id(%barrier3A_165)
    %mul3A_166 = arith.constant 640 : i32
    %mul3A_167 = arith.muli %arg1, %mul3A_166 : i32
    %mul3A_168 = arith.constant 10240 : i32
    %mul3A_169 = arith.muli %arg0, %mul3A_168 : i32
    %mul3A_170 = arith.constant 640 : i32
    %mul3A_171 = arith.muli %arg1, %mul3A_170 : i32
    %add3A_172 = arith.addi %mul3A_169, %mul3A_171 : i32
    "tpu.region"() ({
      %run_scoped3A = tpu.sem_alloc : memref<!tpu.dma_semaphore, #tpu.memory_space<semaphore_mem>>
      %dma_start3A_173 = arith.constant 0 : i32
      %dma_start3A_174 = tpu.memref_slice %arg6[%add3A_172, %dma_start3A_173] : memref<20480x32xf32, #tpu.memory_space<hbm>> -> memref<640x32xf32, #tpu.memory_space<hbm>>
      %dma_start3A_175 = arith.constant 0 : i32
      %dma_start3A_176 = tpu.memref_slice %arg16[%mul3A_167, %dma_start3A_175] : memref<10240x32xf32, #tpu.memory_space<vmem_shared>> -> memref<640x32xf32, #tpu.memory_space<vmem_shared>>
      tpu.enqueue_dma source(%dma_start3A_176 : memref<640x32xf32, #tpu.memory_space<vmem_shared>>) target(%dma_start3A_174 : memref<640x32xf32, #tpu.memory_space<hbm>>) target_semaphore(%run_scoped3A : memref<!tpu.dma_semaphore, #tpu.memory_space<semaphore_mem>>)
      %dma_wait3A_177 = arith.constant 0 : i32
      %dma_wait3A_178 = tpu.memref_slice %arg6[%add3A_172, %dma_wait3A_177] : memref<20480x32xf32, #tpu.memory_space<hbm>> -> memref<640x32xf32, #tpu.memory_space<hbm>>
      %dma_wait3A_179 = arith.constant 0 : i32
      %dma_wait3A_180 = tpu.memref_slice %arg16[%mul3A_167, %dma_wait3A_179] : memref<10240x32xf32, #tpu.memory_space<vmem_shared>> -> memref<640x32xf32, #tpu.memory_space<vmem_shared>>
      tpu.wait_dma2 semaphore(%run_scoped3A : memref<!tpu.dma_semaphore, #tpu.memory_space<semaphore_mem>>) src(%dma_wait3A_180 : memref<640x32xf32, #tpu.memory_space<vmem_shared>>) dst(%dma_wait3A_178 : memref<640x32xf32, #tpu.memory_space<hbm>>)
      tpu.yield
    }) : () -> ()
    return
  }
}

module attributes {stable_mosaic.version = 14 : i64} {
  func.func @_mm_u(%arg0: i32, %arg1: memref<1024x256xf32, #tpu.memory_space<vmem>>, %arg2: memref<256x1024xf32, #tpu.memory_space<vmem>>, %arg3: memref<1024x1024xf32, #tpu.memory_space<vmem>>) attributes {dimension_semantics = [#tpu.dimension_semantics<arbitrary>], iteration_bounds = array<i64: 10>, scalar_prefetch = 0 : i64, scratch_operands = 0 : i64, tpu.core_type = #tpu.core_type<tc>, window_params = [{transform_indices = @transform_0, window_bounds = array<i64: 1024, 256>}, {pipeline_mode = #tpu.pipeline_mode<synchronous>, transform_indices = @transform_1, window_bounds = array<i64: 256, 1024>}, {transform_indices = @transform_2, window_bounds = array<i64: 1024, 1024>}]} {
    %get3A = arith.constant 0 : index
    %get3A_0 = arith.constant 0 : index
    %get3A_1 = vector.load %arg1[%get3A, %get3A_0] : memref<1024x256xf32, #tpu.memory_space<vmem>>, vector<1024x256xf32>
    %convert_element_type3A = arith.truncf %get3A_1 : vector<1024x256xf32> to vector<1024x256xbf16>
    %get3A_2 = arith.constant 0 : index
    %get3A_3 = arith.constant 0 : index
    %get3A_4 = vector.load %arg2[%get3A_2, %get3A_3] : memref<256x1024xf32, #tpu.memory_space<vmem>>, vector<256x1024xf32>
    %convert_element_type3A_5 = arith.truncf %get3A_4 : vector<256x1024xf32> to vector<256x1024xbf16>
    %dot_general3A = arith.constant dense<0.000000e+00> : vector<1024x1024xf32>
    %dot_general3A_6 = tpu.matmul %convert_element_type3A, %convert_element_type3A_5, %dot_general3A {dimension_numbers = #tpu.dot_dimension_numbers<[1], [0], [0], [1], [0, 0, 1, 1], [], []>, transpose_lhs_hint = false} : vector<1024x256xbf16>, vector<256x1024xbf16>, vector<1024x1024xf32> -> vector<1024x1024xf32>
    %swap3A = arith.constant 0 : index
    %swap3A_7 = arith.constant 0 : index
    %swap3A_8 = vector.load %arg3[%swap3A, %swap3A_7] : memref<1024x1024xf32, #tpu.memory_space<vmem>>, vector<1024x1024xf32>
    tpu.vector_store %arg3[%swap3A, %swap3A_7], %dot_general3A_6 {strides = array<i32>} : memref<1024x1024xf32, #tpu.memory_space<vmem>>, vector<1024x1024xf32>,
    return
  }
  func.func @transform_0(%arg0: i32) -> (i32, i32) {
    %c0_i32 = arith.constant 0 : i32
    %c0_i32_0 = arith.constant 0 : i32
    return %arg0, %c0_i32 : i32, i32
  }
  func.func @transform_1(%arg0: i32) -> (i32, i32) {
    %c0_i32 = arith.constant 0 : i32
    %c0_i32_0 = arith.constant 0 : i32
    %c0_i32_1 = arith.constant 0 : i32
    return %c0_i32, %c0_i32_0 : i32, i32
  }
  func.func @transform_2(%arg0: i32) -> (i32, i32) {
    %c0_i32 = arith.constant 0 : i32
    %c0_i32_0 = arith.constant 0 : i32
    return %arg0, %c0_i32 : i32, i32
  }
}

module attributes {stable_mosaic.version = 14 : i64} {
  func.func @_mm_upd_u(%arg0: i32, %arg1: memref<2x1024x32xf32, #tpu.memory_space<vmem>>, %arg2: memref<1024x256xf32, #tpu.memory_space<vmem>>, %arg3: memref<32x256xf32, #tpu.memory_space<vmem>>, %arg4: memref<256x256xf32, #tpu.memory_space<vmem>>, %arg5: memref<1x256xf32, #tpu.memory_space<vmem>>, %arg6: memref<256x256xf32, #tpu.memory_space<vmem>>, %arg7: memref<1x256xf32, #tpu.memory_space<vmem>>, %arg8: memref<256x1024xf32, #tpu.memory_space<vmem>>, %arg9: memref<1024x256xf32, #tpu.memory_space<vmem>>, %arg10: memref<1024x1024xf32, #tpu.memory_space<vmem>>) attributes {dimension_semantics = [#tpu.dimension_semantics<arbitrary>], iteration_bounds = array<i64: 10>, scalar_prefetch = 0 : i64, scratch_operands = 0 : i64, tpu.core_type = #tpu.core_type<tc>, window_params = [{transform_indices = @transform_0, window_bounds = array<i64: 2, 1024, 32>}, {transform_indices = @transform_1, window_bounds = array<i64: 1024, 256>}, {pipeline_mode = #tpu.pipeline_mode<synchronous>, transform_indices = @transform_2, window_bounds = array<i64: 32, 256>}, {pipeline_mode = #tpu.pipeline_mode<synchronous>, transform_indices = @transform_3, window_bounds = array<i64: 256, 256>}, {pipeline_mode = #tpu.pipeline_mode<synchronous>, transform_indices = @transform_4, window_bounds = array<i64: 1, 256>}, {pipeline_mode = #tpu.pipeline_mode<synchronous>, transform_indices = @transform_5, window_bounds = array<i64: 256, 256>}, {pipeline_mode = #tpu.pipeline_mode<synchronous>, transform_indices = @transform_6, window_bounds = array<i64: 1, 256>}, {pipeline_mode = #tpu.pipeline_mode<synchronous>, transform_indices = @transform_7, window_bounds = array<i64: 256, 1024>}, {transform_indices = @transform_8, window_bounds = array<i64: 1024, 256>}, {transform_indices = @transform_9, window_bounds = array<i64: 1024, 1024>}]} {
    %get3A = arith.constant 0 : index
    %get3A_0 = arith.constant 0 : index
    %get3A_1 = arith.constant 0 : index
    %get3A_2 = vector.load %arg1[%get3A, %get3A_0, %get3A_1] : memref<2x1024x32xf32, #tpu.memory_space<vmem>>, vector<1x1024x32xf32>
    %get3A_3 = vector.shape_cast %get3A_2 : vector<1x1024x32xf32> to vector<1024x32xf32>
    %get3A_4 = arith.constant 1 : index
    %get3A_5 = arith.constant 0 : index
    %get3A_6 = arith.constant 0 : index
    %get3A_7 = vector.load %arg1[%get3A_4, %get3A_5, %get3A_6] : memref<2x1024x32xf32, #tpu.memory_space<vmem>>, vector<1x1024x32xf32>
    %get3A_8 = vector.shape_cast %get3A_7 : vector<1x1024x32xf32> to vector<1024x32xf32>
    %add3A = arith.addf %get3A_3, %get3A_8 : vector<1024x32xf32>
    %get3A_9 = arith.constant 0 : index
    %get3A_10 = arith.constant 0 : index
    %get3A_11 = vector.load %arg3[%get3A_9, %get3A_10] : memref<32x256xf32, #tpu.memory_space<vmem>>, vector<32x256xf32>
    %dot_general3A = arith.constant dense<0.000000e+00> : vector<1024x256xf32>
    %dot_general3A_12 = tpu.matmul %add3A, %get3A_11, %dot_general3A {dimension_numbers = #tpu.dot_dimension_numbers<[1], [0], [0], [1], [0, 0, 1, 1], [], []>, transpose_lhs_hint = false} : vector<1024x32xf32>, vector<32x256xf32>, vector<1024x256xf32> -> vector<1024x256xf32>
    %get3A_13 = arith.constant 0 : index
    %get3A_14 = arith.constant 0 : index
    %get3A_15 = vector.load %arg2[%get3A_13, %get3A_14] : memref<1024x256xf32, #tpu.memory_space<vmem>>, vector<1024x256xf32>
    %get3A_16 = arith.constant 0 : index
    %get3A_17 = arith.constant 0 : index
    %get3A_18 = vector.load %arg4[%get3A_16, %get3A_17] : memref<256x256xf32, #tpu.memory_space<vmem>>, vector<256x256xf32>
    %dot_general3A_19 = arith.constant dense<0.000000e+00> : vector<1024x256xf32>
    %dot_general3A_20 = tpu.matmul %get3A_15, %get3A_18, %dot_general3A_19 {dimension_numbers = #tpu.dot_dimension_numbers<[1], [0], [0], [1], [0, 0, 1, 1], [], []>, transpose_lhs_hint = false} : vector<1024x256xf32>, vector<256x256xf32>, vector<1024x256xf32> -> vector<1024x256xf32>
    %add3A_21 = arith.addf %dot_general3A_12, %dot_general3A_20 : vector<1024x256xf32>
    %get3A_22 = arith.constant 0 : index
    %get3A_23 = arith.constant 0 : index
    %get3A_24 = vector.load %arg5[%get3A_22, %get3A_23] : memref<1x256xf32, #tpu.memory_space<vmem>>, vector<1x256xf32>
    %add3A_25 = vector.broadcast %get3A_24 : vector<1x256xf32> to vector<1024x256xf32>
    %add3A_26 = arith.addf %add3A_21, %add3A_25 : vector<1024x256xf32>
    %max3A = arith.constant 0.000000e+00 : f32
    %max3A_27 = vector.broadcast %max3A : f32 to vector<1024x256xf32>
    %max3A_28 = arith.maximumf %add3A_26, %max3A_27 : vector<1024x256xf32>
    %get3A_29 = arith.constant 0 : index
    %get3A_30 = arith.constant 0 : index
    %get3A_31 = vector.load %arg6[%get3A_29, %get3A_30] : memref<256x256xf32, #tpu.memory_space<vmem>>, vector<256x256xf32>
    %dot_general3A_32 = arith.constant dense<0.000000e+00> : vector<1024x256xf32>
    %dot_general3A_33 = tpu.matmul %max3A_28, %get3A_31, %dot_general3A_32 {dimension_numbers = #tpu.dot_dimension_numbers<[1], [0], [0], [1], [0, 0, 1, 1], [], []>, transpose_lhs_hint = false} : vector<1024x256xf32>, vector<256x256xf32>, vector<1024x256xf32> -> vector<1024x256xf32>
    %get3A_34 = arith.constant 0 : index
    %get3A_35 = arith.constant 0 : index
    %get3A_36 = vector.load %arg7[%get3A_34, %get3A_35] : memref<1x256xf32, #tpu.memory_space<vmem>>, vector<1x256xf32>
    %add3A_37 = vector.broadcast %get3A_36 : vector<1x256xf32> to vector<1024x256xf32>
    %add3A_38 = arith.addf %dot_general3A_33, %add3A_37 : vector<1024x256xf32>
    %swap3A = arith.constant 0 : index
    %swap3A_39 = arith.constant 0 : index
    %swap3A_40 = vector.load %arg9[%swap3A, %swap3A_39] : memref<1024x256xf32, #tpu.memory_space<vmem>>, vector<1024x256xf32>
    tpu.vector_store %arg9[%swap3A, %swap3A_39], %add3A_38 {strides = array<i32>} : memref<1024x256xf32, #tpu.memory_space<vmem>>, vector<1024x256xf32>,
    %get3A_41 = arith.constant 0 : index
    %get3A_42 = arith.constant 0 : index
    %get3A_43 = vector.load %arg8[%get3A_41, %get3A_42] : memref<256x1024xf32, #tpu.memory_space<vmem>>, vector<256x1024xf32>
    %dot_general3A_44 = arith.constant dense<0.000000e+00> : vector<1024x1024xf32>
    %dot_general3A_45 = tpu.matmul %add3A_38, %get3A_43, %dot_general3A_44 {dimension_numbers = #tpu.dot_dimension_numbers<[1], [0], [0], [1], [0, 0, 1, 1], [], []>, transpose_lhs_hint = false} : vector<1024x256xf32>, vector<256x1024xf32>, vector<1024x1024xf32> -> vector<1024x1024xf32>
    %swap3A_46 = arith.constant 0 : index
    %swap3A_47 = arith.constant 0 : index
    %swap3A_48 = vector.load %arg10[%swap3A_46, %swap3A_47] : memref<1024x1024xf32, #tpu.memory_space<vmem>>, vector<1024x1024xf32>
    tpu.vector_store %arg10[%swap3A_46, %swap3A_47], %dot_general3A_45 {strides = array<i32>} : memref<1024x1024xf32, #tpu.memory_space<vmem>>, vector<1024x1024xf32>,
    return
  }
  func.func @transform_0(%arg0: i32) -> (i32, i32, i32) {
    %c0_i32 = arith.constant 0 : i32
    %c0_i32_0 = arith.constant 0 : i32
    %c0_i32_1 = arith.constant 0 : i32
    return %c0_i32, %arg0, %c0_i32_0 : i32, i32, i32
  }
  func.func @transform_1(%arg0: i32) -> (i32, i32) {
    %c0_i32 = arith.constant 0 : i32
    %c0_i32_0 = arith.constant 0 : i32
    return %arg0, %c0_i32 : i32, i32
  }
  func.func @transform_2(%arg0: i32) -> (i32, i32) {
    %c0_i32 = arith.constant 0 : i32
    %c0_i32_0 = arith.constant 0 : i32
    %c0_i32_1 = arith.constant 0 : i32
    return %c0_i32, %c0_i32_0 : i32, i32
  }
  func.func @transform_3(%arg0: i32) -> (i32, i32) {
    %c0_i32 = arith.constant 0 : i32
    %c0_i32_0 = arith.constant 0 : i32
    %c0_i32_1 = arith.constant 0 : i32
    return %c0_i32, %c0_i32_0 : i32, i32
  }
  func.func @transform_4(%arg0: i32) -> (i32, i32) {
    %c0_i32 = arith.constant 0 : i32
    %c0_i32_0 = arith.constant 0 : i32
    %c0_i32_1 = arith.constant 0 : i32
    return %c0_i32, %c0_i32_0 : i32, i32
  }
  func.func @transform_5(%arg0: i32) -> (i32, i32) {
    %c0_i32 = arith.constant 0 : i32
    %c0_i32_0 = arith.constant 0 : i32
    %c0_i32_1 = arith.constant 0 : i32
    return %c0_i32, %c0_i32_0 : i32, i32
  }
  func.func @transform_6(%arg0: i32) -> (i32, i32) {
    %c0_i32 = arith.constant 0 : i32
    %c0_i32_0 = arith.constant 0 : i32
    %c0_i32_1 = arith.constant 0 : i32
    return %c0_i32, %c0_i32_0 : i32, i32
  }
  func.func @transform_7(%arg0: i32) -> (i32, i32) {
    %c0_i32 = arith.constant 0 : i32
    %c0_i32_0 = arith.constant 0 : i32
    %c0_i32_1 = arith.constant 0 : i32
    return %c0_i32, %c0_i32_0 : i32, i32
  }
  func.func @transform_8(%arg0: i32) -> (i32, i32) {
    %c0_i32 = arith.constant 0 : i32
    %c0_i32_0 = arith.constant 0 : i32
    return %arg0, %c0_i32 : i32, i32
  }
  func.func @transform_9(%arg0: i32) -> (i32, i32) {
    %c0_i32 = arith.constant 0 : i32
    %c0_i32_0 = arith.constant 0 : i32
    return %arg0, %c0_i32 : i32, i32
  }
}

module attributes {stable_mosaic.version = 14 : i64} {
  func.func @_mm_upd_heads(%arg0: i32, %arg1: memref<2x1024x32xf32, #tpu.memory_space<vmem>>, %arg2: memref<1024x256xf32, #tpu.memory_space<vmem>>, %arg3: memref<32x256xf32, #tpu.memory_space<vmem>>, %arg4: memref<256x256xf32, #tpu.memory_space<vmem>>, %arg5: memref<1x256xf32, #tpu.memory_space<vmem>>, %arg6: memref<256x256xf32, #tpu.memory_space<vmem>>, %arg7: memref<1x256xf32, #tpu.memory_space<vmem>>, %arg8: memref<256x512xf32, #tpu.memory_space<vmem>>, %arg9: memref<1x512xf32, #tpu.memory_space<vmem>>, %arg10: memref<1024x512xf32, #tpu.memory_space<vmem>>) attributes {dimension_semantics = [#tpu.dimension_semantics<arbitrary>], iteration_bounds = array<i64: 10>, scalar_prefetch = 0 : i64, scratch_operands = 0 : i64, tpu.core_type = #tpu.core_type<tc>, window_params = [{transform_indices = @transform_0, window_bounds = array<i64: 2, 1024, 32>}, {transform_indices = @transform_1, window_bounds = array<i64: 1024, 256>}, {pipeline_mode = #tpu.pipeline_mode<synchronous>, transform_indices = @transform_2, window_bounds = array<i64: 32, 256>}, {pipeline_mode = #tpu.pipeline_mode<synchronous>, transform_indices = @transform_3, window_bounds = array<i64: 256, 256>}, {pipeline_mode = #tpu.pipeline_mode<synchronous>, transform_indices = @transform_4, window_bounds = array<i64: 1, 256>}, {pipeline_mode = #tpu.pipeline_mode<synchronous>, transform_indices = @transform_5, window_bounds = array<i64: 256, 256>}, {pipeline_mode = #tpu.pipeline_mode<synchronous>, transform_indices = @transform_6, window_bounds = array<i64: 1, 256>}, {pipeline_mode = #tpu.pipeline_mode<synchronous>, transform_indices = @transform_7, window_bounds = array<i64: 256, 512>}, {pipeline_mode = #tpu.pipeline_mode<synchronous>, transform_indices = @transform_8, window_bounds = array<i64: 1, 512>}, {transform_indices = @transform_9, window_bounds = array<i64: 1024, 512>}]} {
    %get3A = arith.constant 0 : index
    %get3A_0 = arith.constant 0 : index
    %get3A_1 = arith.constant 0 : index
    %get3A_2 = vector.load %arg1[%get3A, %get3A_0, %get3A_1] : memref<2x1024x32xf32, #tpu.memory_space<vmem>>, vector<1x1024x32xf32>
    %get3A_3 = vector.shape_cast %get3A_2 : vector<1x1024x32xf32> to vector<1024x32xf32>
    %get3A_4 = arith.constant 1 : index
    %get3A_5 = arith.constant 0 : index
    %get3A_6 = arith.constant 0 : index
    %get3A_7 = vector.load %arg1[%get3A_4, %get3A_5, %get3A_6] : memref<2x1024x32xf32, #tpu.memory_space<vmem>>, vector<1x1024x32xf32>
    %get3A_8 = vector.shape_cast %get3A_7 : vector<1x1024x32xf32> to vector<1024x32xf32>
    %add3A = arith.addf %get3A_3, %get3A_8 : vector<1024x32xf32>
    %get3A_9 = arith.constant 0 : index
    %get3A_10 = arith.constant 0 : index
    %get3A_11 = vector.load %arg3[%get3A_9, %get3A_10] : memref<32x256xf32, #tpu.memory_space<vmem>>, vector<32x256xf32>
    %dot_general3A = arith.constant dense<0.000000e+00> : vector<1024x256xf32>
    %dot_general3A_12 = tpu.matmul %add3A, %get3A_11, %dot_general3A {dimension_numbers = #tpu.dot_dimension_numbers<[1], [0], [0], [1], [0, 0, 1, 1], [], []>, transpose_lhs_hint = false} : vector<1024x32xf32>, vector<32x256xf32>, vector<1024x256xf32> -> vector<1024x256xf32>
    %get3A_13 = arith.constant 0 : index
    %get3A_14 = arith.constant 0 : index
    %get3A_15 = vector.load %arg2[%get3A_13, %get3A_14] : memref<1024x256xf32, #tpu.memory_space<vmem>>, vector<1024x256xf32>
    %get3A_16 = arith.constant 0 : index
    %get3A_17 = arith.constant 0 : index
    %get3A_18 = vector.load %arg4[%get3A_16, %get3A_17] : memref<256x256xf32, #tpu.memory_space<vmem>>, vector<256x256xf32>
    %dot_general3A_19 = arith.constant dense<0.000000e+00> : vector<1024x256xf32>
    %dot_general3A_20 = tpu.matmul %get3A_15, %get3A_18, %dot_general3A_19 {dimension_numbers = #tpu.dot_dimension_numbers<[1], [0], [0], [1], [0, 0, 1, 1], [], []>, transpose_lhs_hint = false} : vector<1024x256xf32>, vector<256x256xf32>, vector<1024x256xf32> -> vector<1024x256xf32>
    %add3A_21 = arith.addf %dot_general3A_12, %dot_general3A_20 : vector<1024x256xf32>
    %get3A_22 = arith.constant 0 : index
    %get3A_23 = arith.constant 0 : index
    %get3A_24 = vector.load %arg5[%get3A_22, %get3A_23] : memref<1x256xf32, #tpu.memory_space<vmem>>, vector<1x256xf32>
    %add3A_25 = vector.broadcast %get3A_24 : vector<1x256xf32> to vector<1024x256xf32>
    %add3A_26 = arith.addf %add3A_21, %add3A_25 : vector<1024x256xf32>
    %max3A = arith.constant 0.000000e+00 : f32
    %max3A_27 = vector.broadcast %max3A : f32 to vector<1024x256xf32>
    %max3A_28 = arith.maximumf %add3A_26, %max3A_27 : vector<1024x256xf32>
    %get3A_29 = arith.constant 0 : index
    %get3A_30 = arith.constant 0 : index
    %get3A_31 = vector.load %arg6[%get3A_29, %get3A_30] : memref<256x256xf32, #tpu.memory_space<vmem>>, vector<256x256xf32>
    %dot_general3A_32 = arith.constant dense<0.000000e+00> : vector<1024x256xf32>
    %dot_general3A_33 = tpu.matmul %max3A_28, %get3A_31, %dot_general3A_32 {dimension_numbers = #tpu.dot_dimension_numbers<[1], [0], [0], [1], [0, 0, 1, 1], [], []>, transpose_lhs_hint = false} : vector<1024x256xf32>, vector<256x256xf32>, vector<1024x256xf32> -> vector<1024x256xf32>
    %get3A_34 = arith.constant 0 : index
    %get3A_35 = arith.constant 0 : index
    %get3A_36 = vector.load %arg7[%get3A_34, %get3A_35] : memref<1x256xf32, #tpu.memory_space<vmem>>, vector<1x256xf32>
    %add3A_37 = vector.broadcast %get3A_36 : vector<1x256xf32> to vector<1024x256xf32>
    %add3A_38 = arith.addf %dot_general3A_33, %add3A_37 : vector<1024x256xf32>
    %get3A_39 = arith.constant 0 : index
    %get3A_40 = arith.constant 0 : index
    %get3A_41 = vector.load %arg8[%get3A_39, %get3A_40] : memref<256x512xf32, #tpu.memory_space<vmem>>, vector<256x512xf32>
    %dot_general3A_42 = arith.constant dense<0.000000e+00> : vector<1024x512xf32>
    %dot_general3A_43 = tpu.matmul %add3A_38, %get3A_41, %dot_general3A_42 {dimension_numbers = #tpu.dot_dimension_numbers<[1], [0], [0], [1], [0, 0, 1, 1], [], []>, transpose_lhs_hint = false} : vector<1024x256xf32>, vector<256x512xf32>, vector<1024x512xf32> -> vector<1024x512xf32>
    %get3A_44 = arith.constant 0 : index
    %get3A_45 = arith.constant 0 : index
    %get3A_46 = vector.load %arg9[%get3A_44, %get3A_45] : memref<1x512xf32, #tpu.memory_space<vmem>>, vector<1x512xf32>
    %add3A_47 = vector.broadcast %get3A_46 : vector<1x512xf32> to vector<1024x512xf32>
    %add3A_48 = arith.addf %dot_general3A_43, %add3A_47 : vector<1024x512xf32>
    %swap3A = arith.constant 0 : index
    %swap3A_49 = arith.constant 0 : index
    %swap3A_50 = vector.load %arg10[%swap3A, %swap3A_49] : memref<1024x512xf32, #tpu.memory_space<vmem>>, vector<1024x512xf32>
    tpu.vector_store %arg10[%swap3A, %swap3A_49], %add3A_48 {strides = array<i32>} : memref<1024x512xf32, #tpu.memory_space<vmem>>, vector<1024x512xf32>,
    return
  }
  func.func @transform_0(%arg0: i32) -> (i32, i32, i32) {
    %c0_i32 = arith.constant 0 : i32
    %c0_i32_0 = arith.constant 0 : i32
    %c0_i32_1 = arith.constant 0 : i32
    return %c0_i32, %arg0, %c0_i32_0 : i32, i32, i32
  }
  func.func @transform_1(%arg0: i32) -> (i32, i32) {
    %c0_i32 = arith.constant 0 : i32
    %c0_i32_0 = arith.constant 0 : i32
    return %arg0, %c0_i32 : i32, i32
  }
  func.func @transform_2(%arg0: i32) -> (i32, i32) {
    %c0_i32 = arith.constant 0 : i32
    %c0_i32_0 = arith.constant 0 : i32
    %c0_i32_1 = arith.constant 0 : i32
    return %c0_i32, %c0_i32_0 : i32, i32
  }
  func.func @transform_3(%arg0: i32) -> (i32, i32) {
    %c0_i32 = arith.constant 0 : i32
    %c0_i32_0 = arith.constant 0 : i32
    %c0_i32_1 = arith.constant 0 : i32
    return %c0_i32, %c0_i32_0 : i32, i32
  }
  func.func @transform_4(%arg0: i32) -> (i32, i32) {
    %c0_i32 = arith.constant 0 : i32
    %c0_i32_0 = arith.constant 0 : i32
    %c0_i32_1 = arith.constant 0 : i32
    return %c0_i32, %c0_i32_0 : i32, i32
  }
  func.func @transform_5(%arg0: i32) -> (i32, i32) {
    %c0_i32 = arith.constant 0 : i32
    %c0_i32_0 = arith.constant 0 : i32
    %c0_i32_1 = arith.constant 0 : i32
    return %c0_i32, %c0_i32_0 : i32, i32
  }
  func.func @transform_6(%arg0: i32) -> (i32, i32) {
    %c0_i32 = arith.constant 0 : i32
    %c0_i32_0 = arith.constant 0 : i32
    %c0_i32_1 = arith.constant 0 : i32
    return %c0_i32, %c0_i32_0 : i32, i32
  }
  func.func @transform_7(%arg0: i32) -> (i32, i32) {
    %c0_i32 = arith.constant 0 : i32
    %c0_i32_0 = arith.constant 0 : i32
    %c0_i32_1 = arith.constant 0 : i32
    return %c0_i32, %c0_i32_0 : i32, i32
  }
  func.func @transform_8(%arg0: i32) -> (i32, i32) {
    %c0_i32 = arith.constant 0 : i32
    %c0_i32_0 = arith.constant 0 : i32
    %c0_i32_1 = arith.constant 0 : i32
    return %c0_i32, %c0_i32_0 : i32, i32
  }
  func.func @transform_9(%arg0: i32) -> (i32, i32) {
    %c0_i32 = arith.constant 0 : i32
    %c0_i32_0 = arith.constant 0 : i32
    return %arg0, %c0_i32 : i32, i32
  }
}

</mosaic_0001>

<sc_bundles>
// kernel: kernel.10.cloned.1.call-start
scs
__scs_entry_jumppad:
0x0: {  	(pc) =	sbr.rel $0x88, $3  }
0x1: {  	(tag) =	ssettag $0x0;
	lr =	simm.s32 $0x1  }
0x2: {  	[smem:$0x3F8E] =	sst lr;
	_ =	strace $0xD0000000  }
0x3: {  	_ = 	snop  }
0x4: {  	_ = 	snop  }
0x5: {  	_ = 	snop  }
0x6: {  	_ = 	snop  }
0x7: {  	_ = 	snop  }
__scs_overlays_trampoline_lowered:
0x8: {  	[smem:$0x3F9D] =	sst s0  }
0x9: {  	[smem:$0x3F9E] =	sst s1  }
0xa: {  	[smem:$0x3F9F] =	sst s2  }
0xb: {  	[smem:$0x3FA0] =	sst s3  }
0xc: {  	[smem:$0x3FA1] =	sst s4  }
0xd: {  	[smem:$0x3FA2] =	sst s5  }
0xe: {  	[smem:$0x3FA3] =	sst s6  }
0xf: {  	[smem:$0x3FA4] =	sst s7  }
0x10: {  	[smem:$0x3FA5] =	sst s8  }
0x11: {  	[smem:$0x3FA6] =	sst s9;
	s0 =	simm.s32 @!p0 $0x0  }
0x12: {  	s1 =	sld [smem:$0x3F8C];
	s0 =	simm.s32 @p0 $0x1  }
0x13: {  	[smem:$0x3FA7] =	sst s0;
	s0 =	simm.s32 @!p1 $0x0  }
0x14: {  	s2 =	sld [smem:$0x3F8B];
	s0 =	simm.s32 @p1 $0x1  }
0x15: {  	[smem:$0x3FA8] =	sst s0;
	s0 =	simm.s32 @!p2 $0x0  }
0x16: {  	s3 =	sld [smem:$0x3FDB];
	s0 =	simm.s32 @p2 $0x1  }
0x17: {  	s4 =	simm.s32 $0x1BF5;
	[smem:$0x3FAA] =	sst s0  }
0x18: {  	s0 =	sld [smem:$0x3F8D];
	_ =	swait.ge [sflag:s4], $0x0  }
0x19: {  	s7 =	sld [smem:$0x3F8E]  }
0x1a: {  	s8 =	sadd.s32 $0xFFFFE003, lr  }
0x1b: {  	s9 =	sadd.s32 $0xFFFFFEF7, lr;
	s5 =	simm.s32 $0xFFFFFFFF;
	p2 =	slt.u32 s8, $0xFFFFF086  }
0x1c: {  	p1 =	slt.u32 s9, $0xF7A;
	s5 =	simm.s32 @!p2 $0x0  }
0x1d: {  	s5 =	simm.s32 @p1 $0x1;
	p0 =	seq.s32 s7, s2  }
0x1e: {  	s7 =	smul.u32 @!p0 $0xF7A, s2;
	p2 =	seq.s32 @!p0 s5, $0x0  }
0x1f: {  	s9 =	smul.u32 $0xF7A, s1;
	s8 =	simm.s32 @!p0 $0x1BF5;
	p2 =	por !p2, p0  }
0x20: {  	[sflag:s8] =	ssyncset.s32 @!p0 $0xFFFFF086;
	s6 =	sadd.s32 @!p0 s3, s7;
	s7 =	simm.s32 @!p0 $0x108  }
0x21: {  	s3 =	sadd.s32 s3, s9;
	s6 =	sadd.s32 @!p0 $0x88, s6;
	s7 =	simm.s32 @p2 $0x1082  }
0x22: {  	[simem:s7], [sflag:s8] =	dma.local @!p0 [hbm:s6], $0xF7A  }
0x23: {  	s9 =	sor.u32 $0xD0000000, s2;
	s6 =	simm.s32 $0x108;
	_ =	swait.ge @!p0 [sflag:s8], $0x0  }
0x24: {  	s3 =	sadd.s32 $0x88, s3;
	s6 =	simm.s32 @!p1 $0x1082;
	[sflag:s4] =	ssyncset.s32 $0xFFFFF086  }
0x25: {  	[simem:s6], [sflag:s4] =	dma.local [hbm:s3], $0xF7A  }
0x26: {  	[smem:$0x3F8E] =	sst s1;
	(tag) =	ssettag s2;
	_ =	strace s9  }
0x27: {  	s1 =	sld [smem:$0x3F9E]  }
0x28: {  	s2 =	sld [smem:$0x3F9F]  }
0x29: {  	s4 =	sld [smem:$0x3FA1]  }
0x2a: {  	p0 =	seq.s32 s5, $0x0;
	s5 =	sld [smem:$0x3FA2]  }
0x2b: {  	s6 =	sld [smem:$0x3FA3]  }
0x2c: {  	s7 =	sld [smem:$0x3FA4]  }
0x2d: {  	s3 =	simm.s32 $0x108;
	s8 =	sld [smem:$0x3FA5]  }
0x2e: {  	s3 =	simm.s32 @!p0 $0x1082;
	s9 =	sld [smem:$0x3FA6]  }
0x2f: {  	lr =	sadd.s32 s0, s3;
	s0 =	sld [smem:$0x3F9D]  }
0x30: {  	s3 =	sld [smem:$0x3FA0]  }
0x31: {  	[smem:$0x3FA9] =	sst s10  }
0x32: {  	s10 =	sld [smem:$0x3FA7];
	_ =	sdelay $0x3  }
0x33: {  	p0 =	seq.s32 s10, $0x1;
	s10 =	sld [smem:$0x3FA9];
	_ =	sdelay $0x3  }
0x34: {  	[smem:$0x3FA9] =	sst s10  }
0x35: {  	s10 =	sld [smem:$0x3FA8];
	_ =	sdelay $0x3  }
0x36: {  	p1 =	seq.s32 s10, $0x1;
	s10 =	sld [smem:$0x3FA9];
	_ =	sdelay $0x3  }
0x37: {  	[smem:$0x3FA9] =	sst s10  }
0x38: {  	s10 =	sld [smem:$0x3FAA]  }
0x39: {  	_ = 	snop;
	(pc) =	sbr.ind lr, $3  }
0x3a: {  	_ = 	snop  }
0x3b: {  	_ = 	snop  }
0x3c: {  	p2 =	seq.s32 s10, $0x1;
	s10 =	sld [smem:$0x3FA9]  }
0x3d: {  	_ =	shalt  }
0x3e: {  	_ =	shalt  }
0x3f: {  	_ =	shalt  }
0x40: {  	_ =	shalt  }
0x41: {  	_ =	shalt  }
0x42: {  	_ =	shalt  }
0x43: {  	_ =	shalt  }
0x44: {  	_ =	shalt  }
0x45: {  	_ =	shalt  }
0x46: {  	_ =	shalt  }
0x47: {  	_ =	shalt  }
0x48: {  	_ =	shalt  }
0x49: {  	_ =	shalt  }
0x4a: {  	_ =	shalt  }
0x4b: {  	_ =	shalt  }
0x4c: {  	_ =	shalt  }
0x4d: {  	_ =	shalt  }
0x4e: {  	_ =	shalt  }
0x4f: {  	_ =	shalt  }
0x50: {  	_ =	shalt  }
0x51: {  	_ =	shalt  }
0x52: {  	_ =	shalt  }
0x53: {  	_ =	shalt  }
0x54: {  	_ =	shalt  }
0x55: {  	_ =	shalt  }
0x56: {  	_ =	shalt  }
0x57: {  	_ =	shalt  }
0x58: {  	_ =	shalt  }
0x59: {  	_ =	shalt  }
0x5a: {  	_ =	shalt  }
0x5b: {  	_ =	shalt  }
0x5c: {  	_ =	shalt  }
0x5d: {  	_ =	shalt  }
0x5e: {  	_ =	shalt  }
0x5f: {  	_ =	shalt  }
0x60: {  	_ =	shalt  }
0x61: {  	_ =	shalt  }
0x62: {  	_ =	shalt  }
0x63: {  	_ =	shalt  }
0x64: {  	_ =	shalt  }
0x65: {  	_ =	shalt  }
0x66: {  	_ =	shalt  }
0x67: {  	_ =	shalt  }
0x68: {  	_ =	shalt  }
0x69: {  	_ =	shalt  }
0x6a: {  	_ =	shalt  }
0x6b: {  	_ =	shalt  }
0x6c: {  	_ =	shalt  }
0x6d: {  	_ =	shalt  }
0x6e: {  	_ =	shalt  }
0x6f: {  	_ =	shalt  }
0x70: {  	_ =	shalt  }
0x71: {  	_ =	shalt  }
0x72: {  	_ =	shalt  }
0x73: {  	_ =	shalt  }
0x74: {  	_ =	shalt  }
0x75: {  	_ =	shalt  }
0x76: {  	_ =	shalt  }
0x77: {  	_ =	shalt  }
0x78: {  	_ =	shalt  }
0x79: {  	_ =	shalt  }
0x7a: {  	_ =	shalt  }
0x7b: {  	_ =	shalt  }
0x7c: {  	_ =	shalt  }
0x7d: {  	_ =	shalt  }
0x7e: {  	_ =	shalt  }
0x7f: {  	_ =	shalt  }
0x80: {  	_ =	shalt  }
0x81: {  	_ =	shalt  }
0x82: {  	_ =	shalt  }
0x83: {  	_ =	shalt  }
0x84: {  	_ =	shalt  }
0x85: {  	_ =	shalt  }
0x86: {  	_ =	shalt  }
0x87: {  	_ =	shalt  }
.Lfunc_end0:
.L_simem_size_0:
called_computation.3_lowered:
.L_overlay_start_0:
0x88: {  	s2 =	sld [smem:$0x3FD9]  }
0x89: {  	s3 =	sld [smem:$0x3FFE];
	_ =	sdelay $0x1  }
0x8a: {  	s1 =	srdreg.scid  }
0x8b: {  	s0 =	sand.u32 $0x1, s1  }
0x8c: {  	s14 =	sshll.u32 s0, $0xA;
	s2 =	sadd.s32 s3, s2  }
0x8d: {  	s2 =	sadd.s32 s2, s14  }
0x8e: {  	[smem:$0x3FB5] =	sst s2  }
0x8f: {  	_ = 	snop  }
0x90: {  	s2 =	sld [smem:$0x3FD0];
	_ =	sdelay $0x2  }
0x91: {  	s15 =	simm.s32 $0xA;
	s4 =	simm.s32 $0x10  }
0x92: {  	[smem:s4], [sflag:s15] =	dma.local [hbm:s2], $0x1  }
0x93: {  	_ =	swait.eq [sflag:s15], $0x1  }
0x94: {  	[sflag:s15] =	ssyncset.done $0x0  }
0x95: {  	s16 =	sld [smem:$0x10];
	[sflag:s15] =	ssyncadd.s32 $0xFFFFFFFF  }
0x96: {  	s17 =	sld [smem:$0x11];
	(tm) =	ssettm $0x1  }
0x97: {  	s18 =	sld [smem:$0x3FFB];
	_ =	sdelay $0x3  }
0x98: {  	_ =	strace s18  }
0x99: {  	s4 =	sld [smem:$0x3FFC];
	_ =	sdelay $0x3  }
0x9a: {  	_ =	strace s4  }
0x9b: {  	s4 =	sld [smem:$0x3FFD];
	_ =	sdelay $0x3  }
0x9c: {  	_ =	strace s4  }
0x9d: {  	_ =	strace $0x8FFFFFFF  }
0x9e: {  	s19 =	sld [smem:$0x3FDB];
	_ =	sdelay $0x1  }
0x9f: {  	s5 =	simm.s32 $_scs_section_size  }
0xa0: {  	s6 =	simm.s32 $_size__tile_overlayer_lowered;
	s7 =	simm.s32 $_tile_overlayer_lowered  }
0xa1: {  	s22 =	simm.s32 $0x1BFF;
	s21 =	sshll.u32 s7, $0x1;
	s4 =	sadd.s32 s5, s19  }
0xa2: {  	s8 =	simm.s32 $0x0;
	s20 =	sshll.u32 s6, $0x1;
	s6 =	sadd.s32 s21, s4  }
0xa3: {  	[timem:s8], [sflag:s22] =	dma.local [hbm:s6], s20  }
0xa4: {  	_ =	swait.ge [sflag:s22], s20  }
0xa5: {  	s5 =	ssub.s32 $0x0, s20;
	[sflag:s22] =	ssyncset.done $0x0  }
0xa6: {  	[sflag:s22] =	ssyncadd.s32 s5;
	_ =	sdelay $0x1  }
0xa7: {  	s23 =	simm.s32 $0x1B8B  }
0xa8: {  	_ =	swait.ge [sflag:s23], $0x1  }
0xa9: {  	[sflag:s23] =	ssyncset.done $0x0  }
0xaa: {  	s25 =	simm.s32 $0x1B8E;
	s24 =	sld [smem:$0x3FFE];
	[sflag:s23] =	ssyncadd.s32 $0xFFFFFFFF  }
0xab: {  	s26 =	simm.s32 $execute0_lowered;
	[smem:$0x3FD2] =	sst s25  }
0xac: {  	s6 =	sshll.u32 s26, $0x1;
	_ =	strace $0x8000004F;
	[dreg:$0x1] =	wrdreg $0xFFFFFFFF  }
0xad: {  	s28 =	simm.s32 $_size_execute0_lowered;
	s4 =	sadd.s32 s4, s6;
	[dreg:$0x0] =	wrdreg $0x0  }
0xae: {  	s6 =	sshll.u32 s28, $0x1;
	[dreg:$0x2] =	wrdreg s4  }
0xaf: {  	[dreg:$0x3] =	wrdreg s6  }
0xb0: {  	[dreg:$0x4] =	wrdreg $0xC0  }
0xb1: {  	_ =	task [dreg:s8], $0x5FFFF  }
0xb2: {  	[dreg:$0x1] =	wrdreg $0xFFFFFFFF  }
0xb3: {  	[dreg:$0x0] =	wrdreg $0x60  }
0xb4: {  	[dreg:$0x2] =	wrdreg s24  }
0xb5: {  	[dreg:$0x3] =	wrdreg s16  }
0xb6: {  	[dreg:$0x4] =	wrdreg s17  }
0xb7: {  	[dreg:$0x5] =	wrdreg $0x18F800  }
0xb8: {  	[dreg:$0x6] =	wrdreg $0x9  }
0xb9: {  	_ =	task.clear_ibuf [dreg:s8], $0x7FFFF;
	_ =	strace $0x9000004F  }
0xba: {  	s29 =	simm.s32 $0x9;
	_ =	strace $0x80000051  }
0xbb: {  	_ =	swait.ge [sflag:s29], $0x1  }
0xbc: {  	[sflag:s29] =	ssyncadd.s32 $0xFFFFFFFF  }
0xbd: {  	_ =	strace $0x90000051  }
0xbe: {  	_ =	sfence  }
0xbf: {  	s30 =	sld [smem:$0x0];
	_ =	sdelay $0x2  }
0xc0: {  	s31 =	sshll.u32 s1, $0xD;
	s1 =	sshrl.u32 s1, $0x2  }
0xc1: {  	s3 =	sand.u32 $0x4000, s31;
	s1 =	sadd.s32 s1, s30  }
0xc2: {  	s0 =	sor.u32 s3, s0;
	s1 =	sshll.u32 s1, $0x11  }
0xc3: {  	s0 =	sor.u32 s1, s0  }
0xc4: {  	s0 =	sadd.s32 $0x8F2B, s0  }
0xc5: {  	[sflag:s0] =	ssyncadd.remote.s32 $0x1  }
0xc6: {  	_ =	sfence.sel $0xFFFF  }
0xc7: {  	[dreg:$0x0] =	wrdreg $0xFFFFFFFF;
	(pc) =	sbr.abs _section_cstart, $3  }
0xc8: {  	[dreg:$0x1] =	wrdreg $0xFFFFFFFF  }
0xc9: {  	_ =	task.clear_ibuf [dreg:s8], $0x2FFFF;
	_ =	strace $0x9FFFFFFF  }
0xca: {  	(tm) =	ssettm $0x7FFFFFFF  }
0xcb: {  	_ =	shalt  }
tec
execute0_lowered:
.L_overlay_start_1:
0x0: {  	(tag) =	ssettag $0x1  }
0x1: {  	s0 =	rddreg [dreg:$0x0]  }
0x2: {  	s1 =	rddreg [dreg:$0x1];
	s2 =	srdreg.scid  }
0x3: {  	s7 =	rddreg [dreg:$0x2];
	s11 =	stileid.u32;
	s3 =	simm.s32 $0x0  }
0x4: {  	s15 =	simm.s32 $0x13B80;
	s16 =	simm.s32 $0x7;
	s18 =	simm.s32 $0x13F80  }
0x5: {  	s19 =	simm.s32 $0x2780;
	s20 =	simm.s32 $0x20;
	s21 =	simm.s32 $0x3780  }
0x6: {  	v0 =	vlaneseq.u32;
	s28 =	simm.s32 $0x4;
	s29 =	simm.s32 $0x5;
	s30 =	simm.s32 $0x6  }
0x7: {  	s31 =	simm.s32 $0x0;
	s8 =	sand.u32 $0x1, s2;
	s10 =	smul.u32 $0xA00, s11;
	v1 =	vmul.u32 $0x20, v0  }
0x8: {  	s4 =	sshll.u32 s8, $0x4;
	s13 =	ssub.s32 $0x2, s8;
	s8 =	smul.u32 $0xA000, s8  }
0x9: {  	[smem:$0x7FF] =	sst s3;
	s6 =	sor.u32 s11, s4;
	s11 =	smul.u32 $0x14000, s11;
	v2 =	vor.u32 $0x14, v1  }
0xa: {  	s2 =	rddreg [dreg:$0x3];
	_ =	strace $0x80000050;
	v3 =	vor.u32 $0x15, v1;
	s4 =	smul.u32 $0x13C0, s6;
	[tilespmem:$0x1FF60] =	vst v2  }
0xb: {  	s5 =	sadd.s32 $0x415400, s0;
	s22 =	sshrl.u32 s13, $0x1;
	s14 =	smul.u32 $0x9E00, s6;
	[tilespmem:$0x1FF70] =	vst v3;
	v3 =	vor.u32 $0x16, v1  }
0xc: {  	v12 =	vor.u32 $0x1E, v1;
	s6 =	sadd.s32 $0x2D4400, s0;
	s8 =	sadd.s32 s10, s8;
	s24 =	sshrl.u32 s11, $0x2;
	[tilespmem:$0x1FF80] =	vst v3;
	v3 =	vor.u32 $0x17, v1  }
0xd: {  	v13 =	vor.u32 $0x1F, v1;
	v14 =	vor.u32 $0x214, v1;
	s26 =	sadd.s32 s7, s8;
	s9 =	sshrl.u32 s4, $0x3;
	[tilespmem:$0x1FF90] =	vst v3;
	s10 =	sadd.s32 s24, s2;
	v3 =	vor.u32 $0x18, v1  }
0xe: {  	v15 =	vor.u32 $0x215, v1;
	v16 =	vor.u32 $0x216, v1;
	[dreg:$0x8] =	wrdreg s26;
	s24 =	simm.s32 $0x1;
	s26 =	simm.s32 $0x2;
	[tilespmem:$0x1FFA0] =	vst v3;
	v3 =	vor.u32 $0x19, v1  }
.Ltmp0:
0xf: {  	v17 =	vor.u32 $0x217, v1;
	v18 =	vor.u32 $0x218, v1;
	s12 =	sadd.s32 s9, s0;
	s0 =	ssub.s32 s13, s22;
	[tilespmem:$0x1FFB0] =	vst v3;
	v3 =	vor.u32 $0x1A, v1;
	(pc) =	sbr.rel .LBB2_1-.Ltmp0, $4  }
0x10: {  	v19 =	vor.u32 $0x219, v1;
	v20 =	vor.u32 $0x21A, v1;
	s1 =	sadd.s32 s1, s9;
	s9 =	sadd.s32 s6, s14;
	s14 =	simm.s32 $0x13780;
	[tilespmem:$0x1FFC0] =	vst v3;
	v3 =	vor.u32 $0x1B, v1  }
0x11: {  	v26 =	vimm.s32 $0x0;
	v21 =	vor.u32 $0x21B, v1;
	s22 =	simm.s32 $0x2F80;
	[dreg:$0x5] =	wrdreg s1;
	s23 =	sadd.s32 $0x410400, s12;
	[tilespmem:$0x1FFD0] =	vst v3;
	v3 =	vor.u32 $0x1C, v1  }
0x12: {  	v22 =	vor.u32 $0x21C, v1;
	v23 =	vor.u32 $0x21D, v1;
	s25 =	sadd.s32 $0x100, s9;
	s13 =	smax.u32 s0, $0x1;
	[dreg:$0x6] =	wrdreg s23;
	[tilespmem:$0x1FFE0] =	vst v3;
	v3 =	vor.u32 $0x1D, v1  }
0x13: {  	v24 =	vor.u32 $0x21E, v1;
	v25 =	vor.u32 $0x21F, v1;
	v2 =	vimm.f32 $0.0e+00;
	[dreg:$0x7] =	wrdreg s25;
	s23 =	simm.s32 $0xB780;
	s25 =	simm.s32 $0x3;
	[tilespmem:$0x1FFF0] =	vst v3  }
.LBB2_14:
0x14: {  	_ =	swait.ge [sflag:s29], $0x400  }
0x15: {  	[sflag:s29] =	ssyncset.done $0x0  }
0x16: {  	[sflag:s29] =	ssyncadd.s32 $0xFFFFFC00  }
0x17: {  	_ =	swait.ge [sflag:s30], $0x400  }
0x18: {  	s0 =	stileid.u32;
	[sflag:s30] =	ssyncset.done $0x0  }
0x19: {  	s1 =	sshrl.u32 s10, $0x3;
	s31 =	sadd.s32 $0x1, s31;
	[sflag:s30] =	ssyncadd.s32 $0xFFFFFC00  }
0x1a: {  	s0 =	sshll.u32 s0, $0x6;
	p0 =	sne.s32 s31, s13;
	[bflag:$0x0] =	sbarrier.arrive $0xFFFF  }
.Ltmp1:
0x1b: {  	s0 =	sor.u32 $0x1C07, s0;
	s7 =	rddreg [dreg:$0x8];
	(pc) =	sbr.rel @!p0 .LBB2_15-.Ltmp1, $4  }
0x1c: {  	[hbm:s7], [sflag:s0] =	dma.local [spmem:s1], $0xA00  }
0x1d: {  	_ =	swait.ge [sflag:s16], $0xA00  }
0x1e: {  	[sflag:s16] =	ssyncset.done $0x0  }
0x1f: {  	[sflag:s16] =	ssyncadd.s32 $0xFFFFF600  }
.LBB2_1:
0x20: {  	v1 =	vld [tilespmem:$0x1FF60]  }
0x21: {  	v3 =	vld [tilespmem:$0x1FF70]  }
0x22: {  	v4 =	vld [tilespmem:$0x1FF80]  }
0x23: {  	v5 =	vld [tilespmem:$0x1FF90]  }
0x24: {  	v6 =	vld [tilespmem:$0x1FFA0]  }
0x25: {  	v7 =	vld [tilespmem:$0x1FFB0]  }
0x26: {  	v8 =	vld [tilespmem:$0x1FFC0]  }
0x27: {  	v9 =	vld [tilespmem:$0x1FFD0]  }
0x28: {  	v10 =	vld [tilespmem:$0x1FFE0];
	[tilespmem:v1+s14+$0x0] =	vst.idx.msk $0xffff, v2  }
0x29: {  	v11 =	vld [tilespmem:$0x1FFF0];
	[tilespmem:v3+s14+$0x0] =	vst.idx.msk $0xffff, v2  }
0x2a: {  	[tilespmem:v4+s14+$0x0] =	vst.idx.msk $0xffff, v2  }
0x2b: {  	[tilespmem:v5+s14+$0x0] =	vst.idx.msk $0xffff, v2  }
0x2c: {  	[tilespmem:v6+s14+$0x0] =	vst.idx.msk $0xffff, v2  }
0x2d: {  	[tilespmem:v7+s14+$0x0] =	vst.idx.msk $0xffff, v2  }
0x2e: {  	[tilespmem:v8+s14+$0x0] =	vst.idx.msk $0xffff, v2  }
0x2f: {  	[tilespmem:v9+s14+$0x0] =	vst.idx.msk $0xffff, v2  }
0x30: {  	[tilespmem:v10+s14+$0x0] =	vst.idx.msk $0xffff, v2  }
0x31: {  	[tilespmem:v11+s14+$0x0] =	vst.idx.msk $0xffff, v2  }
0x32: {  	[tilespmem:v12+s14+$0x0] =	vst.idx.msk $0xffff, v2  }
0x33: {  	[tilespmem:v13+s14+$0x0] =	vst.idx.msk $0xffff, v2  }
0x34: {  	[tilespmem:v14+s14+$0x0] =	vst.idx.msk $0xffff, v2  }
0x35: {  	[tilespmem:v15+s14+$0x0] =	vst.idx.msk $0xffff, v2  }
0x36: {  	[tilespmem:v16+s14+$0x0] =	vst.idx.msk $0xffff, v2  }
0x37: {  	[tilespmem:v17+s14+$0x0] =	vst.idx.msk $0xffff, v2  }
0x38: {  	[tilespmem:v18+s14+$0x0] =	vst.idx.msk $0xffff, v2  }
0x39: {  	[tilespmem:v19+s14+$0x0] =	vst.idx.msk $0xffff, v2  }
0x3a: {  	[tilespmem:v20+s14+$0x0] =	vst.idx.msk $0xffff, v2  }
0x3b: {  	[tilespmem:v21+s14+$0x0] =	vst.idx.msk $0xffff, v2  }
0x3c: {  	[tilespmem:v22+s14+$0x0] =	vst.idx.msk $0xffff, v2  }
0x3d: {  	[tilespmem:v23+s14+$0x0] =	vst.idx.msk $0xffff, v2  }
0x3e: {  	[tilespmem:v24+s14+$0x0] =	vst.idx.msk $0xffff, v2  }
0x3f: {  	[tilespmem:v25+s14+$0x0] =	vst.idx.msk $0xffff, v2  }
0x40: {  	[tilespmem:v1+s15+$0x0] =	vst.idx.msk $0xffff, v2  }
0x41: {  	[tilespmem:v3+s15+$0x0] =	vst.idx.msk $0xffff, v2  }
0x42: {  	[tilespmem:v4+s15+$0x0] =	vst.idx.msk $0xffff, v2  }
0x43: {  	[tilespmem:v5+s15+$0x0] =	vst.idx.msk $0xffff, v2  }
0x44: {  	[tilespmem:v6+s15+$0x0] =	vst.idx.msk $0xffff, v2  }
0x45: {  	[tilespmem:v7+s15+$0x0] =	vst.idx.msk $0xffff, v2  }
0x46: {  	[tilespmem:v8+s15+$0x0] =	vst.idx.msk $0xffff, v2  }
0x47: {  	[tilespmem:v9+s15+$0x0] =	vst.idx.msk $0xffff, v2  }
0x48: {  	[tilespmem:v10+s15+$0x0] =	vst.idx.msk $0xffff, v2  }
0x49: {  	[tilespmem:v11+s15+$0x0] =	vst.idx.msk $0xffff, v2  }
0x4a: {  	[tilespmem:v12+s15+$0x0] =	vst.idx.msk $0xffff, v2  }
0x4b: {  	[tilespmem:v13+s15+$0x0] =	vst.idx.msk $0xffff, v2  }
0x4c: {  	[tilespmem:v14+s15+$0x0] =	vst.idx.msk $0xffff, v2  }
0x4d: {  	[tilespmem:v15+s15+$0x0] =	vst.idx.msk $0xffff, v2  }
0x4e: {  	[tilespmem:v16+s15+$0x0] =	vst.idx.msk $0xffff, v2  }
0x4f: {  	[tilespmem:v17+s15+$0x0] =	vst.idx.msk $0xffff, v2  }
0x50: {  	[tilespmem:v18+s15+$0x0] =	vst.idx.msk $0xffff, v2  }
0x51: {  	[tilespmem:v19+s15+$0x0] =	vst.idx.msk $0xffff, v2  }
0x52: {  	[tilespmem:v20+s15+$0x0] =	vst.idx.msk $0xffff, v2  }
0x53: {  	[tilespmem:v21+s15+$0x0] =	vst.idx.msk $0xffff, v2  }
0x54: {  	v1 =	vor.u32 s3, v0;
	[tilespmem:v22+s15+$0x0] =	vst.idx.msk $0xffff, v2  }
0x55: {  	v3 =	vmov s3;
	v4 =	vand.u32 $0x1F, v1;
	[tilespmem:v23+s15+$0x0] =	vst.idx.msk $0xffff, v2  }
0x56: {  	vm0 =	veq.s32 v3, v0;
	vm1 =	vne.s32 v4, $0x0;
	[tilespmem:v24+s15+$0x0] =	vst.idx.msk $0xffff, v2  }
0x57: {  	s0 =	rddreg [dreg:$0x5];
	vm0 =	vmand vm0, vm1;
	[tilespmem:v25+s15+$0x0] =	vst.idx.msk $0xffff, v2  }
0x58: {  	v3 =	vsel vm0, $0xFFFFFFFF, v26;
	[tilespmem:s3], [sflag:$0x7] =	stream.linear.gather [hbm4b:s0+s3], $0x13C0, $0x38;
	[tilespmem:$0x1DF80] =	vst v63  }
0x59: {  	v3 =	vshll.u32 v3, $0x5;
	s0 =	simm.s32 $0x10;
	_ =	swait.ge [sflag:s16], $0x13C0  }
0x5a: {  	v3 =	vadd.s32 s3, v3;
	v1 =	vor.u32 s0, v0;
	[sflag:s16] =	ssyncset.done $0x0  }
0x5b: {  	s7 =	simm.s32 $0x13C0;
	v3 =	vand.u32 $0xFFFFFFE0, v3;
	v27 =	vmov s0;
	v1 =	vand.u32 $0x1F, v1;
	s1 =	rddreg [dreg:$0x6];
	[sflag:s16] =	ssyncadd.s32 $0xFFFFEC40  }
0x5c: {  	v3 =	vor.u32 v4, v3;
	vm14 =	veq.s32 v27, v0;
	vm15 =	vne.s32 v1, $0x0;
	[tilespmem:s7], [sflag:$0x7] =	stream.linear.gather [hbm4b:s1+s3], $0x13C0, $0x38;
	[tilespmem:$0x1DF80] =	vst v63  }
0x5d: {  	vm0 =	vmand vm14, vm15;
	_ =	swait.ge [sflag:s16], $0x13C0  }
0x5e: {  	v27 =	vsel vm0, $0xFFFFFFFF, v26;
	[sflag:s16] =	ssyncset.done $0x0  }
0x5f: {  	s1 =	simm.s32 $0x20;
	v4 =	vshll.u32 v27, $0x5;
	[sflag:s16] =	ssyncadd.s32 $0xFFFFEC40  }
.LBB2_2:
0x60: {  	v27 =	vor.u32 s1, v0;
	p0 =	sne.s32 s1, $0x4FF0;
	v4 =	vadd.s32 s0, v4;
	s0 =	smov.u32 s1;
	s1 =	sadd.s32 $0x10, s1  }
.Ltmp2:
0x61: {  	v28 =	vmov s0;
	v27 =	vand.u32 $0x1F, v27;
	v4 =	vand.u32 $0xFFFFFFE0, v4;
	[tilespmem:v3+s18+$0x0] =	vst.idx.msk $0xffff, v2;
	(pc) =	sbr.rel @p0 .LBB2_2-.Ltmp2, $4  }
0x62: {  	vm0 =	veq.s32 v28, v0;
	vm1 =	vne.s32 v27, $0x0;
	v3 =	vor.u32 v1, v4;
	v1 =	vmovc v27  }
0x63: {  	vm0 =	vmand vm0, vm1  }
0x64: {  	v4 =	vsel vm0, $0xFFFFFFFF, v26  }
0x65: {  	v4 =	vshll.u32 v4, $0x5  }
0x66: {  	v4 =	vadd.s32 s0, v4  }
0x67: {  	v4 =	vand.u32 $0xFFFFFFE0, v4  }
0x68: {  	v1 =	vor.u32 v1, v4;
	_ =	sdelay $0x3  }
0x69: {  	[tilespmem:v3+s18+$0x0] =	vst.idx.msk $0xffff, v2  }
0x6a: {  	[tilespmem:v1+s18+$0x0] =	vst.idx.msk $0xffff, v2  }
0x6b: {  	[spmem:s10] =	stream.linear.scatter [tilespmem:s18], [sflag:$0x7], $0x5000, $0x38;
	[tilespmem:$0x1DF80] =	vst v63  }
0x6c: {  	_ =	swait.ge [sflag:s16], $0x5000  }
0x6d: {  	[sflag:s16] =	ssyncset.done $0x0  }
0x6e: {  	[sflag:s16] =	ssyncadd.s32 $0xFFFFB000  }
0x6f: {  	s0 =	simm.s32 $0x0;
	[bflag:$0x0] =	sbarrier.arrive $0xFFFF  }
0x70: {  	[tilespmem:s19], [sflag:$0x3] =	stream.linear.gather [hbm4b:s9+s0], $0x800, $0x38;
	[tilespmem:$0x1DF80] =	vst v63  }
0x71: {  	_ = 	snop  }
0x72: {  	[tilespmem:s21], [sflag:$0x1] =	stream.indirect.gather [hbm4b:s5+s20], $0x400, s0, s20, $0xb8;
	[tilespmem:$0x1DF80] =	vst v63  }
0x73: {  	s1 =	rddreg [dreg:$0x7]  }
0x74: {  	[tilespmem:s22], [sflag:$0x4] =	stream.linear.gather [hbm4b:s1+s0], $0x800, $0x38;
	[tilespmem:$0x1DF80] =	vst v63  }
0x75: {  	_ = 	snop  }
0x76: {  	[tilespmem:s23], [sflag:$0x2] =	stream.indirect.gather [hbm4b:s5+s20], $0x400, s20, s20, $0xb8;
	[tilespmem:$0x1DF80] =	vst v63  }
.LBB2_4:
0x77: {  	_ =	swait.ge [sflag:s24], $0x8000  }
0x78: {  	[sflag:s24] =	ssyncset.done $0x0  }
0x79: {  	[sflag:s24] =	ssyncadd.s32 $0xFFFF8000  }
0x7a: {  	_ =	swait.ge [sflag:s25], $0x800  }
0x7b: {  	p0 =	seq.s32 s0, $0x0;
	[sflag:s25] =	ssyncset.done $0x0  }
0x7c: {  	s1 =	simm.s32 @!p0 $0x5;
	[sflag:s25] =	ssyncadd.s32 $0xFFFFF800  }
0x7d: {  	_ =	swait.ge @!p0 [sflag:s1], $0x400  }
0x7e: {  	[sflag:s1] =	ssyncset.done @!p0 $0x0  }
0x7f: {  	s17 =	sshll.u32 s0, $0x6;
	[sflag:s1] =	ssyncadd.s32 @!p0 $0xFFFFFC00;
	s1 =	simm.s32 $0x0  }
.LBB2_5:
0x80: {  	s7 =	sshll.u32 s1, $0x2;
	v1 =	vlaneseq.u32;
	s12 =	sshllo.u32 s1, $0x2  }
0x81: {  	v27 =	vmov s7;
	v3 =	vadd.s32 $0x3D4, v1;
	v30 =	vmov s12  }
0x82: {  	s8 =	sor.u32 $0x1, s7;
	v36 =	vadd.s32 $0x3E4, v1;
	v54 =	vor.u32 $0x10, v1;
	v39 =	vshll.u32 v27, $0xA  }
0x83: {  	s7 =	sor.u32 $0x2, s7;
	v48 =	vand.u32 $0xFFFFFFF8, v1;
	v28 =	vmov s8;
	v4 =	vor.u32 v3, v39  }
0x84: {  	v29 =	vmov s7;
	v34 =	vshll.u32 v28, $0xA;
	v37 =	vor.u32 v36, v39  }
0x85: {  	v49 =	vand.u32 $0x7, v1;
	v32 =	vshll.u32 v29, $0xA;
	v33 =	vor.u32 v3, v34  }
0x86: {  	v31 =	vshll.u32 v30, $0xA;
	v44 =	vshll.u32 v30, $0x6;
	v35 =	vor.u32 v3, v32  }
0x87: {  	v51 =	vand.u32 $0xFFFFFFF8, v54;
	v52 =	vand.u32 $0x7, v54;
	v41 =	vor.u32 v36, v31  }
0x88: {  	v50 =	vshll.u32 v27, $0x6;
	v43 =	vadd.s32 v31, v48;
	v3 =	vor.u32 v3, v31;
	v42 =	vld.idx.msk [tilespmem:v4+s21+$0x0], $0xffff  }
0x89: {  	v46 =	vadd.s32 v31, v51;
	v45 =	vor.u32 v49, v43;
	v4 =	vimm.s32 $0x0;
	v43 =	vld.idx.msk [tilespmem:v37+s21+$0x0], $0xffff  }
0x8a: {  	v8 =	vadd.s32 v39, v48;
	v55 =	vor.u32 v52, v46;
	v38 =	vld.idx.msk [tilespmem:v33+s21+$0x0], $0xffff;
	v47 =	vand.u32 $0xFFFFFFF8, v4  }
0x8b: {  	v37 =	vor.u32 v49, v8;
	v33 =	vld.idx.msk [tilespmem:v35+s21+$0x0], $0xffff;
	v35 =	vand.u32 $0x7, v4;
	v7 =	vadd.s32 v44, v47  }
0x8c: {  	v56 =	vld.idx.msk [tilespmem:v41+s21+$0x0], $0xffff;
	v9 =	vadd.s32 v50, v47;
	v53 =	vor.u32 v35, v7  }
0x8d: {  	v10 =	vadd.s32 v39, v51;
	v40 =	vor.u32 v36, v34;
	v3 =	vld.idx.msk [tilespmem:v3+s21+$0x0], $0xffff;
	v57 =	vor.u32 v35, v9  }
0x8e: {  	v46 =	vshll.u32 v28, $0x6;
	v58 =	vor.u32 v52, v10;
	v36 =	vor.u32 v36, v32;
	v59 =	vld.idx.msk [tilespmem:v45+s21+$0x0], $0xffff  }
0x8f: {  	v60 =	vadd.s32 v34, v51;
	v6 =	vadd.s32 v32, v51;
	v41 =	vshll.u32 v29, $0x6;
	v62 =	vld.idx.msk [tilespmem:v55+s21+$0x0], $0xffff  }
0x90: {  	v51 =	vor.u32 v52, v60;
	v11 =	vadd.s32 v46, v47;
	v47 =	vadd.s32 v41, v47;
	v60 =	vld.idx.msk [tilespmem:v37+s21+$0x0], $0xffff  }
0x91: {  	v55 =	vadd.s32 $0x14, v1;
	v1 =	vor.u32 v35, v47;
	v53 =	vld.idx.msk [tilespmem:v53+s19+$0x0], $0xffff  }
0x92: {  	v5 =	vld.idx.msk [tilespmem:v57+s19+$0x0], $0xffff  }
0x93: {  	v63 =	vor.u32 v52, v6;
	v8 =	vadd.s32 v32, v48;
	v58 =	vld.idx.msk [tilespmem:v58+s21+$0x0], $0xffff;
	v45 =	vand.u32 $0x7, v55  }
0x94: {  	v40 =	vld.idx.msk [tilespmem:v40+s21+$0x0], $0xffff;
	v61 =	vor.u32 v35, v11;
	v47 =	vand.u32 $0xFFFFFFF8, v55;
	v7 =	vadd.s32 v34, v48  }
0x95: {  	v35 =	vadd.s32 v39, v47;
	v6 =	vor.u32 v49, v7;
	v10 =	vadd.s32 v31, v47;
	v37 =	vld.idx.msk [tilespmem:v36+s21+$0x0], $0xffff  }
0x96: {  	v57 =	vor.u32 v49, v8;
	v49 =	vor.u32 v45, v10;
	v48 =	vld.idx.msk [tilespmem:v1+s19+$0x0], $0xffff;
	v9 =	vmul.f32 v59, v53  }
0x97: {  	v11 =	vmul.f32 v62, v53;
	v53 =	vld.idx.msk [tilespmem:v51+s21+$0x0], $0xffff;
	v62 =	vor.u32 v45, v35;
	v1 =	vmul.f32 v60, v5  }
0x98: {  	v59 =	vadd.s32 $0x1, v4;
	v51 =	vld.idx.msk [tilespmem:v63+s21+$0x0], $0xffff;
	v63 =	vmul.f32 v58, v5;
	v58 =	vadd.s32 $0x14, v54  }
0x99: {  	v52 =	vld.idx.msk [tilespmem:v61+s19+$0x0], $0xffff;
	v61 =	vand.u32 $0xFFFFFFF8, v59;
	v54 =	vand.u32 $0xFFFFFFF8, v58;
	v36 =	vadd.f32 v9, v3  }
0x9a: {  	s7 =	simm.s32 $0x2F;
	v35 =	vadd.f32 v11, v56;
	v56 =	vand.u32 $0x7, v59;
	v60 =	vadd.s32 v44, v61;
	v3 =	vld.idx.msk [tilespmem:v6+s21+$0x0], $0xffff  }
.LBB2_6:
0x9b: {  	p1 =	sne.s32 s7, $0x1;
	v4 =	vand.u32 $0x7, v58;
	v5 =	vor.u32 v56, v60;
	v6 =	vadd.s32 v31, v54;
	v57 =	vld.idx.msk [tilespmem:v57+s21+$0x0], $0xffff  }
0x9c: {  	v60 =	vadd.s32 v50, v61;
	v7 =	vadd.s32 v39, v54;
	v6 =	vor.u32 v4, v6  }
0x9d: {  	v8 =	vadd.s32 v46, v61;
	v9 =	vadd.s32 v34, v54;
	v61 =	vadd.s32 v41, v61  }
0x9e: {  	v54 =	vadd.s32 v32, v54;
	v60 =	vor.u32 v56, v60;
	v7 =	vor.u32 v4, v7  }
0x9f: {  	v8 =	vor.u32 v56, v8;
	v9 =	vor.u32 v4, v9;
	v56 =	vor.u32 v56, v61;
	v49 =	vld.idx.msk [tilespmem:v49+s21+$0x0], $0xffff  }
0xa0: {  	v4 =	vor.u32 v4, v54;
	v3 =	vmul.f32 v3, v52;
	v52 =	vmul.f32 v53, v52;
	v5 =	vld.idx.msk [tilespmem:v5+s19+$0x0], $0xffff  }
0xa1: {  	v42 =	vadd.f32 v1, v42;
	v1 =	vmul.f32 v57, v48;
	v48 =	vmul.f32 v51, v48;
	v6 =	vld.idx.msk [tilespmem:v6+s21+$0x0], $0xffff  }
0xa2: {  	v43 =	vadd.f32 v63, v43;
	v38 =	vadd.f32 v3, v38;
	v54 =	vld.idx.msk [tilespmem:v62+s21+$0x0], $0xffff  }
0xa3: {  	v55 =	vadd.s32 $0x14, v55;
	v40 =	vadd.f32 v52, v40;
	v33 =	vadd.f32 v1, v33;
	v3 =	vld.idx.msk [tilespmem:v60+s19+$0x0], $0xffff  }
0xa4: {  	v37 =	vadd.f32 v48, v37;
	v60 =	vand.u32 $0xFFFFFFF8, v55;
	v7 =	vld.idx.msk [tilespmem:v7+s21+$0x0], $0xffff  }
0xa5: {  	v61 =	vand.u32 $0x7, v55;
	v1 =	vadd.s32 v39, v60;
	v52 =	vld.idx.msk [tilespmem:v8+s19+$0x0], $0xffff;
	v8 =	vadd.s32 v34, v47  }
0xa6: {  	v10 =	vmul.f32 v49, v5;
	v8 =	vor.u32 v45, v8;
	v53 =	vld.idx.msk [tilespmem:v9+s21+$0x0], $0xffff;
	v9 =	vadd.s32 v32, v47  }
.Ltmp3:
0xa7: {  	v49 =	vadd.s32 v31, v60;
	v5 =	vmul.f32 v6, v5;
	v48 =	vld.idx.msk [tilespmem:v56+s19+$0x0], $0xffff;
	v57 =	vor.u32 v45, v9;
	(pc) =	sbr.rel @p1 .LBB2_6-.Ltmp3, $4  }
0xa8: {  	v62 =	vor.u32 v61, v1;
	v49 =	vor.u32 v61, v49;
	v36 =	vadd.f32 v10, v36;
	v51 =	vld.idx.msk [tilespmem:v4+s21+$0x0], $0xffff  }
0xa9: {  	v59 =	vadd.s32 $0x1, v59;
	v47 =	vmovc v60;
	v45 =	vmovc v61;
	v1 =	vmul.f32 v54, v3;
	v35 =	vadd.f32 v5, v35  }
0xaa: {  	v58 =	vadd.s32 $0x14, v58;
	v61 =	vand.u32 $0xFFFFFFF8, v59;
	v63 =	vmul.f32 v7, v3  }
0xab: {  	s7 =	sadd.s32 $0xFFFFFFFF, s7;
	v56 =	vand.u32 $0x7, v59;
	v54 =	vand.u32 $0xFFFFFFF8, v58;
	v60 =	vadd.s32 v44, v61;
	v3 =	vld.idx.msk [tilespmem:v8+s21+$0x0], $0xffff  }
0xac: {  	v4 =	vadd.s32 v50, v61  }
0xad: {  	v4 =	vor.u32 v56, v4;
	_ =	sdelay $0x3  }
0xae: {  	v5 =	vld.idx.msk [tilespmem:v62+s21+$0x0], $0xffff  }
0xaf: {  	v4 =	vld.idx.msk [tilespmem:v4+s19+$0x0], $0xffff;
	_ =	sdelay $0x4  }
0xb0: {  	v1 =	vadd.f32 v1, v42;
	v5 =	vmul.f32 v5, v4;
	_ =	sdelay $0x1  }
0xb1: {  	v6 =	vand.u32 $0x7, v58;
	v7 =	vadd.s32 v39, v54;
	v1 =	vadd.f32 v5, v1  }
0xb2: {  	v62 =	vor.u32 v6, v7  }
0xb3: {  	v1 =	vsub.f32 $0.0e+00, v1;
	_ =	sdelay $0x1  }
0xb4: {  	v1 =	vmul.f32 $1.442695020e+00, v1;
	_ =	sdelay $0x1  }
0xb5: {  	v5 =	vld.idx.msk [tilespmem:v62+s21+$0x0], $0xffff;
	(erf) = vpow2.f32 v1;
	_ =	sdelay $0x4  }
0xb6: {  	v4 =	vmul.f32 v5, v4;
	v1 =	vadd.f32 v63, v43  }
0xb7: {  	v9 =	vadd.s32 v34, v47  }
0xb8: {  	v8 =	vadd.s32 v46, v61;
	v10 =	vor.u32 v45, v9;
	v1 =	vadd.f32 v4, v1  }
0xb9: {  	v5 =	vor.u32 v56, v8  }
0xba: {  	v1 =	vsub.f32 $0.0e+00, v1;
	v11 =	vpop (erf)  }
0xbb: {  	v7 =	vadd.f32 $1.000000000e+00, v11  }
0xbc: {  	v1 =	vmul.f32 $1.442695020e+00, v1  }
0xbd: {  	v4 =	vld.idx.msk [tilespmem:v10+s21+$0x0], $0xffff;
	(erf) = vrcp.f32 v7  }
0xbe: {  	v5 =	vld.idx.msk [tilespmem:v5+s19+$0x0], $0xffff;
	(erf) = vpow2.f32 v1;
	_ =	sdelay $0x2  }
0xbf: {  	v1 =	vmul.f32 v3, v52;
	_ =	sdelay $0x1  }
0xc0: {  	v3 =	vmul.f32 v4, v5;
	v1 =	vadd.f32 v1, v38;
	_ =	sdelay $0x1  }
0xc1: {  	v34 =	vadd.s32 v34, v54;
	v1 =	vadd.f32 v3, v1  }
0xc2: {  	v3 =	vor.u32 v6, v34;
	v38 =	vpop (erf)  }
0xc3: {  	v1 =	vsub.f32 $0.0e+00, v1;
	v39 =	vpop (erf)  }
0xc4: {  	v7 =	vadd.f32 $1.000000000e+00, v39  }
0xc5: {  	v1 =	vmul.f32 $1.442695020e+00, v1  }
0xc6: {  	(erf) = vrcp.f32 v7  }
0xc7: {  	v3 =	vld.idx.msk [tilespmem:v3+s21+$0x0], $0xffff;
	(erf) = vpow2.f32 v1;
	_ =	sdelay $0x2  }
0xc8: {  	v1 =	vmul.f32 v53, v52;
	_ =	sdelay $0x1  }
0xc9: {  	v3 =	vmul.f32 v3, v5;
	v1 =	vadd.f32 v1, v40  }
0xca: {  	v42 =	vadd.s32 v41, v61  }
0xcb: {  	v43 =	vadd.s32 v32, v47;
	v5 =	vor.u32 v56, v42;
	v1 =	vadd.f32 v3, v1  }
0xcc: {  	v3 =	vor.u32 v45, v43;
	v44 =	vpop (erf)  }
0xcd: {  	v1 =	vsub.f32 $0.0e+00, v1;
	v8 =	vpop (erf)  }
0xce: {  	v8 =	vadd.f32 $1.000000000e+00, v8  }
0xcf: {  	v9 =	vld.idx.msk [tilespmem:v57+s21+$0x0], $0xffff;
	v1 =	vmul.f32 $1.442695020e+00, v1  }
0xd0: {  	v5 =	vld.idx.msk [tilespmem:v5+s19+$0x0], $0xffff;
	(erf) = vrcp.f32 v8  }
0xd1: {  	v3 =	vld.idx.msk [tilespmem:v3+s21+$0x0], $0xffff;
	(erf) = vpow2.f32 v1;
	_ =	sdelay $0x2  }
0xd2: {  	v1 =	vmul.f32 v9, v48;
	_ =	sdelay $0x1  }
0xd3: {  	v3 =	vmul.f32 v3, v5;
	v1 =	vadd.f32 v1, v33;
	_ =	sdelay $0x1  }
0xd4: {  	v45 =	vadd.s32 v32, v54;
	v1 =	vadd.f32 v3, v1  }
0xd5: {  	v3 =	vor.u32 v6, v45;
	v46 =	vpop (erf)  }
0xd6: {  	v1 =	vsub.f32 $0.0e+00, v1;
	v47 =	vpop (erf)  }
0xd7: {  	v9 =	vadd.f32 $1.000000000e+00, v47  }
0xd8: {  	v1 =	vmul.f32 $1.442695020e+00, v1  }
0xd9: {  	(erf) = vrcp.f32 v9  }
0xda: {  	v3 =	vld.idx.msk [tilespmem:v3+s21+$0x0], $0xffff;
	(erf) = vpow2.f32 v1;
	_ =	sdelay $0x2  }
0xdb: {  	v1 =	vmul.f32 v51, v48;
	_ =	sdelay $0x1  }
0xdc: {  	v3 =	vmul.f32 v3, v5;
	v1 =	vadd.f32 v1, v37;
	_ =	sdelay $0x1  }
0xdd: {  	v1 =	vadd.f32 v3, v1  }
0xde: {  	v3 =	vor.u32 v56, v60;
	v48 =	vpop (erf)  }
0xdf: {  	v1 =	vsub.f32 $0.0e+00, v1;
	v50 =	vpop (erf)  }
0xe0: {  	v9 =	vadd.f32 $1.000000000e+00, v50  }
0xe1: {  	v1 =	vmul.f32 $1.442695020e+00, v1  }
0xe2: {  	v51 =	vld.idx.msk [tilespmem:v49+s21+$0x0], $0xffff;
	(erf) = vrcp.f32 v9  }
0xe3: {  	v3 =	vld.idx.msk [tilespmem:v3+s19+$0x0], $0xffff;
	(erf) = vpow2.f32 v1;
	_ =	sdelay $0x4  }
0xe4: {  	v1 =	vmul.f32 v51, v3;
	_ =	sdelay $0x1  }
0xe5: {  	v52 =	vadd.s32 v31, v54;
	v1 =	vadd.f32 v1, v36  }
0xe6: {  	v6 =	vor.u32 v6, v52;
	v53 =	vpop (erf)  }
0xe7: {  	v1 =	vsub.f32 $0.0e+00, v1;
	v54 =	vpop (erf)  }
0xe8: {  	v31 =	vadd.f32 $1.000000000e+00, v54  }
0xe9: {  	v1 =	vmul.f32 $1.442695020e+00, v1  }
0xea: {  	(erf) = vrcp.f32 v31  }
0xeb: {  	v6 =	vld.idx.msk [tilespmem:v6+s21+$0x0], $0xffff;
	(erf) = vpow2.f32 v1;
	_ =	sdelay $0x4  }
0xec: {  	v1 =	vmul.f32 v6, v3;
	_ =	sdelay $0x1  }
0xed: {  	v1 =	vadd.f32 v1, v35  }
0xee: {  	v3 =	vpop (erf)  }
0xef: {  	v1 =	vsub.f32 $0.0e+00, v1;
	v55 =	vpop (erf)  }
0xf0: {  	v6 =	vadd.f32 $1.000000000e+00, v55  }
0xf1: {  	v1 =	vmul.f32 $1.442695020e+00, v1  }
0xf2: {  	(erf) = vrcp.f32 v6  }
0xf3: {  	(erf) = vpow2.f32 v1;
	_ =	sdelay $0x7  }
0xf4: {  	v1 =	vpop (erf)  }
0xf5: {  	v56 =	vshll.u32 v27, $0x5;
	v57 =	vpop (erf)  }
0xf6: {  	v27 =	vor.u32 $0x10, v0;
	v58 =	vor.u32 v0, v56;
	v31 =	vadd.f32 $1.000000000e+00, v57  }
0xf7: {  	v28 =	vshll.u32 v28, $0x5;
	v6 =	vor.u32 v27, v56  }
0xf8: {  	v59 =	vor.u32 v0, v28;
	(erf) = vrcp.f32 v31  }
0xf9: {  	v29 =	vshll.u32 v29, $0x5;
	v28 =	vor.u32 v27, v28  }
0xfa: {  	v60 =	vor.u32 v0, v29  }
0xfb: {  	v61 =	vor.u32 v27, v29;
	v29 =	vshll.u32 v30, $0x5;
	[tilespmem:v58+s14+$0x0] =	vst.idx.msk $0xffff, v38  }
0xfc: {  	s1 =	sadd.s32 $0x1, s1;
	v62 =	vor.u32 v0, v29;
	[tilespmem:v6+s14+$0x0] =	vst.idx.msk $0xffff, v44  }
0xfd: {  	p1 =	sne.s32 s1, $0x8;
	v63 =	vor.u32 v27, v29;
	[tilespmem:v59+s14+$0x0] =	vst.idx.msk $0xffff, v46  }
.Ltmp4:
0xfe: {  	[tilespmem:v28+s14+$0x0] =	vst.idx.msk $0xffff, v48;
	(pc) =	sbr.rel @p1 .LBB2_5-.Ltmp4, $4  }
0xff: {  	[tilespmem:v60+s14+$0x0] =	vst.idx.msk $0xffff, v53  }
0x100: {  	[tilespmem:v61+s14+$0x0] =	vst.idx.msk $0xffff, v3  }
0x101: {  	[tilespmem:v62+s14+$0x0] =	vst.idx.msk $0xffff, v1;
	v3 =	vpop (erf)  }
0x102: {  	[tilespmem:v63+s14+$0x0] =	vst.idx.msk $0xffff, v3  }
0x103: {  	s1 =	sand.u32 $0x3FFFFFC0, s17  }
0x104: {  	p1 =	seq.s32 s0, $0x4E;
	s7 =	sadd.s32 $0x13C0, s1  }
0x105: {  	[spmem:s2] =	stream.indirect.scatter.add.f32 [tilespmem:s14], [sflag:$0x5], $0x20, s7, s20, $0xb8;
	[tilespmem:$0x1DF80] =	vst v63  }
0x106: {  	s7 =	sadd.s32 @!p1 $0x40, s17  }
0x107: {  	s8 =	sadd.s32 @!p1 s4, s7  }
0x108: {  	s8 =	sshll.u32 @!p1 s8, $0x3  }
0x109: {  	s8 =	sand.u32 @!p1 $0x1FFFFE00, s8  }
0x10a: {  	s11 =	simm.s32 @!p1 $0x0;
	s12 =	simm.s32 @!p1 $0x2780;
	s8 =	sadd.s32 @!p1 s6, s8  }
0x10b: {  	[tilespmem:s12], [sflag:$0x3] =	stream.linear.gather @!p1 [hbm4b:s8+s11], $0x800, $0x38;
	[tilespmem:$0x1DF80] =	vst v63  }
0x10c: {  	s8 =	simm.s32 @!p1 $0x20;
	s11 =	simm.s32 @!p1 $0x3780  }
0x10d: {  	[tilespmem:s11], [sflag:$0x1] =	stream.indirect.gather @!p1 [hbm4b:s5+s8], $0x400, s7, s8, $0xb8;
	[tilespmem:$0x1DF80] =	vst v63  }
0x10e: {  	_ =	swait.ge [sflag:s26], $0x8000  }
0x10f: {  	[sflag:s26] =	ssyncset.done $0x0  }
0x110: {  	[sflag:s26] =	ssyncadd.s32 $0xFFFF8000  }
0x111: {  	_ =	swait.ge [sflag:s28], $0x800  }
0x112: {  	[sflag:s28] =	ssyncset.done $0x0  }
0x113: {  	s7 =	simm.s32 @!p0 $0x6;
	[sflag:s28] =	ssyncadd.s32 $0xFFFFF800  }
0x114: {  	_ =	swait.ge @!p0 [sflag:s7], $0x400  }
0x115: {  	[sflag:s7] =	ssyncset.done @!p0 $0x0  }
0x116: {  	[sflag:s7] =	ssyncadd.s32 @!p0 $0xFFFFFC00;
	s7 =	simm.s32 $0x0  }
.LBB2_9:
0x117: {  	s8 =	sshll.u32 s7, $0x2  }
0x118: {  	v1 =	vlaneseq.u32;
	s12 =	sshllo.u32 s7, $0x2;
	v31 =	vmov s8  }
0x119: {  	v3 =	vadd.s32 $0x3D4, v1;
	v30 =	vmov s12;
	v40 =	vshll.u32 v31, $0xA  }
0x11a: {  	s11 =	sor.u32 $0x1, s8;
	v7 =	vadd.s32 $0x3E4, v1;
	v55 =	vor.u32 $0x10, v1;
	v4 =	vor.u32 v3, v40  }
0x11b: {  	s8 =	sor.u32 $0x2, s8;
	v28 =	vmov s11;
	v32 =	vshll.u32 v30, $0xA;
	v8 =	vor.u32 v7, v40  }
0x11c: {  	v29 =	vmov s8;
	v35 =	vshll.u32 v28, $0xA;
	v36 =	vor.u32 v7, v32  }
0x11d: {  	v37 =	vand.u32 $0xFFFFFFF8, v1;
	v33 =	vshll.u32 v29, $0xA;
	v5 =	vor.u32 v3, v35  }
0x11e: {  	v49 =	vand.u32 $0x7, v1;
	v45 =	vshll.u32 v30, $0x6;
	v6 =	vor.u32 v3, v33  }
0x11f: {  	v46 =	vand.u32 $0xFFFFFFF8, v55;
	v48 =	vand.u32 $0x7, v55;
	v3 =	vor.u32 v3, v32;
	v43 =	vld.idx.msk [tilespmem:v4+s23+$0x0], $0xffff  }
0x120: {  	v51 =	vshll.u32 v31, $0x6;
	v60 =	vadd.s32 v32, v46;
	v9 =	vor.u32 v7, v35;
	v44 =	vld.idx.msk [tilespmem:v8+s23+$0x0], $0xffff  }
0x121: {  	v42 =	vadd.s32 v40, v46;
	v52 =	vor.u32 v48, v60;
	v4 =	vimm.s32 $0x0;
	v36 =	vld.idx.msk [tilespmem:v36+s23+$0x0], $0xffff  }
0x122: {  	v34 =	vadd.s32 v32, v37;
	v53 =	vor.u32 v48, v42;
	v39 =	vld.idx.msk [tilespmem:v5+s23+$0x0], $0xffff;
	v38 =	vand.u32 $0xFFFFFFF8, v4  }
0x123: {  	v5 =	vor.u32 v49, v34;
	v34 =	vld.idx.msk [tilespmem:v6+s23+$0x0], $0xffff;
	v6 =	vand.u32 $0x7, v4;
	v41 =	vadd.s32 v45, v38  }
0x124: {  	v3 =	vld.idx.msk [tilespmem:v3+s23+$0x0], $0xffff;
	v62 =	vadd.s32 v51, v38;
	v50 =	vor.u32 v6, v41  }
0x125: {  	v41 =	vld.idx.msk [tilespmem:v9+s23+$0x0], $0xffff;
	v9 =	vor.u32 v6, v62  }
0x126: {  	v61 =	vadd.s32 v40, v37;
	v47 =	vshll.u32 v28, $0x6;
	v7 =	vor.u32 v7, v33;
	v52 =	vld.idx.msk [tilespmem:v52+s23+$0x0], $0xffff  }
0x127: {  	v42 =	vshll.u32 v29, $0x6;
	v8 =	vor.u32 v49, v61;
	v59 =	vld.idx.msk [tilespmem:v53+s23+$0x0], $0xffff;
	v54 =	vadd.s32 v47, v38  }
0x128: {  	v56 =	vadd.s32 v35, v46;
	v46 =	vadd.s32 v33, v46;
	v54 =	vor.u32 v6, v54;
	v5 =	vld.idx.msk [tilespmem:v5+s23+$0x0], $0xffff  }
0x129: {  	v63 =	vadd.s32 v35, v37;
	v57 =	vor.u32 v48, v56;
	v38 =	vadd.s32 v42, v38;
	v50 =	vld.idx.msk [tilespmem:v50+s22+$0x0], $0xffff  }
0x12a: {  	v37 =	vadd.s32 v33, v37;
	v56 =	vadd.s32 $0x14, v1;
	v1 =	vor.u32 v6, v38;
	v9 =	vld.idx.msk [tilespmem:v9+s22+$0x0], $0xffff  }
0x12b: {  	v6 =	vor.u32 v48, v46;
	v48 =	vand.u32 $0xFFFFFFF8, v56;
	v38 =	vld.idx.msk [tilespmem:v7+s23+$0x0], $0xffff;
	v7 =	vor.u32 v49, v63  }
0x12c: {  	v58 =	vor.u32 v49, v37;
	v46 =	vand.u32 $0x7, v56;
	v60 =	vadd.s32 v40, v48;
	v8 =	vld.idx.msk [tilespmem:v8+s23+$0x0], $0xffff  }
0x12d: {  	v61 =	vadd.s32 v32, v48;
	v63 =	vor.u32 v46, v60;
	v60 =	vadd.s32 $0x1, v4;
	v53 =	vld.idx.msk [tilespmem:v54+s22+$0x0], $0xffff  }
0x12e: {  	v62 =	vand.u32 $0xFFFFFFF8, v60;
	v54 =	vld.idx.msk [tilespmem:v57+s23+$0x0], $0xffff;
	v57 =	vand.u32 $0x7, v60;
	v5 =	vmul.f32 v5, v50  }
0x12f: {  	v49 =	vld.idx.msk [tilespmem:v1+s22+$0x0], $0xffff;
	v52 =	vmul.f32 v52, v50;
	v1 =	vmul.f32 v59, v9;
	v59 =	vadd.s32 $0x14, v55  }
0x130: {  	v4 =	vld.idx.msk [tilespmem:v7+s23+$0x0], $0xffff;
	v50 =	vor.u32 v46, v61;
	v61 =	vadd.s32 v45, v62;
	v55 =	vand.u32 $0xFFFFFFF8, v59  }
0x131: {  	s8 =	simm.s32 $0x2F;
	v37 =	vadd.f32 v5, v3;
	v3 =	vmul.f32 v8, v9;
	v36 =	vadd.f32 v52, v36;
	v52 =	vld.idx.msk [tilespmem:v6+s23+$0x0], $0xffff  }
.LBB2_10:
0x132: {  	p0 =	sne.s32 s8, $0x1;
	v5 =	vand.u32 $0x7, v59;
	v6 =	vor.u32 v57, v61;
	v7 =	vadd.s32 v32, v55;
	v8 =	vld.idx.msk [tilespmem:v58+s23+$0x0], $0xffff  }
0x133: {  	v9 =	vadd.s32 v51, v62;
	v58 =	vadd.s32 v40, v55;
	v7 =	vor.u32 v5, v7  }
0x134: {  	v61 =	vadd.s32 v47, v62;
	v10 =	vadd.s32 v35, v55;
	v62 =	vadd.s32 v42, v62  }
0x135: {  	v55 =	vadd.s32 v33, v55;
	v9 =	vor.u32 v57, v9;
	v58 =	vor.u32 v5, v58  }
0x136: {  	v61 =	vor.u32 v57, v61;
	v10 =	vor.u32 v5, v10;
	v57 =	vor.u32 v57, v62;
	v50 =	vld.idx.msk [tilespmem:v50+s23+$0x0], $0xffff  }
0x137: {  	v5 =	vor.u32 v5, v55;
	v4 =	vmul.f32 v4, v53;
	v53 =	vmul.f32 v54, v53;
	v6 =	vld.idx.msk [tilespmem:v6+s22+$0x0], $0xffff  }
0x138: {  	v43 =	vadd.f32 v3, v43;
	v3 =	vmul.f32 v8, v49;
	v8 =	vmul.f32 v52, v49;
	v7 =	vld.idx.msk [tilespmem:v7+s23+$0x0], $0xffff  }
0x139: {  	v44 =	vadd.f32 v1, v44;
	v39 =	vadd.f32 v4, v39;
	v55 =	vld.idx.msk [tilespmem:v63+s23+$0x0], $0xffff  }
0x13a: {  	v56 =	vadd.s32 $0x14, v56;
	v41 =	vadd.f32 v53, v41;
	v34 =	vadd.f32 v3, v34;
	v1 =	vld.idx.msk [tilespmem:v9+s22+$0x0], $0xffff  }
0x13b: {  	v4 =	vand.u32 $0xFFFFFFF8, v56;
	v38 =	vadd.f32 v8, v38;
	v9 =	vld.idx.msk [tilespmem:v58+s23+$0x0], $0xffff  }
0x13c: {  	v49 =	vadd.s32 v35, v48;
	v8 =	vand.u32 $0x7, v56;
	v3 =	vadd.s32 v40, v4;
	v53 =	vld.idx.msk [tilespmem:v61+s22+$0x0], $0xffff  }
0x13d: {  	v11 =	vor.u32 v46, v49;
	v61 =	vmul.f32 v50, v6;
	v54 =	vld.idx.msk [tilespmem:v10+s23+$0x0], $0xffff;
	v10 =	vadd.s32 v33, v48  }
.Ltmp5:
0x13e: {  	v50 =	vadd.s32 v32, v4;
	v6 =	vmul.f32 v7, v6;
	v49 =	vld.idx.msk [tilespmem:v57+s22+$0x0], $0xffff;
	v58 =	vor.u32 v46, v10;
	(pc) =	sbr.rel @p0 .LBB2_10-.Ltmp5, $4  }
0x13f: {  	v63 =	vor.u32 v8, v3;
	v50 =	vor.u32 v8, v50;
	v37 =	vadd.f32 v61, v37;
	v52 =	vld.idx.msk [tilespmem:v5+s23+$0x0], $0xffff  }
0x140: {  	v60 =	vadd.s32 $0x1, v60;
	v48 =	vmovc v4;
	v46 =	vmovc v8;
	v3 =	vmul.f32 v55, v1;
	v36 =	vadd.f32 v6, v36  }
0x141: {  	v59 =	vadd.s32 $0x14, v59;
	v62 =	vand.u32 $0xFFFFFFF8, v60;
	v1 =	vmul.f32 v9, v1  }
0x142: {  	s8 =	sadd.s32 $0xFFFFFFFF, s8;
	v57 =	vand.u32 $0x7, v60;
	v61 =	vadd.s32 v45, v62;
	v55 =	vand.u32 $0xFFFFFFF8, v59;
	v4 =	vld.idx.msk [tilespmem:v11+s23+$0x0], $0xffff  }
0x143: {  	v5 =	vadd.s32 v51, v62  }
0x144: {  	v5 =	vor.u32 v57, v5;
	_ =	sdelay $0x3  }
0x145: {  	v6 =	vld.idx.msk [tilespmem:v63+s23+$0x0], $0xffff  }
0x146: {  	v5 =	vld.idx.msk [tilespmem:v5+s22+$0x0], $0xffff;
	_ =	sdelay $0x4  }
0x147: {  	v3 =	vadd.f32 v3, v43;
	v6 =	vmul.f32 v6, v5;
	_ =	sdelay $0x1  }
0x148: {  	v7 =	vand.u32 $0x7, v59;
	v8 =	vadd.s32 v40, v55;
	v3 =	vadd.f32 v6, v3  }
0x149: {  	v63 =	vor.u32 v7, v8  }
0x14a: {  	v3 =	vsub.f32 $0.0e+00, v3;
	_ =	sdelay $0x1  }
0x14b: {  	v3 =	vmul.f32 $1.442695020e+00, v3;
	_ =	sdelay $0x1  }
0x14c: {  	v6 =	vld.idx.msk [tilespmem:v63+s23+$0x0], $0xffff;
	(erf) = vpow2.f32 v3;
	_ =	sdelay $0x4  }
0x14d: {  	v1 =	vadd.f32 v1, v44;
	v3 =	vmul.f32 v6, v5  }
0x14e: {  	v9 =	vadd.s32 v47, v62  }
0x14f: {  	v10 =	vadd.s32 v35, v48;
	v5 =	vor.u32 v57, v9;
	v1 =	vadd.f32 v3, v1  }
0x150: {  	v3 =	vor.u32 v46, v10  }
0x151: {  	v1 =	vsub.f32 $0.0e+00, v1;
	v11 =	vpop (erf)  }
0x152: {  	v6 =	vadd.f32 $1.000000000e+00, v11  }
0x153: {  	v1 =	vmul.f32 $1.442695020e+00, v1  }
0x154: {  	v5 =	vld.idx.msk [tilespmem:v5+s22+$0x0], $0xffff;
	(erf) = vrcp.f32 v6  }
0x155: {  	v3 =	vld.idx.msk [tilespmem:v3+s23+$0x0], $0xffff;
	(erf) = vpow2.f32 v1;
	_ =	sdelay $0x2  }
0x156: {  	v1 =	vmul.f32 v4, v53;
	_ =	sdelay $0x1  }
0x157: {  	v3 =	vmul.f32 v3, v5;
	v1 =	vadd.f32 v1, v39;
	_ =	sdelay $0x1  }
0x158: {  	v35 =	vadd.s32 v35, v55;
	v1 =	vadd.f32 v3, v1  }
0x159: {  	v3 =	vor.u32 v7, v35;
	v39 =	vpop (erf)  }
0x15a: {  	v1 =	vsub.f32 $0.0e+00, v1;
	v40 =	vpop (erf)  }
0x15b: {  	v6 =	vadd.f32 $1.000000000e+00, v40  }
0x15c: {  	v1 =	vmul.f32 $1.442695020e+00, v1  }
0x15d: {  	(erf) = vrcp.f32 v6  }
0x15e: {  	v3 =	vld.idx.msk [tilespmem:v3+s23+$0x0], $0xffff;
	(erf) = vpow2.f32 v1;
	_ =	sdelay $0x2  }
0x15f: {  	v1 =	vmul.f32 v54, v53;
	_ =	sdelay $0x1  }
0x160: {  	v3 =	vmul.f32 v3, v5;
	v1 =	vadd.f32 v1, v41  }
0x161: {  	v42 =	vadd.s32 v42, v62  }
0x162: {  	v43 =	vadd.s32 v33, v48;
	v5 =	vor.u32 v57, v42;
	v1 =	vadd.f32 v3, v1  }
0x163: {  	v3 =	vor.u32 v46, v43;
	v44 =	vpop (erf)  }
0x164: {  	v1 =	vsub.f32 $0.0e+00, v1;
	v45 =	vpop (erf)  }
0x165: {  	v8 =	vadd.f32 $1.000000000e+00, v45  }
0x166: {  	v9 =	vld.idx.msk [tilespmem:v58+s23+$0x0], $0xffff;
	v1 =	vmul.f32 $1.442695020e+00, v1  }
0x167: {  	v5 =	vld.idx.msk [tilespmem:v5+s22+$0x0], $0xffff;
	(erf) = vrcp.f32 v8  }
0x168: {  	v3 =	vld.idx.msk [tilespmem:v3+s23+$0x0], $0xffff;
	(erf) = vpow2.f32 v1;
	_ =	sdelay $0x2  }
0x169: {  	v1 =	vmul.f32 v9, v49;
	_ =	sdelay $0x1  }
0x16a: {  	v3 =	vmul.f32 v3, v5;
	v1 =	vadd.f32 v1, v34;
	_ =	sdelay $0x1  }
0x16b: {  	v46 =	vadd.s32 v33, v55;
	v1 =	vadd.f32 v3, v1  }
0x16c: {  	v3 =	vor.u32 v7, v46;
	v47 =	vpop (erf)  }
0x16d: {  	v1 =	vsub.f32 $0.0e+00, v1;
	v48 =	vpop (erf)  }
0x16e: {  	v9 =	vadd.f32 $1.000000000e+00, v48  }
0x16f: {  	v1 =	vmul.f32 $1.442695020e+00, v1  }
0x170: {  	(erf) = vrcp.f32 v9  }
0x171: {  	v3 =	vld.idx.msk [tilespmem:v3+s23+$0x0], $0xffff;
	(erf) = vpow2.f32 v1;
	_ =	sdelay $0x2  }
0x172: {  	v1 =	vmul.f32 v52, v49;
	_ =	sdelay $0x1  }
0x173: {  	v3 =	vmul.f32 v3, v5;
	v1 =	vadd.f32 v1, v38;
	_ =	sdelay $0x1  }
0x174: {  	v1 =	vadd.f32 v3, v1  }
0x175: {  	v3 =	vor.u32 v57, v61;
	v49 =	vpop (erf)  }
0x176: {  	v1 =	vsub.f32 $0.0e+00, v1;
	v51 =	vpop (erf)  }
0x177: {  	v9 =	vadd.f32 $1.000000000e+00, v51  }
0x178: {  	v1 =	vmul.f32 $1.442695020e+00, v1  }
0x179: {  	v10 =	vld.idx.msk [tilespmem:v50+s23+$0x0], $0xffff;
	(erf) = vrcp.f32 v9  }
0x17a: {  	v3 =	vld.idx.msk [tilespmem:v3+s22+$0x0], $0xffff;
	(erf) = vpow2.f32 v1;
	_ =	sdelay $0x4  }
0x17b: {  	v1 =	vmul.f32 v10, v3;
	_ =	sdelay $0x1  }
0x17c: {  	v52 =	vadd.s32 v32, v55;
	v1 =	vadd.f32 v1, v37  }
0x17d: {  	v7 =	vor.u32 v7, v52;
	v53 =	vpop (erf)  }
0x17e: {  	v1 =	vsub.f32 $0.0e+00, v1;
	v54 =	vpop (erf)  }
0x17f: {  	v10 =	vadd.f32 $1.000000000e+00, v54  }
0x180: {  	v1 =	vmul.f32 $1.442695020e+00, v1  }
0x181: {  	(erf) = vrcp.f32 v10  }
0x182: {  	v7 =	vld.idx.msk [tilespmem:v7+s23+$0x0], $0xffff;
	(erf) = vpow2.f32 v1;
	_ =	sdelay $0x4  }
0x183: {  	v1 =	vmul.f32 v7, v3;
	_ =	sdelay $0x1  }
0x184: {  	v1 =	vadd.f32 v1, v36  }
0x185: {  	v3 =	vpop (erf)  }
0x186: {  	v1 =	vsub.f32 $0.0e+00, v1;
	v55 =	vpop (erf)  }
0x187: {  	v7 =	vadd.f32 $1.000000000e+00, v55  }
0x188: {  	v1 =	vmul.f32 $1.442695020e+00, v1  }
0x189: {  	(erf) = vrcp.f32 v7  }
0x18a: {  	(erf) = vpow2.f32 v1;
	_ =	sdelay $0x7  }
0x18b: {  	v1 =	vpop (erf)  }
0x18c: {  	v56 =	vshll.u32 v31, $0x5;
	v57 =	vpop (erf)  }
0x18d: {  	v11 =	vor.u32 v0, v56;
	v10 =	vadd.f32 $1.000000000e+00, v57  }
0x18e: {  	v28 =	vshll.u32 v28, $0x5;
	v7 =	vor.u32 v27, v56  }
0x18f: {  	v58 =	vor.u32 v0, v28;
	(erf) = vrcp.f32 v10  }
0x190: {  	v59 =	vor.u32 v27, v28;
	v28 =	vshll.u32 v29, $0x5  }
0x191: {  	v29 =	vor.u32 v0, v28  }
0x192: {  	v60 =	vor.u32 v27, v28;
	v61 =	vshll.u32 v30, $0x5;
	[tilespmem:v11+s15+$0x0] =	vst.idx.msk $0xffff, v39  }
0x193: {  	s7 =	sadd.s32 $0x1, s7;
	v62 =	vor.u32 v0, v61;
	[tilespmem:v7+s15+$0x0] =	vst.idx.msk $0xffff, v44  }
0x194: {  	p0 =	sne.s32 s7, $0x8;
	v63 =	vor.u32 v27, v61;
	[tilespmem:v58+s15+$0x0] =	vst.idx.msk $0xffff, v47  }
.Ltmp6:
0x195: {  	[tilespmem:v59+s15+$0x0] =	vst.idx.msk $0xffff, v49;
	(pc) =	sbr.rel @p0 .LBB2_9-.Ltmp6, $4  }
0x196: {  	[tilespmem:v29+s15+$0x0] =	vst.idx.msk $0xffff, v53  }
0x197: {  	[tilespmem:v60+s15+$0x0] =	vst.idx.msk $0xffff, v3  }
0x198: {  	[tilespmem:v62+s15+$0x0] =	vst.idx.msk $0xffff, v1;
	v3 =	vpop (erf)  }
0x199: {  	[tilespmem:v63+s15+$0x0] =	vst.idx.msk $0xffff, v3  }
.Ltmp7:
0x19a: {  	(pc) =	sbr.rel @p1 .LBB2_14-.Ltmp7, $3  }
0x19b: {  	_ =	sdelay $0x1  }
0x19c: {  	s1 =	sadd.s32 $0x13E0, s1  }
0x19d: {  	[spmem:s2] =	stream.indirect.scatter.add.f32 [tilespmem:s15], [sflag:$0x6], $0x20, s1, s20, $0xb8;
	[tilespmem:$0x1DF80] =	vst v63  }
0x19e: {  	s1 =	sadd.s32 $0x60, s17  }
0x19f: {  	s7 =	sadd.s32 s4, s1  }
0x1a0: {  	s7 =	sshll.u32 s7, $0x3  }
.Ltmp8:
0x1a1: {  	s7 =	sand.u32 $0x1FFFFF00, s7;
	(pc) =	sbr.rel .LBB2_4-.Ltmp8, $4  }
0x1a2: {  	s7 =	sadd.s32 s6, s7  }
0x1a3: {  	[tilespmem:s22], [sflag:$0x4] =	stream.linear.gather [hbm4b:s7+s3], $0x800, $0x38;
	[tilespmem:$0x1DF80] =	vst v63  }
0x1a4: {  	s0 =	sadd.s32 $0x1, s0  }
0x1a5: {  	[tilespmem:s23], [sflag:$0x2] =	stream.indirect.gather [hbm4b:s5+s20], $0x400, s1, s20, $0xb8;
	[tilespmem:$0x1DF80] =	vst v63  }
.LBB2_15:
0x1a6: {  	_ =	sfence.sel $0x180000  }
0x1a7: {  	[bflag:$0x0] =	sbarrier.arrive $0xFFFF  }
0x1a8: {  	_ =	strace $0x90000050  }
0x1a9: {  	s0 =	stileid.u32;
	[bflag:$0x2] =	sbarrier.arrive $0xFFFF  }
0x1aa: {  	p0 =	sne.s32 s0, $0x0;
	s0 =	rddreg [dreg:$0x4]  }
0x1ab: {  	s0 =	sadd.s32 @!p0 $0x100000, s0  }
0x1ac: {  	[sflag:s0] =	ssyncadd.tile.s32 @!p0 $0x1;
	_ =	shalt  }
.Lfunc_end2:
_tile_overlayer_lowered:
.L_overlay_start_2:
0x1ad: {  	(tag) =	ssettag $0x2  }
0x1ae: {  	s0 =	rddreg [dreg:$0x0];
	s2 =	stileid.u32  }
0x1af: {  	s1 =	rddreg [dreg:$0x1];
	p0 =	sne.s32 s2, $0x0  }
0x1b0: {  	s3 =	rddreg [dreg:$0x2];
	[bflag:$0x3] =	sbarrier.arrive $0xFFFF;
	s2 =	simm.s32 @!p0 $0x1C07  }
0x1b1: {  	[timem:s3], [sflag:s2] =	dma.local @!p0 [hbm:s0], s1  }
0x1b2: {  	s0 =	simm.s32 @!p0 $0x7  }
0x1b3: {  	_ =	swait.ge @!p0 [sflag:s0], s1  }
0x1b4: {  	s1 =	ssub.s32 @!p0 $0x0, s1;
	[sflag:s0] =	ssyncset.done @!p0 $0x0  }
0x1b5: {  	[sflag:s0] =	ssyncadd.s32 @!p0 s1  }
0x1b6: {  	[bflag:$0x3] =	sbarrier.arrive $0xFFFF  }
0x1b7: {  	_ =	shalt  }

// kernel: kernel.7.cloned.1.call-start
scs
__scs_entry_jumppad:
0x0: {  	(pc) =	sbr.rel $0x88, $3  }
0x1: {  	(tag) =	ssettag $0x0;
	lr =	simm.s32 $0x1  }
0x2: {  	[smem:$0x3F8E] =	sst lr;
	_ =	strace $0xD0000000  }
0x3: {  	_ = 	snop  }
0x4: {  	_ = 	snop  }
0x5: {  	_ = 	snop  }
0x6: {  	_ = 	snop  }
0x7: {  	_ = 	snop  }
__scs_overlays_trampoline_lowered:
0x8: {  	[smem:$0x3F9D] =	sst s0  }
0x9: {  	[smem:$0x3F9E] =	sst s1  }
0xa: {  	[smem:$0x3F9F] =	sst s2  }
0xb: {  	[smem:$0x3FA0] =	sst s3  }
0xc: {  	[smem:$0x3FA1] =	sst s4  }
0xd: {  	[smem:$0x3FA2] =	sst s5  }
0xe: {  	[smem:$0x3FA3] =	sst s6  }
0xf: {  	[smem:$0x3FA4] =	sst s7  }
0x10: {  	[smem:$0x3FA5] =	sst s8  }
0x11: {  	[smem:$0x3FA6] =	sst s9;
	s0 =	simm.s32 @!p0 $0x0  }
0x12: {  	s1 =	sld [smem:$0x3F8C];
	s0 =	simm.s32 @p0 $0x1  }
0x13: {  	[smem:$0x3FA7] =	sst s0;
	s0 =	simm.s32 @!p1 $0x0  }
0x14: {  	s2 =	sld [smem:$0x3F8B];
	s0 =	simm.s32 @p1 $0x1  }
0x15: {  	[smem:$0x3FA8] =	sst s0;
	s0 =	simm.s32 @!p2 $0x0  }
0x16: {  	s3 =	sld [smem:$0x3FDB];
	s0 =	simm.s32 @p2 $0x1  }
0x17: {  	s4 =	simm.s32 $0x1BF5;
	[smem:$0x3FAA] =	sst s0  }
0x18: {  	s0 =	sld [smem:$0x3F8D];
	_ =	swait.ge [sflag:s4], $0x0  }
0x19: {  	s7 =	sld [smem:$0x3F8E]  }
0x1a: {  	s8 =	sadd.s32 $0xFFFFE003, lr  }
0x1b: {  	s9 =	sadd.s32 $0xFFFFFEF7, lr;
	s5 =	simm.s32 $0xFFFFFFFF;
	p2 =	slt.u32 s8, $0xFFFFF086  }
0x1c: {  	p1 =	slt.u32 s9, $0xF7A;
	s5 =	simm.s32 @!p2 $0x0  }
0x1d: {  	s5 =	simm.s32 @p1 $0x1;
	p0 =	seq.s32 s7, s2  }
0x1e: {  	s7 =	smul.u32 @!p0 $0xF7A, s2;
	p2 =	seq.s32 @!p0 s5, $0x0  }
0x1f: {  	s9 =	smul.u32 $0xF7A, s1;
	s8 =	simm.s32 @!p0 $0x1BF5;
	p2 =	por !p2, p0  }
0x20: {  	[sflag:s8] =	ssyncset.s32 @!p0 $0xFFFFF086;
	s6 =	sadd.s32 @!p0 s3, s7;
	s7 =	simm.s32 @!p0 $0x108  }
0x21: {  	s3 =	sadd.s32 s3, s9;
	s6 =	sadd.s32 @!p0 $0x88, s6;
	s7 =	simm.s32 @p2 $0x1082  }
0x22: {  	[simem:s7], [sflag:s8] =	dma.local @!p0 [hbm:s6], $0xF7A  }
0x23: {  	s9 =	sor.u32 $0xD0000000, s2;
	s6 =	simm.s32 $0x108;
	_ =	swait.ge @!p0 [sflag:s8], $0x0  }
0x24: {  	s3 =	sadd.s32 $0x88, s3;
	s6 =	simm.s32 @!p1 $0x1082;
	[sflag:s4] =	ssyncset.s32 $0xFFFFF086  }
0x25: {  	[simem:s6], [sflag:s4] =	dma.local [hbm:s3], $0xF7A  }
0x26: {  	[smem:$0x3F8E] =	sst s1;
	(tag) =	ssettag s2;
	_ =	strace s9  }
0x27: {  	s1 =	sld [smem:$0x3F9E]  }
0x28: {  	s2 =	sld [smem:$0x3F9F]  }
0x29: {  	s4 =	sld [smem:$0x3FA1]  }
0x2a: {  	p0 =	seq.s32 s5, $0x0;
	s5 =	sld [smem:$0x3FA2]  }
0x2b: {  	s6 =	sld [smem:$0x3FA3]  }
0x2c: {  	s7 =	sld [smem:$0x3FA4]  }
0x2d: {  	s3 =	simm.s32 $0x108;
	s8 =	sld [smem:$0x3FA5]  }
0x2e: {  	s3 =	simm.s32 @!p0 $0x1082;
	s9 =	sld [smem:$0x3FA6]  }
0x2f: {  	lr =	sadd.s32 s0, s3;
	s0 =	sld [smem:$0x3F9D]  }
0x30: {  	s3 =	sld [smem:$0x3FA0]  }
0x31: {  	[smem:$0x3FA9] =	sst s10  }
0x32: {  	s10 =	sld [smem:$0x3FA7];
	_ =	sdelay $0x3  }
0x33: {  	p0 =	seq.s32 s10, $0x1;
	s10 =	sld [smem:$0x3FA9];
	_ =	sdelay $0x3  }
0x34: {  	[smem:$0x3FA9] =	sst s10  }
0x35: {  	s10 =	sld [smem:$0x3FA8];
	_ =	sdelay $0x3  }
0x36: {  	p1 =	seq.s32 s10, $0x1;
	s10 =	sld [smem:$0x3FA9];
	_ =	sdelay $0x3  }
0x37: {  	[smem:$0x3FA9] =	sst s10  }
0x38: {  	s10 =	sld [smem:$0x3FAA]  }
0x39: {  	_ = 	snop;
	(pc) =	sbr.ind lr, $3  }
0x3a: {  	_ = 	snop  }
0x3b: {  	_ = 	snop  }
0x3c: {  	p2 =	seq.s32 s10, $0x1;
	s10 =	sld [smem:$0x3FA9]  }
0x3d: {  	_ =	shalt  }
0x3e: {  	_ =	shalt  }
0x3f: {  	_ =	shalt  }
0x40: {  	_ =	shalt  }
0x41: {  	_ =	shalt  }
0x42: {  	_ =	shalt  }
0x43: {  	_ =	shalt  }
0x44: {  	_ =	shalt  }
0x45: {  	_ =	shalt  }
0x46: {  	_ =	shalt  }
0x47: {  	_ =	shalt  }
0x48: {  	_ =	shalt  }
0x49: {  	_ =	shalt  }
0x4a: {  	_ =	shalt  }
0x4b: {  	_ =	shalt  }
0x4c: {  	_ =	shalt  }
0x4d: {  	_ =	shalt  }
0x4e: {  	_ =	shalt  }
0x4f: {  	_ =	shalt  }
0x50: {  	_ =	shalt  }
0x51: {  	_ =	shalt  }
0x52: {  	_ =	shalt  }
0x53: {  	_ =	shalt  }
0x54: {  	_ =	shalt  }
0x55: {  	_ =	shalt  }
0x56: {  	_ =	shalt  }
0x57: {  	_ =	shalt  }
0x58: {  	_ =	shalt  }
0x59: {  	_ =	shalt  }
0x5a: {  	_ =	shalt  }
0x5b: {  	_ =	shalt  }
0x5c: {  	_ =	shalt  }
0x5d: {  	_ =	shalt  }
0x5e: {  	_ =	shalt  }
0x5f: {  	_ =	shalt  }
0x60: {  	_ =	shalt  }
0x61: {  	_ =	shalt  }
0x62: {  	_ =	shalt  }
0x63: {  	_ =	shalt  }
0x64: {  	_ =	shalt  }
0x65: {  	_ =	shalt  }
0x66: {  	_ =	shalt  }
0x67: {  	_ =	shalt  }
0x68: {  	_ =	shalt  }
0x69: {  	_ =	shalt  }
0x6a: {  	_ =	shalt  }
0x6b: {  	_ =	shalt  }
0x6c: {  	_ =	shalt  }
0x6d: {  	_ =	shalt  }
0x6e: {  	_ =	shalt  }
0x6f: {  	_ =	shalt  }
0x70: {  	_ =	shalt  }
0x71: {  	_ =	shalt  }
0x72: {  	_ =	shalt  }
0x73: {  	_ =	shalt  }
0x74: {  	_ =	shalt  }
0x75: {  	_ =	shalt  }
0x76: {  	_ =	shalt  }
0x77: {  	_ =	shalt  }
0x78: {  	_ =	shalt  }
0x79: {  	_ =	shalt  }
0x7a: {  	_ =	shalt  }
0x7b: {  	_ =	shalt  }
0x7c: {  	_ =	shalt  }
0x7d: {  	_ =	shalt  }
0x7e: {  	_ =	shalt  }
0x7f: {  	_ =	shalt  }
0x80: {  	_ =	shalt  }
0x81: {  	_ =	shalt  }
0x82: {  	_ =	shalt  }
0x83: {  	_ =	shalt  }
0x84: {  	_ =	shalt  }
0x85: {  	_ =	shalt  }
0x86: {  	_ =	shalt  }
0x87: {  	_ =	shalt  }
.Lfunc_end0:
.L_simem_size_0:
called_computation.2_lowered:
.L_overlay_start_0:
0x88: {  	s2 =	sld [smem:$0x3FD9]  }
0x89: {  	s3 =	sld [smem:$0x3FFE];
	_ =	sdelay $0x1  }
0x8a: {  	s1 =	srdreg.scid  }
0x8b: {  	s0 =	sand.u32 $0x1, s1  }
0x8c: {  	s14 =	sshll.u32 s0, $0xA;
	s2 =	sadd.s32 s3, s2  }
0x8d: {  	s2 =	sadd.s32 s2, s14  }
0x8e: {  	[smem:$0x3FB5] =	sst s2  }
0x8f: {  	_ = 	snop  }
0x90: {  	s2 =	sld [smem:$0x3FD0];
	_ =	sdelay $0x2  }
0x91: {  	s15 =	simm.s32 $0xA;
	s4 =	simm.s32 $0x10  }
0x92: {  	[smem:s4], [sflag:s15] =	dma.local [hbm:s2], $0x1  }
0x93: {  	_ =	swait.eq [sflag:s15], $0x1  }
0x94: {  	[sflag:s15] =	ssyncset.done $0x0  }
0x95: {  	s16 =	sld [smem:$0x10];
	[sflag:s15] =	ssyncadd.s32 $0xFFFFFFFF  }
0x96: {  	s17 =	sld [smem:$0x11];
	(tm) =	ssettm $0x1  }
0x97: {  	s18 =	sld [smem:$0x3FFB];
	_ =	sdelay $0x3  }
0x98: {  	_ =	strace s18  }
0x99: {  	s4 =	sld [smem:$0x3FFC];
	_ =	sdelay $0x3  }
0x9a: {  	_ =	strace s4  }
0x9b: {  	s4 =	sld [smem:$0x3FFD];
	_ =	sdelay $0x3  }
0x9c: {  	_ =	strace s4  }
0x9d: {  	_ =	strace $0x8FFFFFFF  }
0x9e: {  	s19 =	sld [smem:$0x3FDB];
	_ =	sdelay $0x1  }
0x9f: {  	s5 =	simm.s32 $_scs_section_size  }
0xa0: {  	s6 =	simm.s32 $_size__tile_overlayer_lowered;
	s7 =	simm.s32 $_tile_overlayer_lowered  }
0xa1: {  	s22 =	simm.s32 $0x1BFF;
	s21 =	sshll.u32 s7, $0x1;
	s4 =	sadd.s32 s5, s19  }
0xa2: {  	s8 =	simm.s32 $0x0;
	s20 =	sshll.u32 s6, $0x1;
	s6 =	sadd.s32 s21, s4  }
0xa3: {  	[timem:s8], [sflag:s22] =	dma.local [hbm:s6], s20  }
0xa4: {  	_ =	swait.ge [sflag:s22], s20  }
0xa5: {  	s5 =	ssub.s32 $0x0, s20;
	[sflag:s22] =	ssyncset.done $0x0  }
0xa6: {  	[sflag:s22] =	ssyncadd.s32 s5;
	_ =	sdelay $0x1  }
0xa7: {  	s23 =	simm.s32 $0x1B8B  }
0xa8: {  	_ =	swait.ge [sflag:s23], $0x1  }
0xa9: {  	[sflag:s23] =	ssyncset.done $0x0  }
0xaa: {  	s25 =	simm.s32 $0x1B8E;
	s24 =	sld [smem:$0x3FFE];
	[sflag:s23] =	ssyncadd.s32 $0xFFFFFFFF  }
0xab: {  	s26 =	simm.s32 $execute0_lowered;
	[smem:$0x3FD2] =	sst s25  }
0xac: {  	s6 =	sshll.u32 s26, $0x1;
	_ =	strace $0x80000049;
	[dreg:$0x1] =	wrdreg $0xFFFFFFFF  }
0xad: {  	s28 =	simm.s32 $_size_execute0_lowered;
	s4 =	sadd.s32 s4, s6;
	[dreg:$0x0] =	wrdreg $0x0  }
0xae: {  	s6 =	sshll.u32 s28, $0x1;
	[dreg:$0x2] =	wrdreg s4  }
0xaf: {  	[dreg:$0x3] =	wrdreg s6  }
0xb0: {  	[dreg:$0x4] =	wrdreg $0xC0  }
0xb1: {  	_ =	task [dreg:s8], $0x5FFFF  }
0xb2: {  	[dreg:$0x1] =	wrdreg $0xFFFFFFFF  }
0xb3: {  	[dreg:$0x0] =	wrdreg $0x60  }
0xb4: {  	[dreg:$0x2] =	wrdreg s24  }
0xb5: {  	[dreg:$0x3] =	wrdreg s16  }
0xb6: {  	[dreg:$0x4] =	wrdreg s17  }
0xb7: {  	[dreg:$0x5] =	wrdreg $0x18F800  }
0xb8: {  	[dreg:$0x6] =	wrdreg $0x9  }
0xb9: {  	_ =	task.clear_ibuf [dreg:s8], $0x7FFFF;
	_ =	strace $0x90000049  }
0xba: {  	s29 =	simm.s32 $0x9;
	_ =	strace $0x8000004B  }
0xbb: {  	_ =	swait.ge [sflag:s29], $0x1  }
0xbc: {  	[sflag:s29] =	ssyncadd.s32 $0xFFFFFFFF  }
0xbd: {  	_ =	strace $0x9000004B  }
0xbe: {  	_ =	sfence  }
0xbf: {  	s30 =	sld [smem:$0x0];
	_ =	sdelay $0x2  }
0xc0: {  	s31 =	sshll.u32 s1, $0xD;
	s1 =	sshrl.u32 s1, $0x2  }
0xc1: {  	s3 =	sand.u32 $0x4000, s31;
	s1 =	sadd.s32 s1, s30  }
0xc2: {  	s0 =	sor.u32 s3, s0;
	s1 =	sshll.u32 s1, $0x11  }
0xc3: {  	s0 =	sor.u32 s1, s0  }
0xc4: {  	s0 =	sadd.s32 $0x8F2B, s0  }
0xc5: {  	[sflag:s0] =	ssyncadd.remote.s32 $0x1  }
0xc6: {  	_ =	sfence.sel $0xFFFF  }
0xc7: {  	[dreg:$0x0] =	wrdreg $0xFFFFFFFF;
	(pc) =	sbr.abs _section_cstart, $3  }
0xc8: {  	[dreg:$0x1] =	wrdreg $0xFFFFFFFF  }
0xc9: {  	_ =	task.clear_ibuf [dreg:s8], $0x2FFFF;
	_ =	strace $0x9FFFFFFF  }
0xca: {  	(tm) =	ssettm $0x7FFFFFFF  }
0xcb: {  	_ =	shalt  }
tec
execute0_lowered:
.L_overlay_start_1:
0x0: {  	(tag) =	ssettag $0x1  }
0x1: {  	s0 =	rddreg [dreg:$0x0]  }
0x2: {  	s1 =	rddreg [dreg:$0x1];
	s2 =	srdreg.scid  }
0x3: {  	s7 =	rddreg [dreg:$0x2];
	s11 =	stileid.u32;
	s3 =	simm.s32 $0x0  }
0x4: {  	s15 =	simm.s32 $0x13B80;
	s16 =	simm.s32 $0x7;
	s18 =	simm.s32 $0x13F80  }
0x5: {  	s19 =	simm.s32 $0x2780;
	s20 =	simm.s32 $0x20;
	s21 =	simm.s32 $0x3780  }
0x6: {  	v0 =	vlaneseq.u32;
	s28 =	simm.s32 $0x4;
	s29 =	simm.s32 $0x5;
	s30 =	simm.s32 $0x6  }
0x7: {  	s31 =	simm.s32 $0x0;
	s8 =	sand.u32 $0x1, s2;
	s10 =	smul.u32 $0xA00, s11;
	v1 =	vmul.u32 $0x20, v0  }
0x8: {  	s4 =	sshll.u32 s8, $0x4;
	s13 =	ssub.s32 $0x2, s8;
	s8 =	smul.u32 $0xA000, s8  }
0x9: {  	[smem:$0x7FF] =	sst s3;
	s6 =	sor.u32 s11, s4;
	s11 =	smul.u32 $0x14000, s11;
	v2 =	vor.u32 $0x14, v1  }
0xa: {  	s2 =	rddreg [dreg:$0x3];
	_ =	strace $0x8000004A;
	v3 =	vor.u32 $0x15, v1;
	s4 =	smul.u32 $0x13C0, s6;
	[tilespmem:$0x1FF60] =	vst v2  }
0xb: {  	s5 =	sadd.s32 $0x194400, s0;
	s22 =	sshrl.u32 s13, $0x1;
	s14 =	smul.u32 $0x9E00, s6;
	[tilespmem:$0x1FF70] =	vst v3;
	v3 =	vor.u32 $0x16, v1  }
0xc: {  	v12 =	vor.u32 $0x1E, v1;
	s6 =	sadd.s32 $0x2D4400, s0;
	s8 =	sadd.s32 s10, s8;
	s24 =	sshrl.u32 s11, $0x2;
	[tilespmem:$0x1FF80] =	vst v3;
	v3 =	vor.u32 $0x17, v1  }
0xd: {  	v13 =	vor.u32 $0x1F, v1;
	v14 =	vor.u32 $0x214, v1;
	s26 =	sadd.s32 s7, s8;
	s9 =	sshrl.u32 s4, $0x3;
	[tilespmem:$0x1FF90] =	vst v3;
	s10 =	sadd.s32 s24, s2;
	v3 =	vor.u32 $0x18, v1  }
0xe: {  	v15 =	vor.u32 $0x215, v1;
	v16 =	vor.u32 $0x216, v1;
	[dreg:$0x8] =	wrdreg s26;
	s24 =	simm.s32 $0x1;
	s26 =	simm.s32 $0x2;
	[tilespmem:$0x1FFA0] =	vst v3;
	v3 =	vor.u32 $0x19, v1  }
.Ltmp0:
0xf: {  	v17 =	vor.u32 $0x217, v1;
	v18 =	vor.u32 $0x218, v1;
	s12 =	sadd.s32 s9, s0;
	s0 =	ssub.s32 s13, s22;
	[tilespmem:$0x1FFB0] =	vst v3;
	v3 =	vor.u32 $0x1A, v1;
	(pc) =	sbr.rel .LBB2_1-.Ltmp0, $4  }
0x10: {  	v19 =	vor.u32 $0x219, v1;
	v20 =	vor.u32 $0x21A, v1;
	s1 =	sadd.s32 s1, s9;
	s9 =	sadd.s32 s6, s14;
	s14 =	simm.s32 $0x13780;
	[tilespmem:$0x1FFC0] =	vst v3;
	v3 =	vor.u32 $0x1B, v1  }
0x11: {  	v26 =	vimm.s32 $0x0;
	v21 =	vor.u32 $0x21B, v1;
	s22 =	simm.s32 $0x2F80;
	[dreg:$0x5] =	wrdreg s1;
	s23 =	sadd.s32 $0x410400, s12;
	[tilespmem:$0x1FFD0] =	vst v3;
	v3 =	vor.u32 $0x1C, v1  }
0x12: {  	v22 =	vor.u32 $0x21C, v1;
	v23 =	vor.u32 $0x21D, v1;
	s25 =	sadd.s32 $0x100, s9;
	s13 =	smax.u32 s0, $0x1;
	[dreg:$0x6] =	wrdreg s23;
	[tilespmem:$0x1FFE0] =	vst v3;
	v3 =	vor.u32 $0x1D, v1  }
0x13: {  	v24 =	vor.u32 $0x21E, v1;
	v25 =	vor.u32 $0x21F, v1;
	v2 =	vimm.f32 $0.0e+00;
	[dreg:$0x7] =	wrdreg s25;
	s23 =	simm.s32 $0xB780;
	s25 =	simm.s32 $0x3;
	[tilespmem:$0x1FFF0] =	vst v3  }
.LBB2_14:
0x14: {  	_ =	swait.ge [sflag:s29], $0x400  }
0x15: {  	[sflag:s29] =	ssyncset.done $0x0  }
0x16: {  	[sflag:s29] =	ssyncadd.s32 $0xFFFFFC00  }
0x17: {  	_ =	swait.ge [sflag:s30], $0x400  }
0x18: {  	s0 =	stileid.u32;
	[sflag:s30] =	ssyncset.done $0x0  }
0x19: {  	s1 =	sshrl.u32 s10, $0x3;
	s31 =	sadd.s32 $0x1, s31;
	[sflag:s30] =	ssyncadd.s32 $0xFFFFFC00  }
0x1a: {  	s0 =	sshll.u32 s0, $0x6;
	p0 =	sne.s32 s31, s13;
	[bflag:$0x0] =	sbarrier.arrive $0xFFFF  }
.Ltmp1:
0x1b: {  	s0 =	sor.u32 $0x1C07, s0;
	s7 =	rddreg [dreg:$0x8];
	(pc) =	sbr.rel @!p0 .LBB2_15-.Ltmp1, $4  }
0x1c: {  	[hbm:s7], [sflag:s0] =	dma.local [spmem:s1], $0xA00  }
0x1d: {  	_ =	swait.ge [sflag:s16], $0xA00  }
0x1e: {  	[sflag:s16] =	ssyncset.done $0x0  }
0x1f: {  	[sflag:s16] =	ssyncadd.s32 $0xFFFFF600  }
.LBB2_1:
0x20: {  	v1 =	vld [tilespmem:$0x1FF60]  }
0x21: {  	v3 =	vld [tilespmem:$0x1FF70]  }
0x22: {  	v4 =	vld [tilespmem:$0x1FF80]  }
0x23: {  	v5 =	vld [tilespmem:$0x1FF90]  }
0x24: {  	v6 =	vld [tilespmem:$0x1FFA0]  }
0x25: {  	v7 =	vld [tilespmem:$0x1FFB0]  }
0x26: {  	v8 =	vld [tilespmem:$0x1FFC0]  }
0x27: {  	v9 =	vld [tilespmem:$0x1FFD0]  }
0x28: {  	v10 =	vld [tilespmem:$0x1FFE0];
	[tilespmem:v1+s14+$0x0] =	vst.idx.msk $0xffff, v2  }
0x29: {  	v11 =	vld [tilespmem:$0x1FFF0];
	[tilespmem:v3+s14+$0x0] =	vst.idx.msk $0xffff, v2  }
0x2a: {  	[tilespmem:v4+s14+$0x0] =	vst.idx.msk $0xffff, v2  }
0x2b: {  	[tilespmem:v5+s14+$0x0] =	vst.idx.msk $0xffff, v2  }
0x2c: {  	[tilespmem:v6+s14+$0x0] =	vst.idx.msk $0xffff, v2  }
0x2d: {  	[tilespmem:v7+s14+$0x0] =	vst.idx.msk $0xffff, v2  }
0x2e: {  	[tilespmem:v8+s14+$0x0] =	vst.idx.msk $0xffff, v2  }
0x2f: {  	[tilespmem:v9+s14+$0x0] =	vst.idx.msk $0xffff, v2  }
0x30: {  	[tilespmem:v10+s14+$0x0] =	vst.idx.msk $0xffff, v2  }
0x31: {  	[tilespmem:v11+s14+$0x0] =	vst.idx.msk $0xffff, v2  }
0x32: {  	[tilespmem:v12+s14+$0x0] =	vst.idx.msk $0xffff, v2  }
0x33: {  	[tilespmem:v13+s14+$0x0] =	vst.idx.msk $0xffff, v2  }
0x34: {  	[tilespmem:v14+s14+$0x0] =	vst.idx.msk $0xffff, v2  }
0x35: {  	[tilespmem:v15+s14+$0x0] =	vst.idx.msk $0xffff, v2  }
0x36: {  	[tilespmem:v16+s14+$0x0] =	vst.idx.msk $0xffff, v2  }
0x37: {  	[tilespmem:v17+s14+$0x0] =	vst.idx.msk $0xffff, v2  }
0x38: {  	[tilespmem:v18+s14+$0x0] =	vst.idx.msk $0xffff, v2  }
0x39: {  	[tilespmem:v19+s14+$0x0] =	vst.idx.msk $0xffff, v2  }
0x3a: {  	[tilespmem:v20+s14+$0x0] =	vst.idx.msk $0xffff, v2  }
0x3b: {  	[tilespmem:v21+s14+$0x0] =	vst.idx.msk $0xffff, v2  }
0x3c: {  	[tilespmem:v22+s14+$0x0] =	vst.idx.msk $0xffff, v2  }
0x3d: {  	[tilespmem:v23+s14+$0x0] =	vst.idx.msk $0xffff, v2  }
0x3e: {  	[tilespmem:v24+s14+$0x0] =	vst.idx.msk $0xffff, v2  }
0x3f: {  	[tilespmem:v25+s14+$0x0] =	vst.idx.msk $0xffff, v2  }
0x40: {  	[tilespmem:v1+s15+$0x0] =	vst.idx.msk $0xffff, v2  }
0x41: {  	[tilespmem:v3+s15+$0x0] =	vst.idx.msk $0xffff, v2  }
0x42: {  	[tilespmem:v4+s15+$0x0] =	vst.idx.msk $0xffff, v2  }
0x43: {  	[tilespmem:v5+s15+$0x0] =	vst.idx.msk $0xffff, v2  }
0x44: {  	[tilespmem:v6+s15+$0x0] =	vst.idx.msk $0xffff, v2  }
0x45: {  	[tilespmem:v7+s15+$0x0] =	vst.idx.msk $0xffff, v2  }
0x46: {  	[tilespmem:v8+s15+$0x0] =	vst.idx.msk $0xffff, v2  }
0x47: {  	[tilespmem:v9+s15+$0x0] =	vst.idx.msk $0xffff, v2  }
0x48: {  	[tilespmem:v10+s15+$0x0] =	vst.idx.msk $0xffff, v2  }
0x49: {  	[tilespmem:v11+s15+$0x0] =	vst.idx.msk $0xffff, v2  }
0x4a: {  	[tilespmem:v12+s15+$0x0] =	vst.idx.msk $0xffff, v2  }
0x4b: {  	[tilespmem:v13+s15+$0x0] =	vst.idx.msk $0xffff, v2  }
0x4c: {  	[tilespmem:v14+s15+$0x0] =	vst.idx.msk $0xffff, v2  }
0x4d: {  	[tilespmem:v15+s15+$0x0] =	vst.idx.msk $0xffff, v2  }
0x4e: {  	[tilespmem:v16+s15+$0x0] =	vst.idx.msk $0xffff, v2  }
0x4f: {  	[tilespmem:v17+s15+$0x0] =	vst.idx.msk $0xffff, v2  }
0x50: {  	[tilespmem:v18+s15+$0x0] =	vst.idx.msk $0xffff, v2  }
0x51: {  	[tilespmem:v19+s15+$0x0] =	vst.idx.msk $0xffff, v2  }
0x52: {  	[tilespmem:v20+s15+$0x0] =	vst.idx.msk $0xffff, v2  }
0x53: {  	[tilespmem:v21+s15+$0x0] =	vst.idx.msk $0xffff, v2  }
0x54: {  	v1 =	vor.u32 s3, v0;
	[tilespmem:v22+s15+$0x0] =	vst.idx.msk $0xffff, v2  }
0x55: {  	v3 =	vmov s3;
	v4 =	vand.u32 $0x1F, v1;
	[tilespmem:v23+s15+$0x0] =	vst.idx.msk $0xffff, v2  }
0x56: {  	vm0 =	veq.s32 v3, v0;
	vm1 =	vne.s32 v4, $0x0;
	[tilespmem:v24+s15+$0x0] =	vst.idx.msk $0xffff, v2  }
0x57: {  	s0 =	rddreg [dreg:$0x5];
	vm0 =	vmand vm0, vm1;
	[tilespmem:v25+s15+$0x0] =	vst.idx.msk $0xffff, v2  }
0x58: {  	v3 =	vsel vm0, $0xFFFFFFFF, v26;
	[tilespmem:s3], [sflag:$0x7] =	stream.linear.gather [hbm4b:s0+s3], $0x13C0, $0x38;
	[tilespmem:$0x1DF80] =	vst v63  }
0x59: {  	v3 =	vshll.u32 v3, $0x5;
	s0 =	simm.s32 $0x10;
	_ =	swait.ge [sflag:s16], $0x13C0  }
0x5a: {  	v3 =	vadd.s32 s3, v3;
	v1 =	vor.u32 s0, v0;
	[sflag:s16] =	ssyncset.done $0x0  }
0x5b: {  	s7 =	simm.s32 $0x13C0;
	v3 =	vand.u32 $0xFFFFFFE0, v3;
	v27 =	vmov s0;
	v1 =	vand.u32 $0x1F, v1;
	s1 =	rddreg [dreg:$0x6];
	[sflag:s16] =	ssyncadd.s32 $0xFFFFEC40  }
0x5c: {  	v3 =	vor.u32 v4, v3;
	vm14 =	veq.s32 v27, v0;
	vm15 =	vne.s32 v1, $0x0;
	[tilespmem:s7], [sflag:$0x7] =	stream.linear.gather [hbm4b:s1+s3], $0x13C0, $0x38;
	[tilespmem:$0x1DF80] =	vst v63  }
0x5d: {  	vm0 =	vmand vm14, vm15;
	_ =	swait.ge [sflag:s16], $0x13C0  }
0x5e: {  	v27 =	vsel vm0, $0xFFFFFFFF, v26;
	[sflag:s16] =	ssyncset.done $0x0  }
0x5f: {  	s1 =	simm.s32 $0x20;
	v4 =	vshll.u32 v27, $0x5;
	[sflag:s16] =	ssyncadd.s32 $0xFFFFEC40  }
.LBB2_2:
0x60: {  	v27 =	vor.u32 s1, v0;
	p0 =	sne.s32 s1, $0x4FF0;
	v4 =	vadd.s32 s0, v4;
	s0 =	smov.u32 s1;
	s1 =	sadd.s32 $0x10, s1  }
.Ltmp2:
0x61: {  	v28 =	vmov s0;
	v27 =	vand.u32 $0x1F, v27;
	v4 =	vand.u32 $0xFFFFFFE0, v4;
	[tilespmem:v3+s18+$0x0] =	vst.idx.msk $0xffff, v2;
	(pc) =	sbr.rel @p0 .LBB2_2-.Ltmp2, $4  }
0x62: {  	vm0 =	veq.s32 v28, v0;
	vm1 =	vne.s32 v27, $0x0;
	v3 =	vor.u32 v1, v4;
	v1 =	vmovc v27  }
0x63: {  	vm0 =	vmand vm0, vm1  }
0x64: {  	v4 =	vsel vm0, $0xFFFFFFFF, v26  }
0x65: {  	v4 =	vshll.u32 v4, $0x5  }
0x66: {  	v4 =	vadd.s32 s0, v4  }
0x67: {  	v4 =	vand.u32 $0xFFFFFFE0, v4  }
0x68: {  	v1 =	vor.u32 v1, v4;
	_ =	sdelay $0x3  }
0x69: {  	[tilespmem:v3+s18+$0x0] =	vst.idx.msk $0xffff, v2  }
0x6a: {  	[tilespmem:v1+s18+$0x0] =	vst.idx.msk $0xffff, v2  }
0x6b: {  	[spmem:s10] =	stream.linear.scatter [tilespmem:s18], [sflag:$0x7], $0x5000, $0x38;
	[tilespmem:$0x1DF80] =	vst v63  }
0x6c: {  	_ =	swait.ge [sflag:s16], $0x5000  }
0x6d: {  	[sflag:s16] =	ssyncset.done $0x0  }
0x6e: {  	[sflag:s16] =	ssyncadd.s32 $0xFFFFB000  }
0x6f: {  	s0 =	simm.s32 $0x0;
	[bflag:$0x0] =	sbarrier.arrive $0xFFFF  }
0x70: {  	[tilespmem:s19], [sflag:$0x3] =	stream.linear.gather [hbm4b:s9+s0], $0x800, $0x38;
	[tilespmem:$0x1DF80] =	vst v63  }
0x71: {  	_ = 	snop  }
0x72: {  	[tilespmem:s21], [sflag:$0x1] =	stream.indirect.gather [hbm4b:s5+s20], $0x400, s0, s20, $0xb8;
	[tilespmem:$0x1DF80] =	vst v63  }
0x73: {  	s1 =	rddreg [dreg:$0x7]  }
0x74: {  	[tilespmem:s22], [sflag:$0x4] =	stream.linear.gather [hbm4b:s1+s0], $0x800, $0x38;
	[tilespmem:$0x1DF80] =	vst v63  }
0x75: {  	_ = 	snop  }
0x76: {  	[tilespmem:s23], [sflag:$0x2] =	stream.indirect.gather [hbm4b:s5+s20], $0x400, s20, s20, $0xb8;
	[tilespmem:$0x1DF80] =	vst v63  }
.LBB2_4:
0x77: {  	_ =	swait.ge [sflag:s24], $0x8000  }
0x78: {  	[sflag:s24] =	ssyncset.done $0x0  }
0x79: {  	[sflag:s24] =	ssyncadd.s32 $0xFFFF8000  }
0x7a: {  	_ =	swait.ge [sflag:s25], $0x800  }
0x7b: {  	p0 =	seq.s32 s0, $0x0;
	[sflag:s25] =	ssyncset.done $0x0  }
0x7c: {  	s1 =	simm.s32 @!p0 $0x5;
	[sflag:s25] =	ssyncadd.s32 $0xFFFFF800  }
0x7d: {  	_ =	swait.ge @!p0 [sflag:s1], $0x400  }
0x7e: {  	[sflag:s1] =	ssyncset.done @!p0 $0x0  }
0x7f: {  	s17 =	sshll.u32 s0, $0x6;
	[sflag:s1] =	ssyncadd.s32 @!p0 $0xFFFFFC00;
	s1 =	simm.s32 $0x0  }
.LBB2_5:
0x80: {  	s7 =	sshll.u32 s1, $0x2;
	v1 =	vlaneseq.u32;
	s12 =	sshllo.u32 s1, $0x2  }
0x81: {  	v27 =	vmov s7;
	v3 =	vadd.s32 $0x3D4, v1;
	v30 =	vmov s12  }
0x82: {  	s8 =	sor.u32 $0x1, s7;
	v36 =	vadd.s32 $0x3E4, v1;
	v54 =	vor.u32 $0x10, v1;
	v39 =	vshll.u32 v27, $0xA  }
0x83: {  	s7 =	sor.u32 $0x2, s7;
	v48 =	vand.u32 $0xFFFFFFF8, v1;
	v28 =	vmov s8;
	v4 =	vor.u32 v3, v39  }
0x84: {  	v29 =	vmov s7;
	v34 =	vshll.u32 v28, $0xA;
	v37 =	vor.u32 v36, v39  }
0x85: {  	v49 =	vand.u32 $0x7, v1;
	v32 =	vshll.u32 v29, $0xA;
	v33 =	vor.u32 v3, v34  }
0x86: {  	v31 =	vshll.u32 v30, $0xA;
	v44 =	vshll.u32 v30, $0x6;
	v35 =	vor.u32 v3, v32  }
0x87: {  	v51 =	vand.u32 $0xFFFFFFF8, v54;
	v52 =	vand.u32 $0x7, v54;
	v41 =	vor.u32 v36, v31  }
0x88: {  	v50 =	vshll.u32 v27, $0x6;
	v43 =	vadd.s32 v31, v48;
	v3 =	vor.u32 v3, v31;
	v42 =	vld.idx.msk [tilespmem:v4+s21+$0x0], $0xffff  }
0x89: {  	v46 =	vadd.s32 v31, v51;
	v45 =	vor.u32 v49, v43;
	v4 =	vimm.s32 $0x0;
	v43 =	vld.idx.msk [tilespmem:v37+s21+$0x0], $0xffff  }
0x8a: {  	v8 =	vadd.s32 v39, v48;
	v55 =	vor.u32 v52, v46;
	v38 =	vld.idx.msk [tilespmem:v33+s21+$0x0], $0xffff;
	v47 =	vand.u32 $0xFFFFFFF8, v4  }
0x8b: {  	v37 =	vor.u32 v49, v8;
	v33 =	vld.idx.msk [tilespmem:v35+s21+$0x0], $0xffff;
	v35 =	vand.u32 $0x7, v4;
	v7 =	vadd.s32 v44, v47  }
0x8c: {  	v56 =	vld.idx.msk [tilespmem:v41+s21+$0x0], $0xffff;
	v9 =	vadd.s32 v50, v47;
	v53 =	vor.u32 v35, v7  }
0x8d: {  	v10 =	vadd.s32 v39, v51;
	v40 =	vor.u32 v36, v34;
	v3 =	vld.idx.msk [tilespmem:v3+s21+$0x0], $0xffff;
	v57 =	vor.u32 v35, v9  }
0x8e: {  	v46 =	vshll.u32 v28, $0x6;
	v58 =	vor.u32 v52, v10;
	v36 =	vor.u32 v36, v32;
	v59 =	vld.idx.msk [tilespmem:v45+s21+$0x0], $0xffff  }
0x8f: {  	v60 =	vadd.s32 v34, v51;
	v6 =	vadd.s32 v32, v51;
	v41 =	vshll.u32 v29, $0x6;
	v62 =	vld.idx.msk [tilespmem:v55+s21+$0x0], $0xffff  }
0x90: {  	v51 =	vor.u32 v52, v60;
	v11 =	vadd.s32 v46, v47;
	v47 =	vadd.s32 v41, v47;
	v60 =	vld.idx.msk [tilespmem:v37+s21+$0x0], $0xffff  }
0x91: {  	v55 =	vadd.s32 $0x14, v1;
	v1 =	vor.u32 v35, v47;
	v53 =	vld.idx.msk [tilespmem:v53+s19+$0x0], $0xffff  }
0x92: {  	v5 =	vld.idx.msk [tilespmem:v57+s19+$0x0], $0xffff  }
0x93: {  	v63 =	vor.u32 v52, v6;
	v8 =	vadd.s32 v32, v48;
	v58 =	vld.idx.msk [tilespmem:v58+s21+$0x0], $0xffff;
	v45 =	vand.u32 $0x7, v55  }
0x94: {  	v40 =	vld.idx.msk [tilespmem:v40+s21+$0x0], $0xffff;
	v61 =	vor.u32 v35, v11;
	v47 =	vand.u32 $0xFFFFFFF8, v55;
	v7 =	vadd.s32 v34, v48  }
0x95: {  	v35 =	vadd.s32 v39, v47;
	v6 =	vor.u32 v49, v7;
	v10 =	vadd.s32 v31, v47;
	v37 =	vld.idx.msk [tilespmem:v36+s21+$0x0], $0xffff  }
0x96: {  	v57 =	vor.u32 v49, v8;
	v49 =	vor.u32 v45, v10;
	v48 =	vld.idx.msk [tilespmem:v1+s19+$0x0], $0xffff;
	v9 =	vmul.f32 v59, v53  }
0x97: {  	v11 =	vmul.f32 v62, v53;
	v53 =	vld.idx.msk [tilespmem:v51+s21+$0x0], $0xffff;
	v62 =	vor.u32 v45, v35;
	v1 =	vmul.f32 v60, v5  }
0x98: {  	v59 =	vadd.s32 $0x1, v4;
	v51 =	vld.idx.msk [tilespmem:v63+s21+$0x0], $0xffff;
	v63 =	vmul.f32 v58, v5;
	v58 =	vadd.s32 $0x14, v54  }
0x99: {  	v52 =	vld.idx.msk [tilespmem:v61+s19+$0x0], $0xffff;
	v61 =	vand.u32 $0xFFFFFFF8, v59;
	v54 =	vand.u32 $0xFFFFFFF8, v58;
	v36 =	vadd.f32 v9, v3  }
0x9a: {  	s7 =	simm.s32 $0x2F;
	v35 =	vadd.f32 v11, v56;
	v56 =	vand.u32 $0x7, v59;
	v60 =	vadd.s32 v44, v61;
	v3 =	vld.idx.msk [tilespmem:v6+s21+$0x0], $0xffff  }
.LBB2_6:
0x9b: {  	p1 =	sne.s32 s7, $0x1;
	v4 =	vand.u32 $0x7, v58;
	v5 =	vor.u32 v56, v60;
	v6 =	vadd.s32 v31, v54;
	v57 =	vld.idx.msk [tilespmem:v57+s21+$0x0], $0xffff  }
0x9c: {  	v60 =	vadd.s32 v50, v61;
	v7 =	vadd.s32 v39, v54;
	v6 =	vor.u32 v4, v6  }
0x9d: {  	v8 =	vadd.s32 v46, v61;
	v9 =	vadd.s32 v34, v54;
	v61 =	vadd.s32 v41, v61  }
0x9e: {  	v54 =	vadd.s32 v32, v54;
	v60 =	vor.u32 v56, v60;
	v7 =	vor.u32 v4, v7  }
0x9f: {  	v8 =	vor.u32 v56, v8;
	v9 =	vor.u32 v4, v9;
	v56 =	vor.u32 v56, v61;
	v49 =	vld.idx.msk [tilespmem:v49+s21+$0x0], $0xffff  }
0xa0: {  	v4 =	vor.u32 v4, v54;
	v3 =	vmul.f32 v3, v52;
	v52 =	vmul.f32 v53, v52;
	v5 =	vld.idx.msk [tilespmem:v5+s19+$0x0], $0xffff  }
0xa1: {  	v42 =	vadd.f32 v1, v42;
	v1 =	vmul.f32 v57, v48;
	v48 =	vmul.f32 v51, v48;
	v6 =	vld.idx.msk [tilespmem:v6+s21+$0x0], $0xffff  }
0xa2: {  	v43 =	vadd.f32 v63, v43;
	v38 =	vadd.f32 v3, v38;
	v54 =	vld.idx.msk [tilespmem:v62+s21+$0x0], $0xffff  }
0xa3: {  	v55 =	vadd.s32 $0x14, v55;
	v40 =	vadd.f32 v52, v40;
	v33 =	vadd.f32 v1, v33;
	v3 =	vld.idx.msk [tilespmem:v60+s19+$0x0], $0xffff  }
0xa4: {  	v37 =	vadd.f32 v48, v37;
	v60 =	vand.u32 $0xFFFFFFF8, v55;
	v7 =	vld.idx.msk [tilespmem:v7+s21+$0x0], $0xffff  }
0xa5: {  	v61 =	vand.u32 $0x7, v55;
	v1 =	vadd.s32 v39, v60;
	v52 =	vld.idx.msk [tilespmem:v8+s19+$0x0], $0xffff;
	v8 =	vadd.s32 v34, v47  }
0xa6: {  	v10 =	vmul.f32 v49, v5;
	v8 =	vor.u32 v45, v8;
	v53 =	vld.idx.msk [tilespmem:v9+s21+$0x0], $0xffff;
	v9 =	vadd.s32 v32, v47  }
.Ltmp3:
0xa7: {  	v49 =	vadd.s32 v31, v60;
	v5 =	vmul.f32 v6, v5;
	v48 =	vld.idx.msk [tilespmem:v56+s19+$0x0], $0xffff;
	v57 =	vor.u32 v45, v9;
	(pc) =	sbr.rel @p1 .LBB2_6-.Ltmp3, $4  }
0xa8: {  	v62 =	vor.u32 v61, v1;
	v49 =	vor.u32 v61, v49;
	v36 =	vadd.f32 v10, v36;
	v51 =	vld.idx.msk [tilespmem:v4+s21+$0x0], $0xffff  }
0xa9: {  	v59 =	vadd.s32 $0x1, v59;
	v47 =	vmovc v60;
	v45 =	vmovc v61;
	v1 =	vmul.f32 v54, v3;
	v35 =	vadd.f32 v5, v35  }
0xaa: {  	v58 =	vadd.s32 $0x14, v58;
	v61 =	vand.u32 $0xFFFFFFF8, v59;
	v63 =	vmul.f32 v7, v3  }
0xab: {  	s7 =	sadd.s32 $0xFFFFFFFF, s7;
	v56 =	vand.u32 $0x7, v59;
	v54 =	vand.u32 $0xFFFFFFF8, v58;
	v60 =	vadd.s32 v44, v61;
	v3 =	vld.idx.msk [tilespmem:v8+s21+$0x0], $0xffff  }
0xac: {  	v4 =	vadd.s32 v50, v61  }
0xad: {  	v4 =	vor.u32 v56, v4;
	_ =	sdelay $0x3  }
0xae: {  	v5 =	vld.idx.msk [tilespmem:v62+s21+$0x0], $0xffff  }
0xaf: {  	v4 =	vld.idx.msk [tilespmem:v4+s19+$0x0], $0xffff;
	_ =	sdelay $0x4  }
0xb0: {  	v1 =	vadd.f32 v1, v42;
	v5 =	vmul.f32 v5, v4;
	_ =	sdelay $0x1  }
0xb1: {  	v6 =	vand.u32 $0x7, v58;
	v7 =	vadd.s32 v39, v54;
	v1 =	vadd.f32 v5, v1  }
0xb2: {  	v62 =	vor.u32 v6, v7  }
0xb3: {  	v1 =	vsub.f32 $0.0e+00, v1;
	_ =	sdelay $0x1  }
0xb4: {  	v1 =	vmul.f32 $1.442695020e+00, v1;
	_ =	sdelay $0x1  }
0xb5: {  	v5 =	vld.idx.msk [tilespmem:v62+s21+$0x0], $0xffff;
	(erf) = vpow2.f32 v1;
	_ =	sdelay $0x4  }
0xb6: {  	v4 =	vmul.f32 v5, v4;
	v1 =	vadd.f32 v63, v43  }
0xb7: {  	v9 =	vadd.s32 v34, v47  }
0xb8: {  	v8 =	vadd.s32 v46, v61;
	v10 =	vor.u32 v45, v9;
	v1 =	vadd.f32 v4, v1  }
0xb9: {  	v5 =	vor.u32 v56, v8  }
0xba: {  	v1 =	vsub.f32 $0.0e+00, v1;
	v11 =	vpop (erf)  }
0xbb: {  	v7 =	vadd.f32 $1.000000000e+00, v11  }
0xbc: {  	v1 =	vmul.f32 $1.442695020e+00, v1  }
0xbd: {  	v4 =	vld.idx.msk [tilespmem:v10+s21+$0x0], $0xffff;
	(erf) = vrcp.f32 v7  }
0xbe: {  	v5 =	vld.idx.msk [tilespmem:v5+s19+$0x0], $0xffff;
	(erf) = vpow2.f32 v1;
	_ =	sdelay $0x2  }
0xbf: {  	v1 =	vmul.f32 v3, v52;
	_ =	sdelay $0x1  }
0xc0: {  	v3 =	vmul.f32 v4, v5;
	v1 =	vadd.f32 v1, v38;
	_ =	sdelay $0x1  }
0xc1: {  	v34 =	vadd.s32 v34, v54;
	v1 =	vadd.f32 v3, v1  }
0xc2: {  	v3 =	vor.u32 v6, v34;
	v38 =	vpop (erf)  }
0xc3: {  	v1 =	vsub.f32 $0.0e+00, v1;
	v39 =	vpop (erf)  }
0xc4: {  	v7 =	vadd.f32 $1.000000000e+00, v39  }
0xc5: {  	v1 =	vmul.f32 $1.442695020e+00, v1  }
0xc6: {  	(erf) = vrcp.f32 v7  }
0xc7: {  	v3 =	vld.idx.msk [tilespmem:v3+s21+$0x0], $0xffff;
	(erf) = vpow2.f32 v1;
	_ =	sdelay $0x2  }
0xc8: {  	v1 =	vmul.f32 v53, v52;
	_ =	sdelay $0x1  }
0xc9: {  	v3 =	vmul.f32 v3, v5;
	v1 =	vadd.f32 v1, v40  }
0xca: {  	v42 =	vadd.s32 v41, v61  }
0xcb: {  	v43 =	vadd.s32 v32, v47;
	v5 =	vor.u32 v56, v42;
	v1 =	vadd.f32 v3, v1  }
0xcc: {  	v3 =	vor.u32 v45, v43;
	v44 =	vpop (erf)  }
0xcd: {  	v1 =	vsub.f32 $0.0e+00, v1;
	v8 =	vpop (erf)  }
0xce: {  	v8 =	vadd.f32 $1.000000000e+00, v8  }
0xcf: {  	v9 =	vld.idx.msk [tilespmem:v57+s21+$0x0], $0xffff;
	v1 =	vmul.f32 $1.442695020e+00, v1  }
0xd0: {  	v5 =	vld.idx.msk [tilespmem:v5+s19+$0x0], $0xffff;
	(erf) = vrcp.f32 v8  }
0xd1: {  	v3 =	vld.idx.msk [tilespmem:v3+s21+$0x0], $0xffff;
	(erf) = vpow2.f32 v1;
	_ =	sdelay $0x2  }
0xd2: {  	v1 =	vmul.f32 v9, v48;
	_ =	sdelay $0x1  }
0xd3: {  	v3 =	vmul.f32 v3, v5;
	v1 =	vadd.f32 v1, v33;
	_ =	sdelay $0x1  }
0xd4: {  	v45 =	vadd.s32 v32, v54;
	v1 =	vadd.f32 v3, v1  }
0xd5: {  	v3 =	vor.u32 v6, v45;
	v46 =	vpop (erf)  }
0xd6: {  	v1 =	vsub.f32 $0.0e+00, v1;
	v47 =	vpop (erf)  }
0xd7: {  	v9 =	vadd.f32 $1.000000000e+00, v47  }
0xd8: {  	v1 =	vmul.f32 $1.442695020e+00, v1  }
0xd9: {  	(erf) = vrcp.f32 v9  }
0xda: {  	v3 =	vld.idx.msk [tilespmem:v3+s21+$0x0], $0xffff;
	(erf) = vpow2.f32 v1;
	_ =	sdelay $0x2  }
0xdb: {  	v1 =	vmul.f32 v51, v48;
	_ =	sdelay $0x1  }
0xdc: {  	v3 =	vmul.f32 v3, v5;
	v1 =	vadd.f32 v1, v37;
	_ =	sdelay $0x1  }
0xdd: {  	v1 =	vadd.f32 v3, v1  }
0xde: {  	v3 =	vor.u32 v56, v60;
	v48 =	vpop (erf)  }
0xdf: {  	v1 =	vsub.f32 $0.0e+00, v1;
	v50 =	vpop (erf)  }
0xe0: {  	v9 =	vadd.f32 $1.000000000e+00, v50  }
0xe1: {  	v1 =	vmul.f32 $1.442695020e+00, v1  }
0xe2: {  	v51 =	vld.idx.msk [tilespmem:v49+s21+$0x0], $0xffff;
	(erf) = vrcp.f32 v9  }
0xe3: {  	v3 =	vld.idx.msk [tilespmem:v3+s19+$0x0], $0xffff;
	(erf) = vpow2.f32 v1;
	_ =	sdelay $0x4  }
0xe4: {  	v1 =	vmul.f32 v51, v3;
	_ =	sdelay $0x1  }
0xe5: {  	v52 =	vadd.s32 v31, v54;
	v1 =	vadd.f32 v1, v36  }
0xe6: {  	v6 =	vor.u32 v6, v52;
	v53 =	vpop (erf)  }
0xe7: {  	v1 =	vsub.f32 $0.0e+00, v1;
	v54 =	vpop (erf)  }
0xe8: {  	v31 =	vadd.f32 $1.000000000e+00, v54  }
0xe9: {  	v1 =	vmul.f32 $1.442695020e+00, v1  }
0xea: {  	(erf) = vrcp.f32 v31  }
0xeb: {  	v6 =	vld.idx.msk [tilespmem:v6+s21+$0x0], $0xffff;
	(erf) = vpow2.f32 v1;
	_ =	sdelay $0x4  }
0xec: {  	v1 =	vmul.f32 v6, v3;
	_ =	sdelay $0x1  }
0xed: {  	v1 =	vadd.f32 v1, v35  }
0xee: {  	v3 =	vpop (erf)  }
0xef: {  	v1 =	vsub.f32 $0.0e+00, v1;
	v55 =	vpop (erf)  }
0xf0: {  	v6 =	vadd.f32 $1.000000000e+00, v55  }
0xf1: {  	v1 =	vmul.f32 $1.442695020e+00, v1  }
0xf2: {  	(erf) = vrcp.f32 v6  }
0xf3: {  	(erf) = vpow2.f32 v1;
	_ =	sdelay $0x7  }
0xf4: {  	v1 =	vpop (erf)  }
0xf5: {  	v56 =	vshll.u32 v27, $0x5;
	v57 =	vpop (erf)  }
0xf6: {  	v27 =	vor.u32 $0x10, v0;
	v58 =	vor.u32 v0, v56;
	v31 =	vadd.f32 $1.000000000e+00, v57  }
0xf7: {  	v28 =	vshll.u32 v28, $0x5;
	v6 =	vor.u32 v27, v56  }
0xf8: {  	v59 =	vor.u32 v0, v28;
	(erf) = vrcp.f32 v31  }
0xf9: {  	v29 =	vshll.u32 v29, $0x5;
	v28 =	vor.u32 v27, v28  }
0xfa: {  	v60 =	vor.u32 v0, v29  }
0xfb: {  	v61 =	vor.u32 v27, v29;
	v29 =	vshll.u32 v30, $0x5;
	[tilespmem:v58+s14+$0x0] =	vst.idx.msk $0xffff, v38  }
0xfc: {  	s1 =	sadd.s32 $0x1, s1;
	v62 =	vor.u32 v0, v29;
	[tilespmem:v6+s14+$0x0] =	vst.idx.msk $0xffff, v44  }
0xfd: {  	p1 =	sne.s32 s1, $0x8;
	v63 =	vor.u32 v27, v29;
	[tilespmem:v59+s14+$0x0] =	vst.idx.msk $0xffff, v46  }
.Ltmp4:
0xfe: {  	[tilespmem:v28+s14+$0x0] =	vst.idx.msk $0xffff, v48;
	(pc) =	sbr.rel @p1 .LBB2_5-.Ltmp4, $4  }
0xff: {  	[tilespmem:v60+s14+$0x0] =	vst.idx.msk $0xffff, v53  }
0x100: {  	[tilespmem:v61+s14+$0x0] =	vst.idx.msk $0xffff, v3  }
0x101: {  	[tilespmem:v62+s14+$0x0] =	vst.idx.msk $0xffff, v1;
	v3 =	vpop (erf)  }
0x102: {  	[tilespmem:v63+s14+$0x0] =	vst.idx.msk $0xffff, v3  }
0x103: {  	s1 =	sand.u32 $0x3FFFFFC0, s17  }
0x104: {  	p1 =	seq.s32 s0, $0x4E;
	s7 =	sadd.s32 $0x13C0, s1  }
0x105: {  	[spmem:s2] =	stream.indirect.scatter.add.f32 [tilespmem:s14], [sflag:$0x5], $0x20, s7, s20, $0xb8;
	[tilespmem:$0x1DF80] =	vst v63  }
0x106: {  	s7 =	sadd.s32 @!p1 $0x40, s17  }
0x107: {  	s8 =	sadd.s32 @!p1 s4, s7  }
0x108: {  	s8 =	sshll.u32 @!p1 s8, $0x3  }
0x109: {  	s8 =	sand.u32 @!p1 $0x1FFFFE00, s8  }
0x10a: {  	s11 =	simm.s32 @!p1 $0x0;
	s12 =	simm.s32 @!p1 $0x2780;
	s8 =	sadd.s32 @!p1 s6, s8  }
0x10b: {  	[tilespmem:s12], [sflag:$0x3] =	stream.linear.gather @!p1 [hbm4b:s8+s11], $0x800, $0x38;
	[tilespmem:$0x1DF80] =	vst v63  }
0x10c: {  	s8 =	simm.s32 @!p1 $0x20;
	s11 =	simm.s32 @!p1 $0x3780  }
0x10d: {  	[tilespmem:s11], [sflag:$0x1] =	stream.indirect.gather @!p1 [hbm4b:s5+s8], $0x400, s7, s8, $0xb8;
	[tilespmem:$0x1DF80] =	vst v63  }
0x10e: {  	_ =	swait.ge [sflag:s26], $0x8000  }
0x10f: {  	[sflag:s26] =	ssyncset.done $0x0  }
0x110: {  	[sflag:s26] =	ssyncadd.s32 $0xFFFF8000  }
0x111: {  	_ =	swait.ge [sflag:s28], $0x800  }
0x112: {  	[sflag:s28] =	ssyncset.done $0x0  }
0x113: {  	s7 =	simm.s32 @!p0 $0x6;
	[sflag:s28] =	ssyncadd.s32 $0xFFFFF800  }
0x114: {  	_ =	swait.ge @!p0 [sflag:s7], $0x400  }
0x115: {  	[sflag:s7] =	ssyncset.done @!p0 $0x0  }
0x116: {  	[sflag:s7] =	ssyncadd.s32 @!p0 $0xFFFFFC00;
	s7 =	simm.s32 $0x0  }
.LBB2_9:
0x117: {  	s8 =	sshll.u32 s7, $0x2  }
0x118: {  	v1 =	vlaneseq.u32;
	s12 =	sshllo.u32 s7, $0x2;
	v31 =	vmov s8  }
0x119: {  	v3 =	vadd.s32 $0x3D4, v1;
	v30 =	vmov s12;
	v40 =	vshll.u32 v31, $0xA  }
0x11a: {  	s11 =	sor.u32 $0x1, s8;
	v7 =	vadd.s32 $0x3E4, v1;
	v55 =	vor.u32 $0x10, v1;
	v4 =	vor.u32 v3, v40  }
0x11b: {  	s8 =	sor.u32 $0x2, s8;
	v28 =	vmov s11;
	v32 =	vshll.u32 v30, $0xA;
	v8 =	vor.u32 v7, v40  }
0x11c: {  	v29 =	vmov s8;
	v35 =	vshll.u32 v28, $0xA;
	v36 =	vor.u32 v7, v32  }
0x11d: {  	v37 =	vand.u32 $0xFFFFFFF8, v1;
	v33 =	vshll.u32 v29, $0xA;
	v5 =	vor.u32 v3, v35  }
0x11e: {  	v49 =	vand.u32 $0x7, v1;
	v45 =	vshll.u32 v30, $0x6;
	v6 =	vor.u32 v3, v33  }
0x11f: {  	v46 =	vand.u32 $0xFFFFFFF8, v55;
	v48 =	vand.u32 $0x7, v55;
	v3 =	vor.u32 v3, v32;
	v43 =	vld.idx.msk [tilespmem:v4+s23+$0x0], $0xffff  }
0x120: {  	v51 =	vshll.u32 v31, $0x6;
	v60 =	vadd.s32 v32, v46;
	v9 =	vor.u32 v7, v35;
	v44 =	vld.idx.msk [tilespmem:v8+s23+$0x0], $0xffff  }
0x121: {  	v42 =	vadd.s32 v40, v46;
	v52 =	vor.u32 v48, v60;
	v4 =	vimm.s32 $0x0;
	v36 =	vld.idx.msk [tilespmem:v36+s23+$0x0], $0xffff  }
0x122: {  	v34 =	vadd.s32 v32, v37;
	v53 =	vor.u32 v48, v42;
	v39 =	vld.idx.msk [tilespmem:v5+s23+$0x0], $0xffff;
	v38 =	vand.u32 $0xFFFFFFF8, v4  }
0x123: {  	v5 =	vor.u32 v49, v34;
	v34 =	vld.idx.msk [tilespmem:v6+s23+$0x0], $0xffff;
	v6 =	vand.u32 $0x7, v4;
	v41 =	vadd.s32 v45, v38  }
0x124: {  	v3 =	vld.idx.msk [tilespmem:v3+s23+$0x0], $0xffff;
	v62 =	vadd.s32 v51, v38;
	v50 =	vor.u32 v6, v41  }
0x125: {  	v41 =	vld.idx.msk [tilespmem:v9+s23+$0x0], $0xffff;
	v9 =	vor.u32 v6, v62  }
0x126: {  	v61 =	vadd.s32 v40, v37;
	v47 =	vshll.u32 v28, $0x6;
	v7 =	vor.u32 v7, v33;
	v52 =	vld.idx.msk [tilespmem:v52+s23+$0x0], $0xffff  }
0x127: {  	v42 =	vshll.u32 v29, $0x6;
	v8 =	vor.u32 v49, v61;
	v59 =	vld.idx.msk [tilespmem:v53+s23+$0x0], $0xffff;
	v54 =	vadd.s32 v47, v38  }
0x128: {  	v56 =	vadd.s32 v35, v46;
	v46 =	vadd.s32 v33, v46;
	v54 =	vor.u32 v6, v54;
	v5 =	vld.idx.msk [tilespmem:v5+s23+$0x0], $0xffff  }
0x129: {  	v63 =	vadd.s32 v35, v37;
	v57 =	vor.u32 v48, v56;
	v38 =	vadd.s32 v42, v38;
	v50 =	vld.idx.msk [tilespmem:v50+s22+$0x0], $0xffff  }
0x12a: {  	v37 =	vadd.s32 v33, v37;
	v56 =	vadd.s32 $0x14, v1;
	v1 =	vor.u32 v6, v38;
	v9 =	vld.idx.msk [tilespmem:v9+s22+$0x0], $0xffff  }
0x12b: {  	v6 =	vor.u32 v48, v46;
	v48 =	vand.u32 $0xFFFFFFF8, v56;
	v38 =	vld.idx.msk [tilespmem:v7+s23+$0x0], $0xffff;
	v7 =	vor.u32 v49, v63  }
0x12c: {  	v58 =	vor.u32 v49, v37;
	v46 =	vand.u32 $0x7, v56;
	v60 =	vadd.s32 v40, v48;
	v8 =	vld.idx.msk [tilespmem:v8+s23+$0x0], $0xffff  }
0x12d: {  	v61 =	vadd.s32 v32, v48;
	v63 =	vor.u32 v46, v60;
	v60 =	vadd.s32 $0x1, v4;
	v53 =	vld.idx.msk [tilespmem:v54+s22+$0x0], $0xffff  }
0x12e: {  	v62 =	vand.u32 $0xFFFFFFF8, v60;
	v54 =	vld.idx.msk [tilespmem:v57+s23+$0x0], $0xffff;
	v57 =	vand.u32 $0x7, v60;
	v5 =	vmul.f32 v5, v50  }
0x12f: {  	v49 =	vld.idx.msk [tilespmem:v1+s22+$0x0], $0xffff;
	v52 =	vmul.f32 v52, v50;
	v1 =	vmul.f32 v59, v9;
	v59 =	vadd.s32 $0x14, v55  }
0x130: {  	v4 =	vld.idx.msk [tilespmem:v7+s23+$0x0], $0xffff;
	v50 =	vor.u32 v46, v61;
	v61 =	vadd.s32 v45, v62;
	v55 =	vand.u32 $0xFFFFFFF8, v59  }
0x131: {  	s8 =	simm.s32 $0x2F;
	v37 =	vadd.f32 v5, v3;
	v3 =	vmul.f32 v8, v9;
	v36 =	vadd.f32 v52, v36;
	v52 =	vld.idx.msk [tilespmem:v6+s23+$0x0], $0xffff  }
.LBB2_10:
0x132: {  	p0 =	sne.s32 s8, $0x1;
	v5 =	vand.u32 $0x7, v59;
	v6 =	vor.u32 v57, v61;
	v7 =	vadd.s32 v32, v55;
	v8 =	vld.idx.msk [tilespmem:v58+s23+$0x0], $0xffff  }
0x133: {  	v9 =	vadd.s32 v51, v62;
	v58 =	vadd.s32 v40, v55;
	v7 =	vor.u32 v5, v7  }
0x134: {  	v61 =	vadd.s32 v47, v62;
	v10 =	vadd.s32 v35, v55;
	v62 =	vadd.s32 v42, v62  }
0x135: {  	v55 =	vadd.s32 v33, v55;
	v9 =	vor.u32 v57, v9;
	v58 =	vor.u32 v5, v58  }
0x136: {  	v61 =	vor.u32 v57, v61;
	v10 =	vor.u32 v5, v10;
	v57 =	vor.u32 v57, v62;
	v50 =	vld.idx.msk [tilespmem:v50+s23+$0x0], $0xffff  }
0x137: {  	v5 =	vor.u32 v5, v55;
	v4 =	vmul.f32 v4, v53;
	v53 =	vmul.f32 v54, v53;
	v6 =	vld.idx.msk [tilespmem:v6+s22+$0x0], $0xffff  }
0x138: {  	v43 =	vadd.f32 v3, v43;
	v3 =	vmul.f32 v8, v49;
	v8 =	vmul.f32 v52, v49;
	v7 =	vld.idx.msk [tilespmem:v7+s23+$0x0], $0xffff  }
0x139: {  	v44 =	vadd.f32 v1, v44;
	v39 =	vadd.f32 v4, v39;
	v55 =	vld.idx.msk [tilespmem:v63+s23+$0x0], $0xffff  }
0x13a: {  	v56 =	vadd.s32 $0x14, v56;
	v41 =	vadd.f32 v53, v41;
	v34 =	vadd.f32 v3, v34;
	v1 =	vld.idx.msk [tilespmem:v9+s22+$0x0], $0xffff  }
0x13b: {  	v4 =	vand.u32 $0xFFFFFFF8, v56;
	v38 =	vadd.f32 v8, v38;
	v9 =	vld.idx.msk [tilespmem:v58+s23+$0x0], $0xffff  }
0x13c: {  	v49 =	vadd.s32 v35, v48;
	v8 =	vand.u32 $0x7, v56;
	v3 =	vadd.s32 v40, v4;
	v53 =	vld.idx.msk [tilespmem:v61+s22+$0x0], $0xffff  }
0x13d: {  	v11 =	vor.u32 v46, v49;
	v61 =	vmul.f32 v50, v6;
	v54 =	vld.idx.msk [tilespmem:v10+s23+$0x0], $0xffff;
	v10 =	vadd.s32 v33, v48  }
.Ltmp5:
0x13e: {  	v50 =	vadd.s32 v32, v4;
	v6 =	vmul.f32 v7, v6;
	v49 =	vld.idx.msk [tilespmem:v57+s22+$0x0], $0xffff;
	v58 =	vor.u32 v46, v10;
	(pc) =	sbr.rel @p0 .LBB2_10-.Ltmp5, $4  }
0x13f: {  	v63 =	vor.u32 v8, v3;
	v50 =	vor.u32 v8, v50;
	v37 =	vadd.f32 v61, v37;
	v52 =	vld.idx.msk [tilespmem:v5+s23+$0x0], $0xffff  }
0x140: {  	v60 =	vadd.s32 $0x1, v60;
	v48 =	vmovc v4;
	v46 =	vmovc v8;
	v3 =	vmul.f32 v55, v1;
	v36 =	vadd.f32 v6, v36  }
0x141: {  	v59 =	vadd.s32 $0x14, v59;
	v62 =	vand.u32 $0xFFFFFFF8, v60;
	v1 =	vmul.f32 v9, v1  }
0x142: {  	s8 =	sadd.s32 $0xFFFFFFFF, s8;
	v57 =	vand.u32 $0x7, v60;
	v61 =	vadd.s32 v45, v62;
	v55 =	vand.u32 $0xFFFFFFF8, v59;
	v4 =	vld.idx.msk [tilespmem:v11+s23+$0x0], $0xffff  }
0x143: {  	v5 =	vadd.s32 v51, v62  }
0x144: {  	v5 =	vor.u32 v57, v5;
	_ =	sdelay $0x3  }
0x145: {  	v6 =	vld.idx.msk [tilespmem:v63+s23+$0x0], $0xffff  }
0x146: {  	v5 =	vld.idx.msk [tilespmem:v5+s22+$0x0], $0xffff;
	_ =	sdelay $0x4  }
0x147: {  	v3 =	vadd.f32 v3, v43;
	v6 =	vmul.f32 v6, v5;
	_ =	sdelay $0x1  }
0x148: {  	v7 =	vand.u32 $0x7, v59;
	v8 =	vadd.s32 v40, v55;
	v3 =	vadd.f32 v6, v3  }
0x149: {  	v63 =	vor.u32 v7, v8  }
0x14a: {  	v3 =	vsub.f32 $0.0e+00, v3;
	_ =	sdelay $0x1  }
0x14b: {  	v3 =	vmul.f32 $1.442695020e+00, v3;
	_ =	sdelay $0x1  }
0x14c: {  	v6 =	vld.idx.msk [tilespmem:v63+s23+$0x0], $0xffff;
	(erf) = vpow2.f32 v3;
	_ =	sdelay $0x4  }
0x14d: {  	v1 =	vadd.f32 v1, v44;
	v3 =	vmul.f32 v6, v5  }
0x14e: {  	v9 =	vadd.s32 v47, v62  }
0x14f: {  	v10 =	vadd.s32 v35, v48;
	v5 =	vor.u32 v57, v9;
	v1 =	vadd.f32 v3, v1  }
0x150: {  	v3 =	vor.u32 v46, v10  }
0x151: {  	v1 =	vsub.f32 $0.0e+00, v1;
	v11 =	vpop (erf)  }
0x152: {  	v6 =	vadd.f32 $1.000000000e+00, v11  }
0x153: {  	v1 =	vmul.f32 $1.442695020e+00, v1  }
0x154: {  	v5 =	vld.idx.msk [tilespmem:v5+s22+$0x0], $0xffff;
	(erf) = vrcp.f32 v6  }
0x155: {  	v3 =	vld.idx.msk [tilespmem:v3+s23+$0x0], $0xffff;
	(erf) = vpow2.f32 v1;
	_ =	sdelay $0x2  }
0x156: {  	v1 =	vmul.f32 v4, v53;
	_ =	sdelay $0x1  }
0x157: {  	v3 =	vmul.f32 v3, v5;
	v1 =	vadd.f32 v1, v39;
	_ =	sdelay $0x1  }
0x158: {  	v35 =	vadd.s32 v35, v55;
	v1 =	vadd.f32 v3, v1  }
0x159: {  	v3 =	vor.u32 v7, v35;
	v39 =	vpop (erf)  }
0x15a: {  	v1 =	vsub.f32 $0.0e+00, v1;
	v40 =	vpop (erf)  }
0x15b: {  	v6 =	vadd.f32 $1.000000000e+00, v40  }
0x15c: {  	v1 =	vmul.f32 $1.442695020e+00, v1  }
0x15d: {  	(erf) = vrcp.f32 v6  }
0x15e: {  	v3 =	vld.idx.msk [tilespmem:v3+s23+$0x0], $0xffff;
	(erf) = vpow2.f32 v1;
	_ =	sdelay $0x2  }
0x15f: {  	v1 =	vmul.f32 v54, v53;
	_ =	sdelay $0x1  }
0x160: {  	v3 =	vmul.f32 v3, v5;
	v1 =	vadd.f32 v1, v41  }
0x161: {  	v42 =	vadd.s32 v42, v62  }
0x162: {  	v43 =	vadd.s32 v33, v48;
	v5 =	vor.u32 v57, v42;
	v1 =	vadd.f32 v3, v1  }
0x163: {  	v3 =	vor.u32 v46, v43;
	v44 =	vpop (erf)  }
0x164: {  	v1 =	vsub.f32 $0.0e+00, v1;
	v45 =	vpop (erf)  }
0x165: {  	v8 =	vadd.f32 $1.000000000e+00, v45  }
0x166: {  	v9 =	vld.idx.msk [tilespmem:v58+s23+$0x0], $0xffff;
	v1 =	vmul.f32 $1.442695020e+00, v1  }
0x167: {  	v5 =	vld.idx.msk [tilespmem:v5+s22+$0x0], $0xffff;
	(erf) = vrcp.f32 v8  }
0x168: {  	v3 =	vld.idx.msk [tilespmem:v3+s23+$0x0], $0xffff;
	(erf) = vpow2.f32 v1;
	_ =	sdelay $0x2  }
0x169: {  	v1 =	vmul.f32 v9, v49;
	_ =	sdelay $0x1  }
0x16a: {  	v3 =	vmul.f32 v3, v5;
	v1 =	vadd.f32 v1, v34;
	_ =	sdelay $0x1  }
0x16b: {  	v46 =	vadd.s32 v33, v55;
	v1 =	vadd.f32 v3, v1  }
0x16c: {  	v3 =	vor.u32 v7, v46;
	v47 =	vpop (erf)  }
0x16d: {  	v1 =	vsub.f32 $0.0e+00, v1;
	v48 =	vpop (erf)  }
0x16e: {  	v9 =	vadd.f32 $1.000000000e+00, v48  }
0x16f: {  	v1 =	vmul.f32 $1.442695020e+00, v1  }
0x170: {  	(erf) = vrcp.f32 v9  }
0x171: {  	v3 =	vld.idx.msk [tilespmem:v3+s23+$0x0], $0xffff;
	(erf) = vpow2.f32 v1;
	_ =	sdelay $0x2  }
0x172: {  	v1 =	vmul.f32 v52, v49;
	_ =	sdelay $0x1  }
0x173: {  	v3 =	vmul.f32 v3, v5;
	v1 =	vadd.f32 v1, v38;
	_ =	sdelay $0x1  }
0x174: {  	v1 =	vadd.f32 v3, v1  }
0x175: {  	v3 =	vor.u32 v57, v61;
	v49 =	vpop (erf)  }
0x176: {  	v1 =	vsub.f32 $0.0e+00, v1;
	v51 =	vpop (erf)  }
0x177: {  	v9 =	vadd.f32 $1.000000000e+00, v51  }
0x178: {  	v1 =	vmul.f32 $1.442695020e+00, v1  }
0x179: {  	v10 =	vld.idx.msk [tilespmem:v50+s23+$0x0], $0xffff;
	(erf) = vrcp.f32 v9  }
0x17a: {  	v3 =	vld.idx.msk [tilespmem:v3+s22+$0x0], $0xffff;
	(erf) = vpow2.f32 v1;
	_ =	sdelay $0x4  }
0x17b: {  	v1 =	vmul.f32 v10, v3;
	_ =	sdelay $0x1  }
0x17c: {  	v52 =	vadd.s32 v32, v55;
	v1 =	vadd.f32 v1, v37  }
0x17d: {  	v7 =	vor.u32 v7, v52;
	v53 =	vpop (erf)  }
0x17e: {  	v1 =	vsub.f32 $0.0e+00, v1;
	v54 =	vpop (erf)  }
0x17f: {  	v10 =	vadd.f32 $1.000000000e+00, v54  }
0x180: {  	v1 =	vmul.f32 $1.442695020e+00, v1  }
0x181: {  	(erf) = vrcp.f32 v10  }
0x182: {  	v7 =	vld.idx.msk [tilespmem:v7+s23+$0x0], $0xffff;
	(erf) = vpow2.f32 v1;
	_ =	sdelay $0x4  }
0x183: {  	v1 =	vmul.f32 v7, v3;
	_ =	sdelay $0x1  }
0x184: {  	v1 =	vadd.f32 v1, v36  }
0x185: {  	v3 =	vpop (erf)  }
0x186: {  	v1 =	vsub.f32 $0.0e+00, v1;
	v55 =	vpop (erf)  }
0x187: {  	v7 =	vadd.f32 $1.000000000e+00, v55  }
0x188: {  	v1 =	vmul.f32 $1.442695020e+00, v1  }
0x189: {  	(erf) = vrcp.f32 v7  }
0x18a: {  	(erf) = vpow2.f32 v1;
	_ =	sdelay $0x7  }
0x18b: {  	v1 =	vpop (erf)  }
0x18c: {  	v56 =	vshll.u32 v31, $0x5;
	v57 =	vpop (erf)  }
0x18d: {  	v11 =	vor.u32 v0, v56;
	v10 =	vadd.f32 $1.000000000e+00, v57  }
0x18e: {  	v28 =	vshll.u32 v28, $0x5;
	v7 =	vor.u32 v27, v56  }
0x18f: {  	v58 =	vor.u32 v0, v28;
	(erf) = vrcp.f32 v10  }
0x190: {  	v59 =	vor.u32 v27, v28;
	v28 =	vshll.u32 v29, $0x5  }
0x191: {  	v29 =	vor.u32 v0, v28  }
0x192: {  	v60 =	vor.u32 v27, v28;
	v61 =	vshll.u32 v30, $0x5;
	[tilespmem:v11+s15+$0x0] =	vst.idx.msk $0xffff, v39  }
0x193: {  	s7 =	sadd.s32 $0x1, s7;
	v62 =	vor.u32 v0, v61;
	[tilespmem:v7+s15+$0x0] =	vst.idx.msk $0xffff, v44  }
0x194: {  	p0 =	sne.s32 s7, $0x8;
	v63 =	vor.u32 v27, v61;
	[tilespmem:v58+s15+$0x0] =	vst.idx.msk $0xffff, v47  }
.Ltmp6:
0x195: {  	[tilespmem:v59+s15+$0x0] =	vst.idx.msk $0xffff, v49;
	(pc) =	sbr.rel @p0 .LBB2_9-.Ltmp6, $4  }
0x196: {  	[tilespmem:v29+s15+$0x0] =	vst.idx.msk $0xffff, v53  }
0x197: {  	[tilespmem:v60+s15+$0x0] =	vst.idx.msk $0xffff, v3  }
0x198: {  	[tilespmem:v62+s15+$0x0] =	vst.idx.msk $0xffff, v1;
	v3 =	vpop (erf)  }
0x199: {  	[tilespmem:v63+s15+$0x0] =	vst.idx.msk $0xffff, v3  }
.Ltmp7:
0x19a: {  	(pc) =	sbr.rel @p1 .LBB2_14-.Ltmp7, $3  }
0x19b: {  	_ =	sdelay $0x1  }
0x19c: {  	s1 =	sadd.s32 $0x13E0, s1  }
0x19d: {  	[spmem:s2] =	stream.indirect.scatter.add.f32 [tilespmem:s15], [sflag:$0x6], $0x20, s1, s20, $0xb8;
	[tilespmem:$0x1DF80] =	vst v63  }
0x19e: {  	s1 =	sadd.s32 $0x60, s17  }
0x19f: {  	s7 =	sadd.s32 s4, s1  }
0x1a0: {  	s7 =	sshll.u32 s7, $0x3  }
.Ltmp8:
0x1a1: {  	s7 =	sand.u32 $0x1FFFFF00, s7;
	(pc) =	sbr.rel .LBB2_4-.Ltmp8, $4  }
0x1a2: {  	s7 =	sadd.s32 s6, s7  }
0x1a3: {  	[tilespmem:s22], [sflag:$0x4] =	stream.linear.gather [hbm4b:s7+s3], $0x800, $0x38;
	[tilespmem:$0x1DF80] =	vst v63  }
0x1a4: {  	s0 =	sadd.s32 $0x1, s0  }
0x1a5: {  	[tilespmem:s23], [sflag:$0x2] =	stream.indirect.gather [hbm4b:s5+s20], $0x400, s1, s20, $0xb8;
	[tilespmem:$0x1DF80] =	vst v63  }
.LBB2_15:
0x1a6: {  	_ =	sfence.sel $0x180000  }
0x1a7: {  	[bflag:$0x0] =	sbarrier.arrive $0xFFFF  }
0x1a8: {  	_ =	strace $0x9000004A  }
0x1a9: {  	s0 =	stileid.u32;
	[bflag:$0x2] =	sbarrier.arrive $0xFFFF  }
0x1aa: {  	p0 =	sne.s32 s0, $0x0;
	s0 =	rddreg [dreg:$0x4]  }
0x1ab: {  	s0 =	sadd.s32 @!p0 $0x100000, s0  }
0x1ac: {  	[sflag:s0] =	ssyncadd.tile.s32 @!p0 $0x1;
	_ =	shalt  }
.Lfunc_end2:
_tile_overlayer_lowered:
.L_overlay_start_2:
0x1ad: {  	(tag) =	ssettag $0x2  }
0x1ae: {  	s0 =	rddreg [dreg:$0x0];
	s2 =	stileid.u32  }
0x1af: {  	s1 =	rddreg [dreg:$0x1];
	p0 =	sne.s32 s2, $0x0  }
0x1b0: {  	s3 =	rddreg [dreg:$0x2];
	[bflag:$0x3] =	sbarrier.arrive $0xFFFF;
	s2 =	simm.s32 @!p0 $0x1C07  }
0x1b1: {  	[timem:s3], [sflag:s2] =	dma.local @!p0 [hbm:s0], s1  }
0x1b2: {  	s0 =	simm.s32 @!p0 $0x7  }
0x1b3: {  	_ =	swait.ge @!p0 [sflag:s0], s1  }
0x1b4: {  	s1 =	ssub.s32 @!p0 $0x0, s1;
	[sflag:s0] =	ssyncset.done @!p0 $0x0  }
0x1b5: {  	[sflag:s0] =	ssyncadd.s32 @!p0 s1  }
0x1b6: {  	[bflag:$0x3] =	sbarrier.arrive $0xFFFF  }
0x1b7: {  	_ =	shalt  }

// kernel: sparse-core-data-format-call.1.cloned.1.call-start
scs
called_computation.1_lowered:
.L_overlay_start_0:
0x0: {  	s1 =	sld [smem:$0x3FD9]  }
0x1: {  	s2 =	sld [smem:$0x3FFE];
	_ =	sdelay $0x1  }
0x2: {  	s3 =	srdreg.scid  }
0x3: {  	s0 =	sand.u32 $0x1, s3  }
0x4: {  	s17 =	sshll.u32 s0, $0xA;
	s1 =	sadd.s32 s2, s1  }
0x5: {  	s1 =	sadd.s32 s1, s17  }
0x6: {  	[smem:$0x3FB5] =	sst s1  }
0x7: {  	_ = 	snop  }
0x8: {  	(tm) =	ssettm $0x1  }
0x9: {  	s18 =	sld [smem:$0x3FFB];
	_ =	sdelay $0x3  }
0xa: {  	_ =	strace s18  }
0xb: {  	s1 =	sld [smem:$0x3FFC];
	_ =	sdelay $0x3  }
0xc: {  	_ =	strace s1  }
0xd: {  	s1 =	sld [smem:$0x3FFD];
	_ =	sdelay $0x3  }
0xe: {  	_ =	strace s1  }
0xf: {  	_ =	strace $0x8FFFFFFF  }
0x10: {  	s19 =	sld [smem:$0x3FDB];
	_ =	sdelay $0x1  }
0x11: {  	s20 =	simm.s32 $_scs_section_size  }
0x12: {  	s4 =	simm.s32 $_size__tile_overlayer_lowered;
	s5 =	simm.s32 $_tile_overlayer_lowered  }
0x13: {  	s23 =	simm.s32 $0x1BFF;
	s22 =	sshll.u32 s5, $0x1;
	s1 =	sadd.s32 s20, s19  }
0x14: {  	s6 =	simm.s32 $0x0;
	s21 =	sshll.u32 s4, $0x1;
	s4 =	sadd.s32 s22, s1  }
0x15: {  	[timem:s6], [sflag:s23] =	dma.local [hbm:s4], s21  }
0x16: {  	_ =	swait.ge [sflag:s23], s21  }
0x17: {  	s2 =	ssub.s32 $0x0, s21;
	[sflag:s23] =	ssyncset.done $0x0  }
0x18: {  	[sflag:s23] =	ssyncadd.s32 s2;
	_ =	sdelay $0x1  }
0x19: {  	s24 =	simm.s32 $0x1B8B  }
0x1a: {  	_ =	swait.ge [sflag:s24], $0x1  }
0x1b: {  	[sflag:s24] =	ssyncset.done $0x0  }
0x1c: {  	s26 =	simm.s32 $0x1B8E;
	s25 =	sld [smem:$0x3FFE];
	[sflag:s24] =	ssyncadd.s32 $0xFFFFFFFF  }
0x1d: {  	s27 =	simm.s32 $execute0_lowered;
	[smem:$0x3FD2] =	sst s26  }
0x1e: {  	s4 =	sshll.u32 s27, $0x1;
	_ =	strace $0x80000046;
	[dreg:$0x1] =	wrdreg $0xFFFFFFFF  }
0x1f: {  	s28 =	simm.s32 $_size_execute0_lowered;
	s1 =	sadd.s32 s1, s4;
	[dreg:$0x0] =	wrdreg $0x0  }
0x20: {  	s4 =	sshll.u32 s28, $0x1;
	[dreg:$0x2] =	wrdreg s1  }
0x21: {  	[dreg:$0x3] =	wrdreg s4  }
0x22: {  	[dreg:$0x4] =	wrdreg $0xC0  }
0x23: {  	_ =	task [dreg:s6], $0x5FFFF  }
0x24: {  	[dreg:$0x1] =	wrdreg $0xFFFFFFFF  }
0x25: {  	[dreg:$0x0] =	wrdreg $0x60  }
0x26: {  	[dreg:$0x2] =	wrdreg s25  }
0x27: {  	[dreg:$0x3] =	wrdreg $0x9  }
0x28: {  	_ =	task.clear_ibuf [dreg:s6], $0x4FFFF;
	_ =	strace $0x90000046  }
0x29: {  	s29 =	simm.s32 $0x9;
	_ =	strace $0x80000048  }
0x2a: {  	_ =	swait.ge [sflag:s29], $0x1  }
0x2b: {  	[sflag:s29] =	ssyncadd.s32 $0xFFFFFFFF  }
0x2c: {  	_ =	strace $0x90000048  }
0x2d: {  	_ =	sfence  }
0x2e: {  	s30 =	sld [smem:$0x0];
	_ =	sdelay $0x2  }
0x2f: {  	s31 =	sshll.u32 s3, $0xD;
	s3 =	sshrl.u32 s3, $0x2  }
0x30: {  	s2 =	sand.u32 $0x4000, s31;
	s1 =	sadd.s32 s3, s30  }
0x31: {  	s0 =	sor.u32 s2, s0;
	s1 =	sshll.u32 s1, $0x11  }
0x32: {  	s0 =	sor.u32 s1, s0  }
0x33: {  	s0 =	sadd.s32 $0x8F2B, s0  }
0x34: {  	[sflag:s0] =	ssyncadd.remote.s32 $0x1  }
0x35: {  	_ =	sfence.sel $0xFFFF  }
0x36: {  	[dreg:$0x0] =	wrdreg $0xFFFFFFFF;
	(pc) =	sbr.abs _section_cstart, $3  }
0x37: {  	[dreg:$0x1] =	wrdreg $0xFFFFFFFF  }
0x38: {  	_ =	task.clear_ibuf [dreg:s6], $0x2FFFF;
	_ =	strace $0x9FFFFFFF  }
0x39: {  	(tm) =	ssettm $0x7FFFFFFF  }
tec
execute0_lowered:
.L_overlay_start_1:
0x0: {  	(tag) =	ssettag $0x1  }
0x1: {  	s0 =	srdreg.scid  }
0x2: {  	s1 =	sshll.u32 s0, $0x4  }
0x3: {  	s4 =	rddreg [dreg:$0x0];
	s0 =	stileid.u32;
	s1 =	sand.u32 $0x10, s1  }
0x4: {  	s7 =	simm.s32 $0x1;
	s8 =	simm.s32 $0x2;
	s1 =	sor.u32 s0, s1  }
0x5: {  	s9 =	simm.s32 $0x0;
	s12 =	simm.s32 $0x0;
	s2 =	sshll.u32 s1, $0x1  }
0x6: {  	s11 =	simm.s32 $0x0;
	s3 =	sadd.s32 $0x54400, s4;
	s6 =	ssub.s32 $0x500, s2  }
.Ltmp0:
0x7: {  	s4 =	sadd.s32 $0x194400, s4;
	s5 =	sand.u32 $0x3E, s6;
	(pc) =	sbr.rel .LBB1_1-.Ltmp0, $4  }
0x8: {  	s1 =	rddreg [dreg:$0x1];
	_ =	strace $0x80000047;
	p0 =	sne.s32 s5, $0x0  }
0x9: {  	s6 =	sshrl.u32 s6, $0x6;
	s5 =	simm.s32 $0x1;
	s7 =	simm.s32 @!p0 $0x0  }
0xa: {  	s10 =	smov.u32 s2;
	[sflag:s5] =	ssyncpa.u1 $0x0;
	s6 =	sadd.s32 s7, s6  }
0xb: {  	[sflag:s8] =	ssyncpa.u1 $0x0;
	s8 =	simm.s32 $0x0;
	s7 =	sadd.s32 $0x1, s6  }
.LBB1_9:
0xc: {  	s14 =	sadd.s32 $0x40, s10  }
0xd: {  	p1 =	sgt.s32 s14, $0x4FF  }
0xe: {  	s14 =	smov.u32 @p1 s2;
	p1 =	sne.s32 s11, s7  }
.Ltmp1:
0xf: {  	p0 =	slt.u32 s11, $0x2;
	(pc) =	sbr.rel @!p1 .LBB1_10-.Ltmp1, $4  }
0x10: {  	s13 =	simm.s32 @!p0 $0x2  }
0x11: {  	s15 =	sadd.s32 $0x1, s11;
	_ =	swait.ge @!p0 [sflag:s13], $0x4000  }
0x12: {  	s12 =	smov.u32 s10;
	s9 =	sadd.s32 $0x4000, s9;
	[sflag:s13] =	ssyncset.done @!p0 $0x0  }
0x13: {  	s11 =	smov.u32 s15;
	s10 =	smov.u32 s14;
	[sflag:s13] =	ssyncadd.s32 @!p0 $0xFFFFC000  }
.LBB1_1:
0x14: {  	p0 =	sge.u32 s11, s6  }
0x15: {  	s13 =	sxor.u32 @!p0 $0xFFFFFFFF, s11  }
0x16: {  	s31 =	sadd.s32 $0xFFFFFFFF, s11;
	s14 =	sshll.u32 @!p0 s10, $0xA;
	s13 =	sshll.u32 @!p0 s13, $0xE  }
0x17: {  	s15 =	simm.s32 @!p0 $0x0;
	s14 =	sadd.s32 @!p0 s3, s14;
	s13 =	sand.u32 @!p0 $0x4000, s13  }
0x18: {  	[tilespmem:s13], [sflag:$0x1] =	stream.linear.gather @!p0 [hbm4b:s14+s15], $0x4000, $0x38;
	[tilespmem:$0x10000] =	vst v63  }
0x19: {  	p0 =	sge.u32 s31, s6  }
.Ltmp2:
0x1a: {  	_ = 	snop;
	(pc) =	sbr.rel @p0 .LBB1_9-.Ltmp2, $1  }
0x1b: {  	_ =	sdelay $0x3  }
0x1c: {  	s13 =	sshll.u32 s9, $0x2  }
0x1d: {  	_ =	swait.ge [sflag:s5], $0x4000;
	s14 =	sshll.u32 s11, $0xE;
	s16 =	simm.s32 $0x0  }
0x1e: {  	p1 =	por $0x1, $0x1;
	s13 =	sand.u32 $0x10000, s13;
	[sflag:s5] =	ssyncset.done $0x0  }
0x1f: {  	s14 =	sand.u32 $0x4000, s14;
	s15 =	sshrl.u32 s13, $0x2;
	[sflag:s5] =	ssyncadd.s32 $0xFFFFC000  }
0x20: {  	s13 =	sor.u32 $0x8000, s14;
	s14 =	sadd.s32 $0x8040, s15;
	s15 =	sadd.s32 $0x40, s15  }
.LBB1_3:
0x21: {  	s16 =	sshll.u32 s16, $0x2  }
0x22: {  	p0 =	por p1, p1;
	s17 =	sshra.s32 s16, $0x2  }
0x23: {  	s18 =	simm.s32 $0x0;
	s16 =	sadd.s32 s17, s14;
	s17 =	sadd.s32 s17, s15  }
.LBB1_4:
0x24: {  	v0 =	vmov s17;
	_ =	sdelay $0x3  }
0x25: {  	s20 =	simm.s32 $0x0  }
0x26: {  	v6 =	vld.idx.msk [tilespmem:v0+s20+$0x30 ss:$0x1], $0xffff  }
0x27: {  	v7 =	vld.idx.msk [tilespmem:v0+s20+$0xFFFFFFC0 ss:$0x1], $0xffff  }
0x28: {  	v5 =	vld.idx.msk [tilespmem:v0+s20+$0xFFFFFFD0 ss:$0x1], $0xffff  }
0x29: {  	v4 =	vld.idx.msk [tilespmem:v0+s20+$0xFFFFFFE0 ss:$0x1], $0xffff  }
0x2a: {  	v3 =	vld.idx.msk [tilespmem:v0+s20+$0xFFFFFFF0 ss:$0x1], $0xffff  }
0x2b: {  	v1 =	vld.idx.msk [tilespmem:v0+s20+$0x0 ss:$0x1], $0xffff  }
0x2c: {  	v2 =	vld.idx.msk [tilespmem:v0+s20+$0x10 ss:$0x1], $0xffff;
	[tilespmem:s16+$0x30] =	vst v6  }
0x2d: {  	s19 =	simm.s32 $0x80;
	s21 =	simm.s32 $0x400;
	[tilespmem:s16+$0xFFFFFFC0] =	vst v7;
	v6 =	vld.idx.msk [tilespmem:v0+s20+$0x20 ss:$0x1], $0xffff;
	s20 =	smov.u32 s16  }
.LBB1_5:
0x2e: {  	p1 =	sne.s32 s21, $0xE00;
	v7 =	vld.idx.msk [tilespmem:v0+s19+$0x30 ss:$0x1], $0xffff;
	[tilespmem:s20+$0xFFFFFFD0] =	vst v5  }
0x2f: {  	v8 =	vld.idx.msk [tilespmem:v0+s19+$0xFFFFFFC0 ss:$0x1], $0xffff;
	[tilespmem:s20+$0xFFFFFFE0] =	vst v4  }
0x30: {  	v5 =	vld.idx.msk [tilespmem:v0+s19+$0xFFFFFFD0 ss:$0x1], $0xffff;
	[tilespmem:s20+$0xFFFFFFF0] =	vst v3  }
.Ltmp3:
0x31: {  	v4 =	vld.idx.msk [tilespmem:v0+s19+$0xFFFFFFE0 ss:$0x1], $0xffff;
	[tilespmem:s20+$0x0] =	vst v1;
	(pc) =	sbr.rel @p1 .LBB1_5-.Ltmp3, $4  }
0x32: {  	v3 =	vld.idx.msk [tilespmem:v0+s19+$0xFFFFFFF0 ss:$0x1], $0xffff;
	[tilespmem:s20+$0x10] =	vst v2  }
0x33: {  	v1 =	vld.idx.msk [tilespmem:v0+s19+$0x0 ss:$0x1], $0xffff;
	[tilespmem:s20+$0x20] =	vst v6;
	s20 =	sadd.s32 $0x400, s20  }
0x34: {  	v2 =	vld.idx.msk [tilespmem:v0+s19+$0x10 ss:$0x1], $0xffff;
	[tilespmem:s20+$0x30] =	vst v7  }
0x35: {  	[tilespmem:s20+$0xFFFFFFC0] =	vst v8;
	v6 =	vld.idx.msk [tilespmem:v0+s19+$0x20 ss:$0x1], $0xffff;
	s19 =	sshra.s32 s21, $0x2;
	s21 =	sadd.s32 $0x200, s21  }
0x36: {  	_ =	sdelay $0x2  }
0x37: {  	[tilespmem:s20+$0xFFFFFFD0] =	vst v5  }
0x38: {  	v56 =	vld.idx.msk [tilespmem:v0+s19+$0x30 ss:$0x1], $0xffff;
	[tilespmem:s20+$0xFFFFFFE0] =	vst v4  }
0x39: {  	v57 =	vld.idx.msk [tilespmem:v0+s19+$0xFFFFFFC0 ss:$0x1], $0xffff;
	[tilespmem:s20+$0xFFFFFFF0] =	vst v3  }
0x3a: {  	v58 =	vld.idx.msk [tilespmem:v0+s19+$0xFFFFFFD0 ss:$0x1], $0xffff;
	[tilespmem:s20+$0x0] =	vst v1  }
0x3b: {  	v59 =	vld.idx.msk [tilespmem:v0+s19+$0xFFFFFFE0 ss:$0x1], $0xffff;
	[tilespmem:s20+$0x10] =	vst v2  }
0x3c: {  	v60 =	vld.idx.msk [tilespmem:v0+s19+$0xFFFFFFF0 ss:$0x1], $0xffff;
	s31 =	sadd.s32 $0x400, s20;
	[tilespmem:s20+$0x20] =	vst v6  }
0x3d: {  	v61 =	vld.idx.msk [tilespmem:v0+s19+$0x0 ss:$0x1], $0xffff;
	[tilespmem:s31+$0x30] =	vst v56  }
0x3e: {  	v62 =	vld.idx.msk [tilespmem:v0+s19+$0x10 ss:$0x1], $0xffff;
	s18 =	sadd.s32 $0x1, s18;
	[tilespmem:s31+$0xFFFFFFC0] =	vst v57  }
0x3f: {  	v63 =	vld.idx.msk [tilespmem:v0+s19+$0x20 ss:$0x1], $0xffff;
	p1 =	sne.s32 s18, $0x8;
	[tilespmem:s31+$0xFFFFFFD0] =	vst v58  }
.Ltmp4:
0x40: {  	[tilespmem:s31+$0xFFFFFFE0] =	vst v59;
	(pc) =	sbr.rel @p1 .LBB1_4-.Ltmp4, $4  }
0x41: {  	[tilespmem:s31+$0xFFFFFFF0] =	vst v60  }
0x42: {  	[tilespmem:s31+$0x0] =	vst v61  }
0x43: {  	[tilespmem:s31+$0x10] =	vst v62  }
0x44: {  	s16 =	sadd.s32 $0x80, s16;
	s17 =	sadd.s32 $0x400, s17;
	[tilespmem:s31+$0x20] =	vst v63  }
.Ltmp5:
0x45: {  	(pc) =	sbr.rel @p0 .LBB1_3-.Ltmp5, $2  }
0x46: {  	_ =	sdelay $0x2  }
0x47: {  	s16 =	simm.s32 $0x2000;
	p1 =	por $0x0, $0x0  }
.Ltmp6:
0x48: {  	(pc) =	sbr.rel .LBB1_9-.Ltmp6, $4  }
0x49: {  	_ = 	snop  }
0x4a: {  	s12 =	sshll.u32 s12, $0xA  }
0x4b: {  	s12 =	sadd.s32 s4, s12  }
0x4c: {  	[hbm4b:s12+s8] =	stream.linear.scatter [tilespmem:s13], [sflag:$0x2], $0x4000, $0x38;
	[tilespmem:$0x10000] =	vst v63  }
.LBB1_10:
0x4d: {  	_ =	sfence.sel $0x180000  }
0x4e: {  	s2 =	simm.s32 $0x1;
	[bflag:$0x0] =	sbarrier.arrive $0xFFFF  }
0x4f: {  	s31 =	simm.s32 $0x2;
	[sflag:s2] =	ssyncpa.u1 $0x1  }
0x50: {  	[sflag:s31] =	ssyncpa.u1 $0x1  }
0x51: {  	p0 =	sne.s32 s0, $0x0;
	_ =	strace $0x90000047  }
0x52: {  	s0 =	sadd.s32 @!p0 $0x100000, s1;
	[bflag:$0x2] =	sbarrier.arrive $0xFFFF  }
0x53: {  	[sflag:s0] =	ssyncadd.tile.s32 @!p0 $0x1;
	_ =	shalt  }
.Lfunc_end1:
_tile_overlayer_lowered:
.L_overlay_start_2:
0x54: {  	(tag) =	ssettag $0x2  }
0x55: {  	s0 =	rddreg [dreg:$0x0];
	s2 =	stileid.u32  }
0x56: {  	s1 =	rddreg [dreg:$0x1];
	p0 =	sne.s32 s2, $0x0  }
0x57: {  	s3 =	rddreg [dreg:$0x2];
	[bflag:$0x3] =	sbarrier.arrive $0xFFFF;
	s2 =	simm.s32 @!p0 $0x1C01  }
0x58: {  	[timem:s3], [sflag:s2] =	dma.local @!p0 [hbm:s0], s1  }
0x59: {  	s0 =	simm.s32 @!p0 $0x1  }
0x5a: {  	_ =	swait.ge @!p0 [sflag:s0], s1  }
0x5b: {  	s1 =	ssub.s32 @!p0 $0x0, s1;
	[sflag:s0] =	ssyncset.done @!p0 $0x0  }
0x5c: {  	[sflag:s0] =	ssyncadd.s32 @!p0 s1  }
0x5d: {  	[bflag:$0x3] =	sbarrier.arrive $0xFFFF  }
0x5e: {  	_ =	shalt  }

// kernel: sparse-core-data-format-call.cloned.1.call-start
scs
called_computation_lowered:
.L_overlay_start_0:
0x0: {  	s1 =	sld [smem:$0x3FD9]  }
0x1: {  	s2 =	sld [smem:$0x3FFE];
	_ =	sdelay $0x1  }
0x2: {  	s3 =	srdreg.scid  }
0x3: {  	s0 =	sand.u32 $0x1, s3  }
0x4: {  	s17 =	sshll.u32 s0, $0xA;
	s1 =	sadd.s32 s2, s1  }
0x5: {  	s1 =	sadd.s32 s1, s17  }
0x6: {  	[smem:$0x3FB5] =	sst s1  }
0x7: {  	_ = 	snop  }
0x8: {  	(tm) =	ssettm $0x1  }
0x9: {  	s18 =	sld [smem:$0x3FFB];
	_ =	sdelay $0x3  }
0xa: {  	_ =	strace s18  }
0xb: {  	s1 =	sld [smem:$0x3FFC];
	_ =	sdelay $0x3  }
0xc: {  	_ =	strace s1  }
0xd: {  	s1 =	sld [smem:$0x3FFD];
	_ =	sdelay $0x3  }
0xe: {  	_ =	strace s1  }
0xf: {  	_ =	strace $0x8FFFFFFF  }
0x10: {  	s19 =	sld [smem:$0x3FDB];
	_ =	sdelay $0x1  }
0x11: {  	s20 =	simm.s32 $_scs_section_size  }
0x12: {  	s4 =	simm.s32 $_size__tile_overlayer_lowered;
	s5 =	simm.s32 $_tile_overlayer_lowered  }
0x13: {  	s23 =	simm.s32 $0x1BFF;
	s22 =	sshll.u32 s5, $0x1;
	s1 =	sadd.s32 s20, s19  }
0x14: {  	s6 =	simm.s32 $0x0;
	s21 =	sshll.u32 s4, $0x1;
	s4 =	sadd.s32 s22, s1  }
0x15: {  	[timem:s6], [sflag:s23] =	dma.local [hbm:s4], s21  }
0x16: {  	_ =	swait.ge [sflag:s23], s21  }
0x17: {  	s2 =	ssub.s32 $0x0, s21;
	[sflag:s23] =	ssyncset.done $0x0  }
0x18: {  	[sflag:s23] =	ssyncadd.s32 s2;
	_ =	sdelay $0x1  }
0x19: {  	s24 =	simm.s32 $0x1B8B  }
0x1a: {  	_ =	swait.ge [sflag:s24], $0x1  }
0x1b: {  	[sflag:s24] =	ssyncset.done $0x0  }
0x1c: {  	s26 =	simm.s32 $0x1B8E;
	s25 =	sld [smem:$0x3FFE];
	[sflag:s24] =	ssyncadd.s32 $0xFFFFFFFF  }
0x1d: {  	s27 =	simm.s32 $execute0_lowered;
	[smem:$0x3FD2] =	sst s26  }
0x1e: {  	s4 =	sshll.u32 s27, $0x1;
	_ =	strace $0x8000004C;
	[dreg:$0x1] =	wrdreg $0xFFFFFFFF  }
0x1f: {  	s28 =	simm.s32 $_size_execute0_lowered;
	s1 =	sadd.s32 s1, s4;
	[dreg:$0x0] =	wrdreg $0x0  }
0x20: {  	s4 =	sshll.u32 s28, $0x1;
	[dreg:$0x2] =	wrdreg s1  }
0x21: {  	[dreg:$0x3] =	wrdreg s4  }
0x22: {  	[dreg:$0x4] =	wrdreg $0xC0  }
0x23: {  	_ =	task [dreg:s6], $0x5FFFF  }
0x24: {  	[dreg:$0x1] =	wrdreg $0xFFFFFFFF  }
0x25: {  	[dreg:$0x0] =	wrdreg $0x60  }
0x26: {  	[dreg:$0x2] =	wrdreg s25  }
0x27: {  	[dreg:$0x3] =	wrdreg $0x9  }
0x28: {  	_ =	task.clear_ibuf [dreg:s6], $0x4FFFF;
	_ =	strace $0x9000004C  }
0x29: {  	s29 =	simm.s32 $0x9;
	_ =	strace $0x8000004E  }
0x2a: {  	_ =	swait.ge [sflag:s29], $0x1  }
0x2b: {  	[sflag:s29] =	ssyncadd.s32 $0xFFFFFFFF  }
0x2c: {  	_ =	strace $0x9000004E  }
0x2d: {  	_ =	sfence  }
0x2e: {  	s30 =	sld [smem:$0x0];
	_ =	sdelay $0x2  }
0x2f: {  	s31 =	sshll.u32 s3, $0xD;
	s3 =	sshrl.u32 s3, $0x2  }
0x30: {  	s2 =	sand.u32 $0x4000, s31;
	s1 =	sadd.s32 s3, s30  }
0x31: {  	s0 =	sor.u32 s2, s0;
	s1 =	sshll.u32 s1, $0x11  }
0x32: {  	s0 =	sor.u32 s1, s0  }
0x33: {  	s0 =	sadd.s32 $0x8F2B, s0  }
0x34: {  	[sflag:s0] =	ssyncadd.remote.s32 $0x1  }
0x35: {  	_ =	sfence.sel $0xFFFF  }
0x36: {  	[dreg:$0x0] =	wrdreg $0xFFFFFFFF;
	(pc) =	sbr.abs _section_cstart, $3  }
0x37: {  	[dreg:$0x1] =	wrdreg $0xFFFFFFFF  }
0x38: {  	_ =	task.clear_ibuf [dreg:s6], $0x2FFFF;
	_ =	strace $0x9FFFFFFF  }
0x39: {  	(tm) =	ssettm $0x7FFFFFFF  }
tec
execute0_lowered:
.L_overlay_start_1:
0x0: {  	(tag) =	ssettag $0x1  }
0x1: {  	s0 =	srdreg.scid  }
0x2: {  	s1 =	sshll.u32 s0, $0x4  }
0x3: {  	s4 =	rddreg [dreg:$0x0];
	s0 =	stileid.u32;
	s1 =	sand.u32 $0x10, s1  }
0x4: {  	s7 =	simm.s32 $0x1;
	s8 =	simm.s32 $0x2;
	s1 =	sor.u32 s0, s1  }
0x5: {  	s9 =	simm.s32 $0x0;
	s12 =	simm.s32 $0x0;
	s2 =	sshll.u32 s1, $0x1  }
0x6: {  	s11 =	simm.s32 $0x0;
	s3 =	sadd.s32 $0x54800, s4;
	s6 =	ssub.s32 $0x500, s2  }
.Ltmp0:
0x7: {  	s4 =	sadd.s32 $0x415400, s4;
	s5 =	sand.u32 $0x3E, s6;
	(pc) =	sbr.rel .LBB1_1-.Ltmp0, $4  }
0x8: {  	s1 =	rddreg [dreg:$0x1];
	_ =	strace $0x8000004D;
	p0 =	sne.s32 s5, $0x0  }
0x9: {  	s6 =	sshrl.u32 s6, $0x6;
	s5 =	simm.s32 $0x1;
	s7 =	simm.s32 @!p0 $0x0  }
0xa: {  	s10 =	smov.u32 s2;
	[sflag:s5] =	ssyncpa.u1 $0x0;
	s6 =	sadd.s32 s7, s6  }
0xb: {  	[sflag:s8] =	ssyncpa.u1 $0x0;
	s8 =	simm.s32 $0x0;
	s7 =	sadd.s32 $0x1, s6  }
.LBB1_9:
0xc: {  	s14 =	sadd.s32 $0x40, s10  }
0xd: {  	p1 =	sgt.s32 s14, $0x4FF  }
0xe: {  	s14 =	smov.u32 @p1 s2;
	p1 =	sne.s32 s11, s7  }
.Ltmp1:
0xf: {  	p0 =	slt.u32 s11, $0x2;
	(pc) =	sbr.rel @!p1 .LBB1_10-.Ltmp1, $4  }
0x10: {  	s13 =	simm.s32 @!p0 $0x2  }
0x11: {  	s15 =	sadd.s32 $0x1, s11;
	_ =	swait.ge @!p0 [sflag:s13], $0x4000  }
0x12: {  	s12 =	smov.u32 s10;
	s9 =	sadd.s32 $0x4000, s9;
	[sflag:s13] =	ssyncset.done @!p0 $0x0  }
0x13: {  	s11 =	smov.u32 s15;
	s10 =	smov.u32 s14;
	[sflag:s13] =	ssyncadd.s32 @!p0 $0xFFFFC000  }
.LBB1_1:
0x14: {  	p0 =	sge.u32 s11, s6  }
0x15: {  	s13 =	sxor.u32 @!p0 $0xFFFFFFFF, s11  }
0x16: {  	s31 =	sadd.s32 $0xFFFFFFFF, s11;
	s14 =	sshll.u32 @!p0 s10, $0xA;
	s13 =	sshll.u32 @!p0 s13, $0xE  }
0x17: {  	s15 =	simm.s32 @!p0 $0x0;
	s14 =	sadd.s32 @!p0 s3, s14;
	s13 =	sand.u32 @!p0 $0x4000, s13  }
0x18: {  	[tilespmem:s13], [sflag:$0x1] =	stream.linear.gather @!p0 [hbm4b:s14+s15], $0x4000, $0x38;
	[tilespmem:$0x10000] =	vst v63  }
0x19: {  	p0 =	sge.u32 s31, s6  }
.Ltmp2:
0x1a: {  	_ = 	snop;
	(pc) =	sbr.rel @p0 .LBB1_9-.Ltmp2, $1  }
0x1b: {  	_ =	sdelay $0x3  }
0x1c: {  	s13 =	sshll.u32 s9, $0x2  }
0x1d: {  	_ =	swait.ge [sflag:s5], $0x4000;
	s14 =	sshll.u32 s11, $0xE;
	s16 =	simm.s32 $0x0  }
0x1e: {  	p1 =	por $0x1, $0x1;
	s13 =	sand.u32 $0x10000, s13;
	[sflag:s5] =	ssyncset.done $0x0  }
0x1f: {  	s14 =	sand.u32 $0x4000, s14;
	s15 =	sshrl.u32 s13, $0x2;
	[sflag:s5] =	ssyncadd.s32 $0xFFFFC000  }
0x20: {  	s13 =	sor.u32 $0x8000, s14;
	s14 =	sadd.s32 $0x8040, s15;
	s15 =	sadd.s32 $0x40, s15  }
.LBB1_3:
0x21: {  	s16 =	sshll.u32 s16, $0x2  }
0x22: {  	p0 =	por p1, p1;
	s17 =	sshra.s32 s16, $0x2  }
0x23: {  	s18 =	simm.s32 $0x0;
	s16 =	sadd.s32 s17, s14;
	s17 =	sadd.s32 s17, s15  }
.LBB1_4:
0x24: {  	v0 =	vmov s17;
	_ =	sdelay $0x3  }
0x25: {  	s20 =	simm.s32 $0x0  }
0x26: {  	v6 =	vld.idx.msk [tilespmem:v0+s20+$0x30 ss:$0x1], $0xffff  }
0x27: {  	v7 =	vld.idx.msk [tilespmem:v0+s20+$0xFFFFFFC0 ss:$0x1], $0xffff  }
0x28: {  	v5 =	vld.idx.msk [tilespmem:v0+s20+$0xFFFFFFD0 ss:$0x1], $0xffff  }
0x29: {  	v4 =	vld.idx.msk [tilespmem:v0+s20+$0xFFFFFFE0 ss:$0x1], $0xffff  }
0x2a: {  	v3 =	vld.idx.msk [tilespmem:v0+s20+$0xFFFFFFF0 ss:$0x1], $0xffff  }
0x2b: {  	v1 =	vld.idx.msk [tilespmem:v0+s20+$0x0 ss:$0x1], $0xffff  }
0x2c: {  	v2 =	vld.idx.msk [tilespmem:v0+s20+$0x10 ss:$0x1], $0xffff;
	[tilespmem:s16+$0x30] =	vst v6  }
0x2d: {  	s19 =	simm.s32 $0x80;
	s21 =	simm.s32 $0x400;
	[tilespmem:s16+$0xFFFFFFC0] =	vst v7;
	v6 =	vld.idx.msk [tilespmem:v0+s20+$0x20 ss:$0x1], $0xffff;
	s20 =	smov.u32 s16  }
.LBB1_5:
0x2e: {  	p1 =	sne.s32 s21, $0xE00;
	v7 =	vld.idx.msk [tilespmem:v0+s19+$0x30 ss:$0x1], $0xffff;
	[tilespmem:s20+$0xFFFFFFD0] =	vst v5  }
0x2f: {  	v8 =	vld.idx.msk [tilespmem:v0+s19+$0xFFFFFFC0 ss:$0x1], $0xffff;
	[tilespmem:s20+$0xFFFFFFE0] =	vst v4  }
0x30: {  	v5 =	vld.idx.msk [tilespmem:v0+s19+$0xFFFFFFD0 ss:$0x1], $0xffff;
	[tilespmem:s20+$0xFFFFFFF0] =	vst v3  }
.Ltmp3:
0x31: {  	v4 =	vld.idx.msk [tilespmem:v0+s19+$0xFFFFFFE0 ss:$0x1], $0xffff;
	[tilespmem:s20+$0x0] =	vst v1;
	(pc) =	sbr.rel @p1 .LBB1_5-.Ltmp3, $4  }
0x32: {  	v3 =	vld.idx.msk [tilespmem:v0+s19+$0xFFFFFFF0 ss:$0x1], $0xffff;
	[tilespmem:s20+$0x10] =	vst v2  }
0x33: {  	v1 =	vld.idx.msk [tilespmem:v0+s19+$0x0 ss:$0x1], $0xffff;
	[tilespmem:s20+$0x20] =	vst v6;
	s20 =	sadd.s32 $0x400, s20  }
0x34: {  	v2 =	vld.idx.msk [tilespmem:v0+s19+$0x10 ss:$0x1], $0xffff;
	[tilespmem:s20+$0x30] =	vst v7  }
0x35: {  	[tilespmem:s20+$0xFFFFFFC0] =	vst v8;
	v6 =	vld.idx.msk [tilespmem:v0+s19+$0x20 ss:$0x1], $0xffff;
	s19 =	sshra.s32 s21, $0x2;
	s21 =	sadd.s32 $0x200, s21  }
0x36: {  	_ =	sdelay $0x2  }
0x37: {  	[tilespmem:s20+$0xFFFFFFD0] =	vst v5  }
0x38: {  	v56 =	vld.idx.msk [tilespmem:v0+s19+$0x30 ss:$0x1], $0xffff;
	[tilespmem:s20+$0xFFFFFFE0] =	vst v4  }
0x39: {  	v57 =	vld.idx.msk [tilespmem:v0+s19+$0xFFFFFFC0 ss:$0x1], $0xffff;
	[tilespmem:s20+$0xFFFFFFF0] =	vst v3  }
0x3a: {  	v58 =	vld.idx.msk [tilespmem:v0+s19+$0xFFFFFFD0 ss:$0x1], $0xffff;
	[tilespmem:s20+$0x0] =	vst v1  }
0x3b: {  	v59 =	vld.idx.msk [tilespmem:v0+s19+$0xFFFFFFE0 ss:$0x1], $0xffff;
	[tilespmem:s20+$0x10] =	vst v2  }
0x3c: {  	v60 =	vld.idx.msk [tilespmem:v0+s19+$0xFFFFFFF0 ss:$0x1], $0xffff;
	s31 =	sadd.s32 $0x400, s20;
	[tilespmem:s20+$0x20] =	vst v6  }
0x3d: {  	v61 =	vld.idx.msk [tilespmem:v0+s19+$0x0 ss:$0x1], $0xffff;
	[tilespmem:s31+$0x30] =	vst v56  }
0x3e: {  	v62 =	vld.idx.msk [tilespmem:v0+s19+$0x10 ss:$0x1], $0xffff;
	s18 =	sadd.s32 $0x1, s18;
	[tilespmem:s31+$0xFFFFFFC0] =	vst v57  }
0x3f: {  	v63 =	vld.idx.msk [tilespmem:v0+s19+$0x20 ss:$0x1], $0xffff;
	p1 =	sne.s32 s18, $0x8;
	[tilespmem:s31+$0xFFFFFFD0] =	vst v58  }
.Ltmp4:
0x40: {  	[tilespmem:s31+$0xFFFFFFE0] =	vst v59;
	(pc) =	sbr.rel @p1 .LBB1_4-.Ltmp4, $4  }
0x41: {  	[tilespmem:s31+$0xFFFFFFF0] =	vst v60  }
0x42: {  	[tilespmem:s31+$0x0] =	vst v61  }
0x43: {  	[tilespmem:s31+$0x10] =	vst v62  }
0x44: {  	s16 =	sadd.s32 $0x80, s16;
	s17 =	sadd.s32 $0x400, s17;
	[tilespmem:s31+$0x20] =	vst v63  }
.Ltmp5:
0x45: {  	(pc) =	sbr.rel @p0 .LBB1_3-.Ltmp5, $2  }
0x46: {  	_ =	sdelay $0x2  }
0x47: {  	s16 =	simm.s32 $0x2000;
	p1 =	por $0x0, $0x0  }
.Ltmp6:
0x48: {  	(pc) =	sbr.rel .LBB1_9-.Ltmp6, $4  }
0x49: {  	_ = 	snop  }
0x4a: {  	s12 =	sshll.u32 s12, $0xA  }
0x4b: {  	s12 =	sadd.s32 s4, s12  }
0x4c: {  	[hbm4b:s12+s8] =	stream.linear.scatter [tilespmem:s13], [sflag:$0x2], $0x4000, $0x38;
	[tilespmem:$0x10000] =	vst v63  }
.LBB1_10:
0x4d: {  	_ =	sfence.sel $0x180000  }
0x4e: {  	s2 =	simm.s32 $0x1;
	[bflag:$0x0] =	sbarrier.arrive $0xFFFF  }
0x4f: {  	s31 =	simm.s32 $0x2;
	[sflag:s2] =	ssyncpa.u1 $0x1  }
0x50: {  	[sflag:s31] =	ssyncpa.u1 $0x1  }
0x51: {  	p0 =	sne.s32 s0, $0x0;
	_ =	strace $0x9000004D  }
0x52: {  	s0 =	sadd.s32 @!p0 $0x100000, s1;
	[bflag:$0x2] =	sbarrier.arrive $0xFFFF  }
0x53: {  	[sflag:s0] =	ssyncadd.tile.s32 @!p0 $0x1;
	_ =	shalt  }
.Lfunc_end1:
_tile_overlayer_lowered:
.L_overlay_start_2:
0x54: {  	(tag) =	ssettag $0x2  }
0x55: {  	s0 =	rddreg [dreg:$0x0];
	s2 =	stileid.u32  }
0x56: {  	s1 =	rddreg [dreg:$0x1];
	p0 =	sne.s32 s2, $0x0  }
0x57: {  	s3 =	rddreg [dreg:$0x2];
	[bflag:$0x3] =	sbarrier.arrive $0xFFFF;
	s2 =	simm.s32 @!p0 $0x1C01  }
0x58: {  	[timem:s3], [sflag:s2] =	dma.local @!p0 [hbm:s0], s1  }
0x59: {  	s0 =	simm.s32 @!p0 $0x1  }
0x5a: {  	_ =	swait.ge @!p0 [sflag:s0], s1  }
0x5b: {  	s1 =	ssub.s32 @!p0 $0x0, s1;
	[sflag:s0] =	ssyncset.done @!p0 $0x0  }
0x5c: {  	[sflag:s0] =	ssyncadd.s32 @!p0 s1  }
0x5d: {  	[bflag:$0x3] =	sbarrier.arrive $0xFFFF  }
0x5e: {  	_ =	shalt  }

</sc_bundles>
